<compile_context>
chip_gen: v7x
topology: tpu7x:2x2x1
jax: 0.10.2.dev20260603
libtpu: 0.0.44.dev20260713+nightly
codegen_flags: <defaults>
</compile_context>

<pallas_src>
import functools

import jax
import jax.numpy as jnp
from jax import lax
from jax.experimental import pallas as pl
from jax.experimental.pallas import tpu as pltpu
from jax.experimental.pallas import tpu_sc as plsc

NC = 2
NS = 16
NW = NC * NS
NBUF = 2
BPAD = 1


@functools.lru_cache(maxsize=None)
def _build_shuffle(batch, hist):
    bw = batch // NW
    mesh = plsc.VectorSubcoreMesh(core_axis_name="c", subcore_axis_name="s")

    @functools.partial(
        pl.kernel,
        mesh=mesh,
        out_type=jax.ShapeDtypeStruct((hist * batch,), jnp.int32),
        scratch_types=[
            pltpu.VMEM((hist, bw), jnp.int32),
            pltpu.SemaphoreType.DMA,
            pltpu.SemaphoreType.DMA,
        ],
        compiler_params=pltpu.CompilerParams(use_tc_tiling_on_sc=True,
                                             needs_layout_passes=False),
    )
    def shuffle_kernel(idx_hbm, out_hbm, blk, sem_i, sem_o):
        wid = lax.axis_index("s") * NC + lax.axis_index("c")
        b0 = wid * bw
        pltpu.async_copy(idx_hbm.at[:, pl.ds(b0, bw)], blk, sem_i).wait()
        for h in range(hist):
            pltpu.async_copy(
                blk.at[h], out_hbm.at[pl.ds(h * batch + b0, bw)], sem_o
            )
        for h in range(hist):
            pltpu.make_async_copy(
                blk.at[0], out_hbm.at[pl.ds(0, bw)], sem_o
            ).wait()

    return shuffle_kernel


@functools.lru_cache(maxsize=None)
def _build_gather(batch, hist, vocab, dim):
    assert batch % NW == 0 and hist % NBUF == 0
    bw = batch // NW
    bwp = bw + BPAD
    n_groups = hist // NBUF
    mesh = plsc.VectorSubcoreMesh(core_axis_name="c", subcore_axis_name="s")

    @functools.partial(
        pl.kernel,
        mesh=mesh,
        out_type=jax.ShapeDtypeStruct((hist, dim, batch), jnp.float32),
        scratch_types=(
            [pltpu.VMEM((bw,), jnp.int32) for _ in range(NBUF)]
            + [pltpu.VMEM((bw, dim), jnp.float32) for _ in range(NBUF)]
            + [pltpu.VMEM((dim, bwp), jnp.float32) for _ in range(NBUF)]
            + [pltpu.SemaphoreType.DMA((NBUF,)),
               pltpu.SemaphoreType.DMA((NBUF,)),
               pltpu.SemaphoreType.DMA((NBUF,))]
        ),
        compiler_params=pltpu.CompilerParams(use_tc_tiling_on_sc=False,
                                             needs_layout_passes=False),
    )
    def gather_kernel(idx_hbm, table_hbm, out_hbm, *rest):
        idx_v = rest[:NBUF]
        gat_v = rest[NBUF:2 * NBUF]
        stg_v = rest[2 * NBUF:3 * NBUF]
        sem_i, sem_g, sem_s = rest[3 * NBUF:]
        wid = lax.axis_index("s") * NC + lax.axis_index("c")
        b0 = wid * bw
        iota16 = jax.lax.iota(jnp.int32, 16)

        for b in range(NBUF):
            pltpu.async_copy(
                idx_hbm.at[pl.ds(b * batch + b0, bw)], idx_v[b], sem_i.at[b]
            )

        @pl.loop(0, n_groups)
        def _(g):
            s0 = g * NBUF
            for b in range(NBUF):
                @pl.when(g > 0)
                def _():
                    pltpu.make_async_copy(
                        stg_v[b].at[:, pl.ds(0, bw)],
                        out_hbm.at[0].at[:, pl.ds(0, bw)],
                        sem_s.at[b],
                    ).wait()

                pltpu.make_async_copy(
                    idx_hbm.at[pl.ds(0, bw)], idx_v[b], sem_i.at[b]
                ).wait()
                pltpu.async_copy(
                    table_hbm.at[idx_v[b]], gat_v[b], sem_g.at[b]
                )
            for b in range(NBUF):
                s = s0 + b
                pltpu.make_async_copy(
                    table_hbm.at[idx_v[b]], gat_v[b], sem_g.at[b]
                ).wait()
                @pl.when(s + NBUF < hist)
                def _():
                    pltpu.async_copy(
                        idx_hbm.at[pl.ds((s + NBUF) * batch + b0, bw)],
                        idx_v[b],
                        sem_i.at[b],
                    )

                @pl.loop(0, bw, unroll=16)
                def _(r):
                    rvec = jnp.full((16,), r, jnp.int32)
                    for c16 in range(dim // 16):
                        vec = gat_v[b][r, pl.ds(c16 * 16, 16)]
                        plsc.store_scatter(
                            stg_v[b], [iota16 + c16 * 16, rvec], vec
                        )

                pltpu.async_copy(
                    stg_v[b].at[:, pl.ds(0, bw)],
                    out_hbm.at[s].at[:, pl.ds(b0, bw)],
                    sem_s.at[b],
                )

        for b in range(NBUF):
            pltpu.make_async_copy(
                stg_v[b].at[:, pl.ds(0, bw)],
                out_hbm.at[0].at[:, pl.ds(0, bw)],
                sem_s.at[b],
            ).wait()

    return gather_kernel


def kernel(input_ids, table):
    batch, hist = input_ids.shape
    vocab, dim = table.shape
    ids_flat = _build_shuffle(batch, hist)(input_ids.astype(jnp.int32).T)
    out_t = _build_gather(batch, hist, vocab, dim)(ids_flat, table)
    return jnp.transpose(out_t, (2, 0, 1))

# --- scband reference (transcript-rebuilt; emitter-appended) ---
"""Pipeline reference for scband-dynamic-embedding-44057774523202 (READ-ONLY COPY).

The authoritative reference and input builder live on the scoring server;
editing this copy changes nothing except your own understanding.
"""

import jax, jax.numpy as jnp
import numpy as np

VOCAB = 1000000
EMBED_DIM = 32
BATCH = 16384
HIST = 50

def setup_inputs(seed: int = 0) -> dict:
    key = jax.random.key(seed)
    k_idx, k_w = jax.random.split(key)
    input_ids = jax.random.randint(k_idx, (BATCH, HIST), 0, VOCAB, dtype=jnp.int64 if jax.config.jax_enable_x64 else jnp.int32)
    table = jax.random.normal(k_w, (VOCAB, EMBED_DIM), dtype=jnp.float32)
    return {"input_ids": input_ids, "table": table}

def reference(input_ids, table):
    # Equivalent of nn.Embedding forward: gather rows of the table.
    # Growth path is not triggered since all ids < current_vocab_size.
    return jnp.take(table, input_ids, axis=0)

if __name__ == "__main__":
    import jax
    _d = setup_inputs()
    print(jax.jit(kernel)(*tuple(_d.values())))

</pallas_src>

<mosaic_0001>
#map = affine_map<(d0, d1) -> (0, 0)>
#map1 = affine_map<(d0, d1) -> (0)>
module attributes {stable_mosaic.version = 14 : i64} {
  func.func @shuffle_kernel(%arg0: i32, %arg1: i32, %arg2: memref<50x16384xi32, #tpu.memory_space<hbm>>, %arg3: memref<819200xi32, #tpu.memory_space<hbm>>, %arg4: memref<50x512xi32, #tpu.memory_space<vmem>>, %arg5: memref<!tpu.dma_semaphore, #tpu.memory_space<semaphore_mem>>, %arg6: memref<!tpu.dma_semaphore, #tpu.memory_space<semaphore_mem>>) attributes {dimension_semantics = [#tpu.dimension_semantics<core_parallel>, #tpu.dimension_semantics<subcore_parallel>], iteration_bounds = array<i64: 2, 16>, scalar_prefetch = 0 : i64, scratch_operands = 3 : i64, tpu.core_type = #tpu.core_type<sc_vector_subcore>, window_params = [{transform_indices = #map}, {transform_indices = #map1}]} {
    %mul3A = arith.constant 2 : i32
    %mul3A_0 = arith.muli %arg1, %mul3A : i32
    %add3A = arith.addi %mul3A_0, %arg0 : i32
    %mul3A_1 = arith.constant 512 : i32
    %mul3A_2 = arith.muli %add3A, %mul3A_1 : i32
    %dma_start3A = arith.constant 0 : i32
    %dma_start3A_3 = tpu.memref_slice %arg2[%dma_start3A, %mul3A_2] : memref<50x16384xi32, #tpu.memory_space<hbm>> -> memref<50x512xi32, #tpu.memory_space<hbm>>
    %dma_start3A_4 = arith.constant 0 : i32
    %dma_start3A_5 = tpu.memref_slice %arg2[%dma_start3A_4, %mul3A_2] : memref<50x16384xi32, #tpu.memory_space<hbm>> -> memref<50x512xi32, #tpu.memory_space<hbm>>
    tpu.enqueue_dma source(%dma_start3A_5 : memref<50x512xi32, #tpu.memory_space<hbm>>) target(%arg4 : memref<50x512xi32, #tpu.memory_space<vmem>>) target_semaphore(%arg5 : memref<!tpu.dma_semaphore, #tpu.memory_space<semaphore_mem>>)
    %dma_wait3A = arith.constant 0 : i32
    %dma_wait3A_6 = tpu.memref_slice %arg2[%dma_wait3A, %mul3A_2] : memref<50x16384xi32, #tpu.memory_space<hbm>> -> memref<50x512xi32, #tpu.memory_space<hbm>>
    %dma_wait3A_7 = arith.constant 0 : i32
    %dma_wait3A_8 = tpu.memref_slice %arg2[%dma_wait3A_7, %mul3A_2] : memref<50x16384xi32, #tpu.memory_space<hbm>> -> memref<50x512xi32, #tpu.memory_space<hbm>>
    tpu.wait_dma2 semaphore(%arg5 : memref<!tpu.dma_semaphore, #tpu.memory_space<semaphore_mem>>) src(%dma_wait3A_8 : memref<50x512xi32, #tpu.memory_space<hbm>>) dst(%arg4 : memref<50x512xi32, #tpu.memory_space<vmem>>)
    %add3A_9 = arith.constant 0 : i32
    %add3A_10 = arith.addi %add3A_9, %mul3A_2 : i32
    %dma_start3A_11 = arith.constant 0 : i32
    %dma_start3A_12 = arith.constant 0 : i32
    %dma_start3A_13 = tpu.memref_slice %arg4[%dma_start3A_11, %dma_start3A_12] : memref<50x512xi32, #tpu.memory_space<vmem>> -> memref<1x512xi32, #tpu.memory_space<vmem>>
    %dma_start3A_14 = tpu.memref_squeeze %dma_start3A_13 : memref<1x512xi32, #tpu.memory_space<vmem>> -> memref<512xi32, #tpu.memory_space<vmem>>
    %dma_start3A_15 = tpu.memref_slice %arg3[%add3A_10] : memref<819200xi32, #tpu.memory_space<hbm>> -> memref<512xi32, #tpu.memory_space<hbm>>
    %dma_start3A_16 = tpu.memref_slice %arg3[%add3A_10] : memref<819200xi32, #tpu.memory_space<hbm>> -> memref<512xi32, #tpu.memory_space<hbm>>
    %dma_start3A_17 = arith.constant 0 : i32
    %dma_start3A_18 = tpu.memref_slice %arg4[%dma_start3A_11, %dma_start3A_17] : memref<50x512xi32, #tpu.memory_space<vmem>> -> memref<1x512xi32, #tpu.memory_space<vmem>>
    %dma_start3A_19 = tpu.memref_squeeze %dma_start3A_18 : memref<1x512xi32, #tpu.memory_space<vmem>> -> memref<512xi32, #tpu.memory_space<vmem>>
    tpu.enqueue_dma source(%dma_start3A_19 : memref<512xi32, #tpu.memory_space<vmem>>) target(%dma_start3A_16 : memref<512xi32, #tpu.memory_space<hbm>>) target_semaphore(%arg6 : memref<!tpu.dma_semaphore, #tpu.memory_space<semaphore_mem>>)
    %add3A_20 = arith.constant 16384 : i32
    %add3A_21 = arith.addi %add3A_20, %mul3A_2 : i32
    %dma_start3A_22 = arith.constant 1 : i32
    %dma_start3A_23 = arith.constant 0 : i32
    %dma_start3A_24 = tpu.memref_slice %arg4[%dma_start3A_22, %dma_start3A_23] : memref<50x512xi32, #tpu.memory_space<vmem>> -> memref<1x512xi32, #tpu.memory_space<vmem>>
    %dma_start3A_25 = tpu.memref_squeeze %dma_start3A_24 : memref<1x512xi32, #tpu.memory_space<vmem>> -> memref<512xi32, #tpu.memory_space<vmem>>
    %dma_start3A_26 = tpu.memref_slice %arg3[%add3A_21] : memref<819200xi32, #tpu.memory_space<hbm>> -> memref<512xi32, #tpu.memory_space<hbm>>
    %dma_start3A_27 = tpu.memref_slice %arg3[%add3A_21] : memref<819200xi32, #tpu.memory_space<hbm>> -> memref<512xi32, #tpu.memory_space<hbm>>
    %dma_start3A_28 = arith.constant 0 : i32
    %dma_start3A_29 = tpu.memref_slice %arg4[%dma_start3A_22, %dma_start3A_28] : memref<50x512xi32, #tpu.memory_space<vmem>> -> memref<1x512xi32, #tpu.memory_space<vmem>>
    %dma_start3A_30 = tpu.memref_squeeze %dma_start3A_29 : memref<1x512xi32, #tpu.memory_space<vmem>> -> memref<512xi32, #tpu.memory_space<vmem>>
    tpu.enqueue_dma source(%dma_start3A_30 : memref<512xi32, #tpu.memory_space<vmem>>) target(%dma_start3A_27 : memref<512xi32, #tpu.memory_space<hbm>>) target_semaphore(%arg6 : memref<!tpu.dma_semaphore, #tpu.memory_space<semaphore_mem>>)
    %add3A_31 = arith.constant 32768 : i32
    %add3A_32 = arith.addi %add3A_31, %mul3A_2 : i32
    %dma_start3A_33 = arith.constant 2 : i32
    %dma_start3A_34 = arith.constant 0 : i32
    %dma_start3A_35 = tpu.memref_slice %arg4[%dma_start3A_33, %dma_start3A_34] : memref<50x512xi32, #tpu.memory_space<vmem>> -> memref<1x512xi32, #tpu.memory_space<vmem>>
    %dma_start3A_36 = tpu.memref_squeeze %dma_start3A_35 : memref<1x512xi32, #tpu.memory_space<vmem>> -> memref<512xi32, #tpu.memory_space<vmem>>
    %dma_start3A_37 = tpu.memref_slice %arg3[%add3A_32] : memref<819200xi32, #tpu.memory_space<hbm>> -> memref<512xi32, #tpu.memory_space<hbm>>
    %dma_start3A_38 = tpu.memref_slice %arg3[%add3A_32] : memref<819200xi32, #tpu.memory_space<hbm>> -> memref<512xi32, #tpu.memory_space<hbm>>
    %dma_start3A_39 = arith.constant 0 : i32
    %dma_start3A_40 = tpu.memref_slice %arg4[%dma_start3A_33, %dma_start3A_39] : memref<50x512xi32, #tpu.memory_space<vmem>> -> memref<1x512xi32, #tpu.memory_space<vmem>>
    %dma_start3A_41 = tpu.memref_squeeze %dma_start3A_40 : memref<1x512xi32, #tpu.memory_space<vmem>> -> memref<512xi32, #tpu.memory_space<vmem>>
    tpu.enqueue_dma source(%dma_start3A_41 : memref<512xi32, #tpu.memory_space<vmem>>) target(%dma_start3A_38 : memref<512xi32, #tpu.memory_space<hbm>>) target_semaphore(%arg6 : memref<!tpu.dma_semaphore, #tpu.memory_space<semaphore_mem>>)
    %add3A_42 = arith.constant 49152 : i32
    %add3A_43 = arith.addi %add3A_42, %mul3A_2 : i32
    %dma_start3A_44 = arith.constant 3 : i32
    %dma_start3A_45 = arith.constant 0 : i32
    %dma_start3A_46 = tpu.memref_slice %arg4[%dma_start3A_44, %dma_start3A_45] : memref<50x512xi32, #tpu.memory_space<vmem>> -> memref<1x512xi32, #tpu.memory_space<vmem>>
    %dma_start3A_47 = tpu.memref_squeeze %dma_start3A_46 : memref<1x512xi32, #tpu.memory_space<vmem>> -> memref<512xi32, #tpu.memory_space<vmem>>
    %dma_start3A_48 = tpu.memref_slice %arg3[%add3A_43] : memref<819200xi32, #tpu.memory_space<hbm>> -> memref<512xi32, #tpu.memory_space<hbm>>
    %dma_start3A_49 = tpu.memref_slice %arg3[%add3A_43] : memref<819200xi32, #tpu.memory_space<hbm>> -> memref<512xi32, #tpu.memory_space<hbm>>
    %dma_start3A_50 = arith.constant 0 : i32
    %dma_start3A_51 = tpu.memref_slice %arg4[%dma_start3A_44, %dma_start3A_50] : memref<50x512xi32, #tpu.memory_space<vmem>> -> memref<1x512xi32, #tpu.memory_space<vmem>>
    %dma_start3A_52 = tpu.memref_squeeze %dma_start3A_51 : memref<1x512xi32, #tpu.memory_space<vmem>> -> memref<512xi32, #tpu.memory_space<vmem>>
    tpu.enqueue_dma source(%dma_start3A_52 : memref<512xi32, #tpu.memory_space<vmem>>) target(%dma_start3A_49 : memref<512xi32, #tpu.memory_space<hbm>>) target_semaphore(%arg6 : memref<!tpu.dma_semaphore, #tpu.memory_space<semaphore_mem>>)
    %add3A_53 = arith.constant 65536 : i32
    %add3A_54 = arith.addi %add3A_53, %mul3A_2 : i32
    %dma_start3A_55 = arith.constant 4 : i32
    %dma_start3A_56 = arith.constant 0 : i32
    %dma_start3A_57 = tpu.memref_slice %arg4[%dma_start3A_55, %dma_start3A_56] : memref<50x512xi32, #tpu.memory_space<vmem>> -> memref<1x512xi32, #tpu.memory_space<vmem>>
    %dma_start3A_58 = tpu.memref_squeeze %dma_start3A_57 : memref<1x512xi32, #tpu.memory_space<vmem>> -> memref<512xi32, #tpu.memory_space<vmem>>
    %dma_start3A_59 = tpu.memref_slice %arg3[%add3A_54] : memref<819200xi32, #tpu.memory_space<hbm>> -> memref<512xi32, #tpu.memory_space<hbm>>
    %dma_start3A_60 = tpu.memref_slice %arg3[%add3A_54] : memref<819200xi32, #tpu.memory_space<hbm>> -> memref<512xi32, #tpu.memory_space<hbm>>
    %dma_start3A_61 = arith.constant 0 : i32
    %dma_start3A_62 = tpu.memref_slice %arg4[%dma_start3A_55, %dma_start3A_61] : memref<50x512xi32, #tpu.memory_space<vmem>> -> memref<1x512xi32, #tpu.memory_space<vmem>>
    %dma_start3A_63 = tpu.memref_squeeze %dma_start3A_62 : memref<1x512xi32, #tpu.memory_space<vmem>> -> memref<512xi32, #tpu.memory_space<vmem>>
    tpu.enqueue_dma source(%dma_start3A_63 : memref<512xi32, #tpu.memory_space<vmem>>) target(%dma_start3A_60 : memref<512xi32, #tpu.memory_space<hbm>>) target_semaphore(%arg6 : memref<!tpu.dma_semaphore, #tpu.memory_space<semaphore_mem>>)
    %add3A_64 = arith.constant 81920 : i32
    %add3A_65 = arith.addi %add3A_64, %mul3A_2 : i32
    %dma_start3A_66 = arith.constant 5 : i32
    %dma_start3A_67 = arith.constant 0 : i32
    %dma_start3A_68 = tpu.memref_slice %arg4[%dma_start3A_66, %dma_start3A_67] : memref<50x512xi32, #tpu.memory_space<vmem>> -> memref<1x512xi32, #tpu.memory_space<vmem>>
    %dma_start3A_69 = tpu.memref_squeeze %dma_start3A_68 : memref<1x512xi32, #tpu.memory_space<vmem>> -> memref<512xi32, #tpu.memory_space<vmem>>
    %dma_start3A_70 = tpu.memref_slice %arg3[%add3A_65] : memref<819200xi32, #tpu.memory_space<hbm>> -> memref<512xi32, #tpu.memory_space<hbm>>
    %dma_start3A_71 = tpu.memref_slice %arg3[%add3A_65] : memref<819200xi32, #tpu.memory_space<hbm>> -> memref<512xi32, #tpu.memory_space<hbm>>
    %dma_start3A_72 = arith.constant 0 : i32
    %dma_start3A_73 = tpu.memref_slice %arg4[%dma_start3A_66, %dma_start3A_72] : memref<50x512xi32, #tpu.memory_space<vmem>> -> memref<1x512xi32, #tpu.memory_space<vmem>>
    %dma_start3A_74 = tpu.memref_squeeze %dma_start3A_73 : memref<1x512xi32, #tpu.memory_space<vmem>> -> memref<512xi32, #tpu.memory_space<vmem>>
    tpu.enqueue_dma source(%dma_start3A_74 : memref<512xi32, #tpu.memory_space<vmem>>) target(%dma_start3A_71 : memref<512xi32, #tpu.memory_space<hbm>>) target_semaphore(%arg6 : memref<!tpu.dma_semaphore, #tpu.memory_space<semaphore_mem>>)
    %add3A_75 = arith.constant 98304 : i32
    %add3A_76 = arith.addi %add3A_75, %mul3A_2 : i32
    %dma_start3A_77 = arith.constant 6 : i32
    %dma_start3A_78 = arith.constant 0 : i32
    %dma_start3A_79 = tpu.memref_slice %arg4[%dma_start3A_77, %dma_start3A_78] : memref<50x512xi32, #tpu.memory_space<vmem>> -> memref<1x512xi32, #tpu.memory_space<vmem>>
    %dma_start3A_80 = tpu.memref_squeeze %dma_start3A_79 : memref<1x512xi32, #tpu.memory_space<vmem>> -> memref<512xi32, #tpu.memory_space<vmem>>
    %dma_start3A_81 = tpu.memref_slice %arg3[%add3A_76] : memref<819200xi32, #tpu.memory_space<hbm>> -> memref<512xi32, #tpu.memory_space<hbm>>
    %dma_start3A_82 = tpu.memref_slice %arg3[%add3A_76] : memref<819200xi32, #tpu.memory_space<hbm>> -> memref<512xi32, #tpu.memory_space<hbm>>
    %dma_start3A_83 = arith.constant 0 : i32
    %dma_start3A_84 = tpu.memref_slice %arg4[%dma_start3A_77, %dma_start3A_83] : memref<50x512xi32, #tpu.memory_space<vmem>> -> memref<1x512xi32, #tpu.memory_space<vmem>>
    %dma_start3A_85 = tpu.memref_squeeze %dma_start3A_84 : memref<1x512xi32, #tpu.memory_space<vmem>> -> memref<512xi32, #tpu.memory_space<vmem>>
    tpu.enqueue_dma source(%dma_start3A_85 : memref<512xi32, #tpu.memory_space<vmem>>) target(%dma_start3A_82 : memref<512xi32, #tpu.memory_space<hbm>>) target_semaphore(%arg6 : memref<!tpu.dma_semaphore, #tpu.memory_space<semaphore_mem>>)
    %add3A_86 = arith.constant 114688 : i32
    %add3A_87 = arith.addi %add3A_86, %mul3A_2 : i32
    %dma_start3A_88 = arith.constant 7 : i32
    %dma_start3A_89 = arith.constant 0 : i32
    %dma_start3A_90 = tpu.memref_slice %arg4[%dma_start3A_88, %dma_start3A_89] : memref<50x512xi32, #tpu.memory_space<vmem>> -> memref<1x512xi32, #tpu.memory_space<vmem>>
    %dma_start3A_91 = tpu.memref_squeeze %dma_start3A_90 : memref<1x512xi32, #tpu.memory_space<vmem>> -> memref<512xi32, #tpu.memory_space<vmem>>
    %dma_start3A_92 = tpu.memref_slice %arg3[%add3A_87] : memref<819200xi32, #tpu.memory_space<hbm>> -> memref<512xi32, #tpu.memory_space<hbm>>
    %dma_start3A_93 = tpu.memref_slice %arg3[%add3A_87] : memref<819200xi32, #tpu.memory_space<hbm>> -> memref<512xi32, #tpu.memory_space<hbm>>
    %dma_start3A_94 = arith.constant 0 : i32
    %dma_start3A_95 = tpu.memref_slice %arg4[%dma_start3A_88, %dma_start3A_94] : memref<50x512xi32, #tpu.memory_space<vmem>> -> memref<1x512xi32, #tpu.memory_space<vmem>>
    %dma_start3A_96 = tpu.memref_squeeze %dma_start3A_95 : memref<1x512xi32, #tpu.memory_space<vmem>> -> memref<512xi32, #tpu.memory_space<vmem>>
    tpu.enqueue_dma source(%dma_start3A_96 : memref<512xi32, #tpu.memory_space<vmem>>) target(%dma_start3A_93 : memref<512xi32, #tpu.memory_space<hbm>>) target_semaphore(%arg6 : memref<!tpu.dma_semaphore, #tpu.memory_space<semaphore_mem>>)
    %add3A_97 = arith.constant 131072 : i32
    %add3A_98 = arith.addi %add3A_97, %mul3A_2 : i32
    %dma_start3A_99 = arith.constant 8 : i32
    %dma_start3A_100 = arith.constant 0 : i32
    %dma_start3A_101 = tpu.memref_slice %arg4[%dma_start3A_99, %dma_start3A_100] : memref<50x512xi32, #tpu.memory_space<vmem>> -> memref<1x512xi32, #tpu.memory_space<vmem>>
    %dma_start3A_102 = tpu.memref_squeeze %dma_start3A_101 : memref<1x512xi32, #tpu.memory_space<vmem>> -> memref<512xi32, #tpu.memory_space<vmem>>
    %dma_start3A_103 = tpu.memref_slice %arg3[%add3A_98] : memref<819200xi32, #tpu.memory_space<hbm>> -> memref<512xi32, #tpu.memory_space<hbm>>
    %dma_start3A_104 = tpu.memref_slice %arg3[%add3A_98] : memref<819200xi32, #tpu.memory_space<hbm>> -> memref<512xi32, #tpu.memory_space<hbm>>
    %dma_start3A_105 = arith.constant 0 : i32
    %dma_start3A_106 = tpu.memref_slice %arg4[%dma_start3A_99, %dma_start3A_105] : memref<50x512xi32, #tpu.memory_space<vmem>> -> memref<1x512xi32, #tpu.memory_space<vmem>>
    %dma_start3A_107 = tpu.memref_squeeze %dma_start3A_106 : memref<1x512xi32, #tpu.memory_space<vmem>> -> memref<512xi32, #tpu.memory_space<vmem>>
    tpu.enqueue_dma source(%dma_start3A_107 : memref<512xi32, #tpu.memory_space<vmem>>) target(%dma_start3A_104 : memref<512xi32, #tpu.memory_space<hbm>>) target_semaphore(%arg6 : memref<!tpu.dma_semaphore, #tpu.memory_space<semaphore_mem>>)
    %add3A_108 = arith.constant 147456 : i32
    %add3A_109 = arith.addi %add3A_108, %mul3A_2 : i32
    %dma_start3A_110 = arith.constant 9 : i32
    %dma_start3A_111 = arith.constant 0 : i32
    %dma_start3A_112 = tpu.memref_slice %arg4[%dma_start3A_110, %dma_start3A_111] : memref<50x512xi32, #tpu.memory_space<vmem>> -> memref<1x512xi32, #tpu.memory_space<vmem>>
    %dma_start3A_113 = tpu.memref_squeeze %dma_start3A_112 : memref<1x512xi32, #tpu.memory_space<vmem>> -> memref<512xi32, #tpu.memory_space<vmem>>
    %dma_start3A_114 = tpu.memref_slice %arg3[%add3A_109] : memref<819200xi32, #tpu.memory_space<hbm>> -> memref<512xi32, #tpu.memory_space<hbm>>
    %dma_start3A_115 = tpu.memref_slice %arg3[%add3A_109] : memref<819200xi32, #tpu.memory_space<hbm>> -> memref<512xi32, #tpu.memory_space<hbm>>
    %dma_start3A_116 = arith.constant 0 : i32
    %dma_start3A_117 = tpu.memref_slice %arg4[%dma_start3A_110, %dma_start3A_116] : memref<50x512xi32, #tpu.memory_space<vmem>> -> memref<1x512xi32, #tpu.memory_space<vmem>>
    %dma_start3A_118 = tpu.memref_squeeze %dma_start3A_117 : memref<1x512xi32, #tpu.memory_space<vmem>> -> memref<512xi32, #tpu.memory_space<vmem>>
    tpu.enqueue_dma source(%dma_start3A_118 : memref<512xi32, #tpu.memory_space<vmem>>) target(%dma_start3A_115 : memref<512xi32, #tpu.memory_space<hbm>>) target_semaphore(%arg6 : memref<!tpu.dma_semaphore, #tpu.memory_space<semaphore_mem>>)
    %add3A_119 = arith.constant 163840 : i32
    %add3A_120 = arith.addi %add3A_119, %mul3A_2 : i32
    %dma_start3A_121 = arith.constant 10 : i32
    %dma_start3A_122 = arith.constant 0 : i32
    %dma_start3A_123 = tpu.memref_slice %arg4[%dma_start3A_121, %dma_start3A_122] : memref<50x512xi32, #tpu.memory_space<vmem>> -> memref<1x512xi32, #tpu.memory_space<vmem>>
    %dma_start3A_124 = tpu.memref_squeeze %dma_start3A_123 : memref<1x512xi32, #tpu.memory_space<vmem>> -> memref<512xi32, #tpu.memory_space<vmem>>
    %dma_start3A_125 = tpu.memref_slice %arg3[%add3A_120] : memref<819200xi32, #tpu.memory_space<hbm>> -> memref<512xi32, #tpu.memory_space<hbm>>
    %dma_start3A_126 = tpu.memref_slice %arg3[%add3A_120] : memref<819200xi32, #tpu.memory_space<hbm>> -> memref<512xi32, #tpu.memory_space<hbm>>
    %dma_start3A_127 = arith.constant 0 : i32
    %dma_start3A_128 = tpu.memref_slice %arg4[%dma_start3A_121, %dma_start3A_127] : memref<50x512xi32, #tpu.memory_space<vmem>> -> memref<1x512xi32, #tpu.memory_space<vmem>>
    %dma_start3A_129 = tpu.memref_squeeze %dma_start3A_128 : memref<1x512xi32, #tpu.memory_space<vmem>> -> memref<512xi32, #tpu.memory_space<vmem>>
    tpu.enqueue_dma source(%dma_start3A_129 : memref<512xi32, #tpu.memory_space<vmem>>) target(%dma_start3A_126 : memref<512xi32, #tpu.memory_space<hbm>>) target_semaphore(%arg6 : memref<!tpu.dma_semaphore, #tpu.memory_space<semaphore_mem>>)
    %add3A_130 = arith.constant 180224 : i32
    %add3A_131 = arith.addi %add3A_130, %mul3A_2 : i32
    %dma_start3A_132 = arith.constant 11 : i32
    %dma_start3A_133 = arith.constant 0 : i32
    %dma_start3A_134 = tpu.memref_slice %arg4[%dma_start3A_132, %dma_start3A_133] : memref<50x512xi32, #tpu.memory_space<vmem>> -> memref<1x512xi32, #tpu.memory_space<vmem>>
    %dma_start3A_135 = tpu.memref_squeeze %dma_start3A_134 : memref<1x512xi32, #tpu.memory_space<vmem>> -> memref<512xi32, #tpu.memory_space<vmem>>
    %dma_start3A_136 = tpu.memref_slice %arg3[%add3A_131] : memref<819200xi32, #tpu.memory_space<hbm>> -> memref<512xi32, #tpu.memory_space<hbm>>
    %dma_start3A_137 = tpu.memref_slice %arg3[%add3A_131] : memref<819200xi32, #tpu.memory_space<hbm>> -> memref<512xi32, #tpu.memory_space<hbm>>
    %dma_start3A_138 = arith.constant 0 : i32
    %dma_start3A_139 = tpu.memref_slice %arg4[%dma_start3A_132, %dma_start3A_138] : memref<50x512xi32, #tpu.memory_space<vmem>> -> memref<1x512xi32, #tpu.memory_space<vmem>>
    %dma_start3A_140 = tpu.memref_squeeze %dma_start3A_139 : memref<1x512xi32, #tpu.memory_space<vmem>> -> memref<512xi32, #tpu.memory_space<vmem>>
    tpu.enqueue_dma source(%dma_start3A_140 : memref<512xi32, #tpu.memory_space<vmem>>) target(%dma_start3A_137 : memref<512xi32, #tpu.memory_space<hbm>>) target_semaphore(%arg6 : memref<!tpu.dma_semaphore, #tpu.memory_space<semaphore_mem>>)
    %add3A_141 = arith.constant 196608 : i32
    %add3A_142 = arith.addi %add3A_141, %mul3A_2 : i32
    %dma_start3A_143 = arith.constant 12 : i32
    %dma_start3A_144 = arith.constant 0 : i32
    %dma_start3A_145 = tpu.memref_slice %arg4[%dma_start3A_143, %dma_start3A_144] : memref<50x512xi32, #tpu.memory_space<vmem>> -> memref<1x512xi32, #tpu.memory_space<vmem>>
    %dma_start3A_146 = tpu.memref_squeeze %dma_start3A_145 : memref<1x512xi32, #tpu.memory_space<vmem>> -> memref<512xi32, #tpu.memory_space<vmem>>
    %dma_start3A_147 = tpu.memref_slice %arg3[%add3A_142] : memref<819200xi32, #tpu.memory_space<hbm>> -> memref<512xi32, #tpu.memory_space<hbm>>
    %dma_start3A_148 = tpu.memref_slice %arg3[%add3A_142] : memref<819200xi32, #tpu.memory_space<hbm>> -> memref<512xi32, #tpu.memory_space<hbm>>
    %dma_start3A_149 = arith.constant 0 : i32
    %dma_start3A_150 = tpu.memref_slice %arg4[%dma_start3A_143, %dma_start3A_149] : memref<50x512xi32, #tpu.memory_space<vmem>> -> memref<1x512xi32, #tpu.memory_space<vmem>>
    %dma_start3A_151 = tpu.memref_squeeze %dma_start3A_150 : memref<1x512xi32, #tpu.memory_space<vmem>> -> memref<512xi32, #tpu.memory_space<vmem>>
    tpu.enqueue_dma source(%dma_start3A_151 : memref<512xi32, #tpu.memory_space<vmem>>) target(%dma_start3A_148 : memref<512xi32, #tpu.memory_space<hbm>>) target_semaphore(%arg6 : memref<!tpu.dma_semaphore, #tpu.memory_space<semaphore_mem>>)
    %add3A_152 = arith.constant 212992 : i32
    %add3A_153 = arith.addi %add3A_152, %mul3A_2 : i32
    %dma_start3A_154 = arith.constant 13 : i32
    %dma_start3A_155 = arith.constant 0 : i32
    %dma_start3A_156 = tpu.memref_slice %arg4[%dma_start3A_154, %dma_start3A_155] : memref<50x512xi32, #tpu.memory_space<vmem>> -> memref<1x512xi32, #tpu.memory_space<vmem>>
    %dma_start3A_157 = tpu.memref_squeeze %dma_start3A_156 : memref<1x512xi32, #tpu.memory_space<vmem>> -> memref<512xi32, #tpu.memory_space<vmem>>
    %dma_start3A_158 = tpu.memref_slice %arg3[%add3A_153] : memref<819200xi32, #tpu.memory_space<hbm>> -> memref<512xi32, #tpu.memory_space<hbm>>
    %dma_start3A_159 = tpu.memref_slice %arg3[%add3A_153] : memref<819200xi32, #tpu.memory_space<hbm>> -> memref<512xi32, #tpu.memory_space<hbm>>
    %dma_start3A_160 = arith.constant 0 : i32
    %dma_start3A_161 = tpu.memref_slice %arg4[%dma_start3A_154, %dma_start3A_160] : memref<50x512xi32, #tpu.memory_space<vmem>> -> memref<1x512xi32, #tpu.memory_space<vmem>>
    %dma_start3A_162 = tpu.memref_squeeze %dma_start3A_161 : memref<1x512xi32, #tpu.memory_space<vmem>> -> memref<512xi32, #tpu.memory_space<vmem>>
    tpu.enqueue_dma source(%dma_start3A_162 : memref<512xi32, #tpu.memory_space<vmem>>) target(%dma_start3A_159 : memref<512xi32, #tpu.memory_space<hbm>>) target_semaphore(%arg6 : memref<!tpu.dma_semaphore, #tpu.memory_space<semaphore_mem>>)
    %add3A_163 = arith.constant 229376 : i32
    %add3A_164 = arith.addi %add3A_163, %mul3A_2 : i32
    %dma_start3A_165 = arith.constant 14 : i32
    %dma_start3A_166 = arith.constant 0 : i32
    %dma_start3A_167 = tpu.memref_slice %arg4[%dma_start3A_165, %dma_start3A_166] : memref<50x512xi32, #tpu.memory_space<vmem>> -> memref<1x512xi32, #tpu.memory_space<vmem>>
    %dma_start3A_168 = tpu.memref_squeeze %dma_start3A_167 : memref<1x512xi32, #tpu.memory_space<vmem>> -> memref<512xi32, #tpu.memory_space<vmem>>
    %dma_start3A_169 = tpu.memref_slice %arg3[%add3A_164] : memref<819200xi32, #tpu.memory_space<hbm>> -> memref<512xi32, #tpu.memory_space<hbm>>
    %dma_start3A_170 = tpu.memref_slice %arg3[%add3A_164] : memref<819200xi32, #tpu.memory_space<hbm>> -> memref<512xi32, #tpu.memory_space<hbm>>
    %dma_start3A_171 = arith.constant 0 : i32
    %dma_start3A_172 = tpu.memref_slice %arg4[%dma_start3A_165, %dma_start3A_171] : memref<50x512xi32, #tpu.memory_space<vmem>> -> memref<1x512xi32, #tpu.memory_space<vmem>>
    %dma_start3A_173 = tpu.memref_squeeze %dma_start3A_172 : memref<1x512xi32, #tpu.memory_space<vmem>> -> memref<512xi32, #tpu.memory_space<vmem>>
    tpu.enqueue_dma source(%dma_start3A_173 : memref<512xi32, #tpu.memory_space<vmem>>) target(%dma_start3A_170 : memref<512xi32, #tpu.memory_space<hbm>>) target_semaphore(%arg6 : memref<!tpu.dma_semaphore, #tpu.memory_space<semaphore_mem>>)
    %add3A_174 = arith.constant 245760 : i32
    %add3A_175 = arith.addi %add3A_174, %mul3A_2 : i32
    %dma_start3A_176 = arith.constant 15 : i32
    %dma_start3A_177 = arith.constant 0 : i32
    %dma_start3A_178 = tpu.memref_slice %arg4[%dma_start3A_176, %dma_start3A_177] : memref<50x512xi32, #tpu.memory_space<vmem>> -> memref<1x512xi32, #tpu.memory_space<vmem>>
    %dma_start3A_179 = tpu.memref_squeeze %dma_start3A_178 : memref<1x512xi32, #tpu.memory_space<vmem>> -> memref<512xi32, #tpu.memory_space<vmem>>
    %dma_start3A_180 = tpu.memref_slice %arg3[%add3A_175] : memref<819200xi32, #tpu.memory_space<hbm>> -> memref<512xi32, #tpu.memory_space<hbm>>
    %dma_start3A_181 = tpu.memref_slice %arg3[%add3A_175] : memref<819200xi32, #tpu.memory_space<hbm>> -> memref<512xi32, #tpu.memory_space<hbm>>
    %dma_start3A_182 = arith.constant 0 : i32
    %dma_start3A_183 = tpu.memref_slice %arg4[%dma_start3A_176, %dma_start3A_182] : memref<50x512xi32, #tpu.memory_space<vmem>> -> memref<1x512xi32, #tpu.memory_space<vmem>>
    %dma_start3A_184 = tpu.memref_squeeze %dma_start3A_183 : memref<1x512xi32, #tpu.memory_space<vmem>> -> memref<512xi32, #tpu.memory_space<vmem>>
    tpu.enqueue_dma source(%dma_start3A_184 : memref<512xi32, #tpu.memory_space<vmem>>) target(%dma_start3A_181 : memref<512xi32, #tpu.memory_space<hbm>>) target_semaphore(%arg6 : memref<!tpu.dma_semaphore, #tpu.memory_space<semaphore_mem>>)
    %add3A_185 = arith.constant 262144 : i32
    %add3A_186 = arith.addi %add3A_185, %mul3A_2 : i32
    %dma_start3A_187 = arith.constant 16 : i32
    %dma_start3A_188 = arith.constant 0 : i32
    %dma_start3A_189 = tpu.memref_slice %arg4[%dma_start3A_187, %dma_start3A_188] : memref<50x512xi32, #tpu.memory_space<vmem>> -> memref<1x512xi32, #tpu.memory_space<vmem>>
    %dma_start3A_190 = tpu.memref_squeeze %dma_start3A_189 : memref<1x512xi32, #tpu.memory_space<vmem>> -> memref<512xi32, #tpu.memory_space<vmem>>
    %dma_start3A_191 = tpu.memref_slice %arg3[%add3A_186] : memref<819200xi32, #tpu.memory_space<hbm>> -> memref<512xi32, #tpu.memory_space<hbm>>
    %dma_start3A_192 = tpu.memref_slice %arg3[%add3A_186] : memref<819200xi32, #tpu.memory_space<hbm>> -> memref<512xi32, #tpu.memory_space<hbm>>
    %dma_start3A_193 = arith.constant 0 : i32
    %dma_start3A_194 = tpu.memref_slice %arg4[%dma_start3A_187, %dma_start3A_193] : memref<50x512xi32, #tpu.memory_space<vmem>> -> memref<1x512xi32, #tpu.memory_space<vmem>>
    %dma_start3A_195 = tpu.memref_squeeze %dma_start3A_194 : memref<1x512xi32, #tpu.memory_space<vmem>> -> memref<512xi32, #tpu.memory_space<vmem>>
    tpu.enqueue_dma source(%dma_start3A_195 : memref<512xi32, #tpu.memory_space<vmem>>) target(%dma_start3A_192 : memref<512xi32, #tpu.memory_space<hbm>>) target_semaphore(%arg6 : memref<!tpu.dma_semaphore, #tpu.memory_space<semaphore_mem>>)
    %add3A_196 = arith.constant 278528 : i32
    %add3A_197 = arith.addi %add3A_196, %mul3A_2 : i32
    %dma_start3A_198 = arith.constant 17 : i32
    %dma_start3A_199 = arith.constant 0 : i32
    %dma_start3A_200 = tpu.memref_slice %arg4[%dma_start3A_198, %dma_start3A_199] : memref<50x512xi32, #tpu.memory_space<vmem>> -> memref<1x512xi32, #tpu.memory_space<vmem>>
    %dma_start3A_201 = tpu.memref_squeeze %dma_start3A_200 : memref<1x512xi32, #tpu.memory_space<vmem>> -> memref<512xi32, #tpu.memory_space<vmem>>
    %dma_start3A_202 = tpu.memref_slice %arg3[%add3A_197] : memref<819200xi32, #tpu.memory_space<hbm>> -> memref<512xi32, #tpu.memory_space<hbm>>
    %dma_start3A_203 = tpu.memref_slice %arg3[%add3A_197] : memref<819200xi32, #tpu.memory_space<hbm>> -> memref<512xi32, #tpu.memory_space<hbm>>
    %dma_start3A_204 = arith.constant 0 : i32
    %dma_start3A_205 = tpu.memref_slice %arg4[%dma_start3A_198, %dma_start3A_204] : memref<50x512xi32, #tpu.memory_space<vmem>> -> memref<1x512xi32, #tpu.memory_space<vmem>>
    %dma_start3A_206 = tpu.memref_squeeze %dma_start3A_205 : memref<1x512xi32, #tpu.memory_space<vmem>> -> memref<512xi32, #tpu.memory_space<vmem>>
    tpu.enqueue_dma source(%dma_start3A_206 : memref<512xi32, #tpu.memory_space<vmem>>) target(%dma_start3A_203 : memref<512xi32, #tpu.memory_space<hbm>>) target_semaphore(%arg6 : memref<!tpu.dma_semaphore, #tpu.memory_space<semaphore_mem>>)
    %add3A_207 = arith.constant 294912 : i32
    %add3A_208 = arith.addi %add3A_207, %mul3A_2 : i32
    %dma_start3A_209 = arith.constant 18 : i32
    %dma_start3A_210 = arith.constant 0 : i32
    %dma_start3A_211 = tpu.memref_slice %arg4[%dma_start3A_209, %dma_start3A_210] : memref<50x512xi32, #tpu.memory_space<vmem>> -> memref<1x512xi32, #tpu.memory_space<vmem>>
    %dma_start3A_212 = tpu.memref_squeeze %dma_start3A_211 : memref<1x512xi32, #tpu.memory_space<vmem>> -> memref<512xi32, #tpu.memory_space<vmem>>
    %dma_start3A_213 = tpu.memref_slice %arg3[%add3A_208] : memref<819200xi32, #tpu.memory_space<hbm>> -> memref<512xi32, #tpu.memory_space<hbm>>
    %dma_start3A_214 = tpu.memref_slice %arg3[%add3A_208] : memref<819200xi32, #tpu.memory_space<hbm>> -> memref<512xi32, #tpu.memory_space<hbm>>
    %dma_start3A_215 = arith.constant 0 : i32
    %dma_start3A_216 = tpu.memref_slice %arg4[%dma_start3A_209, %dma_start3A_215] : memref<50x512xi32, #tpu.memory_space<vmem>> -> memref<1x512xi32, #tpu.memory_space<vmem>>
    %dma_start3A_217 = tpu.memref_squeeze %dma_start3A_216 : memref<1x512xi32, #tpu.memory_space<vmem>> -> memref<512xi32, #tpu.memory_space<vmem>>
    tpu.enqueue_dma source(%dma_start3A_217 : memref<512xi32, #tpu.memory_space<vmem>>) target(%dma_start3A_214 : memref<512xi32, #tpu.memory_space<hbm>>) target_semaphore(%arg6 : memref<!tpu.dma_semaphore, #tpu.memory_space<semaphore_mem>>)
    %add3A_218 = arith.constant 311296 : i32
    %add3A_219 = arith.addi %add3A_218, %mul3A_2 : i32
    %dma_start3A_220 = arith.constant 19 : i32
    %dma_start3A_221 = arith.constant 0 : i32
    %dma_start3A_222 = tpu.memref_slice %arg4[%dma_start3A_220, %dma_start3A_221] : memref<50x512xi32, #tpu.memory_space<vmem>> -> memref<1x512xi32, #tpu.memory_space<vmem>>
    %dma_start3A_223 = tpu.memref_squeeze %dma_start3A_222 : memref<1x512xi32, #tpu.memory_space<vmem>> -> memref<512xi32, #tpu.memory_space<vmem>>
    %dma_start3A_224 = tpu.memref_slice %arg3[%add3A_219] : memref<819200xi32, #tpu.memory_space<hbm>> -> memref<512xi32, #tpu.memory_space<hbm>>
    %dma_start3A_225 = tpu.memref_slice %arg3[%add3A_219] : memref<819200xi32, #tpu.memory_space<hbm>> -> memref<512xi32, #tpu.memory_space<hbm>>
    %dma_start3A_226 = arith.constant 0 : i32
    %dma_start3A_227 = tpu.memref_slice %arg4[%dma_start3A_220, %dma_start3A_226] : memref<50x512xi32, #tpu.memory_space<vmem>> -> memref<1x512xi32, #tpu.memory_space<vmem>>
    %dma_start3A_228 = tpu.memref_squeeze %dma_start3A_227 : memref<1x512xi32, #tpu.memory_space<vmem>> -> memref<512xi32, #tpu.memory_space<vmem>>
    tpu.enqueue_dma source(%dma_start3A_228 : memref<512xi32, #tpu.memory_space<vmem>>) target(%dma_start3A_225 : memref<512xi32, #tpu.memory_space<hbm>>) target_semaphore(%arg6 : memref<!tpu.dma_semaphore, #tpu.memory_space<semaphore_mem>>)
    %add3A_229 = arith.constant 327680 : i32
    %add3A_230 = arith.addi %add3A_229, %mul3A_2 : i32
    %dma_start3A_231 = arith.constant 20 : i32
    %dma_start3A_232 = arith.constant 0 : i32
    %dma_start3A_233 = tpu.memref_slice %arg4[%dma_start3A_231, %dma_start3A_232] : memref<50x512xi32, #tpu.memory_space<vmem>> -> memref<1x512xi32, #tpu.memory_space<vmem>>
    %dma_start3A_234 = tpu.memref_squeeze %dma_start3A_233 : memref<1x512xi32, #tpu.memory_space<vmem>> -> memref<512xi32, #tpu.memory_space<vmem>>
    %dma_start3A_235 = tpu.memref_slice %arg3[%add3A_230] : memref<819200xi32, #tpu.memory_space<hbm>> -> memref<512xi32, #tpu.memory_space<hbm>>
    %dma_start3A_236 = tpu.memref_slice %arg3[%add3A_230] : memref<819200xi32, #tpu.memory_space<hbm>> -> memref<512xi32, #tpu.memory_space<hbm>>
    %dma_start3A_237 = arith.constant 0 : i32
    %dma_start3A_238 = tpu.memref_slice %arg4[%dma_start3A_231, %dma_start3A_237] : memref<50x512xi32, #tpu.memory_space<vmem>> -> memref<1x512xi32, #tpu.memory_space<vmem>>
    %dma_start3A_239 = tpu.memref_squeeze %dma_start3A_238 : memref<1x512xi32, #tpu.memory_space<vmem>> -> memref<512xi32, #tpu.memory_space<vmem>>
    tpu.enqueue_dma source(%dma_start3A_239 : memref<512xi32, #tpu.memory_space<vmem>>) target(%dma_start3A_236 : memref<512xi32, #tpu.memory_space<hbm>>) target_semaphore(%arg6 : memref<!tpu.dma_semaphore, #tpu.memory_space<semaphore_mem>>)
    %add3A_240 = arith.constant 344064 : i32
    %add3A_241 = arith.addi %add3A_240, %mul3A_2 : i32
    %dma_start3A_242 = arith.constant 21 : i32
    %dma_start3A_243 = arith.constant 0 : i32
    %dma_start3A_244 = tpu.memref_slice %arg4[%dma_start3A_242, %dma_start3A_243] : memref<50x512xi32, #tpu.memory_space<vmem>> -> memref<1x512xi32, #tpu.memory_space<vmem>>
    %dma_start3A_245 = tpu.memref_squeeze %dma_start3A_244 : memref<1x512xi32, #tpu.memory_space<vmem>> -> memref<512xi32, #tpu.memory_space<vmem>>
    %dma_start3A_246 = tpu.memref_slice %arg3[%add3A_241] : memref<819200xi32, #tpu.memory_space<hbm>> -> memref<512xi32, #tpu.memory_space<hbm>>
    %dma_start3A_247 = tpu.memref_slice %arg3[%add3A_241] : memref<819200xi32, #tpu.memory_space<hbm>> -> memref<512xi32, #tpu.memory_space<hbm>>
    %dma_start3A_248 = arith.constant 0 : i32
    %dma_start3A_249 = tpu.memref_slice %arg4[%dma_start3A_242, %dma_start3A_248] : memref<50x512xi32, #tpu.memory_space<vmem>> -> memref<1x512xi32, #tpu.memory_space<vmem>>
    %dma_start3A_250 = tpu.memref_squeeze %dma_start3A_249 : memref<1x512xi32, #tpu.memory_space<vmem>> -> memref<512xi32, #tpu.memory_space<vmem>>
    tpu.enqueue_dma source(%dma_start3A_250 : memref<512xi32, #tpu.memory_space<vmem>>) target(%dma_start3A_247 : memref<512xi32, #tpu.memory_space<hbm>>) target_semaphore(%arg6 : memref<!tpu.dma_semaphore, #tpu.memory_space<semaphore_mem>>)
    %add3A_251 = arith.constant 360448 : i32
    %add3A_252 = arith.addi %add3A_251, %mul3A_2 : i32
    %dma_start3A_253 = arith.constant 22 : i32
    %dma_start3A_254 = arith.constant 0 : i32
    %dma_start3A_255 = tpu.memref_slice %arg4[%dma_start3A_253, %dma_start3A_254] : memref<50x512xi32, #tpu.memory_space<vmem>> -> memref<1x512xi32, #tpu.memory_space<vmem>>
    %dma_start3A_256 = tpu.memref_squeeze %dma_start3A_255 : memref<1x512xi32, #tpu.memory_space<vmem>> -> memref<512xi32, #tpu.memory_space<vmem>>
    %dma_start3A_257 = tpu.memref_slice %arg3[%add3A_252] : memref<819200xi32, #tpu.memory_space<hbm>> -> memref<512xi32, #tpu.memory_space<hbm>>
    %dma_start3A_258 = tpu.memref_slice %arg3[%add3A_252] : memref<819200xi32, #tpu.memory_space<hbm>> -> memref<512xi32, #tpu.memory_space<hbm>>
    %dma_start3A_259 = arith.constant 0 : i32
    %dma_start3A_260 = tpu.memref_slice %arg4[%dma_start3A_253, %dma_start3A_259] : memref<50x512xi32, #tpu.memory_space<vmem>> -> memref<1x512xi32, #tpu.memory_space<vmem>>
    %dma_start3A_261 = tpu.memref_squeeze %dma_start3A_260 : memref<1x512xi32, #tpu.memory_space<vmem>> -> memref<512xi32, #tpu.memory_space<vmem>>
    tpu.enqueue_dma source(%dma_start3A_261 : memref<512xi32, #tpu.memory_space<vmem>>) target(%dma_start3A_258 : memref<512xi32, #tpu.memory_space<hbm>>) target_semaphore(%arg6 : memref<!tpu.dma_semaphore, #tpu.memory_space<semaphore_mem>>)
    %add3A_262 = arith.constant 376832 : i32
    %add3A_263 = arith.addi %add3A_262, %mul3A_2 : i32
    %dma_start3A_264 = arith.constant 23 : i32
    %dma_start3A_265 = arith.constant 0 : i32
    %dma_start3A_266 = tpu.memref_slice %arg4[%dma_start3A_264, %dma_start3A_265] : memref<50x512xi32, #tpu.memory_space<vmem>> -> memref<1x512xi32, #tpu.memory_space<vmem>>
    %dma_start3A_267 = tpu.memref_squeeze %dma_start3A_266 : memref<1x512xi32, #tpu.memory_space<vmem>> -> memref<512xi32, #tpu.memory_space<vmem>>
    %dma_start3A_268 = tpu.memref_slice %arg3[%add3A_263] : memref<819200xi32, #tpu.memory_space<hbm>> -> memref<512xi32, #tpu.memory_space<hbm>>
    %dma_start3A_269 = tpu.memref_slice %arg3[%add3A_263] : memref<819200xi32, #tpu.memory_space<hbm>> -> memref<512xi32, #tpu.memory_space<hbm>>
    %dma_start3A_270 = arith.constant 0 : i32
    %dma_start3A_271 = tpu.memref_slice %arg4[%dma_start3A_264, %dma_start3A_270] : memref<50x512xi32, #tpu.memory_space<vmem>> -> memref<1x512xi32, #tpu.memory_space<vmem>>
    %dma_start3A_272 = tpu.memref_squeeze %dma_start3A_271 : memref<1x512xi32, #tpu.memory_space<vmem>> -> memref<512xi32, #tpu.memory_space<vmem>>
    tpu.enqueue_dma source(%dma_start3A_272 : memref<512xi32, #tpu.memory_space<vmem>>) target(%dma_start3A_269 : memref<512xi32, #tpu.memory_space<hbm>>) target_semaphore(%arg6 : memref<!tpu.dma_semaphore, #tpu.memory_space<semaphore_mem>>)
    %add3A_273 = arith.constant 393216 : i32
    %add3A_274 = arith.addi %add3A_273, %mul3A_2 : i32
    %dma_start3A_275 = arith.constant 24 : i32
    %dma_start3A_276 = arith.constant 0 : i32
    %dma_start3A_277 = tpu.memref_slice %arg4[%dma_start3A_275, %dma_start3A_276] : memref<50x512xi32, #tpu.memory_space<vmem>> -> memref<1x512xi32, #tpu.memory_space<vmem>>
    %dma_start3A_278 = tpu.memref_squeeze %dma_start3A_277 : memref<1x512xi32, #tpu.memory_space<vmem>> -> memref<512xi32, #tpu.memory_space<vmem>>
    %dma_start3A_279 = tpu.memref_slice %arg3[%add3A_274] : memref<819200xi32, #tpu.memory_space<hbm>> -> memref<512xi32, #tpu.memory_space<hbm>>
    %dma_start3A_280 = tpu.memref_slice %arg3[%add3A_274] : memref<819200xi32, #tpu.memory_space<hbm>> -> memref<512xi32, #tpu.memory_space<hbm>>
    %dma_start3A_281 = arith.constant 0 : i32
    %dma_start3A_282 = tpu.memref_slice %arg4[%dma_start3A_275, %dma_start3A_281] : memref<50x512xi32, #tpu.memory_space<vmem>> -> memref<1x512xi32, #tpu.memory_space<vmem>>
    %dma_start3A_283 = tpu.memref_squeeze %dma_start3A_282 : memref<1x512xi32, #tpu.memory_space<vmem>> -> memref<512xi32, #tpu.memory_space<vmem>>
    tpu.enqueue_dma source(%dma_start3A_283 : memref<512xi32, #tpu.memory_space<vmem>>) target(%dma_start3A_280 : memref<512xi32, #tpu.memory_space<hbm>>) target_semaphore(%arg6 : memref<!tpu.dma_semaphore, #tpu.memory_space<semaphore_mem>>)
    %add3A_284 = arith.constant 409600 : i32
    %add3A_285 = arith.addi %add3A_284, %mul3A_2 : i32
    %dma_start3A_286 = arith.constant 25 : i32
    %dma_start3A_287 = arith.constant 0 : i32
    %dma_start3A_288 = tpu.memref_slice %arg4[%dma_start3A_286, %dma_start3A_287] : memref<50x512xi32, #tpu.memory_space<vmem>> -> memref<1x512xi32, #tpu.memory_space<vmem>>
    %dma_start3A_289 = tpu.memref_squeeze %dma_start3A_288 : memref<1x512xi32, #tpu.memory_space<vmem>> -> memref<512xi32, #tpu.memory_space<vmem>>
    %dma_start3A_290 = tpu.memref_slice %arg3[%add3A_285] : memref<819200xi32, #tpu.memory_space<hbm>> -> memref<512xi32, #tpu.memory_space<hbm>>
    %dma_start3A_291 = tpu.memref_slice %arg3[%add3A_285] : memref<819200xi32, #tpu.memory_space<hbm>> -> memref<512xi32, #tpu.memory_space<hbm>>
    %dma_start3A_292 = arith.constant 0 : i32
    %dma_start3A_293 = tpu.memref_slice %arg4[%dma_start3A_286, %dma_start3A_292] : memref<50x512xi32, #tpu.memory_space<vmem>> -> memref<1x512xi32, #tpu.memory_space<vmem>>
    %dma_start3A_294 = tpu.memref_squeeze %dma_start3A_293 : memref<1x512xi32, #tpu.memory_space<vmem>> -> memref<512xi32, #tpu.memory_space<vmem>>
    tpu.enqueue_dma source(%dma_start3A_294 : memref<512xi32, #tpu.memory_space<vmem>>) target(%dma_start3A_291 : memref<512xi32, #tpu.memory_space<hbm>>) target_semaphore(%arg6 : memref<!tpu.dma_semaphore, #tpu.memory_space<semaphore_mem>>)
    %add3A_295 = arith.constant 425984 : i32
    %add3A_296 = arith.addi %add3A_295, %mul3A_2 : i32
    %dma_start3A_297 = arith.constant 26 : i32
    %dma_start3A_298 = arith.constant 0 : i32
    %dma_start3A_299 = tpu.memref_slice %arg4[%dma_start3A_297, %dma_start3A_298] : memref<50x512xi32, #tpu.memory_space<vmem>> -> memref<1x512xi32, #tpu.memory_space<vmem>>
    %dma_start3A_300 = tpu.memref_squeeze %dma_start3A_299 : memref<1x512xi32, #tpu.memory_space<vmem>> -> memref<512xi32, #tpu.memory_space<vmem>>
    %dma_start3A_301 = tpu.memref_slice %arg3[%add3A_296] : memref<819200xi32, #tpu.memory_space<hbm>> -> memref<512xi32, #tpu.memory_space<hbm>>
    %dma_start3A_302 = tpu.memref_slice %arg3[%add3A_296] : memref<819200xi32, #tpu.memory_space<hbm>> -> memref<512xi32, #tpu.memory_space<hbm>>
    %dma_start3A_303 = arith.constant 0 : i32
    %dma_start3A_304 = tpu.memref_slice %arg4[%dma_start3A_297, %dma_start3A_303] : memref<50x512xi32, #tpu.memory_space<vmem>> -> memref<1x512xi32, #tpu.memory_space<vmem>>
    %dma_start3A_305 = tpu.memref_squeeze %dma_start3A_304 : memref<1x512xi32, #tpu.memory_space<vmem>> -> memref<512xi32, #tpu.memory_space<vmem>>
    tpu.enqueue_dma source(%dma_start3A_305 : memref<512xi32, #tpu.memory_space<vmem>>) target(%dma_start3A_302 : memref<512xi32, #tpu.memory_space<hbm>>) target_semaphore(%arg6 : memref<!tpu.dma_semaphore, #tpu.memory_space<semaphore_mem>>)
    %add3A_306 = arith.constant 442368 : i32
    %add3A_307 = arith.addi %add3A_306, %mul3A_2 : i32
    %dma_start3A_308 = arith.constant 27 : i32
    %dma_start3A_309 = arith.constant 0 : i32
    %dma_start3A_310 = tpu.memref_slice %arg4[%dma_start3A_308, %dma_start3A_309] : memref<50x512xi32, #tpu.memory_space<vmem>> -> memref<1x512xi32, #tpu.memory_space<vmem>>
    %dma_start3A_311 = tpu.memref_squeeze %dma_start3A_310 : memref<1x512xi32, #tpu.memory_space<vmem>> -> memref<512xi32, #tpu.memory_space<vmem>>
    %dma_start3A_312 = tpu.memref_slice %arg3[%add3A_307] : memref<819200xi32, #tpu.memory_space<hbm>> -> memref<512xi32, #tpu.memory_space<hbm>>
    %dma_start3A_313 = tpu.memref_slice %arg3[%add3A_307] : memref<819200xi32, #tpu.memory_space<hbm>> -> memref<512xi32, #tpu.memory_space<hbm>>
    %dma_start3A_314 = arith.constant 0 : i32
    %dma_start3A_315 = tpu.memref_slice %arg4[%dma_start3A_308, %dma_start3A_314] : memref<50x512xi32, #tpu.memory_space<vmem>> -> memref<1x512xi32, #tpu.memory_space<vmem>>
    %dma_start3A_316 = tpu.memref_squeeze %dma_start3A_315 : memref<1x512xi32, #tpu.memory_space<vmem>> -> memref<512xi32, #tpu.memory_space<vmem>>
    tpu.enqueue_dma source(%dma_start3A_316 : memref<512xi32, #tpu.memory_space<vmem>>) target(%dma_start3A_313 : memref<512xi32, #tpu.memory_space<hbm>>) target_semaphore(%arg6 : memref<!tpu.dma_semaphore, #tpu.memory_space<semaphore_mem>>)
    %add3A_317 = arith.constant 458752 : i32
    %add3A_318 = arith.addi %add3A_317, %mul3A_2 : i32
    %dma_start3A_319 = arith.constant 28 : i32
    %dma_start3A_320 = arith.constant 0 : i32
    %dma_start3A_321 = tpu.memref_slice %arg4[%dma_start3A_319, %dma_start3A_320] : memref<50x512xi32, #tpu.memory_space<vmem>> -> memref<1x512xi32, #tpu.memory_space<vmem>>
    %dma_start3A_322 = tpu.memref_squeeze %dma_start3A_321 : memref<1x512xi32, #tpu.memory_space<vmem>> -> memref<512xi32, #tpu.memory_space<vmem>>
    %dma_start3A_323 = tpu.memref_slice %arg3[%add3A_318] : memref<819200xi32, #tpu.memory_space<hbm>> -> memref<512xi32, #tpu.memory_space<hbm>>
    %dma_start3A_324 = tpu.memref_slice %arg3[%add3A_318] : memref<819200xi32, #tpu.memory_space<hbm>> -> memref<512xi32, #tpu.memory_space<hbm>>
    %dma_start3A_325 = arith.constant 0 : i32
    %dma_start3A_326 = tpu.memref_slice %arg4[%dma_start3A_319, %dma_start3A_325] : memref<50x512xi32, #tpu.memory_space<vmem>> -> memref<1x512xi32, #tpu.memory_space<vmem>>
    %dma_start3A_327 = tpu.memref_squeeze %dma_start3A_326 : memref<1x512xi32, #tpu.memory_space<vmem>> -> memref<512xi32, #tpu.memory_space<vmem>>
    tpu.enqueue_dma source(%dma_start3A_327 : memref<512xi32, #tpu.memory_space<vmem>>) target(%dma_start3A_324 : memref<512xi32, #tpu.memory_space<hbm>>) target_semaphore(%arg6 : memref<!tpu.dma_semaphore, #tpu.memory_space<semaphore_mem>>)
    %add3A_328 = arith.constant 475136 : i32
    %add3A_329 = arith.addi %add3A_328, %mul3A_2 : i32
    %dma_start3A_330 = arith.constant 29 : i32
    %dma_start3A_331 = arith.constant 0 : i32
    %dma_start3A_332 = tpu.memref_slice %arg4[%dma_start3A_330, %dma_start3A_331] : memref<50x512xi32, #tpu.memory_space<vmem>> -> memref<1x512xi32, #tpu.memory_space<vmem>>
    %dma_start3A_333 = tpu.memref_squeeze %dma_start3A_332 : memref<1x512xi32, #tpu.memory_space<vmem>> -> memref<512xi32, #tpu.memory_space<vmem>>
    %dma_start3A_334 = tpu.memref_slice %arg3[%add3A_329] : memref<819200xi32, #tpu.memory_space<hbm>> -> memref<512xi32, #tpu.memory_space<hbm>>
    %dma_start3A_335 = tpu.memref_slice %arg3[%add3A_329] : memref<819200xi32, #tpu.memory_space<hbm>> -> memref<512xi32, #tpu.memory_space<hbm>>
    %dma_start3A_336 = arith.constant 0 : i32
    %dma_start3A_337 = tpu.memref_slice %arg4[%dma_start3A_330, %dma_start3A_336] : memref<50x512xi32, #tpu.memory_space<vmem>> -> memref<1x512xi32, #tpu.memory_space<vmem>>
    %dma_start3A_338 = tpu.memref_squeeze %dma_start3A_337 : memref<1x512xi32, #tpu.memory_space<vmem>> -> memref<512xi32, #tpu.memory_space<vmem>>
    tpu.enqueue_dma source(%dma_start3A_338 : memref<512xi32, #tpu.memory_space<vmem>>) target(%dma_start3A_335 : memref<512xi32, #tpu.memory_space<hbm>>) target_semaphore(%arg6 : memref<!tpu.dma_semaphore, #tpu.memory_space<semaphore_mem>>)
    %add3A_339 = arith.constant 491520 : i32
    %add3A_340 = arith.addi %add3A_339, %mul3A_2 : i32
    %dma_start3A_341 = arith.constant 30 : i32
    %dma_start3A_342 = arith.constant 0 : i32
    %dma_start3A_343 = tpu.memref_slice %arg4[%dma_start3A_341, %dma_start3A_342] : memref<50x512xi32, #tpu.memory_space<vmem>> -> memref<1x512xi32, #tpu.memory_space<vmem>>
    %dma_start3A_344 = tpu.memref_squeeze %dma_start3A_343 : memref<1x512xi32, #tpu.memory_space<vmem>> -> memref<512xi32, #tpu.memory_space<vmem>>
    %dma_start3A_345 = tpu.memref_slice %arg3[%add3A_340] : memref<819200xi32, #tpu.memory_space<hbm>> -> memref<512xi32, #tpu.memory_space<hbm>>
    %dma_start3A_346 = tpu.memref_slice %arg3[%add3A_340] : memref<819200xi32, #tpu.memory_space<hbm>> -> memref<512xi32, #tpu.memory_space<hbm>>
    %dma_start3A_347 = arith.constant 0 : i32
    %dma_start3A_348 = tpu.memref_slice %arg4[%dma_start3A_341, %dma_start3A_347] : memref<50x512xi32, #tpu.memory_space<vmem>> -> memref<1x512xi32, #tpu.memory_space<vmem>>
    %dma_start3A_349 = tpu.memref_squeeze %dma_start3A_348 : memref<1x512xi32, #tpu.memory_space<vmem>> -> memref<512xi32, #tpu.memory_space<vmem>>
    tpu.enqueue_dma source(%dma_start3A_349 : memref<512xi32, #tpu.memory_space<vmem>>) target(%dma_start3A_346 : memref<512xi32, #tpu.memory_space<hbm>>) target_semaphore(%arg6 : memref<!tpu.dma_semaphore, #tpu.memory_space<semaphore_mem>>)
    %add3A_350 = arith.constant 507904 : i32
    %add3A_351 = arith.addi %add3A_350, %mul3A_2 : i32
    %dma_start3A_352 = arith.constant 31 : i32
    %dma_start3A_353 = arith.constant 0 : i32
    %dma_start3A_354 = tpu.memref_slice %arg4[%dma_start3A_352, %dma_start3A_353] : memref<50x512xi32, #tpu.memory_space<vmem>> -> memref<1x512xi32, #tpu.memory_space<vmem>>
    %dma_start3A_355 = tpu.memref_squeeze %dma_start3A_354 : memref<1x512xi32, #tpu.memory_space<vmem>> -> memref<512xi32, #tpu.memory_space<vmem>>
    %dma_start3A_356 = tpu.memref_slice %arg3[%add3A_351] : memref<819200xi32, #tpu.memory_space<hbm>> -> memref<512xi32, #tpu.memory_space<hbm>>
    %dma_start3A_357 = tpu.memref_slice %arg3[%add3A_351] : memref<819200xi32, #tpu.memory_space<hbm>> -> memref<512xi32, #tpu.memory_space<hbm>>
    %dma_start3A_358 = arith.constant 0 : i32
    %dma_start3A_359 = tpu.memref_slice %arg4[%dma_start3A_352, %dma_start3A_358] : memref<50x512xi32, #tpu.memory_space<vmem>> -> memref<1x512xi32, #tpu.memory_space<vmem>>
    %dma_start3A_360 = tpu.memref_squeeze %dma_start3A_359 : memref<1x512xi32, #tpu.memory_space<vmem>> -> memref<512xi32, #tpu.memory_space<vmem>>
    tpu.enqueue_dma source(%dma_start3A_360 : memref<512xi32, #tpu.memory_space<vmem>>) target(%dma_start3A_357 : memref<512xi32, #tpu.memory_space<hbm>>) target_semaphore(%arg6 : memref<!tpu.dma_semaphore, #tpu.memory_space<semaphore_mem>>)
    %add3A_361 = arith.constant 524288 : i32
    %add3A_362 = arith.addi %add3A_361, %mul3A_2 : i32
    %dma_start3A_363 = arith.constant 32 : i32
    %dma_start3A_364 = arith.constant 0 : i32
    %dma_start3A_365 = tpu.memref_slice %arg4[%dma_start3A_363, %dma_start3A_364] : memref<50x512xi32, #tpu.memory_space<vmem>> -> memref<1x512xi32, #tpu.memory_space<vmem>>
    %dma_start3A_366 = tpu.memref_squeeze %dma_start3A_365 : memref<1x512xi32, #tpu.memory_space<vmem>> -> memref<512xi32, #tpu.memory_space<vmem>>
    %dma_start3A_367 = tpu.memref_slice %arg3[%add3A_362] : memref<819200xi32, #tpu.memory_space<hbm>> -> memref<512xi32, #tpu.memory_space<hbm>>
    %dma_start3A_368 = tpu.memref_slice %arg3[%add3A_362] : memref<819200xi32, #tpu.memory_space<hbm>> -> memref<512xi32, #tpu.memory_space<hbm>>
    %dma_start3A_369 = arith.constant 0 : i32
    %dma_start3A_370 = tpu.memref_slice %arg4[%dma_start3A_363, %dma_start3A_369] : memref<50x512xi32, #tpu.memory_space<vmem>> -> memref<1x512xi32, #tpu.memory_space<vmem>>
    %dma_start3A_371 = tpu.memref_squeeze %dma_start3A_370 : memref<1x512xi32, #tpu.memory_space<vmem>> -> memref<512xi32, #tpu.memory_space<vmem>>
    tpu.enqueue_dma source(%dma_start3A_371 : memref<512xi32, #tpu.memory_space<vmem>>) target(%dma_start3A_368 : memref<512xi32, #tpu.memory_space<hbm>>) target_semaphore(%arg6 : memref<!tpu.dma_semaphore, #tpu.memory_space<semaphore_mem>>)
    %add3A_372 = arith.constant 540672 : i32
    %add3A_373 = arith.addi %add3A_372, %mul3A_2 : i32
    %dma_start3A_374 = arith.constant 33 : i32
    %dma_start3A_375 = arith.constant 0 : i32
    %dma_start3A_376 = tpu.memref_slice %arg4[%dma_start3A_374, %dma_start3A_375] : memref<50x512xi32, #tpu.memory_space<vmem>> -> memref<1x512xi32, #tpu.memory_space<vmem>>
    %dma_start3A_377 = tpu.memref_squeeze %dma_start3A_376 : memref<1x512xi32, #tpu.memory_space<vmem>> -> memref<512xi32, #tpu.memory_space<vmem>>
    %dma_start3A_378 = tpu.memref_slice %arg3[%add3A_373] : memref<819200xi32, #tpu.memory_space<hbm>> -> memref<512xi32, #tpu.memory_space<hbm>>
    %dma_start3A_379 = tpu.memref_slice %arg3[%add3A_373] : memref<819200xi32, #tpu.memory_space<hbm>> -> memref<512xi32, #tpu.memory_space<hbm>>
    %dma_start3A_380 = arith.constant 0 : i32
    %dma_start3A_381 = tpu.memref_slice %arg4[%dma_start3A_374, %dma_start3A_380] : memref<50x512xi32, #tpu.memory_space<vmem>> -> memref<1x512xi32, #tpu.memory_space<vmem>>
    %dma_start3A_382 = tpu.memref_squeeze %dma_start3A_381 : memref<1x512xi32, #tpu.memory_space<vmem>> -> memref<512xi32, #tpu.memory_space<vmem>>
    tpu.enqueue_dma source(%dma_start3A_382 : memref<512xi32, #tpu.memory_space<vmem>>) target(%dma_start3A_379 : memref<512xi32, #tpu.memory_space<hbm>>) target_semaphore(%arg6 : memref<!tpu.dma_semaphore, #tpu.memory_space<semaphore_mem>>)
    %add3A_383 = arith.constant 557056 : i32
    %add3A_384 = arith.addi %add3A_383, %mul3A_2 : i32
    %dma_start3A_385 = arith.constant 34 : i32
    %dma_start3A_386 = arith.constant 0 : i32
    %dma_start3A_387 = tpu.memref_slice %arg4[%dma_start3A_385, %dma_start3A_386] : memref<50x512xi32, #tpu.memory_space<vmem>> -> memref<1x512xi32, #tpu.memory_space<vmem>>
    %dma_start3A_388 = tpu.memref_squeeze %dma_start3A_387 : memref<1x512xi32, #tpu.memory_space<vmem>> -> memref<512xi32, #tpu.memory_space<vmem>>
    %dma_start3A_389 = tpu.memref_slice %arg3[%add3A_384] : memref<819200xi32, #tpu.memory_space<hbm>> -> memref<512xi32, #tpu.memory_space<hbm>>
    %dma_start3A_390 = tpu.memref_slice %arg3[%add3A_384] : memref<819200xi32, #tpu.memory_space<hbm>> -> memref<512xi32, #tpu.memory_space<hbm>>
    %dma_start3A_391 = arith.constant 0 : i32
    %dma_start3A_392 = tpu.memref_slice %arg4[%dma_start3A_385, %dma_start3A_391] : memref<50x512xi32, #tpu.memory_space<vmem>> -> memref<1x512xi32, #tpu.memory_space<vmem>>
    %dma_start3A_393 = tpu.memref_squeeze %dma_start3A_392 : memref<1x512xi32, #tpu.memory_space<vmem>> -> memref<512xi32, #tpu.memory_space<vmem>>
    tpu.enqueue_dma source(%dma_start3A_393 : memref<512xi32, #tpu.memory_space<vmem>>) target(%dma_start3A_390 : memref<512xi32, #tpu.memory_space<hbm>>) target_semaphore(%arg6 : memref<!tpu.dma_semaphore, #tpu.memory_space<semaphore_mem>>)
    %add3A_394 = arith.constant 573440 : i32
    %add3A_395 = arith.addi %add3A_394, %mul3A_2 : i32
    %dma_start3A_396 = arith.constant 35 : i32
    %dma_start3A_397 = arith.constant 0 : i32
    %dma_start3A_398 = tpu.memref_slice %arg4[%dma_start3A_396, %dma_start3A_397] : memref<50x512xi32, #tpu.memory_space<vmem>> -> memref<1x512xi32, #tpu.memory_space<vmem>>
    %dma_start3A_399 = tpu.memref_squeeze %dma_start3A_398 : memref<1x512xi32, #tpu.memory_space<vmem>> -> memref<512xi32, #tpu.memory_space<vmem>>
    %dma_start3A_400 = tpu.memref_slice %arg3[%add3A_395] : memref<819200xi32, #tpu.memory_space<hbm>> -> memref<512xi32, #tpu.memory_space<hbm>>
    %dma_start3A_401 = tpu.memref_slice %arg3[%add3A_395] : memref<819200xi32, #tpu.memory_space<hbm>> -> memref<512xi32, #tpu.memory_space<hbm>>
    %dma_start3A_402 = arith.constant 0 : i32
    %dma_start3A_403 = tpu.memref_slice %arg4[%dma_start3A_396, %dma_start3A_402] : memref<50x512xi32, #tpu.memory_space<vmem>> -> memref<1x512xi32, #tpu.memory_space<vmem>>
    %dma_start3A_404 = tpu.memref_squeeze %dma_start3A_403 : memref<1x512xi32, #tpu.memory_space<vmem>> -> memref<512xi32, #tpu.memory_space<vmem>>
    tpu.enqueue_dma source(%dma_start3A_404 : memref<512xi32, #tpu.memory_space<vmem>>) target(%dma_start3A_401 : memref<512xi32, #tpu.memory_space<hbm>>) target_semaphore(%arg6 : memref<!tpu.dma_semaphore, #tpu.memory_space<semaphore_mem>>)
    %add3A_405 = arith.constant 589824 : i32
    %add3A_406 = arith.addi %add3A_405, %mul3A_2 : i32
    %dma_start3A_407 = arith.constant 36 : i32
    %dma_start3A_408 = arith.constant 0 : i32
    %dma_start3A_409 = tpu.memref_slice %arg4[%dma_start3A_407, %dma_start3A_408] : memref<50x512xi32, #tpu.memory_space<vmem>> -> memref<1x512xi32, #tpu.memory_space<vmem>>
    %dma_start3A_410 = tpu.memref_squeeze %dma_start3A_409 : memref<1x512xi32, #tpu.memory_space<vmem>> -> memref<512xi32, #tpu.memory_space<vmem>>
    %dma_start3A_411 = tpu.memref_slice %arg3[%add3A_406] : memref<819200xi32, #tpu.memory_space<hbm>> -> memref<512xi32, #tpu.memory_space<hbm>>
    %dma_start3A_412 = tpu.memref_slice %arg3[%add3A_406] : memref<819200xi32, #tpu.memory_space<hbm>> -> memref<512xi32, #tpu.memory_space<hbm>>
    %dma_start3A_413 = arith.constant 0 : i32
    %dma_start3A_414 = tpu.memref_slice %arg4[%dma_start3A_407, %dma_start3A_413] : memref<50x512xi32, #tpu.memory_space<vmem>> -> memref<1x512xi32, #tpu.memory_space<vmem>>
    %dma_start3A_415 = tpu.memref_squeeze %dma_start3A_414 : memref<1x512xi32, #tpu.memory_space<vmem>> -> memref<512xi32, #tpu.memory_space<vmem>>
    tpu.enqueue_dma source(%dma_start3A_415 : memref<512xi32, #tpu.memory_space<vmem>>) target(%dma_start3A_412 : memref<512xi32, #tpu.memory_space<hbm>>) target_semaphore(%arg6 : memref<!tpu.dma_semaphore, #tpu.memory_space<semaphore_mem>>)
    %add3A_416 = arith.constant 606208 : i32
    %add3A_417 = arith.addi %add3A_416, %mul3A_2 : i32
    %dma_start3A_418 = arith.constant 37 : i32
    %dma_start3A_419 = arith.constant 0 : i32
    %dma_start3A_420 = tpu.memref_slice %arg4[%dma_start3A_418, %dma_start3A_419] : memref<50x512xi32, #tpu.memory_space<vmem>> -> memref<1x512xi32, #tpu.memory_space<vmem>>
    %dma_start3A_421 = tpu.memref_squeeze %dma_start3A_420 : memref<1x512xi32, #tpu.memory_space<vmem>> -> memref<512xi32, #tpu.memory_space<vmem>>
    %dma_start3A_422 = tpu.memref_slice %arg3[%add3A_417] : memref<819200xi32, #tpu.memory_space<hbm>> -> memref<512xi32, #tpu.memory_space<hbm>>
    %dma_start3A_423 = tpu.memref_slice %arg3[%add3A_417] : memref<819200xi32, #tpu.memory_space<hbm>> -> memref<512xi32, #tpu.memory_space<hbm>>
    %dma_start3A_424 = arith.constant 0 : i32
    %dma_start3A_425 = tpu.memref_slice %arg4[%dma_start3A_418, %dma_start3A_424] : memref<50x512xi32, #tpu.memory_space<vmem>> -> memref<1x512xi32, #tpu.memory_space<vmem>>
    %dma_start3A_426 = tpu.memref_squeeze %dma_start3A_425 : memref<1x512xi32, #tpu.memory_space<vmem>> -> memref<512xi32, #tpu.memory_space<vmem>>
    tpu.enqueue_dma source(%dma_start3A_426 : memref<512xi32, #tpu.memory_space<vmem>>) target(%dma_start3A_423 : memref<512xi32, #tpu.memory_space<hbm>>) target_semaphore(%arg6 : memref<!tpu.dma_semaphore, #tpu.memory_space<semaphore_mem>>)
    %add3A_427 = arith.constant 622592 : i32
    %add3A_428 = arith.addi %add3A_427, %mul3A_2 : i32
    %dma_start3A_429 = arith.constant 38 : i32
    %dma_start3A_430 = arith.constant 0 : i32
    %dma_start3A_431 = tpu.memref_slice %arg4[%dma_start3A_429, %dma_start3A_430] : memref<50x512xi32, #tpu.memory_space<vmem>> -> memref<1x512xi32, #tpu.memory_space<vmem>>
    %dma_start3A_432 = tpu.memref_squeeze %dma_start3A_431 : memref<1x512xi32, #tpu.memory_space<vmem>> -> memref<512xi32, #tpu.memory_space<vmem>>
    %dma_start3A_433 = tpu.memref_slice %arg3[%add3A_428] : memref<819200xi32, #tpu.memory_space<hbm>> -> memref<512xi32, #tpu.memory_space<hbm>>
    %dma_start3A_434 = tpu.memref_slice %arg3[%add3A_428] : memref<819200xi32, #tpu.memory_space<hbm>> -> memref<512xi32, #tpu.memory_space<hbm>>
    %dma_start3A_435 = arith.constant 0 : i32
    %dma_start3A_436 = tpu.memref_slice %arg4[%dma_start3A_429, %dma_start3A_435] : memref<50x512xi32, #tpu.memory_space<vmem>> -> memref<1x512xi32, #tpu.memory_space<vmem>>
    %dma_start3A_437 = tpu.memref_squeeze %dma_start3A_436 : memref<1x512xi32, #tpu.memory_space<vmem>> -> memref<512xi32, #tpu.memory_space<vmem>>
    tpu.enqueue_dma source(%dma_start3A_437 : memref<512xi32, #tpu.memory_space<vmem>>) target(%dma_start3A_434 : memref<512xi32, #tpu.memory_space<hbm>>) target_semaphore(%arg6 : memref<!tpu.dma_semaphore, #tpu.memory_space<semaphore_mem>>)
    %add3A_438 = arith.constant 638976 : i32
    %add3A_439 = arith.addi %add3A_438, %mul3A_2 : i32
    %dma_start3A_440 = arith.constant 39 : i32
    %dma_start3A_441 = arith.constant 0 : i32
    %dma_start3A_442 = tpu.memref_slice %arg4[%dma_start3A_440, %dma_start3A_441] : memref<50x512xi32, #tpu.memory_space<vmem>> -> memref<1x512xi32, #tpu.memory_space<vmem>>
    %dma_start3A_443 = tpu.memref_squeeze %dma_start3A_442 : memref<1x512xi32, #tpu.memory_space<vmem>> -> memref<512xi32, #tpu.memory_space<vmem>>
    %dma_start3A_444 = tpu.memref_slice %arg3[%add3A_439] : memref<819200xi32, #tpu.memory_space<hbm>> -> memref<512xi32, #tpu.memory_space<hbm>>
    %dma_start3A_445 = tpu.memref_slice %arg3[%add3A_439] : memref<819200xi32, #tpu.memory_space<hbm>> -> memref<512xi32, #tpu.memory_space<hbm>>
    %dma_start3A_446 = arith.constant 0 : i32
    %dma_start3A_447 = tpu.memref_slice %arg4[%dma_start3A_440, %dma_start3A_446] : memref<50x512xi32, #tpu.memory_space<vmem>> -> memref<1x512xi32, #tpu.memory_space<vmem>>
    %dma_start3A_448 = tpu.memref_squeeze %dma_start3A_447 : memref<1x512xi32, #tpu.memory_space<vmem>> -> memref<512xi32, #tpu.memory_space<vmem>>
    tpu.enqueue_dma source(%dma_start3A_448 : memref<512xi32, #tpu.memory_space<vmem>>) target(%dma_start3A_445 : memref<512xi32, #tpu.memory_space<hbm>>) target_semaphore(%arg6 : memref<!tpu.dma_semaphore, #tpu.memory_space<semaphore_mem>>)
    %add3A_449 = arith.constant 655360 : i32
    %add3A_450 = arith.addi %add3A_449, %mul3A_2 : i32
    %dma_start3A_451 = arith.constant 40 : i32
    %dma_start3A_452 = arith.constant 0 : i32
    %dma_start3A_453 = tpu.memref_slice %arg4[%dma_start3A_451, %dma_start3A_452] : memref<50x512xi32, #tpu.memory_space<vmem>> -> memref<1x512xi32, #tpu.memory_space<vmem>>
    %dma_start3A_454 = tpu.memref_squeeze %dma_start3A_453 : memref<1x512xi32, #tpu.memory_space<vmem>> -> memref<512xi32, #tpu.memory_space<vmem>>
    %dma_start3A_455 = tpu.memref_slice %arg3[%add3A_450] : memref<819200xi32, #tpu.memory_space<hbm>> -> memref<512xi32, #tpu.memory_space<hbm>>
    %dma_start3A_456 = tpu.memref_slice %arg3[%add3A_450] : memref<819200xi32, #tpu.memory_space<hbm>> -> memref<512xi32, #tpu.memory_space<hbm>>
    %dma_start3A_457 = arith.constant 0 : i32
    %dma_start3A_458 = tpu.memref_slice %arg4[%dma_start3A_451, %dma_start3A_457] : memref<50x512xi32, #tpu.memory_space<vmem>> -> memref<1x512xi32, #tpu.memory_space<vmem>>
    %dma_start3A_459 = tpu.memref_squeeze %dma_start3A_458 : memref<1x512xi32, #tpu.memory_space<vmem>> -> memref<512xi32, #tpu.memory_space<vmem>>
    tpu.enqueue_dma source(%dma_start3A_459 : memref<512xi32, #tpu.memory_space<vmem>>) target(%dma_start3A_456 : memref<512xi32, #tpu.memory_space<hbm>>) target_semaphore(%arg6 : memref<!tpu.dma_semaphore, #tpu.memory_space<semaphore_mem>>)
    %add3A_460 = arith.constant 671744 : i32
    %add3A_461 = arith.addi %add3A_460, %mul3A_2 : i32
    %dma_start3A_462 = arith.constant 41 : i32
    %dma_start3A_463 = arith.constant 0 : i32
    %dma_start3A_464 = tpu.memref_slice %arg4[%dma_start3A_462, %dma_start3A_463] : memref<50x512xi32, #tpu.memory_space<vmem>> -> memref<1x512xi32, #tpu.memory_space<vmem>>
    %dma_start3A_465 = tpu.memref_squeeze %dma_start3A_464 : memref<1x512xi32, #tpu.memory_space<vmem>> -> memref<512xi32, #tpu.memory_space<vmem>>
    %dma_start3A_466 = tpu.memref_slice %arg3[%add3A_461] : memref<819200xi32, #tpu.memory_space<hbm>> -> memref<512xi32, #tpu.memory_space<hbm>>
    %dma_start3A_467 = tpu.memref_slice %arg3[%add3A_461] : memref<819200xi32, #tpu.memory_space<hbm>> -> memref<512xi32, #tpu.memory_space<hbm>>
    %dma_start3A_468 = arith.constant 0 : i32
    %dma_start3A_469 = tpu.memref_slice %arg4[%dma_start3A_462, %dma_start3A_468] : memref<50x512xi32, #tpu.memory_space<vmem>> -> memref<1x512xi32, #tpu.memory_space<vmem>>
    %dma_start3A_470 = tpu.memref_squeeze %dma_start3A_469 : memref<1x512xi32, #tpu.memory_space<vmem>> -> memref<512xi32, #tpu.memory_space<vmem>>
    tpu.enqueue_dma source(%dma_start3A_470 : memref<512xi32, #tpu.memory_space<vmem>>) target(%dma_start3A_467 : memref<512xi32, #tpu.memory_space<hbm>>) target_semaphore(%arg6 : memref<!tpu.dma_semaphore, #tpu.memory_space<semaphore_mem>>)
    %add3A_471 = arith.constant 688128 : i32
    %add3A_472 = arith.addi %add3A_471, %mul3A_2 : i32
    %dma_start3A_473 = arith.constant 42 : i32
    %dma_start3A_474 = arith.constant 0 : i32
    %dma_start3A_475 = tpu.memref_slice %arg4[%dma_start3A_473, %dma_start3A_474] : memref<50x512xi32, #tpu.memory_space<vmem>> -> memref<1x512xi32, #tpu.memory_space<vmem>>
    %dma_start3A_476 = tpu.memref_squeeze %dma_start3A_475 : memref<1x512xi32, #tpu.memory_space<vmem>> -> memref<512xi32, #tpu.memory_space<vmem>>
    %dma_start3A_477 = tpu.memref_slice %arg3[%add3A_472] : memref<819200xi32, #tpu.memory_space<hbm>> -> memref<512xi32, #tpu.memory_space<hbm>>
    %dma_start3A_478 = tpu.memref_slice %arg3[%add3A_472] : memref<819200xi32, #tpu.memory_space<hbm>> -> memref<512xi32, #tpu.memory_space<hbm>>
    %dma_start3A_479 = arith.constant 0 : i32
    %dma_start3A_480 = tpu.memref_slice %arg4[%dma_start3A_473, %dma_start3A_479] : memref<50x512xi32, #tpu.memory_space<vmem>> -> memref<1x512xi32, #tpu.memory_space<vmem>>
    %dma_start3A_481 = tpu.memref_squeeze %dma_start3A_480 : memref<1x512xi32, #tpu.memory_space<vmem>> -> memref<512xi32, #tpu.memory_space<vmem>>
    tpu.enqueue_dma source(%dma_start3A_481 : memref<512xi32, #tpu.memory_space<vmem>>) target(%dma_start3A_478 : memref<512xi32, #tpu.memory_space<hbm>>) target_semaphore(%arg6 : memref<!tpu.dma_semaphore, #tpu.memory_space<semaphore_mem>>)
    %add3A_482 = arith.constant 704512 : i32
    %add3A_483 = arith.addi %add3A_482, %mul3A_2 : i32
    %dma_start3A_484 = arith.constant 43 : i32
    %dma_start3A_485 = arith.constant 0 : i32
    %dma_start3A_486 = tpu.memref_slice %arg4[%dma_start3A_484, %dma_start3A_485] : memref<50x512xi32, #tpu.memory_space<vmem>> -> memref<1x512xi32, #tpu.memory_space<vmem>>
    %dma_start3A_487 = tpu.memref_squeeze %dma_start3A_486 : memref<1x512xi32, #tpu.memory_space<vmem>> -> memref<512xi32, #tpu.memory_space<vmem>>
    %dma_start3A_488 = tpu.memref_slice %arg3[%add3A_483] : memref<819200xi32, #tpu.memory_space<hbm>> -> memref<512xi32, #tpu.memory_space<hbm>>
    %dma_start3A_489 = tpu.memref_slice %arg3[%add3A_483] : memref<819200xi32, #tpu.memory_space<hbm>> -> memref<512xi32, #tpu.memory_space<hbm>>
    %dma_start3A_490 = arith.constant 0 : i32
    %dma_start3A_491 = tpu.memref_slice %arg4[%dma_start3A_484, %dma_start3A_490] : memref<50x512xi32, #tpu.memory_space<vmem>> -> memref<1x512xi32, #tpu.memory_space<vmem>>
    %dma_start3A_492 = tpu.memref_squeeze %dma_start3A_491 : memref<1x512xi32, #tpu.memory_space<vmem>> -> memref<512xi32, #tpu.memory_space<vmem>>
    tpu.enqueue_dma source(%dma_start3A_492 : memref<512xi32, #tpu.memory_space<vmem>>) target(%dma_start3A_489 : memref<512xi32, #tpu.memory_space<hbm>>) target_semaphore(%arg6 : memref<!tpu.dma_semaphore, #tpu.memory_space<semaphore_mem>>)
    %add3A_493 = arith.constant 720896 : i32
    %add3A_494 = arith.addi %add3A_493, %mul3A_2 : i32
    %dma_start3A_495 = arith.constant 44 : i32
    %dma_start3A_496 = arith.constant 0 : i32
    %dma_start3A_497 = tpu.memref_slice %arg4[%dma_start3A_495, %dma_start3A_496] : memref<50x512xi32, #tpu.memory_space<vmem>> -> memref<1x512xi32, #tpu.memory_space<vmem>>
    %dma_start3A_498 = tpu.memref_squeeze %dma_start3A_497 : memref<1x512xi32, #tpu.memory_space<vmem>> -> memref<512xi32, #tpu.memory_space<vmem>>
    %dma_start3A_499 = tpu.memref_slice %arg3[%add3A_494] : memref<819200xi32, #tpu.memory_space<hbm>> -> memref<512xi32, #tpu.memory_space<hbm>>
    %dma_start3A_500 = tpu.memref_slice %arg3[%add3A_494] : memref<819200xi32, #tpu.memory_space<hbm>> -> memref<512xi32, #tpu.memory_space<hbm>>
    %dma_start3A_501 = arith.constant 0 : i32
    %dma_start3A_502 = tpu.memref_slice %arg4[%dma_start3A_495, %dma_start3A_501] : memref<50x512xi32, #tpu.memory_space<vmem>> -> memref<1x512xi32, #tpu.memory_space<vmem>>
    %dma_start3A_503 = tpu.memref_squeeze %dma_start3A_502 : memref<1x512xi32, #tpu.memory_space<vmem>> -> memref<512xi32, #tpu.memory_space<vmem>>
    tpu.enqueue_dma source(%dma_start3A_503 : memref<512xi32, #tpu.memory_space<vmem>>) target(%dma_start3A_500 : memref<512xi32, #tpu.memory_space<hbm>>) target_semaphore(%arg6 : memref<!tpu.dma_semaphore, #tpu.memory_space<semaphore_mem>>)
    %add3A_504 = arith.constant 737280 : i32
    %add3A_505 = arith.addi %add3A_504, %mul3A_2 : i32
    %dma_start3A_506 = arith.constant 45 : i32
    %dma_start3A_507 = arith.constant 0 : i32
    %dma_start3A_508 = tpu.memref_slice %arg4[%dma_start3A_506, %dma_start3A_507] : memref<50x512xi32, #tpu.memory_space<vmem>> -> memref<1x512xi32, #tpu.memory_space<vmem>>
    %dma_start3A_509 = tpu.memref_squeeze %dma_start3A_508 : memref<1x512xi32, #tpu.memory_space<vmem>> -> memref<512xi32, #tpu.memory_space<vmem>>
    %dma_start3A_510 = tpu.memref_slice %arg3[%add3A_505] : memref<819200xi32, #tpu.memory_space<hbm>> -> memref<512xi32, #tpu.memory_space<hbm>>
    %dma_start3A_511 = tpu.memref_slice %arg3[%add3A_505] : memref<819200xi32, #tpu.memory_space<hbm>> -> memref<512xi32, #tpu.memory_space<hbm>>
    %dma_start3A_512 = arith.constant 0 : i32
    %dma_start3A_513 = tpu.memref_slice %arg4[%dma_start3A_506, %dma_start3A_512] : memref<50x512xi32, #tpu.memory_space<vmem>> -> memref<1x512xi32, #tpu.memory_space<vmem>>
    %dma_start3A_514 = tpu.memref_squeeze %dma_start3A_513 : memref<1x512xi32, #tpu.memory_space<vmem>> -> memref<512xi32, #tpu.memory_space<vmem>>
    tpu.enqueue_dma source(%dma_start3A_514 : memref<512xi32, #tpu.memory_space<vmem>>) target(%dma_start3A_511 : memref<512xi32, #tpu.memory_space<hbm>>) target_semaphore(%arg6 : memref<!tpu.dma_semaphore, #tpu.memory_space<semaphore_mem>>)
    %add3A_515 = arith.constant 753664 : i32
    %add3A_516 = arith.addi %add3A_515, %mul3A_2 : i32
    %dma_start3A_517 = arith.constant 46 : i32
    %dma_start3A_518 = arith.constant 0 : i32
    %dma_start3A_519 = tpu.memref_slice %arg4[%dma_start3A_517, %dma_start3A_518] : memref<50x512xi32, #tpu.memory_space<vmem>> -> memref<1x512xi32, #tpu.memory_space<vmem>>
    %dma_start3A_520 = tpu.memref_squeeze %dma_start3A_519 : memref<1x512xi32, #tpu.memory_space<vmem>> -> memref<512xi32, #tpu.memory_space<vmem>>
    %dma_start3A_521 = tpu.memref_slice %arg3[%add3A_516] : memref<819200xi32, #tpu.memory_space<hbm>> -> memref<512xi32, #tpu.memory_space<hbm>>
    %dma_start3A_522 = tpu.memref_slice %arg3[%add3A_516] : memref<819200xi32, #tpu.memory_space<hbm>> -> memref<512xi32, #tpu.memory_space<hbm>>
    %dma_start3A_523 = arith.constant 0 : i32
    %dma_start3A_524 = tpu.memref_slice %arg4[%dma_start3A_517, %dma_start3A_523] : memref<50x512xi32, #tpu.memory_space<vmem>> -> memref<1x512xi32, #tpu.memory_space<vmem>>
    %dma_start3A_525 = tpu.memref_squeeze %dma_start3A_524 : memref<1x512xi32, #tpu.memory_space<vmem>> -> memref<512xi32, #tpu.memory_space<vmem>>
    tpu.enqueue_dma source(%dma_start3A_525 : memref<512xi32, #tpu.memory_space<vmem>>) target(%dma_start3A_522 : memref<512xi32, #tpu.memory_space<hbm>>) target_semaphore(%arg6 : memref<!tpu.dma_semaphore, #tpu.memory_space<semaphore_mem>>)
    %add3A_526 = arith.constant 770048 : i32
    %add3A_527 = arith.addi %add3A_526, %mul3A_2 : i32
    %dma_start3A_528 = arith.constant 47 : i32
    %dma_start3A_529 = arith.constant 0 : i32
    %dma_start3A_530 = tpu.memref_slice %arg4[%dma_start3A_528, %dma_start3A_529] : memref<50x512xi32, #tpu.memory_space<vmem>> -> memref<1x512xi32, #tpu.memory_space<vmem>>
    %dma_start3A_531 = tpu.memref_squeeze %dma_start3A_530 : memref<1x512xi32, #tpu.memory_space<vmem>> -> memref<512xi32, #tpu.memory_space<vmem>>
    %dma_start3A_532 = tpu.memref_slice %arg3[%add3A_527] : memref<819200xi32, #tpu.memory_space<hbm>> -> memref<512xi32, #tpu.memory_space<hbm>>
    %dma_start3A_533 = tpu.memref_slice %arg3[%add3A_527] : memref<819200xi32, #tpu.memory_space<hbm>> -> memref<512xi32, #tpu.memory_space<hbm>>
    %dma_start3A_534 = arith.constant 0 : i32
    %dma_start3A_535 = tpu.memref_slice %arg4[%dma_start3A_528, %dma_start3A_534] : memref<50x512xi32, #tpu.memory_space<vmem>> -> memref<1x512xi32, #tpu.memory_space<vmem>>
    %dma_start3A_536 = tpu.memref_squeeze %dma_start3A_535 : memref<1x512xi32, #tpu.memory_space<vmem>> -> memref<512xi32, #tpu.memory_space<vmem>>
    tpu.enqueue_dma source(%dma_start3A_536 : memref<512xi32, #tpu.memory_space<vmem>>) target(%dma_start3A_533 : memref<512xi32, #tpu.memory_space<hbm>>) target_semaphore(%arg6 : memref<!tpu.dma_semaphore, #tpu.memory_space<semaphore_mem>>)
    %add3A_537 = arith.constant 786432 : i32
    %add3A_538 = arith.addi %add3A_537, %mul3A_2 : i32
    %dma_start3A_539 = arith.constant 48 : i32
    %dma_start3A_540 = arith.constant 0 : i32
    %dma_start3A_541 = tpu.memref_slice %arg4[%dma_start3A_539, %dma_start3A_540] : memref<50x512xi32, #tpu.memory_space<vmem>> -> memref<1x512xi32, #tpu.memory_space<vmem>>
    %dma_start3A_542 = tpu.memref_squeeze %dma_start3A_541 : memref<1x512xi32, #tpu.memory_space<vmem>> -> memref<512xi32, #tpu.memory_space<vmem>>
    %dma_start3A_543 = tpu.memref_slice %arg3[%add3A_538] : memref<819200xi32, #tpu.memory_space<hbm>> -> memref<512xi32, #tpu.memory_space<hbm>>
    %dma_start3A_544 = tpu.memref_slice %arg3[%add3A_538] : memref<819200xi32, #tpu.memory_space<hbm>> -> memref<512xi32, #tpu.memory_space<hbm>>
    %dma_start3A_545 = arith.constant 0 : i32
    %dma_start3A_546 = tpu.memref_slice %arg4[%dma_start3A_539, %dma_start3A_545] : memref<50x512xi32, #tpu.memory_space<vmem>> -> memref<1x512xi32, #tpu.memory_space<vmem>>
    %dma_start3A_547 = tpu.memref_squeeze %dma_start3A_546 : memref<1x512xi32, #tpu.memory_space<vmem>> -> memref<512xi32, #tpu.memory_space<vmem>>
    tpu.enqueue_dma source(%dma_start3A_547 : memref<512xi32, #tpu.memory_space<vmem>>) target(%dma_start3A_544 : memref<512xi32, #tpu.memory_space<hbm>>) target_semaphore(%arg6 : memref<!tpu.dma_semaphore, #tpu.memory_space<semaphore_mem>>)
    %add3A_548 = arith.constant 802816 : i32
    %add3A_549 = arith.addi %add3A_548, %mul3A_2 : i32
    %dma_start3A_550 = arith.constant 49 : i32
    %dma_start3A_551 = arith.constant 0 : i32
    %dma_start3A_552 = tpu.memref_slice %arg4[%dma_start3A_550, %dma_start3A_551] : memref<50x512xi32, #tpu.memory_space<vmem>> -> memref<1x512xi32, #tpu.memory_space<vmem>>
    %dma_start3A_553 = tpu.memref_squeeze %dma_start3A_552 : memref<1x512xi32, #tpu.memory_space<vmem>> -> memref<512xi32, #tpu.memory_space<vmem>>
    %dma_start3A_554 = tpu.memref_slice %arg3[%add3A_549] : memref<819200xi32, #tpu.memory_space<hbm>> -> memref<512xi32, #tpu.memory_space<hbm>>
    %dma_start3A_555 = tpu.memref_slice %arg3[%add3A_549] : memref<819200xi32, #tpu.memory_space<hbm>> -> memref<512xi32, #tpu.memory_space<hbm>>
    %dma_start3A_556 = arith.constant 0 : i32
    %dma_start3A_557 = tpu.memref_slice %arg4[%dma_start3A_550, %dma_start3A_556] : memref<50x512xi32, #tpu.memory_space<vmem>> -> memref<1x512xi32, #tpu.memory_space<vmem>>
    %dma_start3A_558 = tpu.memref_squeeze %dma_start3A_557 : memref<1x512xi32, #tpu.memory_space<vmem>> -> memref<512xi32, #tpu.memory_space<vmem>>
    tpu.enqueue_dma source(%dma_start3A_558 : memref<512xi32, #tpu.memory_space<vmem>>) target(%dma_start3A_555 : memref<512xi32, #tpu.memory_space<hbm>>) target_semaphore(%arg6 : memref<!tpu.dma_semaphore, #tpu.memory_space<semaphore_mem>>)
    %dma_wait3A_559 = arith.constant 0 : i32
    %dma_wait3A_560 = arith.constant 0 : i32
    %dma_wait3A_561 = tpu.memref_slice %arg4[%dma_wait3A_559, %dma_wait3A_560] : memref<50x512xi32, #tpu.memory_space<vmem>> -> memref<1x512xi32, #tpu.memory_space<vmem>>
    %dma_wait3A_562 = tpu.memref_squeeze %dma_wait3A_561 : memref<1x512xi32, #tpu.memory_space<vmem>> -> memref<512xi32, #tpu.memory_space<vmem>>
    %dma_wait3A_563 = arith.constant 0 : i32
    %dma_wait3A_564 = tpu.memref_slice %arg3[%dma_wait3A_563] : memref<819200xi32, #tpu.memory_space<hbm>> -> memref<512xi32, #tpu.memory_space<hbm>>
    %dma_wait3A_565 = arith.constant 0 : i32
    %dma_wait3A_566 = tpu.memref_slice %arg3[%dma_wait3A_565] : memref<819200xi32, #tpu.memory_space<hbm>> -> memref<512xi32, #tpu.memory_space<hbm>>
    %dma_wait3A_567 = arith.constant 0 : i32
    %dma_wait3A_568 = tpu.memref_slice %arg4[%dma_wait3A_559, %dma_wait3A_567] : memref<50x512xi32, #tpu.memory_space<vmem>> -> memref<1x512xi32, #tpu.memory_space<vmem>>
    %dma_wait3A_569 = tpu.memref_squeeze %dma_wait3A_568 : memref<1x512xi32, #tpu.memory_space<vmem>> -> memref<512xi32, #tpu.memory_space<vmem>>
    tpu.wait_dma2 semaphore(%arg6 : memref<!tpu.dma_semaphore, #tpu.memory_space<semaphore_mem>>) src(%dma_wait3A_569 : memref<512xi32, #tpu.memory_space<vmem>>) dst(%dma_wait3A_566 : memref<512xi32, #tpu.memory_space<hbm>>)
    %dma_wait3A_570 = arith.constant 0 : i32
    %dma_wait3A_571 = arith.constant 0 : i32
    %dma_wait3A_572 = tpu.memref_slice %arg4[%dma_wait3A_570, %dma_wait3A_571] : memref<50x512xi32, #tpu.memory_space<vmem>> -> memref<1x512xi32, #tpu.memory_space<vmem>>
    %dma_wait3A_573 = tpu.memref_squeeze %dma_wait3A_572 : memref<1x512xi32, #tpu.memory_space<vmem>> -> memref<512xi32, #tpu.memory_space<vmem>>
    %dma_wait3A_574 = arith.constant 0 : i32
    %dma_wait3A_575 = tpu.memref_slice %arg3[%dma_wait3A_574] : memref<819200xi32, #tpu.memory_space<hbm>> -> memref<512xi32, #tpu.memory_space<hbm>>
    %dma_wait3A_576 = arith.constant 0 : i32
    %dma_wait3A_577 = tpu.memref_slice %arg3[%dma_wait3A_576] : memref<819200xi32, #tpu.memory_space<hbm>> -> memref<512xi32, #tpu.memory_space<hbm>>
    %dma_wait3A_578 = arith.constant 0 : i32
    %dma_wait3A_579 = tpu.memref_slice %arg4[%dma_wait3A_570, %dma_wait3A_578] : memref<50x512xi32, #tpu.memory_space<vmem>> -> memref<1x512xi32, #tpu.memory_space<vmem>>
    %dma_wait3A_580 = tpu.memref_squeeze %dma_wait3A_579 : memref<1x512xi32, #tpu.memory_space<vmem>> -> memref<512xi32, #tpu.memory_space<vmem>>
    tpu.wait_dma2 semaphore(%arg6 : memref<!tpu.dma_semaphore, #tpu.memory_space<semaphore_mem>>) src(%dma_wait3A_580 : memref<512xi32, #tpu.memory_space<vmem>>) dst(%dma_wait3A_577 : memref<512xi32, #tpu.memory_space<hbm>>)
    %dma_wait3A_581 = arith.constant 0 : i32
    %dma_wait3A_582 = arith.constant 0 : i32
    %dma_wait3A_583 = tpu.memref_slice %arg4[%dma_wait3A_581, %dma_wait3A_582] : memref<50x512xi32, #tpu.memory_space<vmem>> -> memref<1x512xi32, #tpu.memory_space<vmem>>
    %dma_wait3A_584 = tpu.memref_squeeze %dma_wait3A_583 : memref<1x512xi32, #tpu.memory_space<vmem>> -> memref<512xi32, #tpu.memory_space<vmem>>
    %dma_wait3A_585 = arith.constant 0 : i32
    %dma_wait3A_586 = tpu.memref_slice %arg3[%dma_wait3A_585] : memref<819200xi32, #tpu.memory_space<hbm>> -> memref<512xi32, #tpu.memory_space<hbm>>
    %dma_wait3A_587 = arith.constant 0 : i32
    %dma_wait3A_588 = tpu.memref_slice %arg3[%dma_wait3A_587] : memref<819200xi32, #tpu.memory_space<hbm>> -> memref<512xi32, #tpu.memory_space<hbm>>
    %dma_wait3A_589 = arith.constant 0 : i32
    %dma_wait3A_590 = tpu.memref_slice %arg4[%dma_wait3A_581, %dma_wait3A_589] : memref<50x512xi32, #tpu.memory_space<vmem>> -> memref<1x512xi32, #tpu.memory_space<vmem>>
    %dma_wait3A_591 = tpu.memref_squeeze %dma_wait3A_590 : memref<1x512xi32, #tpu.memory_space<vmem>> -> memref<512xi32, #tpu.memory_space<vmem>>
    tpu.wait_dma2 semaphore(%arg6 : memref<!tpu.dma_semaphore, #tpu.memory_space<semaphore_mem>>) src(%dma_wait3A_591 : memref<512xi32, #tpu.memory_space<vmem>>) dst(%dma_wait3A_588 : memref<512xi32, #tpu.memory_space<hbm>>)
    %dma_wait3A_592 = arith.constant 0 : i32
    %dma_wait3A_593 = arith.constant 0 : i32
    %dma_wait3A_594 = tpu.memref_slice %arg4[%dma_wait3A_592, %dma_wait3A_593] : memref<50x512xi32, #tpu.memory_space<vmem>> -> memref<1x512xi32, #tpu.memory_space<vmem>>
    %dma_wait3A_595 = tpu.memref_squeeze %dma_wait3A_594 : memref<1x512xi32, #tpu.memory_space<vmem>> -> memref<512xi32, #tpu.memory_space<vmem>>
    %dma_wait3A_596 = arith.constant 0 : i32
    %dma_wait3A_597 = tpu.memref_slice %arg3[%dma_wait3A_596] : memref<819200xi32, #tpu.memory_space<hbm>> -> memref<512xi32, #tpu.memory_space<hbm>>
    %dma_wait3A_598 = arith.constant 0 : i32
    %dma_wait3A_599 = tpu.memref_slice %arg3[%dma_wait3A_598] : memref<819200xi32, #tpu.memory_space<hbm>> -> memref<512xi32, #tpu.memory_space<hbm>>
    %dma_wait3A_600 = arith.constant 0 : i32
    %dma_wait3A_601 = tpu.memref_slice %arg4[%dma_wait3A_592, %dma_wait3A_600] : memref<50x512xi32, #tpu.memory_space<vmem>> -> memref<1x512xi32, #tpu.memory_space<vmem>>
    %dma_wait3A_602 = tpu.memref_squeeze %dma_wait3A_601 : memref<1x512xi32, #tpu.memory_space<vmem>> -> memref<512xi32, #tpu.memory_space<vmem>>
    tpu.wait_dma2 semaphore(%arg6 : memref<!tpu.dma_semaphore, #tpu.memory_space<semaphore_mem>>) src(%dma_wait3A_602 : memref<512xi32, #tpu.memory_space<vmem>>) dst(%dma_wait3A_599 : memref<512xi32, #tpu.memory_space<hbm>>)
    %dma_wait3A_603 = arith.constant 0 : i32
    %dma_wait3A_604 = arith.constant 0 : i32
    %dma_wait3A_605 = tpu.memref_slice %arg4[%dma_wait3A_603, %dma_wait3A_604] : memref<50x512xi32, #tpu.memory_space<vmem>> -> memref<1x512xi32, #tpu.memory_space<vmem>>
    %dma_wait3A_606 = tpu.memref_squeeze %dma_wait3A_605 : memref<1x512xi32, #tpu.memory_space<vmem>> -> memref<512xi32, #tpu.memory_space<vmem>>
    %dma_wait3A_607 = arith.constant 0 : i32
    %dma_wait3A_608 = tpu.memref_slice %arg3[%dma_wait3A_607] : memref<819200xi32, #tpu.memory_space<hbm>> -> memref<512xi32, #tpu.memory_space<hbm>>
    %dma_wait3A_609 = arith.constant 0 : i32
    %dma_wait3A_610 = tpu.memref_slice %arg3[%dma_wait3A_609] : memref<819200xi32, #tpu.memory_space<hbm>> -> memref<512xi32, #tpu.memory_space<hbm>>
    %dma_wait3A_611 = arith.constant 0 : i32
    %dma_wait3A_612 = tpu.memref_slice %arg4[%dma_wait3A_603, %dma_wait3A_611] : memref<50x512xi32, #tpu.memory_space<vmem>> -> memref<1x512xi32, #tpu.memory_space<vmem>>
    %dma_wait3A_613 = tpu.memref_squeeze %dma_wait3A_612 : memref<1x512xi32, #tpu.memory_space<vmem>> -> memref<512xi32, #tpu.memory_space<vmem>>
    tpu.wait_dma2 semaphore(%arg6 : memref<!tpu.dma_semaphore, #tpu.memory_space<semaphore_mem>>) src(%dma_wait3A_613 : memref<512xi32, #tpu.memory_space<vmem>>) dst(%dma_wait3A_610 : memref<512xi32, #tpu.memory_space<hbm>>)
    %dma_wait3A_614 = arith.constant 0 : i32
    %dma_wait3A_615 = arith.constant 0 : i32
    %dma_wait3A_616 = tpu.memref_slice %arg4[%dma_wait3A_614, %dma_wait3A_615] : memref<50x512xi32, #tpu.memory_space<vmem>> -> memref<1x512xi32, #tpu.memory_space<vmem>>
    %dma_wait3A_617 = tpu.memref_squeeze %dma_wait3A_616 : memref<1x512xi32, #tpu.memory_space<vmem>> -> memref<512xi32, #tpu.memory_space<vmem>>
    %dma_wait3A_618 = arith.constant 0 : i32
    %dma_wait3A_619 = tpu.memref_slice %arg3[%dma_wait3A_618] : memref<819200xi32, #tpu.memory_space<hbm>> -> memref<512xi32, #tpu.memory_space<hbm>>
    %dma_wait3A_620 = arith.constant 0 : i32
    %dma_wait3A_621 = tpu.memref_slice %arg3[%dma_wait3A_620] : memref<819200xi32, #tpu.memory_space<hbm>> -> memref<512xi32, #tpu.memory_space<hbm>>
    %dma_wait3A_622 = arith.constant 0 : i32
    %dma_wait3A_623 = tpu.memref_slice %arg4[%dma_wait3A_614, %dma_wait3A_622] : memref<50x512xi32, #tpu.memory_space<vmem>> -> memref<1x512xi32, #tpu.memory_space<vmem>>
    %dma_wait3A_624 = tpu.memref_squeeze %dma_wait3A_623 : memref<1x512xi32, #tpu.memory_space<vmem>> -> memref<512xi32, #tpu.memory_space<vmem>>
    tpu.wait_dma2 semaphore(%arg6 : memref<!tpu.dma_semaphore, #tpu.memory_space<semaphore_mem>>) src(%dma_wait3A_624 : memref<512xi32, #tpu.memory_space<vmem>>) dst(%dma_wait3A_621 : memref<512xi32, #tpu.memory_space<hbm>>)
    %dma_wait3A_625 = arith.constant 0 : i32
    %dma_wait3A_626 = arith.constant 0 : i32
    %dma_wait3A_627 = tpu.memref_slice %arg4[%dma_wait3A_625, %dma_wait3A_626] : memref<50x512xi32, #tpu.memory_space<vmem>> -> memref<1x512xi32, #tpu.memory_space<vmem>>
    %dma_wait3A_628 = tpu.memref_squeeze %dma_wait3A_627 : memref<1x512xi32, #tpu.memory_space<vmem>> -> memref<512xi32, #tpu.memory_space<vmem>>
    %dma_wait3A_629 = arith.constant 0 : i32
    %dma_wait3A_630 = tpu.memref_slice %arg3[%dma_wait3A_629] : memref<819200xi32, #tpu.memory_space<hbm>> -> memref<512xi32, #tpu.memory_space<hbm>>
    %dma_wait3A_631 = arith.constant 0 : i32
    %dma_wait3A_632 = tpu.memref_slice %arg3[%dma_wait3A_631] : memref<819200xi32, #tpu.memory_space<hbm>> -> memref<512xi32, #tpu.memory_space<hbm>>
    %dma_wait3A_633 = arith.constant 0 : i32
    %dma_wait3A_634 = tpu.memref_slice %arg4[%dma_wait3A_625, %dma_wait3A_633] : memref<50x512xi32, #tpu.memory_space<vmem>> -> memref<1x512xi32, #tpu.memory_space<vmem>>
    %dma_wait3A_635 = tpu.memref_squeeze %dma_wait3A_634 : memref<1x512xi32, #tpu.memory_space<vmem>> -> memref<512xi32, #tpu.memory_space<vmem>>
    tpu.wait_dma2 semaphore(%arg6 : memref<!tpu.dma_semaphore, #tpu.memory_space<semaphore_mem>>) src(%dma_wait3A_635 : memref<512xi32, #tpu.memory_space<vmem>>) dst(%dma_wait3A_632 : memref<512xi32, #tpu.memory_space<hbm>>)
    %dma_wait3A_636 = arith.constant 0 : i32
    %dma_wait3A_637 = arith.constant 0 : i32
    %dma_wait3A_638 = tpu.memref_slice %arg4[%dma_wait3A_636, %dma_wait3A_637] : memref<50x512xi32, #tpu.memory_space<vmem>> -> memref<1x512xi32, #tpu.memory_space<vmem>>
    %dma_wait3A_639 = tpu.memref_squeeze %dma_wait3A_638 : memref<1x512xi32, #tpu.memory_space<vmem>> -> memref<512xi32, #tpu.memory_space<vmem>>
    %dma_wait3A_640 = arith.constant 0 : i32
    %dma_wait3A_641 = tpu.memref_slice %arg3[%dma_wait3A_640] : memref<819200xi32, #tpu.memory_space<hbm>> -> memref<512xi32, #tpu.memory_space<hbm>>
    %dma_wait3A_642 = arith.constant 0 : i32
    %dma_wait3A_643 = tpu.memref_slice %arg3[%dma_wait3A_642] : memref<819200xi32, #tpu.memory_space<hbm>> -> memref<512xi32, #tpu.memory_space<hbm>>
    %dma_wait3A_644 = arith.constant 0 : i32
    %dma_wait3A_645 = tpu.memref_slice %arg4[%dma_wait3A_636, %dma_wait3A_644] : memref<50x512xi32, #tpu.memory_space<vmem>> -> memref<1x512xi32, #tpu.memory_space<vmem>>
    %dma_wait3A_646 = tpu.memref_squeeze %dma_wait3A_645 : memref<1x512xi32, #tpu.memory_space<vmem>> -> memref<512xi32, #tpu.memory_space<vmem>>
    tpu.wait_dma2 semaphore(%arg6 : memref<!tpu.dma_semaphore, #tpu.memory_space<semaphore_mem>>) src(%dma_wait3A_646 : memref<512xi32, #tpu.memory_space<vmem>>) dst(%dma_wait3A_643 : memref<512xi32, #tpu.memory_space<hbm>>)
    %dma_wait3A_647 = arith.constant 0 : i32
    %dma_wait3A_648 = arith.constant 0 : i32
    %dma_wait3A_649 = tpu.memref_slice %arg4[%dma_wait3A_647, %dma_wait3A_648] : memref<50x512xi32, #tpu.memory_space<vmem>> -> memref<1x512xi32, #tpu.memory_space<vmem>>
    %dma_wait3A_650 = tpu.memref_squeeze %dma_wait3A_649 : memref<1x512xi32, #tpu.memory_space<vmem>> -> memref<512xi32, #tpu.memory_space<vmem>>
    %dma_wait3A_651 = arith.constant 0 : i32
    %dma_wait3A_652 = tpu.memref_slice %arg3[%dma_wait3A_651] : memref<819200xi32, #tpu.memory_space<hbm>> -> memref<512xi32, #tpu.memory_space<hbm>>
    %dma_wait3A_653 = arith.constant 0 : i32
    %dma_wait3A_654 = tpu.memref_slice %arg3[%dma_wait3A_653] : memref<819200xi32, #tpu.memory_space<hbm>> -> memref<512xi32, #tpu.memory_space<hbm>>
    %dma_wait3A_655 = arith.constant 0 : i32
    %dma_wait3A_656 = tpu.memref_slice %arg4[%dma_wait3A_647, %dma_wait3A_655] : memref<50x512xi32, #tpu.memory_space<vmem>> -> memref<1x512xi32, #tpu.memory_space<vmem>>
    %dma_wait3A_657 = tpu.memref_squeeze %dma_wait3A_656 : memref<1x512xi32, #tpu.memory_space<vmem>> -> memref<512xi32, #tpu.memory_space<vmem>>
    tpu.wait_dma2 semaphore(%arg6 : memref<!tpu.dma_semaphore, #tpu.memory_space<semaphore_mem>>) src(%dma_wait3A_657 : memref<512xi32, #tpu.memory_space<vmem>>) dst(%dma_wait3A_654 : memref<512xi32, #tpu.memory_space<hbm>>)
    %dma_wait3A_658 = arith.constant 0 : i32
    %dma_wait3A_659 = arith.constant 0 : i32
    %dma_wait3A_660 = tpu.memref_slice %arg4[%dma_wait3A_658, %dma_wait3A_659] : memref<50x512xi32, #tpu.memory_space<vmem>> -> memref<1x512xi32, #tpu.memory_space<vmem>>
    %dma_wait3A_661 = tpu.memref_squeeze %dma_wait3A_660 : memref<1x512xi32, #tpu.memory_space<vmem>> -> memref<512xi32, #tpu.memory_space<vmem>>
    %dma_wait3A_662 = arith.constant 0 : i32
    %dma_wait3A_663 = tpu.memref_slice %arg3[%dma_wait3A_662] : memref<819200xi32, #tpu.memory_space<hbm>> -> memref<512xi32, #tpu.memory_space<hbm>>
    %dma_wait3A_664 = arith.constant 0 : i32
    %dma_wait3A_665 = tpu.memref_slice %arg3[%dma_wait3A_664] : memref<819200xi32, #tpu.memory_space<hbm>> -> memref<512xi32, #tpu.memory_space<hbm>>
    %dma_wait3A_666 = arith.constant 0 : i32
    %dma_wait3A_667 = tpu.memref_slice %arg4[%dma_wait3A_658, %dma_wait3A_666] : memref<50x512xi32, #tpu.memory_space<vmem>> -> memref<1x512xi32, #tpu.memory_space<vmem>>
    %dma_wait3A_668 = tpu.memref_squeeze %dma_wait3A_667 : memref<1x512xi32, #tpu.memory_space<vmem>> -> memref<512xi32, #tpu.memory_space<vmem>>
    tpu.wait_dma2 semaphore(%arg6 : memref<!tpu.dma_semaphore, #tpu.memory_space<semaphore_mem>>) src(%dma_wait3A_668 : memref<512xi32, #tpu.memory_space<vmem>>) dst(%dma_wait3A_665 : memref<512xi32, #tpu.memory_space<hbm>>)
    %dma_wait3A_669 = arith.constant 0 : i32
    %dma_wait3A_670 = arith.constant 0 : i32
    %dma_wait3A_671 = tpu.memref_slice %arg4[%dma_wait3A_669, %dma_wait3A_670] : memref<50x512xi32, #tpu.memory_space<vmem>> -> memref<1x512xi32, #tpu.memory_space<vmem>>
    %dma_wait3A_672 = tpu.memref_squeeze %dma_wait3A_671 : memref<1x512xi32, #tpu.memory_space<vmem>> -> memref<512xi32, #tpu.memory_space<vmem>>
    %dma_wait3A_673 = arith.constant 0 : i32
    %dma_wait3A_674 = tpu.memref_slice %arg3[%dma_wait3A_673] : memref<819200xi32, #tpu.memory_space<hbm>> -> memref<512xi32, #tpu.memory_space<hbm>>
    %dma_wait3A_675 = arith.constant 0 : i32
    %dma_wait3A_676 = tpu.memref_slice %arg3[%dma_wait3A_675] : memref<819200xi32, #tpu.memory_space<hbm>> -> memref<512xi32, #tpu.memory_space<hbm>>
    %dma_wait3A_677 = arith.constant 0 : i32
    %dma_wait3A_678 = tpu.memref_slice %arg4[%dma_wait3A_669, %dma_wait3A_677] : memref<50x512xi32, #tpu.memory_space<vmem>> -> memref<1x512xi32, #tpu.memory_space<vmem>>
    %dma_wait3A_679 = tpu.memref_squeeze %dma_wait3A_678 : memref<1x512xi32, #tpu.memory_space<vmem>> -> memref<512xi32, #tpu.memory_space<vmem>>
    tpu.wait_dma2 semaphore(%arg6 : memref<!tpu.dma_semaphore, #tpu.memory_space<semaphore_mem>>) src(%dma_wait3A_679 : memref<512xi32, #tpu.memory_space<vmem>>) dst(%dma_wait3A_676 : memref<512xi32, #tpu.memory_space<hbm>>)
    %dma_wait3A_680 = arith.constant 0 : i32
    %dma_wait3A_681 = arith.constant 0 : i32
    %dma_wait3A_682 = tpu.memref_slice %arg4[%dma_wait3A_680, %dma_wait3A_681] : memref<50x512xi32, #tpu.memory_space<vmem>> -> memref<1x512xi32, #tpu.memory_space<vmem>>
    %dma_wait3A_683 = tpu.memref_squeeze %dma_wait3A_682 : memref<1x512xi32, #tpu.memory_space<vmem>> -> memref<512xi32, #tpu.memory_space<vmem>>
    %dma_wait3A_684 = arith.constant 0 : i32
    %dma_wait3A_685 = tpu.memref_slice %arg3[%dma_wait3A_684] : memref<819200xi32, #tpu.memory_space<hbm>> -> memref<512xi32, #tpu.memory_space<hbm>>
    %dma_wait3A_686 = arith.constant 0 : i32
    %dma_wait3A_687 = tpu.memref_slice %arg3[%dma_wait3A_686] : memref<819200xi32, #tpu.memory_space<hbm>> -> memref<512xi32, #tpu.memory_space<hbm>>
    %dma_wait3A_688 = arith.constant 0 : i32
    %dma_wait3A_689 = tpu.memref_slice %arg4[%dma_wait3A_680, %dma_wait3A_688] : memref<50x512xi32, #tpu.memory_space<vmem>> -> memref<1x512xi32, #tpu.memory_space<vmem>>
    %dma_wait3A_690 = tpu.memref_squeeze %dma_wait3A_689 : memref<1x512xi32, #tpu.memory_space<vmem>> -> memref<512xi32, #tpu.memory_space<vmem>>
    tpu.wait_dma2 semaphore(%arg6 : memref<!tpu.dma_semaphore, #tpu.memory_space<semaphore_mem>>) src(%dma_wait3A_690 : memref<512xi32, #tpu.memory_space<vmem>>) dst(%dma_wait3A_687 : memref<512xi32, #tpu.memory_space<hbm>>)
    %dma_wait3A_691 = arith.constant 0 : i32
    %dma_wait3A_692 = arith.constant 0 : i32
    %dma_wait3A_693 = tpu.memref_slice %arg4[%dma_wait3A_691, %dma_wait3A_692] : memref<50x512xi32, #tpu.memory_space<vmem>> -> memref<1x512xi32, #tpu.memory_space<vmem>>
    %dma_wait3A_694 = tpu.memref_squeeze %dma_wait3A_693 : memref<1x512xi32, #tpu.memory_space<vmem>> -> memref<512xi32, #tpu.memory_space<vmem>>
    %dma_wait3A_695 = arith.constant 0 : i32
    %dma_wait3A_696 = tpu.memref_slice %arg3[%dma_wait3A_695] : memref<819200xi32, #tpu.memory_space<hbm>> -> memref<512xi32, #tpu.memory_space<hbm>>
    %dma_wait3A_697 = arith.constant 0 : i32
    %dma_wait3A_698 = tpu.memref_slice %arg3[%dma_wait3A_697] : memref<819200xi32, #tpu.memory_space<hbm>> -> memref<512xi32, #tpu.memory_space<hbm>>
    %dma_wait3A_699 = arith.constant 0 : i32
    %dma_wait3A_700 = tpu.memref_slice %arg4[%dma_wait3A_691, %dma_wait3A_699] : memref<50x512xi32, #tpu.memory_space<vmem>> -> memref<1x512xi32, #tpu.memory_space<vmem>>
    %dma_wait3A_701 = tpu.memref_squeeze %dma_wait3A_700 : memref<1x512xi32, #tpu.memory_space<vmem>> -> memref<512xi32, #tpu.memory_space<vmem>>
    tpu.wait_dma2 semaphore(%arg6 : memref<!tpu.dma_semaphore, #tpu.memory_space<semaphore_mem>>) src(%dma_wait3A_701 : memref<512xi32, #tpu.memory_space<vmem>>) dst(%dma_wait3A_698 : memref<512xi32, #tpu.memory_space<hbm>>)
    %dma_wait3A_702 = arith.constant 0 : i32
    %dma_wait3A_703 = arith.constant 0 : i32
    %dma_wait3A_704 = tpu.memref_slice %arg4[%dma_wait3A_702, %dma_wait3A_703] : memref<50x512xi32, #tpu.memory_space<vmem>> -> memref<1x512xi32, #tpu.memory_space<vmem>>
    %dma_wait3A_705 = tpu.memref_squeeze %dma_wait3A_704 : memref<1x512xi32, #tpu.memory_space<vmem>> -> memref<512xi32, #tpu.memory_space<vmem>>
    %dma_wait3A_706 = arith.constant 0 : i32
    %dma_wait3A_707 = tpu.memref_slice %arg3[%dma_wait3A_706] : memref<819200xi32, #tpu.memory_space<hbm>> -> memref<512xi32, #tpu.memory_space<hbm>>
    %dma_wait3A_708 = arith.constant 0 : i32
    %dma_wait3A_709 = tpu.memref_slice %arg3[%dma_wait3A_708] : memref<819200xi32, #tpu.memory_space<hbm>> -> memref<512xi32, #tpu.memory_space<hbm>>
    %dma_wait3A_710 = arith.constant 0 : i32
    %dma_wait3A_711 = tpu.memref_slice %arg4[%dma_wait3A_702, %dma_wait3A_710] : memref<50x512xi32, #tpu.memory_space<vmem>> -> memref<1x512xi32, #tpu.memory_space<vmem>>
    %dma_wait3A_712 = tpu.memref_squeeze %dma_wait3A_711 : memref<1x512xi32, #tpu.memory_space<vmem>> -> memref<512xi32, #tpu.memory_space<vmem>>
    tpu.wait_dma2 semaphore(%arg6 : memref<!tpu.dma_semaphore, #tpu.memory_space<semaphore_mem>>) src(%dma_wait3A_712 : memref<512xi32, #tpu.memory_space<vmem>>) dst(%dma_wait3A_709 : memref<512xi32, #tpu.memory_space<hbm>>)
    %dma_wait3A_713 = arith.constant 0 : i32
    %dma_wait3A_714 = arith.constant 0 : i32
    %dma_wait3A_715 = tpu.memref_slice %arg4[%dma_wait3A_713, %dma_wait3A_714] : memref<50x512xi32, #tpu.memory_space<vmem>> -> memref<1x512xi32, #tpu.memory_space<vmem>>
    %dma_wait3A_716 = tpu.memref_squeeze %dma_wait3A_715 : memref<1x512xi32, #tpu.memory_space<vmem>> -> memref<512xi32, #tpu.memory_space<vmem>>
    %dma_wait3A_717 = arith.constant 0 : i32
    %dma_wait3A_718 = tpu.memref_slice %arg3[%dma_wait3A_717] : memref<819200xi32, #tpu.memory_space<hbm>> -> memref<512xi32, #tpu.memory_space<hbm>>
    %dma_wait3A_719 = arith.constant 0 : i32
    %dma_wait3A_720 = tpu.memref_slice %arg3[%dma_wait3A_719] : memref<819200xi32, #tpu.memory_space<hbm>> -> memref<512xi32, #tpu.memory_space<hbm>>
    %dma_wait3A_721 = arith.constant 0 : i32
    %dma_wait3A_722 = tpu.memref_slice %arg4[%dma_wait3A_713, %dma_wait3A_721] : memref<50x512xi32, #tpu.memory_space<vmem>> -> memref<1x512xi32, #tpu.memory_space<vmem>>
    %dma_wait3A_723 = tpu.memref_squeeze %dma_wait3A_722 : memref<1x512xi32, #tpu.memory_space<vmem>> -> memref<512xi32, #tpu.memory_space<vmem>>
    tpu.wait_dma2 semaphore(%arg6 : memref<!tpu.dma_semaphore, #tpu.memory_space<semaphore_mem>>) src(%dma_wait3A_723 : memref<512xi32, #tpu.memory_space<vmem>>) dst(%dma_wait3A_720 : memref<512xi32, #tpu.memory_space<hbm>>)
    %dma_wait3A_724 = arith.constant 0 : i32
    %dma_wait3A_725 = arith.constant 0 : i32
    %dma_wait3A_726 = tpu.memref_slice %arg4[%dma_wait3A_724, %dma_wait3A_725] : memref<50x512xi32, #tpu.memory_space<vmem>> -> memref<1x512xi32, #tpu.memory_space<vmem>>
    %dma_wait3A_727 = tpu.memref_squeeze %dma_wait3A_726 : memref<1x512xi32, #tpu.memory_space<vmem>> -> memref<512xi32, #tpu.memory_space<vmem>>
    %dma_wait3A_728 = arith.constant 0 : i32
    %dma_wait3A_729 = tpu.memref_slice %arg3[%dma_wait3A_728] : memref<819200xi32, #tpu.memory_space<hbm>> -> memref<512xi32, #tpu.memory_space<hbm>>
    %dma_wait3A_730 = arith.constant 0 : i32
    %dma_wait3A_731 = tpu.memref_slice %arg3[%dma_wait3A_730] : memref<819200xi32, #tpu.memory_space<hbm>> -> memref<512xi32, #tpu.memory_space<hbm>>
    %dma_wait3A_732 = arith.constant 0 : i32
    %dma_wait3A_733 = tpu.memref_slice %arg4[%dma_wait3A_724, %dma_wait3A_732] : memref<50x512xi32, #tpu.memory_space<vmem>> -> memref<1x512xi32, #tpu.memory_space<vmem>>
    %dma_wait3A_734 = tpu.memref_squeeze %dma_wait3A_733 : memref<1x512xi32, #tpu.memory_space<vmem>> -> memref<512xi32, #tpu.memory_space<vmem>>
    tpu.wait_dma2 semaphore(%arg6 : memref<!tpu.dma_semaphore, #tpu.memory_space<semaphore_mem>>) src(%dma_wait3A_734 : memref<512xi32, #tpu.memory_space<vmem>>) dst(%dma_wait3A_731 : memref<512xi32, #tpu.memory_space<hbm>>)
    %dma_wait3A_735 = arith.constant 0 : i32
    %dma_wait3A_736 = arith.constant 0 : i32
    %dma_wait3A_737 = tpu.memref_slice %arg4[%dma_wait3A_735, %dma_wait3A_736] : memref<50x512xi32, #tpu.memory_space<vmem>> -> memref<1x512xi32, #tpu.memory_space<vmem>>
    %dma_wait3A_738 = tpu.memref_squeeze %dma_wait3A_737 : memref<1x512xi32, #tpu.memory_space<vmem>> -> memref<512xi32, #tpu.memory_space<vmem>>
    %dma_wait3A_739 = arith.constant 0 : i32
    %dma_wait3A_740 = tpu.memref_slice %arg3[%dma_wait3A_739] : memref<819200xi32, #tpu.memory_space<hbm>> -> memref<512xi32, #tpu.memory_space<hbm>>
    %dma_wait3A_741 = arith.constant 0 : i32
    %dma_wait3A_742 = tpu.memref_slice %arg3[%dma_wait3A_741] : memref<819200xi32, #tpu.memory_space<hbm>> -> memref<512xi32, #tpu.memory_space<hbm>>
    %dma_wait3A_743 = arith.constant 0 : i32
    %dma_wait3A_744 = tpu.memref_slice %arg4[%dma_wait3A_735, %dma_wait3A_743] : memref<50x512xi32, #tpu.memory_space<vmem>> -> memref<1x512xi32, #tpu.memory_space<vmem>>
    %dma_wait3A_745 = tpu.memref_squeeze %dma_wait3A_744 : memref<1x512xi32, #tpu.memory_space<vmem>> -> memref<512xi32, #tpu.memory_space<vmem>>
    tpu.wait_dma2 semaphore(%arg6 : memref<!tpu.dma_semaphore, #tpu.memory_space<semaphore_mem>>) src(%dma_wait3A_745 : memref<512xi32, #tpu.memory_space<vmem>>) dst(%dma_wait3A_742 : memref<512xi32, #tpu.memory_space<hbm>>)
    %dma_wait3A_746 = arith.constant 0 : i32
    %dma_wait3A_747 = arith.constant 0 : i32
    %dma_wait3A_748 = tpu.memref_slice %arg4[%dma_wait3A_746, %dma_wait3A_747] : memref<50x512xi32, #tpu.memory_space<vmem>> -> memref<1x512xi32, #tpu.memory_space<vmem>>
    %dma_wait3A_749 = tpu.memref_squeeze %dma_wait3A_748 : memref<1x512xi32, #tpu.memory_space<vmem>> -> memref<512xi32, #tpu.memory_space<vmem>>
    %dma_wait3A_750 = arith.constant 0 : i32
    %dma_wait3A_751 = tpu.memref_slice %arg3[%dma_wait3A_750] : memref<819200xi32, #tpu.memory_space<hbm>> -> memref<512xi32, #tpu.memory_space<hbm>>
    %dma_wait3A_752 = arith.constant 0 : i32
    %dma_wait3A_753 = tpu.memref_slice %arg3[%dma_wait3A_752] : memref<819200xi32, #tpu.memory_space<hbm>> -> memref<512xi32, #tpu.memory_space<hbm>>
    %dma_wait3A_754 = arith.constant 0 : i32
    %dma_wait3A_755 = tpu.memref_slice %arg4[%dma_wait3A_746, %dma_wait3A_754] : memref<50x512xi32, #tpu.memory_space<vmem>> -> memref<1x512xi32, #tpu.memory_space<vmem>>
    %dma_wait3A_756 = tpu.memref_squeeze %dma_wait3A_755 : memref<1x512xi32, #tpu.memory_space<vmem>> -> memref<512xi32, #tpu.memory_space<vmem>>
    tpu.wait_dma2 semaphore(%arg6 : memref<!tpu.dma_semaphore, #tpu.memory_space<semaphore_mem>>) src(%dma_wait3A_756 : memref<512xi32, #tpu.memory_space<vmem>>) dst(%dma_wait3A_753 : memref<512xi32, #tpu.memory_space<hbm>>)
    %dma_wait3A_757 = arith.constant 0 : i32
    %dma_wait3A_758 = arith.constant 0 : i32
    %dma_wait3A_759 = tpu.memref_slice %arg4[%dma_wait3A_757, %dma_wait3A_758] : memref<50x512xi32, #tpu.memory_space<vmem>> -> memref<1x512xi32, #tpu.memory_space<vmem>>
    %dma_wait3A_760 = tpu.memref_squeeze %dma_wait3A_759 : memref<1x512xi32, #tpu.memory_space<vmem>> -> memref<512xi32, #tpu.memory_space<vmem>>
    %dma_wait3A_761 = arith.constant 0 : i32
    %dma_wait3A_762 = tpu.memref_slice %arg3[%dma_wait3A_761] : memref<819200xi32, #tpu.memory_space<hbm>> -> memref<512xi32, #tpu.memory_space<hbm>>
    %dma_wait3A_763 = arith.constant 0 : i32
    %dma_wait3A_764 = tpu.memref_slice %arg3[%dma_wait3A_763] : memref<819200xi32, #tpu.memory_space<hbm>> -> memref<512xi32, #tpu.memory_space<hbm>>
    %dma_wait3A_765 = arith.constant 0 : i32
    %dma_wait3A_766 = tpu.memref_slice %arg4[%dma_wait3A_757, %dma_wait3A_765] : memref<50x512xi32, #tpu.memory_space<vmem>> -> memref<1x512xi32, #tpu.memory_space<vmem>>
    %dma_wait3A_767 = tpu.memref_squeeze %dma_wait3A_766 : memref<1x512xi32, #tpu.memory_space<vmem>> -> memref<512xi32, #tpu.memory_space<vmem>>
    tpu.wait_dma2 semaphore(%arg6 : memref<!tpu.dma_semaphore, #tpu.memory_space<semaphore_mem>>) src(%dma_wait3A_767 : memref<512xi32, #tpu.memory_space<vmem>>) dst(%dma_wait3A_764 : memref<512xi32, #tpu.memory_space<hbm>>)
    %dma_wait3A_768 = arith.constant 0 : i32
    %dma_wait3A_769 = arith.constant 0 : i32
    %dma_wait3A_770 = tpu.memref_slice %arg4[%dma_wait3A_768, %dma_wait3A_769] : memref<50x512xi32, #tpu.memory_space<vmem>> -> memref<1x512xi32, #tpu.memory_space<vmem>>
    %dma_wait3A_771 = tpu.memref_squeeze %dma_wait3A_770 : memref<1x512xi32, #tpu.memory_space<vmem>> -> memref<512xi32, #tpu.memory_space<vmem>>
    %dma_wait3A_772 = arith.constant 0 : i32
    %dma_wait3A_773 = tpu.memref_slice %arg3[%dma_wait3A_772] : memref<819200xi32, #tpu.memory_space<hbm>> -> memref<512xi32, #tpu.memory_space<hbm>>
    %dma_wait3A_774 = arith.constant 0 : i32
    %dma_wait3A_775 = tpu.memref_slice %arg3[%dma_wait3A_774] : memref<819200xi32, #tpu.memory_space<hbm>> -> memref<512xi32, #tpu.memory_space<hbm>>
    %dma_wait3A_776 = arith.constant 0 : i32
    %dma_wait3A_777 = tpu.memref_slice %arg4[%dma_wait3A_768, %dma_wait3A_776] : memref<50x512xi32, #tpu.memory_space<vmem>> -> memref<1x512xi32, #tpu.memory_space<vmem>>
    %dma_wait3A_778 = tpu.memref_squeeze %dma_wait3A_777 : memref<1x512xi32, #tpu.memory_space<vmem>> -> memref<512xi32, #tpu.memory_space<vmem>>
    tpu.wait_dma2 semaphore(%arg6 : memref<!tpu.dma_semaphore, #tpu.memory_space<semaphore_mem>>) src(%dma_wait3A_778 : memref<512xi32, #tpu.memory_space<vmem>>) dst(%dma_wait3A_775 : memref<512xi32, #tpu.memory_space<hbm>>)
    %dma_wait3A_779 = arith.constant 0 : i32
    %dma_wait3A_780 = arith.constant 0 : i32
    %dma_wait3A_781 = tpu.memref_slice %arg4[%dma_wait3A_779, %dma_wait3A_780] : memref<50x512xi32, #tpu.memory_space<vmem>> -> memref<1x512xi32, #tpu.memory_space<vmem>>
    %dma_wait3A_782 = tpu.memref_squeeze %dma_wait3A_781 : memref<1x512xi32, #tpu.memory_space<vmem>> -> memref<512xi32, #tpu.memory_space<vmem>>
    %dma_wait3A_783 = arith.constant 0 : i32
    %dma_wait3A_784 = tpu.memref_slice %arg3[%dma_wait3A_783] : memref<819200xi32, #tpu.memory_space<hbm>> -> memref<512xi32, #tpu.memory_space<hbm>>
    %dma_wait3A_785 = arith.constant 0 : i32
    %dma_wait3A_786 = tpu.memref_slice %arg3[%dma_wait3A_785] : memref<819200xi32, #tpu.memory_space<hbm>> -> memref<512xi32, #tpu.memory_space<hbm>>
    %dma_wait3A_787 = arith.constant 0 : i32
    %dma_wait3A_788 = tpu.memref_slice %arg4[%dma_wait3A_779, %dma_wait3A_787] : memref<50x512xi32, #tpu.memory_space<vmem>> -> memref<1x512xi32, #tpu.memory_space<vmem>>
    %dma_wait3A_789 = tpu.memref_squeeze %dma_wait3A_788 : memref<1x512xi32, #tpu.memory_space<vmem>> -> memref<512xi32, #tpu.memory_space<vmem>>
    tpu.wait_dma2 semaphore(%arg6 : memref<!tpu.dma_semaphore, #tpu.memory_space<semaphore_mem>>) src(%dma_wait3A_789 : memref<512xi32, #tpu.memory_space<vmem>>) dst(%dma_wait3A_786 : memref<512xi32, #tpu.memory_space<hbm>>)
    %dma_wait3A_790 = arith.constant 0 : i32
    %dma_wait3A_791 = arith.constant 0 : i32
    %dma_wait3A_792 = tpu.memref_slice %arg4[%dma_wait3A_790, %dma_wait3A_791] : memref<50x512xi32, #tpu.memory_space<vmem>> -> memref<1x512xi32, #tpu.memory_space<vmem>>
    %dma_wait3A_793 = tpu.memref_squeeze %dma_wait3A_792 : memref<1x512xi32, #tpu.memory_space<vmem>> -> memref<512xi32, #tpu.memory_space<vmem>>
    %dma_wait3A_794 = arith.constant 0 : i32
    %dma_wait3A_795 = tpu.memref_slice %arg3[%dma_wait3A_794] : memref<819200xi32, #tpu.memory_space<hbm>> -> memref<512xi32, #tpu.memory_space<hbm>>
    %dma_wait3A_796 = arith.constant 0 : i32
    %dma_wait3A_797 = tpu.memref_slice %arg3[%dma_wait3A_796] : memref<819200xi32, #tpu.memory_space<hbm>> -> memref<512xi32, #tpu.memory_space<hbm>>
    %dma_wait3A_798 = arith.constant 0 : i32
    %dma_wait3A_799 = tpu.memref_slice %arg4[%dma_wait3A_790, %dma_wait3A_798] : memref<50x512xi32, #tpu.memory_space<vmem>> -> memref<1x512xi32, #tpu.memory_space<vmem>>
    %dma_wait3A_800 = tpu.memref_squeeze %dma_wait3A_799 : memref<1x512xi32, #tpu.memory_space<vmem>> -> memref<512xi32, #tpu.memory_space<vmem>>
    tpu.wait_dma2 semaphore(%arg6 : memref<!tpu.dma_semaphore, #tpu.memory_space<semaphore_mem>>) src(%dma_wait3A_800 : memref<512xi32, #tpu.memory_space<vmem>>) dst(%dma_wait3A_797 : memref<512xi32, #tpu.memory_space<hbm>>)
    %dma_wait3A_801 = arith.constant 0 : i32
    %dma_wait3A_802 = arith.constant 0 : i32
    %dma_wait3A_803 = tpu.memref_slice %arg4[%dma_wait3A_801, %dma_wait3A_802] : memref<50x512xi32, #tpu.memory_space<vmem>> -> memref<1x512xi32, #tpu.memory_space<vmem>>
    %dma_wait3A_804 = tpu.memref_squeeze %dma_wait3A_803 : memref<1x512xi32, #tpu.memory_space<vmem>> -> memref<512xi32, #tpu.memory_space<vmem>>
    %dma_wait3A_805 = arith.constant 0 : i32
    %dma_wait3A_806 = tpu.memref_slice %arg3[%dma_wait3A_805] : memref<819200xi32, #tpu.memory_space<hbm>> -> memref<512xi32, #tpu.memory_space<hbm>>
    %dma_wait3A_807 = arith.constant 0 : i32
    %dma_wait3A_808 = tpu.memref_slice %arg3[%dma_wait3A_807] : memref<819200xi32, #tpu.memory_space<hbm>> -> memref<512xi32, #tpu.memory_space<hbm>>
    %dma_wait3A_809 = arith.constant 0 : i32
    %dma_wait3A_810 = tpu.memref_slice %arg4[%dma_wait3A_801, %dma_wait3A_809] : memref<50x512xi32, #tpu.memory_space<vmem>> -> memref<1x512xi32, #tpu.memory_space<vmem>>
    %dma_wait3A_811 = tpu.memref_squeeze %dma_wait3A_810 : memref<1x512xi32, #tpu.memory_space<vmem>> -> memref<512xi32, #tpu.memory_space<vmem>>
    tpu.wait_dma2 semaphore(%arg6 : memref<!tpu.dma_semaphore, #tpu.memory_space<semaphore_mem>>) src(%dma_wait3A_811 : memref<512xi32, #tpu.memory_space<vmem>>) dst(%dma_wait3A_808 : memref<512xi32, #tpu.memory_space<hbm>>)
    %dma_wait3A_812 = arith.constant 0 : i32
    %dma_wait3A_813 = arith.constant 0 : i32
    %dma_wait3A_814 = tpu.memref_slice %arg4[%dma_wait3A_812, %dma_wait3A_813] : memref<50x512xi32, #tpu.memory_space<vmem>> -> memref<1x512xi32, #tpu.memory_space<vmem>>
    %dma_wait3A_815 = tpu.memref_squeeze %dma_wait3A_814 : memref<1x512xi32, #tpu.memory_space<vmem>> -> memref<512xi32, #tpu.memory_space<vmem>>
    %dma_wait3A_816 = arith.constant 0 : i32
    %dma_wait3A_817 = tpu.memref_slice %arg3[%dma_wait3A_816] : memref<819200xi32, #tpu.memory_space<hbm>> -> memref<512xi32, #tpu.memory_space<hbm>>
    %dma_wait3A_818 = arith.constant 0 : i32
    %dma_wait3A_819 = tpu.memref_slice %arg3[%dma_wait3A_818] : memref<819200xi32, #tpu.memory_space<hbm>> -> memref<512xi32, #tpu.memory_space<hbm>>
    %dma_wait3A_820 = arith.constant 0 : i32
    %dma_wait3A_821 = tpu.memref_slice %arg4[%dma_wait3A_812, %dma_wait3A_820] : memref<50x512xi32, #tpu.memory_space<vmem>> -> memref<1x512xi32, #tpu.memory_space<vmem>>
    %dma_wait3A_822 = tpu.memref_squeeze %dma_wait3A_821 : memref<1x512xi32, #tpu.memory_space<vmem>> -> memref<512xi32, #tpu.memory_space<vmem>>
    tpu.wait_dma2 semaphore(%arg6 : memref<!tpu.dma_semaphore, #tpu.memory_space<semaphore_mem>>) src(%dma_wait3A_822 : memref<512xi32, #tpu.memory_space<vmem>>) dst(%dma_wait3A_819 : memref<512xi32, #tpu.memory_space<hbm>>)
    %dma_wait3A_823 = arith.constant 0 : i32
    %dma_wait3A_824 = arith.constant 0 : i32
    %dma_wait3A_825 = tpu.memref_slice %arg4[%dma_wait3A_823, %dma_wait3A_824] : memref<50x512xi32, #tpu.memory_space<vmem>> -> memref<1x512xi32, #tpu.memory_space<vmem>>
    %dma_wait3A_826 = tpu.memref_squeeze %dma_wait3A_825 : memref<1x512xi32, #tpu.memory_space<vmem>> -> memref<512xi32, #tpu.memory_space<vmem>>
    %dma_wait3A_827 = arith.constant 0 : i32
    %dma_wait3A_828 = tpu.memref_slice %arg3[%dma_wait3A_827] : memref<819200xi32, #tpu.memory_space<hbm>> -> memref<512xi32, #tpu.memory_space<hbm>>
    %dma_wait3A_829 = arith.constant 0 : i32
    %dma_wait3A_830 = tpu.memref_slice %arg3[%dma_wait3A_829] : memref<819200xi32, #tpu.memory_space<hbm>> -> memref<512xi32, #tpu.memory_space<hbm>>
    %dma_wait3A_831 = arith.constant 0 : i32
    %dma_wait3A_832 = tpu.memref_slice %arg4[%dma_wait3A_823, %dma_wait3A_831] : memref<50x512xi32, #tpu.memory_space<vmem>> -> memref<1x512xi32, #tpu.memory_space<vmem>>
    %dma_wait3A_833 = tpu.memref_squeeze %dma_wait3A_832 : memref<1x512xi32, #tpu.memory_space<vmem>> -> memref<512xi32, #tpu.memory_space<vmem>>
    tpu.wait_dma2 semaphore(%arg6 : memref<!tpu.dma_semaphore, #tpu.memory_space<semaphore_mem>>) src(%dma_wait3A_833 : memref<512xi32, #tpu.memory_space<vmem>>) dst(%dma_wait3A_830 : memref<512xi32, #tpu.memory_space<hbm>>)
    %dma_wait3A_834 = arith.constant 0 : i32
    %dma_wait3A_835 = arith.constant 0 : i32
    %dma_wait3A_836 = tpu.memref_slice %arg4[%dma_wait3A_834, %dma_wait3A_835] : memref<50x512xi32, #tpu.memory_space<vmem>> -> memref<1x512xi32, #tpu.memory_space<vmem>>
    %dma_wait3A_837 = tpu.memref_squeeze %dma_wait3A_836 : memref<1x512xi32, #tpu.memory_space<vmem>> -> memref<512xi32, #tpu.memory_space<vmem>>
    %dma_wait3A_838 = arith.constant 0 : i32
    %dma_wait3A_839 = tpu.memref_slice %arg3[%dma_wait3A_838] : memref<819200xi32, #tpu.memory_space<hbm>> -> memref<512xi32, #tpu.memory_space<hbm>>
    %dma_wait3A_840 = arith.constant 0 : i32
    %dma_wait3A_841 = tpu.memref_slice %arg3[%dma_wait3A_840] : memref<819200xi32, #tpu.memory_space<hbm>> -> memref<512xi32, #tpu.memory_space<hbm>>
    %dma_wait3A_842 = arith.constant 0 : i32
    %dma_wait3A_843 = tpu.memref_slice %arg4[%dma_wait3A_834, %dma_wait3A_842] : memref<50x512xi32, #tpu.memory_space<vmem>> -> memref<1x512xi32, #tpu.memory_space<vmem>>
    %dma_wait3A_844 = tpu.memref_squeeze %dma_wait3A_843 : memref<1x512xi32, #tpu.memory_space<vmem>> -> memref<512xi32, #tpu.memory_space<vmem>>
    tpu.wait_dma2 semaphore(%arg6 : memref<!tpu.dma_semaphore, #tpu.memory_space<semaphore_mem>>) src(%dma_wait3A_844 : memref<512xi32, #tpu.memory_space<vmem>>) dst(%dma_wait3A_841 : memref<512xi32, #tpu.memory_space<hbm>>)
    %dma_wait3A_845 = arith.constant 0 : i32
    %dma_wait3A_846 = arith.constant 0 : i32
    %dma_wait3A_847 = tpu.memref_slice %arg4[%dma_wait3A_845, %dma_wait3A_846] : memref<50x512xi32, #tpu.memory_space<vmem>> -> memref<1x512xi32, #tpu.memory_space<vmem>>
    %dma_wait3A_848 = tpu.memref_squeeze %dma_wait3A_847 : memref<1x512xi32, #tpu.memory_space<vmem>> -> memref<512xi32, #tpu.memory_space<vmem>>
    %dma_wait3A_849 = arith.constant 0 : i32
    %dma_wait3A_850 = tpu.memref_slice %arg3[%dma_wait3A_849] : memref<819200xi32, #tpu.memory_space<hbm>> -> memref<512xi32, #tpu.memory_space<hbm>>
    %dma_wait3A_851 = arith.constant 0 : i32
    %dma_wait3A_852 = tpu.memref_slice %arg3[%dma_wait3A_851] : memref<819200xi32, #tpu.memory_space<hbm>> -> memref<512xi32, #tpu.memory_space<hbm>>
    %dma_wait3A_853 = arith.constant 0 : i32
    %dma_wait3A_854 = tpu.memref_slice %arg4[%dma_wait3A_845, %dma_wait3A_853] : memref<50x512xi32, #tpu.memory_space<vmem>> -> memref<1x512xi32, #tpu.memory_space<vmem>>
    %dma_wait3A_855 = tpu.memref_squeeze %dma_wait3A_854 : memref<1x512xi32, #tpu.memory_space<vmem>> -> memref<512xi32, #tpu.memory_space<vmem>>
    tpu.wait_dma2 semaphore(%arg6 : memref<!tpu.dma_semaphore, #tpu.memory_space<semaphore_mem>>) src(%dma_wait3A_855 : memref<512xi32, #tpu.memory_space<vmem>>) dst(%dma_wait3A_852 : memref<512xi32, #tpu.memory_space<hbm>>)
    %dma_wait3A_856 = arith.constant 0 : i32
    %dma_wait3A_857 = arith.constant 0 : i32
    %dma_wait3A_858 = tpu.memref_slice %arg4[%dma_wait3A_856, %dma_wait3A_857] : memref<50x512xi32, #tpu.memory_space<vmem>> -> memref<1x512xi32, #tpu.memory_space<vmem>>
    %dma_wait3A_859 = tpu.memref_squeeze %dma_wait3A_858 : memref<1x512xi32, #tpu.memory_space<vmem>> -> memref<512xi32, #tpu.memory_space<vmem>>
    %dma_wait3A_860 = arith.constant 0 : i32
    %dma_wait3A_861 = tpu.memref_slice %arg3[%dma_wait3A_860] : memref<819200xi32, #tpu.memory_space<hbm>> -> memref<512xi32, #tpu.memory_space<hbm>>
    %dma_wait3A_862 = arith.constant 0 : i32
    %dma_wait3A_863 = tpu.memref_slice %arg3[%dma_wait3A_862] : memref<819200xi32, #tpu.memory_space<hbm>> -> memref<512xi32, #tpu.memory_space<hbm>>
    %dma_wait3A_864 = arith.constant 0 : i32
    %dma_wait3A_865 = tpu.memref_slice %arg4[%dma_wait3A_856, %dma_wait3A_864] : memref<50x512xi32, #tpu.memory_space<vmem>> -> memref<1x512xi32, #tpu.memory_space<vmem>>
    %dma_wait3A_866 = tpu.memref_squeeze %dma_wait3A_865 : memref<1x512xi32, #tpu.memory_space<vmem>> -> memref<512xi32, #tpu.memory_space<vmem>>
    tpu.wait_dma2 semaphore(%arg6 : memref<!tpu.dma_semaphore, #tpu.memory_space<semaphore_mem>>) src(%dma_wait3A_866 : memref<512xi32, #tpu.memory_space<vmem>>) dst(%dma_wait3A_863 : memref<512xi32, #tpu.memory_space<hbm>>)
    %dma_wait3A_867 = arith.constant 0 : i32
    %dma_wait3A_868 = arith.constant 0 : i32
    %dma_wait3A_869 = tpu.memref_slice %arg4[%dma_wait3A_867, %dma_wait3A_868] : memref<50x512xi32, #tpu.memory_space<vmem>> -> memref<1x512xi32, #tpu.memory_space<vmem>>
    %dma_wait3A_870 = tpu.memref_squeeze %dma_wait3A_869 : memref<1x512xi32, #tpu.memory_space<vmem>> -> memref<512xi32, #tpu.memory_space<vmem>>
    %dma_wait3A_871 = arith.constant 0 : i32
    %dma_wait3A_872 = tpu.memref_slice %arg3[%dma_wait3A_871] : memref<819200xi32, #tpu.memory_space<hbm>> -> memref<512xi32, #tpu.memory_space<hbm>>
    %dma_wait3A_873 = arith.constant 0 : i32
    %dma_wait3A_874 = tpu.memref_slice %arg3[%dma_wait3A_873] : memref<819200xi32, #tpu.memory_space<hbm>> -> memref<512xi32, #tpu.memory_space<hbm>>
    %dma_wait3A_875 = arith.constant 0 : i32
    %dma_wait3A_876 = tpu.memref_slice %arg4[%dma_wait3A_867, %dma_wait3A_875] : memref<50x512xi32, #tpu.memory_space<vmem>> -> memref<1x512xi32, #tpu.memory_space<vmem>>
    %dma_wait3A_877 = tpu.memref_squeeze %dma_wait3A_876 : memref<1x512xi32, #tpu.memory_space<vmem>> -> memref<512xi32, #tpu.memory_space<vmem>>
    tpu.wait_dma2 semaphore(%arg6 : memref<!tpu.dma_semaphore, #tpu.memory_space<semaphore_mem>>) src(%dma_wait3A_877 : memref<512xi32, #tpu.memory_space<vmem>>) dst(%dma_wait3A_874 : memref<512xi32, #tpu.memory_space<hbm>>)
    %dma_wait3A_878 = arith.constant 0 : i32
    %dma_wait3A_879 = arith.constant 0 : i32
    %dma_wait3A_880 = tpu.memref_slice %arg4[%dma_wait3A_878, %dma_wait3A_879] : memref<50x512xi32, #tpu.memory_space<vmem>> -> memref<1x512xi32, #tpu.memory_space<vmem>>
    %dma_wait3A_881 = tpu.memref_squeeze %dma_wait3A_880 : memref<1x512xi32, #tpu.memory_space<vmem>> -> memref<512xi32, #tpu.memory_space<vmem>>
    %dma_wait3A_882 = arith.constant 0 : i32
    %dma_wait3A_883 = tpu.memref_slice %arg3[%dma_wait3A_882] : memref<819200xi32, #tpu.memory_space<hbm>> -> memref<512xi32, #tpu.memory_space<hbm>>
    %dma_wait3A_884 = arith.constant 0 : i32
    %dma_wait3A_885 = tpu.memref_slice %arg3[%dma_wait3A_884] : memref<819200xi32, #tpu.memory_space<hbm>> -> memref<512xi32, #tpu.memory_space<hbm>>
    %dma_wait3A_886 = arith.constant 0 : i32
    %dma_wait3A_887 = tpu.memref_slice %arg4[%dma_wait3A_878, %dma_wait3A_886] : memref<50x512xi32, #tpu.memory_space<vmem>> -> memref<1x512xi32, #tpu.memory_space<vmem>>
    %dma_wait3A_888 = tpu.memref_squeeze %dma_wait3A_887 : memref<1x512xi32, #tpu.memory_space<vmem>> -> memref<512xi32, #tpu.memory_space<vmem>>
    tpu.wait_dma2 semaphore(%arg6 : memref<!tpu.dma_semaphore, #tpu.memory_space<semaphore_mem>>) src(%dma_wait3A_888 : memref<512xi32, #tpu.memory_space<vmem>>) dst(%dma_wait3A_885 : memref<512xi32, #tpu.memory_space<hbm>>)
    %dma_wait3A_889 = arith.constant 0 : i32
    %dma_wait3A_890 = arith.constant 0 : i32
    %dma_wait3A_891 = tpu.memref_slice %arg4[%dma_wait3A_889, %dma_wait3A_890] : memref<50x512xi32, #tpu.memory_space<vmem>> -> memref<1x512xi32, #tpu.memory_space<vmem>>
    %dma_wait3A_892 = tpu.memref_squeeze %dma_wait3A_891 : memref<1x512xi32, #tpu.memory_space<vmem>> -> memref<512xi32, #tpu.memory_space<vmem>>
    %dma_wait3A_893 = arith.constant 0 : i32
    %dma_wait3A_894 = tpu.memref_slice %arg3[%dma_wait3A_893] : memref<819200xi32, #tpu.memory_space<hbm>> -> memref<512xi32, #tpu.memory_space<hbm>>
    %dma_wait3A_895 = arith.constant 0 : i32
    %dma_wait3A_896 = tpu.memref_slice %arg3[%dma_wait3A_895] : memref<819200xi32, #tpu.memory_space<hbm>> -> memref<512xi32, #tpu.memory_space<hbm>>
    %dma_wait3A_897 = arith.constant 0 : i32
    %dma_wait3A_898 = tpu.memref_slice %arg4[%dma_wait3A_889, %dma_wait3A_897] : memref<50x512xi32, #tpu.memory_space<vmem>> -> memref<1x512xi32, #tpu.memory_space<vmem>>
    %dma_wait3A_899 = tpu.memref_squeeze %dma_wait3A_898 : memref<1x512xi32, #tpu.memory_space<vmem>> -> memref<512xi32, #tpu.memory_space<vmem>>
    tpu.wait_dma2 semaphore(%arg6 : memref<!tpu.dma_semaphore, #tpu.memory_space<semaphore_mem>>) src(%dma_wait3A_899 : memref<512xi32, #tpu.memory_space<vmem>>) dst(%dma_wait3A_896 : memref<512xi32, #tpu.memory_space<hbm>>)
    %dma_wait3A_900 = arith.constant 0 : i32
    %dma_wait3A_901 = arith.constant 0 : i32
    %dma_wait3A_902 = tpu.memref_slice %arg4[%dma_wait3A_900, %dma_wait3A_901] : memref<50x512xi32, #tpu.memory_space<vmem>> -> memref<1x512xi32, #tpu.memory_space<vmem>>
    %dma_wait3A_903 = tpu.memref_squeeze %dma_wait3A_902 : memref<1x512xi32, #tpu.memory_space<vmem>> -> memref<512xi32, #tpu.memory_space<vmem>>
    %dma_wait3A_904 = arith.constant 0 : i32
    %dma_wait3A_905 = tpu.memref_slice %arg3[%dma_wait3A_904] : memref<819200xi32, #tpu.memory_space<hbm>> -> memref<512xi32, #tpu.memory_space<hbm>>
    %dma_wait3A_906 = arith.constant 0 : i32
    %dma_wait3A_907 = tpu.memref_slice %arg3[%dma_wait3A_906] : memref<819200xi32, #tpu.memory_space<hbm>> -> memref<512xi32, #tpu.memory_space<hbm>>
    %dma_wait3A_908 = arith.constant 0 : i32
    %dma_wait3A_909 = tpu.memref_slice %arg4[%dma_wait3A_900, %dma_wait3A_908] : memref<50x512xi32, #tpu.memory_space<vmem>> -> memref<1x512xi32, #tpu.memory_space<vmem>>
    %dma_wait3A_910 = tpu.memref_squeeze %dma_wait3A_909 : memref<1x512xi32, #tpu.memory_space<vmem>> -> memref<512xi32, #tpu.memory_space<vmem>>
    tpu.wait_dma2 semaphore(%arg6 : memref<!tpu.dma_semaphore, #tpu.memory_space<semaphore_mem>>) src(%dma_wait3A_910 : memref<512xi32, #tpu.memory_space<vmem>>) dst(%dma_wait3A_907 : memref<512xi32, #tpu.memory_space<hbm>>)
    %dma_wait3A_911 = arith.constant 0 : i32
    %dma_wait3A_912 = arith.constant 0 : i32
    %dma_wait3A_913 = tpu.memref_slice %arg4[%dma_wait3A_911, %dma_wait3A_912] : memref<50x512xi32, #tpu.memory_space<vmem>> -> memref<1x512xi32, #tpu.memory_space<vmem>>
    %dma_wait3A_914 = tpu.memref_squeeze %dma_wait3A_913 : memref<1x512xi32, #tpu.memory_space<vmem>> -> memref<512xi32, #tpu.memory_space<vmem>>
    %dma_wait3A_915 = arith.constant 0 : i32
    %dma_wait3A_916 = tpu.memref_slice %arg3[%dma_wait3A_915] : memref<819200xi32, #tpu.memory_space<hbm>> -> memref<512xi32, #tpu.memory_space<hbm>>
    %dma_wait3A_917 = arith.constant 0 : i32
    %dma_wait3A_918 = tpu.memref_slice %arg3[%dma_wait3A_917] : memref<819200xi32, #tpu.memory_space<hbm>> -> memref<512xi32, #tpu.memory_space<hbm>>
    %dma_wait3A_919 = arith.constant 0 : i32
    %dma_wait3A_920 = tpu.memref_slice %arg4[%dma_wait3A_911, %dma_wait3A_919] : memref<50x512xi32, #tpu.memory_space<vmem>> -> memref<1x512xi32, #tpu.memory_space<vmem>>
    %dma_wait3A_921 = tpu.memref_squeeze %dma_wait3A_920 : memref<1x512xi32, #tpu.memory_space<vmem>> -> memref<512xi32, #tpu.memory_space<vmem>>
    tpu.wait_dma2 semaphore(%arg6 : memref<!tpu.dma_semaphore, #tpu.memory_space<semaphore_mem>>) src(%dma_wait3A_921 : memref<512xi32, #tpu.memory_space<vmem>>) dst(%dma_wait3A_918 : memref<512xi32, #tpu.memory_space<hbm>>)
    %dma_wait3A_922 = arith.constant 0 : i32
    %dma_wait3A_923 = arith.constant 0 : i32
    %dma_wait3A_924 = tpu.memref_slice %arg4[%dma_wait3A_922, %dma_wait3A_923] : memref<50x512xi32, #tpu.memory_space<vmem>> -> memref<1x512xi32, #tpu.memory_space<vmem>>
    %dma_wait3A_925 = tpu.memref_squeeze %dma_wait3A_924 : memref<1x512xi32, #tpu.memory_space<vmem>> -> memref<512xi32, #tpu.memory_space<vmem>>
    %dma_wait3A_926 = arith.constant 0 : i32
    %dma_wait3A_927 = tpu.memref_slice %arg3[%dma_wait3A_926] : memref<819200xi32, #tpu.memory_space<hbm>> -> memref<512xi32, #tpu.memory_space<hbm>>
    %dma_wait3A_928 = arith.constant 0 : i32
    %dma_wait3A_929 = tpu.memref_slice %arg3[%dma_wait3A_928] : memref<819200xi32, #tpu.memory_space<hbm>> -> memref<512xi32, #tpu.memory_space<hbm>>
    %dma_wait3A_930 = arith.constant 0 : i32
    %dma_wait3A_931 = tpu.memref_slice %arg4[%dma_wait3A_922, %dma_wait3A_930] : memref<50x512xi32, #tpu.memory_space<vmem>> -> memref<1x512xi32, #tpu.memory_space<vmem>>
    %dma_wait3A_932 = tpu.memref_squeeze %dma_wait3A_931 : memref<1x512xi32, #tpu.memory_space<vmem>> -> memref<512xi32, #tpu.memory_space<vmem>>
    tpu.wait_dma2 semaphore(%arg6 : memref<!tpu.dma_semaphore, #tpu.memory_space<semaphore_mem>>) src(%dma_wait3A_932 : memref<512xi32, #tpu.memory_space<vmem>>) dst(%dma_wait3A_929 : memref<512xi32, #tpu.memory_space<hbm>>)
    %dma_wait3A_933 = arith.constant 0 : i32
    %dma_wait3A_934 = arith.constant 0 : i32
    %dma_wait3A_935 = tpu.memref_slice %arg4[%dma_wait3A_933, %dma_wait3A_934] : memref<50x512xi32, #tpu.memory_space<vmem>> -> memref<1x512xi32, #tpu.memory_space<vmem>>
    %dma_wait3A_936 = tpu.memref_squeeze %dma_wait3A_935 : memref<1x512xi32, #tpu.memory_space<vmem>> -> memref<512xi32, #tpu.memory_space<vmem>>
    %dma_wait3A_937 = arith.constant 0 : i32
    %dma_wait3A_938 = tpu.memref_slice %arg3[%dma_wait3A_937] : memref<819200xi32, #tpu.memory_space<hbm>> -> memref<512xi32, #tpu.memory_space<hbm>>
    %dma_wait3A_939 = arith.constant 0 : i32
    %dma_wait3A_940 = tpu.memref_slice %arg3[%dma_wait3A_939] : memref<819200xi32, #tpu.memory_space<hbm>> -> memref<512xi32, #tpu.memory_space<hbm>>
    %dma_wait3A_941 = arith.constant 0 : i32
    %dma_wait3A_942 = tpu.memref_slice %arg4[%dma_wait3A_933, %dma_wait3A_941] : memref<50x512xi32, #tpu.memory_space<vmem>> -> memref<1x512xi32, #tpu.memory_space<vmem>>
    %dma_wait3A_943 = tpu.memref_squeeze %dma_wait3A_942 : memref<1x512xi32, #tpu.memory_space<vmem>> -> memref<512xi32, #tpu.memory_space<vmem>>
    tpu.wait_dma2 semaphore(%arg6 : memref<!tpu.dma_semaphore, #tpu.memory_space<semaphore_mem>>) src(%dma_wait3A_943 : memref<512xi32, #tpu.memory_space<vmem>>) dst(%dma_wait3A_940 : memref<512xi32, #tpu.memory_space<hbm>>)
    %dma_wait3A_944 = arith.constant 0 : i32
    %dma_wait3A_945 = arith.constant 0 : i32
    %dma_wait3A_946 = tpu.memref_slice %arg4[%dma_wait3A_944, %dma_wait3A_945] : memref<50x512xi32, #tpu.memory_space<vmem>> -> memref<1x512xi32, #tpu.memory_space<vmem>>
    %dma_wait3A_947 = tpu.memref_squeeze %dma_wait3A_946 : memref<1x512xi32, #tpu.memory_space<vmem>> -> memref<512xi32, #tpu.memory_space<vmem>>
    %dma_wait3A_948 = arith.constant 0 : i32
    %dma_wait3A_949 = tpu.memref_slice %arg3[%dma_wait3A_948] : memref<819200xi32, #tpu.memory_space<hbm>> -> memref<512xi32, #tpu.memory_space<hbm>>
    %dma_wait3A_950 = arith.constant 0 : i32
    %dma_wait3A_951 = tpu.memref_slice %arg3[%dma_wait3A_950] : memref<819200xi32, #tpu.memory_space<hbm>> -> memref<512xi32, #tpu.memory_space<hbm>>
    %dma_wait3A_952 = arith.constant 0 : i32
    %dma_wait3A_953 = tpu.memref_slice %arg4[%dma_wait3A_944, %dma_wait3A_952] : memref<50x512xi32, #tpu.memory_space<vmem>> -> memref<1x512xi32, #tpu.memory_space<vmem>>
    %dma_wait3A_954 = tpu.memref_squeeze %dma_wait3A_953 : memref<1x512xi32, #tpu.memory_space<vmem>> -> memref<512xi32, #tpu.memory_space<vmem>>
    tpu.wait_dma2 semaphore(%arg6 : memref<!tpu.dma_semaphore, #tpu.memory_space<semaphore_mem>>) src(%dma_wait3A_954 : memref<512xi32, #tpu.memory_space<vmem>>) dst(%dma_wait3A_951 : memref<512xi32, #tpu.memory_space<hbm>>)
    %dma_wait3A_955 = arith.constant 0 : i32
    %dma_wait3A_956 = arith.constant 0 : i32
    %dma_wait3A_957 = tpu.memref_slice %arg4[%dma_wait3A_955, %dma_wait3A_956] : memref<50x512xi32, #tpu.memory_space<vmem>> -> memref<1x512xi32, #tpu.memory_space<vmem>>
    %dma_wait3A_958 = tpu.memref_squeeze %dma_wait3A_957 : memref<1x512xi32, #tpu.memory_space<vmem>> -> memref<512xi32, #tpu.memory_space<vmem>>
    %dma_wait3A_959 = arith.constant 0 : i32
    %dma_wait3A_960 = tpu.memref_slice %arg3[%dma_wait3A_959] : memref<819200xi32, #tpu.memory_space<hbm>> -> memref<512xi32, #tpu.memory_space<hbm>>
    %dma_wait3A_961 = arith.constant 0 : i32
    %dma_wait3A_962 = tpu.memref_slice %arg3[%dma_wait3A_961] : memref<819200xi32, #tpu.memory_space<hbm>> -> memref<512xi32, #tpu.memory_space<hbm>>
    %dma_wait3A_963 = arith.constant 0 : i32
    %dma_wait3A_964 = tpu.memref_slice %arg4[%dma_wait3A_955, %dma_wait3A_963] : memref<50x512xi32, #tpu.memory_space<vmem>> -> memref<1x512xi32, #tpu.memory_space<vmem>>
    %dma_wait3A_965 = tpu.memref_squeeze %dma_wait3A_964 : memref<1x512xi32, #tpu.memory_space<vmem>> -> memref<512xi32, #tpu.memory_space<vmem>>
    tpu.wait_dma2 semaphore(%arg6 : memref<!tpu.dma_semaphore, #tpu.memory_space<semaphore_mem>>) src(%dma_wait3A_965 : memref<512xi32, #tpu.memory_space<vmem>>) dst(%dma_wait3A_962 : memref<512xi32, #tpu.memory_space<hbm>>)
    %dma_wait3A_966 = arith.constant 0 : i32
    %dma_wait3A_967 = arith.constant 0 : i32
    %dma_wait3A_968 = tpu.memref_slice %arg4[%dma_wait3A_966, %dma_wait3A_967] : memref<50x512xi32, #tpu.memory_space<vmem>> -> memref<1x512xi32, #tpu.memory_space<vmem>>
    %dma_wait3A_969 = tpu.memref_squeeze %dma_wait3A_968 : memref<1x512xi32, #tpu.memory_space<vmem>> -> memref<512xi32, #tpu.memory_space<vmem>>
    %dma_wait3A_970 = arith.constant 0 : i32
    %dma_wait3A_971 = tpu.memref_slice %arg3[%dma_wait3A_970] : memref<819200xi32, #tpu.memory_space<hbm>> -> memref<512xi32, #tpu.memory_space<hbm>>
    %dma_wait3A_972 = arith.constant 0 : i32
    %dma_wait3A_973 = tpu.memref_slice %arg3[%dma_wait3A_972] : memref<819200xi32, #tpu.memory_space<hbm>> -> memref<512xi32, #tpu.memory_space<hbm>>
    %dma_wait3A_974 = arith.constant 0 : i32
    %dma_wait3A_975 = tpu.memref_slice %arg4[%dma_wait3A_966, %dma_wait3A_974] : memref<50x512xi32, #tpu.memory_space<vmem>> -> memref<1x512xi32, #tpu.memory_space<vmem>>
    %dma_wait3A_976 = tpu.memref_squeeze %dma_wait3A_975 : memref<1x512xi32, #tpu.memory_space<vmem>> -> memref<512xi32, #tpu.memory_space<vmem>>
    tpu.wait_dma2 semaphore(%arg6 : memref<!tpu.dma_semaphore, #tpu.memory_space<semaphore_mem>>) src(%dma_wait3A_976 : memref<512xi32, #tpu.memory_space<vmem>>) dst(%dma_wait3A_973 : memref<512xi32, #tpu.memory_space<hbm>>)
    %dma_wait3A_977 = arith.constant 0 : i32
    %dma_wait3A_978 = arith.constant 0 : i32
    %dma_wait3A_979 = tpu.memref_slice %arg4[%dma_wait3A_977, %dma_wait3A_978] : memref<50x512xi32, #tpu.memory_space<vmem>> -> memref<1x512xi32, #tpu.memory_space<vmem>>
    %dma_wait3A_980 = tpu.memref_squeeze %dma_wait3A_979 : memref<1x512xi32, #tpu.memory_space<vmem>> -> memref<512xi32, #tpu.memory_space<vmem>>
    %dma_wait3A_981 = arith.constant 0 : i32
    %dma_wait3A_982 = tpu.memref_slice %arg3[%dma_wait3A_981] : memref<819200xi32, #tpu.memory_space<hbm>> -> memref<512xi32, #tpu.memory_space<hbm>>
    %dma_wait3A_983 = arith.constant 0 : i32
    %dma_wait3A_984 = tpu.memref_slice %arg3[%dma_wait3A_983] : memref<819200xi32, #tpu.memory_space<hbm>> -> memref<512xi32, #tpu.memory_space<hbm>>
    %dma_wait3A_985 = arith.constant 0 : i32
    %dma_wait3A_986 = tpu.memref_slice %arg4[%dma_wait3A_977, %dma_wait3A_985] : memref<50x512xi32, #tpu.memory_space<vmem>> -> memref<1x512xi32, #tpu.memory_space<vmem>>
    %dma_wait3A_987 = tpu.memref_squeeze %dma_wait3A_986 : memref<1x512xi32, #tpu.memory_space<vmem>> -> memref<512xi32, #tpu.memory_space<vmem>>
    tpu.wait_dma2 semaphore(%arg6 : memref<!tpu.dma_semaphore, #tpu.memory_space<semaphore_mem>>) src(%dma_wait3A_987 : memref<512xi32, #tpu.memory_space<vmem>>) dst(%dma_wait3A_984 : memref<512xi32, #tpu.memory_space<hbm>>)
    %dma_wait3A_988 = arith.constant 0 : i32
    %dma_wait3A_989 = arith.constant 0 : i32
    %dma_wait3A_990 = tpu.memref_slice %arg4[%dma_wait3A_988, %dma_wait3A_989] : memref<50x512xi32, #tpu.memory_space<vmem>> -> memref<1x512xi32, #tpu.memory_space<vmem>>
    %dma_wait3A_991 = tpu.memref_squeeze %dma_wait3A_990 : memref<1x512xi32, #tpu.memory_space<vmem>> -> memref<512xi32, #tpu.memory_space<vmem>>
    %dma_wait3A_992 = arith.constant 0 : i32
    %dma_wait3A_993 = tpu.memref_slice %arg3[%dma_wait3A_992] : memref<819200xi32, #tpu.memory_space<hbm>> -> memref<512xi32, #tpu.memory_space<hbm>>
    %dma_wait3A_994 = arith.constant 0 : i32
    %dma_wait3A_995 = tpu.memref_slice %arg3[%dma_wait3A_994] : memref<819200xi32, #tpu.memory_space<hbm>> -> memref<512xi32, #tpu.memory_space<hbm>>
    %dma_wait3A_996 = arith.constant 0 : i32
    %dma_wait3A_997 = tpu.memref_slice %arg4[%dma_wait3A_988, %dma_wait3A_996] : memref<50x512xi32, #tpu.memory_space<vmem>> -> memref<1x512xi32, #tpu.memory_space<vmem>>
    %dma_wait3A_998 = tpu.memref_squeeze %dma_wait3A_997 : memref<1x512xi32, #tpu.memory_space<vmem>> -> memref<512xi32, #tpu.memory_space<vmem>>
    tpu.wait_dma2 semaphore(%arg6 : memref<!tpu.dma_semaphore, #tpu.memory_space<semaphore_mem>>) src(%dma_wait3A_998 : memref<512xi32, #tpu.memory_space<vmem>>) dst(%dma_wait3A_995 : memref<512xi32, #tpu.memory_space<hbm>>)
    %dma_wait3A_999 = arith.constant 0 : i32
    %dma_wait3A_1000 = arith.constant 0 : i32
    %dma_wait3A_1001 = tpu.memref_slice %arg4[%dma_wait3A_999, %dma_wait3A_1000] : memref<50x512xi32, #tpu.memory_space<vmem>> -> memref<1x512xi32, #tpu.memory_space<vmem>>
    %dma_wait3A_1002 = tpu.memref_squeeze %dma_wait3A_1001 : memref<1x512xi32, #tpu.memory_space<vmem>> -> memref<512xi32, #tpu.memory_space<vmem>>
    %dma_wait3A_1003 = arith.constant 0 : i32
    %dma_wait3A_1004 = tpu.memref_slice %arg3[%dma_wait3A_1003] : memref<819200xi32, #tpu.memory_space<hbm>> -> memref<512xi32, #tpu.memory_space<hbm>>
    %dma_wait3A_1005 = arith.constant 0 : i32
    %dma_wait3A_1006 = tpu.memref_slice %arg3[%dma_wait3A_1005] : memref<819200xi32, #tpu.memory_space<hbm>> -> memref<512xi32, #tpu.memory_space<hbm>>
    %dma_wait3A_1007 = arith.constant 0 : i32
    %dma_wait3A_1008 = tpu.memref_slice %arg4[%dma_wait3A_999, %dma_wait3A_1007] : memref<50x512xi32, #tpu.memory_space<vmem>> -> memref<1x512xi32, #tpu.memory_space<vmem>>
    %dma_wait3A_1009 = tpu.memref_squeeze %dma_wait3A_1008 : memref<1x512xi32, #tpu.memory_space<vmem>> -> memref<512xi32, #tpu.memory_space<vmem>>
    tpu.wait_dma2 semaphore(%arg6 : memref<!tpu.dma_semaphore, #tpu.memory_space<semaphore_mem>>) src(%dma_wait3A_1009 : memref<512xi32, #tpu.memory_space<vmem>>) dst(%dma_wait3A_1006 : memref<512xi32, #tpu.memory_space<hbm>>)
    %dma_wait3A_1010 = arith.constant 0 : i32
    %dma_wait3A_1011 = arith.constant 0 : i32
    %dma_wait3A_1012 = tpu.memref_slice %arg4[%dma_wait3A_1010, %dma_wait3A_1011] : memref<50x512xi32, #tpu.memory_space<vmem>> -> memref<1x512xi32, #tpu.memory_space<vmem>>
    %dma_wait3A_1013 = tpu.memref_squeeze %dma_wait3A_1012 : memref<1x512xi32, #tpu.memory_space<vmem>> -> memref<512xi32, #tpu.memory_space<vmem>>
    %dma_wait3A_1014 = arith.constant 0 : i32
    %dma_wait3A_1015 = tpu.memref_slice %arg3[%dma_wait3A_1014] : memref<819200xi32, #tpu.memory_space<hbm>> -> memref<512xi32, #tpu.memory_space<hbm>>
    %dma_wait3A_1016 = arith.constant 0 : i32
    %dma_wait3A_1017 = tpu.memref_slice %arg3[%dma_wait3A_1016] : memref<819200xi32, #tpu.memory_space<hbm>> -> memref<512xi32, #tpu.memory_space<hbm>>
    %dma_wait3A_1018 = arith.constant 0 : i32
    %dma_wait3A_1019 = tpu.memref_slice %arg4[%dma_wait3A_1010, %dma_wait3A_1018] : memref<50x512xi32, #tpu.memory_space<vmem>> -> memref<1x512xi32, #tpu.memory_space<vmem>>
    %dma_wait3A_1020 = tpu.memref_squeeze %dma_wait3A_1019 : memref<1x512xi32, #tpu.memory_space<vmem>> -> memref<512xi32, #tpu.memory_space<vmem>>
    tpu.wait_dma2 semaphore(%arg6 : memref<!tpu.dma_semaphore, #tpu.memory_space<semaphore_mem>>) src(%dma_wait3A_1020 : memref<512xi32, #tpu.memory_space<vmem>>) dst(%dma_wait3A_1017 : memref<512xi32, #tpu.memory_space<hbm>>)
    %dma_wait3A_1021 = arith.constant 0 : i32
    %dma_wait3A_1022 = arith.constant 0 : i32
    %dma_wait3A_1023 = tpu.memref_slice %arg4[%dma_wait3A_1021, %dma_wait3A_1022] : memref<50x512xi32, #tpu.memory_space<vmem>> -> memref<1x512xi32, #tpu.memory_space<vmem>>
    %dma_wait3A_1024 = tpu.memref_squeeze %dma_wait3A_1023 : memref<1x512xi32, #tpu.memory_space<vmem>> -> memref<512xi32, #tpu.memory_space<vmem>>
    %dma_wait3A_1025 = arith.constant 0 : i32
    %dma_wait3A_1026 = tpu.memref_slice %arg3[%dma_wait3A_1025] : memref<819200xi32, #tpu.memory_space<hbm>> -> memref<512xi32, #tpu.memory_space<hbm>>
    %dma_wait3A_1027 = arith.constant 0 : i32
    %dma_wait3A_1028 = tpu.memref_slice %arg3[%dma_wait3A_1027] : memref<819200xi32, #tpu.memory_space<hbm>> -> memref<512xi32, #tpu.memory_space<hbm>>
    %dma_wait3A_1029 = arith.constant 0 : i32
    %dma_wait3A_1030 = tpu.memref_slice %arg4[%dma_wait3A_1021, %dma_wait3A_1029] : memref<50x512xi32, #tpu.memory_space<vmem>> -> memref<1x512xi32, #tpu.memory_space<vmem>>
    %dma_wait3A_1031 = tpu.memref_squeeze %dma_wait3A_1030 : memref<1x512xi32, #tpu.memory_space<vmem>> -> memref<512xi32, #tpu.memory_space<vmem>>
    tpu.wait_dma2 semaphore(%arg6 : memref<!tpu.dma_semaphore, #tpu.memory_space<semaphore_mem>>) src(%dma_wait3A_1031 : memref<512xi32, #tpu.memory_space<vmem>>) dst(%dma_wait3A_1028 : memref<512xi32, #tpu.memory_space<hbm>>)
    %dma_wait3A_1032 = arith.constant 0 : i32
    %dma_wait3A_1033 = arith.constant 0 : i32
    %dma_wait3A_1034 = tpu.memref_slice %arg4[%dma_wait3A_1032, %dma_wait3A_1033] : memref<50x512xi32, #tpu.memory_space<vmem>> -> memref<1x512xi32, #tpu.memory_space<vmem>>
    %dma_wait3A_1035 = tpu.memref_squeeze %dma_wait3A_1034 : memref<1x512xi32, #tpu.memory_space<vmem>> -> memref<512xi32, #tpu.memory_space<vmem>>
    %dma_wait3A_1036 = arith.constant 0 : i32
    %dma_wait3A_1037 = tpu.memref_slice %arg3[%dma_wait3A_1036] : memref<819200xi32, #tpu.memory_space<hbm>> -> memref<512xi32, #tpu.memory_space<hbm>>
    %dma_wait3A_1038 = arith.constant 0 : i32
    %dma_wait3A_1039 = tpu.memref_slice %arg3[%dma_wait3A_1038] : memref<819200xi32, #tpu.memory_space<hbm>> -> memref<512xi32, #tpu.memory_space<hbm>>
    %dma_wait3A_1040 = arith.constant 0 : i32
    %dma_wait3A_1041 = tpu.memref_slice %arg4[%dma_wait3A_1032, %dma_wait3A_1040] : memref<50x512xi32, #tpu.memory_space<vmem>> -> memref<1x512xi32, #tpu.memory_space<vmem>>
    %dma_wait3A_1042 = tpu.memref_squeeze %dma_wait3A_1041 : memref<1x512xi32, #tpu.memory_space<vmem>> -> memref<512xi32, #tpu.memory_space<vmem>>
    tpu.wait_dma2 semaphore(%arg6 : memref<!tpu.dma_semaphore, #tpu.memory_space<semaphore_mem>>) src(%dma_wait3A_1042 : memref<512xi32, #tpu.memory_space<vmem>>) dst(%dma_wait3A_1039 : memref<512xi32, #tpu.memory_space<hbm>>)
    %dma_wait3A_1043 = arith.constant 0 : i32
    %dma_wait3A_1044 = arith.constant 0 : i32
    %dma_wait3A_1045 = tpu.memref_slice %arg4[%dma_wait3A_1043, %dma_wait3A_1044] : memref<50x512xi32, #tpu.memory_space<vmem>> -> memref<1x512xi32, #tpu.memory_space<vmem>>
    %dma_wait3A_1046 = tpu.memref_squeeze %dma_wait3A_1045 : memref<1x512xi32, #tpu.memory_space<vmem>> -> memref<512xi32, #tpu.memory_space<vmem>>
    %dma_wait3A_1047 = arith.constant 0 : i32
    %dma_wait3A_1048 = tpu.memref_slice %arg3[%dma_wait3A_1047] : memref<819200xi32, #tpu.memory_space<hbm>> -> memref<512xi32, #tpu.memory_space<hbm>>
    %dma_wait3A_1049 = arith.constant 0 : i32
    %dma_wait3A_1050 = tpu.memref_slice %arg3[%dma_wait3A_1049] : memref<819200xi32, #tpu.memory_space<hbm>> -> memref<512xi32, #tpu.memory_space<hbm>>
    %dma_wait3A_1051 = arith.constant 0 : i32
    %dma_wait3A_1052 = tpu.memref_slice %arg4[%dma_wait3A_1043, %dma_wait3A_1051] : memref<50x512xi32, #tpu.memory_space<vmem>> -> memref<1x512xi32, #tpu.memory_space<vmem>>
    %dma_wait3A_1053 = tpu.memref_squeeze %dma_wait3A_1052 : memref<1x512xi32, #tpu.memory_space<vmem>> -> memref<512xi32, #tpu.memory_space<vmem>>
    tpu.wait_dma2 semaphore(%arg6 : memref<!tpu.dma_semaphore, #tpu.memory_space<semaphore_mem>>) src(%dma_wait3A_1053 : memref<512xi32, #tpu.memory_space<vmem>>) dst(%dma_wait3A_1050 : memref<512xi32, #tpu.memory_space<hbm>>)
    %dma_wait3A_1054 = arith.constant 0 : i32
    %dma_wait3A_1055 = arith.constant 0 : i32
    %dma_wait3A_1056 = tpu.memref_slice %arg4[%dma_wait3A_1054, %dma_wait3A_1055] : memref<50x512xi32, #tpu.memory_space<vmem>> -> memref<1x512xi32, #tpu.memory_space<vmem>>
    %dma_wait3A_1057 = tpu.memref_squeeze %dma_wait3A_1056 : memref<1x512xi32, #tpu.memory_space<vmem>> -> memref<512xi32, #tpu.memory_space<vmem>>
    %dma_wait3A_1058 = arith.constant 0 : i32
    %dma_wait3A_1059 = tpu.memref_slice %arg3[%dma_wait3A_1058] : memref<819200xi32, #tpu.memory_space<hbm>> -> memref<512xi32, #tpu.memory_space<hbm>>
    %dma_wait3A_1060 = arith.constant 0 : i32
    %dma_wait3A_1061 = tpu.memref_slice %arg3[%dma_wait3A_1060] : memref<819200xi32, #tpu.memory_space<hbm>> -> memref<512xi32, #tpu.memory_space<hbm>>
    %dma_wait3A_1062 = arith.constant 0 : i32
    %dma_wait3A_1063 = tpu.memref_slice %arg4[%dma_wait3A_1054, %dma_wait3A_1062] : memref<50x512xi32, #tpu.memory_space<vmem>> -> memref<1x512xi32, #tpu.memory_space<vmem>>
    %dma_wait3A_1064 = tpu.memref_squeeze %dma_wait3A_1063 : memref<1x512xi32, #tpu.memory_space<vmem>> -> memref<512xi32, #tpu.memory_space<vmem>>
    tpu.wait_dma2 semaphore(%arg6 : memref<!tpu.dma_semaphore, #tpu.memory_space<semaphore_mem>>) src(%dma_wait3A_1064 : memref<512xi32, #tpu.memory_space<vmem>>) dst(%dma_wait3A_1061 : memref<512xi32, #tpu.memory_space<hbm>>)
    %dma_wait3A_1065 = arith.constant 0 : i32
    %dma_wait3A_1066 = arith.constant 0 : i32
    %dma_wait3A_1067 = tpu.memref_slice %arg4[%dma_wait3A_1065, %dma_wait3A_1066] : memref<50x512xi32, #tpu.memory_space<vmem>> -> memref<1x512xi32, #tpu.memory_space<vmem>>
    %dma_wait3A_1068 = tpu.memref_squeeze %dma_wait3A_1067 : memref<1x512xi32, #tpu.memory_space<vmem>> -> memref<512xi32, #tpu.memory_space<vmem>>
    %dma_wait3A_1069 = arith.constant 0 : i32
    %dma_wait3A_1070 = tpu.memref_slice %arg3[%dma_wait3A_1069] : memref<819200xi32, #tpu.memory_space<hbm>> -> memref<512xi32, #tpu.memory_space<hbm>>
    %dma_wait3A_1071 = arith.constant 0 : i32
    %dma_wait3A_1072 = tpu.memref_slice %arg3[%dma_wait3A_1071] : memref<819200xi32, #tpu.memory_space<hbm>> -> memref<512xi32, #tpu.memory_space<hbm>>
    %dma_wait3A_1073 = arith.constant 0 : i32
    %dma_wait3A_1074 = tpu.memref_slice %arg4[%dma_wait3A_1065, %dma_wait3A_1073] : memref<50x512xi32, #tpu.memory_space<vmem>> -> memref<1x512xi32, #tpu.memory_space<vmem>>
    %dma_wait3A_1075 = tpu.memref_squeeze %dma_wait3A_1074 : memref<1x512xi32, #tpu.memory_space<vmem>> -> memref<512xi32, #tpu.memory_space<vmem>>
    tpu.wait_dma2 semaphore(%arg6 : memref<!tpu.dma_semaphore, #tpu.memory_space<semaphore_mem>>) src(%dma_wait3A_1075 : memref<512xi32, #tpu.memory_space<vmem>>) dst(%dma_wait3A_1072 : memref<512xi32, #tpu.memory_space<hbm>>)
    %dma_wait3A_1076 = arith.constant 0 : i32
    %dma_wait3A_1077 = arith.constant 0 : i32
    %dma_wait3A_1078 = tpu.memref_slice %arg4[%dma_wait3A_1076, %dma_wait3A_1077] : memref<50x512xi32, #tpu.memory_space<vmem>> -> memref<1x512xi32, #tpu.memory_space<vmem>>
    %dma_wait3A_1079 = tpu.memref_squeeze %dma_wait3A_1078 : memref<1x512xi32, #tpu.memory_space<vmem>> -> memref<512xi32, #tpu.memory_space<vmem>>
    %dma_wait3A_1080 = arith.constant 0 : i32
    %dma_wait3A_1081 = tpu.memref_slice %arg3[%dma_wait3A_1080] : memref<819200xi32, #tpu.memory_space<hbm>> -> memref<512xi32, #tpu.memory_space<hbm>>
    %dma_wait3A_1082 = arith.constant 0 : i32
    %dma_wait3A_1083 = tpu.memref_slice %arg3[%dma_wait3A_1082] : memref<819200xi32, #tpu.memory_space<hbm>> -> memref<512xi32, #tpu.memory_space<hbm>>
    %dma_wait3A_1084 = arith.constant 0 : i32
    %dma_wait3A_1085 = tpu.memref_slice %arg4[%dma_wait3A_1076, %dma_wait3A_1084] : memref<50x512xi32, #tpu.memory_space<vmem>> -> memref<1x512xi32, #tpu.memory_space<vmem>>
    %dma_wait3A_1086 = tpu.memref_squeeze %dma_wait3A_1085 : memref<1x512xi32, #tpu.memory_space<vmem>> -> memref<512xi32, #tpu.memory_space<vmem>>
    tpu.wait_dma2 semaphore(%arg6 : memref<!tpu.dma_semaphore, #tpu.memory_space<semaphore_mem>>) src(%dma_wait3A_1086 : memref<512xi32, #tpu.memory_space<vmem>>) dst(%dma_wait3A_1083 : memref<512xi32, #tpu.memory_space<hbm>>)
    %dma_wait3A_1087 = arith.constant 0 : i32
    %dma_wait3A_1088 = arith.constant 0 : i32
    %dma_wait3A_1089 = tpu.memref_slice %arg4[%dma_wait3A_1087, %dma_wait3A_1088] : memref<50x512xi32, #tpu.memory_space<vmem>> -> memref<1x512xi32, #tpu.memory_space<vmem>>
    %dma_wait3A_1090 = tpu.memref_squeeze %dma_wait3A_1089 : memref<1x512xi32, #tpu.memory_space<vmem>> -> memref<512xi32, #tpu.memory_space<vmem>>
    %dma_wait3A_1091 = arith.constant 0 : i32
    %dma_wait3A_1092 = tpu.memref_slice %arg3[%dma_wait3A_1091] : memref<819200xi32, #tpu.memory_space<hbm>> -> memref<512xi32, #tpu.memory_space<hbm>>
    %dma_wait3A_1093 = arith.constant 0 : i32
    %dma_wait3A_1094 = tpu.memref_slice %arg3[%dma_wait3A_1093] : memref<819200xi32, #tpu.memory_space<hbm>> -> memref<512xi32, #tpu.memory_space<hbm>>
    %dma_wait3A_1095 = arith.constant 0 : i32
    %dma_wait3A_1096 = tpu.memref_slice %arg4[%dma_wait3A_1087, %dma_wait3A_1095] : memref<50x512xi32, #tpu.memory_space<vmem>> -> memref<1x512xi32, #tpu.memory_space<vmem>>
    %dma_wait3A_1097 = tpu.memref_squeeze %dma_wait3A_1096 : memref<1x512xi32, #tpu.memory_space<vmem>> -> memref<512xi32, #tpu.memory_space<vmem>>
    tpu.wait_dma2 semaphore(%arg6 : memref<!tpu.dma_semaphore, #tpu.memory_space<semaphore_mem>>) src(%dma_wait3A_1097 : memref<512xi32, #tpu.memory_space<vmem>>) dst(%dma_wait3A_1094 : memref<512xi32, #tpu.memory_space<hbm>>)
    %dma_wait3A_1098 = arith.constant 0 : i32
    %dma_wait3A_1099 = arith.constant 0 : i32
    %dma_wait3A_1100 = tpu.memref_slice %arg4[%dma_wait3A_1098, %dma_wait3A_1099] : memref<50x512xi32, #tpu.memory_space<vmem>> -> memref<1x512xi32, #tpu.memory_space<vmem>>
    %dma_wait3A_1101 = tpu.memref_squeeze %dma_wait3A_1100 : memref<1x512xi32, #tpu.memory_space<vmem>> -> memref<512xi32, #tpu.memory_space<vmem>>
    %dma_wait3A_1102 = arith.constant 0 : i32
    %dma_wait3A_1103 = tpu.memref_slice %arg3[%dma_wait3A_1102] : memref<819200xi32, #tpu.memory_space<hbm>> -> memref<512xi32, #tpu.memory_space<hbm>>
    %dma_wait3A_1104 = arith.constant 0 : i32
    %dma_wait3A_1105 = tpu.memref_slice %arg3[%dma_wait3A_1104] : memref<819200xi32, #tpu.memory_space<hbm>> -> memref<512xi32, #tpu.memory_space<hbm>>
    %dma_wait3A_1106 = arith.constant 0 : i32
    %dma_wait3A_1107 = tpu.memref_slice %arg4[%dma_wait3A_1098, %dma_wait3A_1106] : memref<50x512xi32, #tpu.memory_space<vmem>> -> memref<1x512xi32, #tpu.memory_space<vmem>>
    %dma_wait3A_1108 = tpu.memref_squeeze %dma_wait3A_1107 : memref<1x512xi32, #tpu.memory_space<vmem>> -> memref<512xi32, #tpu.memory_space<vmem>>
    tpu.wait_dma2 semaphore(%arg6 : memref<!tpu.dma_semaphore, #tpu.memory_space<semaphore_mem>>) src(%dma_wait3A_1108 : memref<512xi32, #tpu.memory_space<vmem>>) dst(%dma_wait3A_1105 : memref<512xi32, #tpu.memory_space<hbm>>)
    return
  }
}

#map = affine_map<(d0, d1) -> (0)>
#map1 = affine_map<(d0, d1) -> (0, 0)>
#map2 = affine_map<(d0, d1) -> (0, 0, 0)>
module attributes {stable_mosaic.version = 14 : i64} {
  func.func @gather_kernel(%arg0: i32, %arg1: i32, %arg2: memref<819200xi32, #tpu.memory_space<hbm>>, %arg3: memref<1000000x32xf32, #tpu.memory_space<hbm>>, %arg4: memref<50x32x16384xf32, #tpu.memory_space<hbm>>, %arg5: memref<512xi32, #tpu.memory_space<vmem>>, %arg6: memref<512xi32, #tpu.memory_space<vmem>>, %arg7: memref<512x32xf32, #tpu.memory_space<vmem>>, %arg8: memref<512x32xf32, #tpu.memory_space<vmem>>, %arg9: memref<32x513xf32, #tpu.memory_space<vmem>>, %arg10: memref<32x513xf32, #tpu.memory_space<vmem>>, %arg11: memref<2x!tpu.dma_semaphore, #tpu.memory_space<semaphore_mem>>, %arg12: memref<2x!tpu.dma_semaphore, #tpu.memory_space<semaphore_mem>>, %arg13: memref<2x!tpu.dma_semaphore, #tpu.memory_space<semaphore_mem>>) attributes {dimension_semantics = [#tpu.dimension_semantics<core_parallel>, #tpu.dimension_semantics<subcore_parallel>], iteration_bounds = array<i64: 2, 16>, scalar_prefetch = 0 : i64, scratch_operands = 9 : i64, tpu.core_type = #tpu.core_type<sc_vector_subcore>, window_params = [{transform_indices = #map}, {transform_indices = #map1}, {transform_indices = #map2}]} {
    %mul3A = arith.constant 2 : i32
    %mul3A_0 = arith.muli %arg1, %mul3A : i32
    %add3A = arith.addi %mul3A_0, %arg0 : i32
    %mul3A_1 = arith.constant 512 : i32
    %mul3A_2 = arith.muli %add3A, %mul3A_1 : i32
    %iota3A = tpu.iota {dimensions = array<i32: 0>} : vector<16xi32>
    %add3A_3 = arith.constant 0 : i32
    %add3A_4 = arith.addi %add3A_3, %mul3A_2 : i32
    %dma_start3A = arith.constant 0 : i32
    %dma_start3A_5 = tpu.memref_slice %arg2[%add3A_4] : memref<819200xi32, #tpu.memory_space<hbm>> -> memref<512xi32, #tpu.memory_space<hbm>>
    %dma_start3A_6 = tpu.memref_slice %arg11[%dma_start3A] : memref<2x!tpu.dma_semaphore, #tpu.memory_space<semaphore_mem>> -> memref<1x!tpu.dma_semaphore, #tpu.memory_space<semaphore_mem>>
    %dma_start3A_7 = tpu.memref_squeeze %dma_start3A_6 : memref<1x!tpu.dma_semaphore, #tpu.memory_space<semaphore_mem>> -> memref<!tpu.dma_semaphore, #tpu.memory_space<semaphore_mem>>
    %dma_start3A_8 = tpu.memref_slice %arg2[%add3A_4] : memref<819200xi32, #tpu.memory_space<hbm>> -> memref<512xi32, #tpu.memory_space<hbm>>
    tpu.enqueue_dma source(%dma_start3A_8 : memref<512xi32, #tpu.memory_space<hbm>>) target(%arg5 : memref<512xi32, #tpu.memory_space<vmem>>) target_semaphore(%dma_start3A_7 : memref<!tpu.dma_semaphore, #tpu.memory_space<semaphore_mem>>)
    %add3A_9 = arith.constant 16384 : i32
    %add3A_10 = arith.addi %add3A_9, %mul3A_2 : i32
    %dma_start3A_11 = arith.constant 1 : i32
    %dma_start3A_12 = tpu.memref_slice %arg2[%add3A_10] : memref<819200xi32, #tpu.memory_space<hbm>> -> memref<512xi32, #tpu.memory_space<hbm>>
    %dma_start3A_13 = tpu.memref_slice %arg11[%dma_start3A_11] : memref<2x!tpu.dma_semaphore, #tpu.memory_space<semaphore_mem>> -> memref<1x!tpu.dma_semaphore, #tpu.memory_space<semaphore_mem>>
    %dma_start3A_14 = tpu.memref_squeeze %dma_start3A_13 : memref<1x!tpu.dma_semaphore, #tpu.memory_space<semaphore_mem>> -> memref<!tpu.dma_semaphore, #tpu.memory_space<semaphore_mem>>
    %dma_start3A_15 = tpu.memref_slice %arg2[%add3A_10] : memref<819200xi32, #tpu.memory_space<hbm>> -> memref<512xi32, #tpu.memory_space<hbm>>
    tpu.enqueue_dma source(%dma_start3A_15 : memref<512xi32, #tpu.memory_space<hbm>>) target(%arg6 : memref<512xi32, #tpu.memory_space<vmem>>) target_semaphore(%dma_start3A_14 : memref<!tpu.dma_semaphore, #tpu.memory_space<semaphore_mem>>)
    %scan3A = arith.constant 0 : i32
    %scan3A_16 = arith.constant 25 : i32
    %scan3A_17 = arith.addi %scan3A, %scan3A_16 : i32
    %scan3A_18 = arith.constant 1 : i32
    scf.for %scan3A_67 = %scan3A to %scan3A_17 step %scan3A_18  : i32 {
      %mul3A_68 = arith.constant 1 : i32
      %mul3A_69 = arith.muli %scan3A_67, %mul3A_68 : i32
      %add3A_70 = arith.constant 0 : i32
      %add3A_71 = arith.addi %add3A_70, %mul3A_69 : i32
      %mul3A_72 = arith.constant 2 : i32
      %mul3A_73 = arith.muli %add3A_71, %mul3A_72 : i32
      %gt3A = arith.constant 0 : i32
      %gt3A_74 = arith.cmpi sgt, %add3A_71, %gt3A : i32
      %convert_element_type3A = arith.extui %gt3A_74 : i1 to i32
      %cond3A = arith.constant 0 : i32
      %cond3A_75 = arith.cmpi ne, %convert_element_type3A, %cond3A : i32
      scf.if %cond3A_75 {
        %dma_wait3A_188 = arith.constant 0 : i32
        %dma_wait3A_189 = arith.constant 0 : i32
        %dma_wait3A_190 = arith.constant 0 : i32
        %dma_wait3A_191 = arith.constant 0 : i32
        %dma_wait3A_192 = tpu.memref_slice %arg9[%dma_wait3A_190, %dma_wait3A_191] : memref<32x513xf32, #tpu.memory_space<vmem>> -> memref<32x512xf32, #tpu.memory_space<vmem>>
        %dma_wait3A_193 = arith.constant 0 : i32
        %dma_wait3A_194 = arith.constant 0 : i32
        %dma_wait3A_195 = tpu.memref_slice %arg4[%dma_wait3A_188, %dma_wait3A_193, %dma_wait3A_194] : memref<50x32x16384xf32, #tpu.memory_space<hbm>> -> memref<1x32x16384xf32, #tpu.memory_space<hbm>>
        %dma_wait3A_196 = tpu.memref_squeeze %dma_wait3A_195 : memref<1x32x16384xf32, #tpu.memory_space<hbm>> -> memref<32x16384xf32, #tpu.memory_space<hbm>>
        %dma_wait3A_197 = arith.constant 0 : i32
        %dma_wait3A_198 = arith.constant 0 : i32
        %dma_wait3A_199 = tpu.memref_slice %dma_wait3A_196[%dma_wait3A_197, %dma_wait3A_198] : memref<32x16384xf32, #tpu.memory_space<hbm>> -> memref<32x512xf32, #tpu.memory_space<hbm>>
        %dma_wait3A_200 = tpu.memref_slice %arg13[%dma_wait3A_189] : memref<2x!tpu.dma_semaphore, #tpu.memory_space<semaphore_mem>> -> memref<1x!tpu.dma_semaphore, #tpu.memory_space<semaphore_mem>>
        %dma_wait3A_201 = tpu.memref_squeeze %dma_wait3A_200 : memref<1x!tpu.dma_semaphore, #tpu.memory_space<semaphore_mem>> -> memref<!tpu.dma_semaphore, #tpu.memory_space<semaphore_mem>>
        %dma_wait3A_202 = arith.constant 0 : i32
        %dma_wait3A_203 = arith.constant 0 : i32
        %dma_wait3A_204 = tpu.memref_slice %arg4[%dma_wait3A_188, %dma_wait3A_202, %dma_wait3A_203] : memref<50x32x16384xf32, #tpu.memory_space<hbm>> -> memref<1x32x16384xf32, #tpu.memory_space<hbm>>
        %dma_wait3A_205 = tpu.memref_squeeze %dma_wait3A_204 : memref<1x32x16384xf32, #tpu.memory_space<hbm>> -> memref<32x16384xf32, #tpu.memory_space<hbm>>
        %dma_wait3A_206 = arith.constant 0 : i32
        %dma_wait3A_207 = arith.constant 0 : i32
        %dma_wait3A_208 = tpu.memref_slice %dma_wait3A_205[%dma_wait3A_206, %dma_wait3A_207] : memref<32x16384xf32, #tpu.memory_space<hbm>> -> memref<32x512xf32, #tpu.memory_space<hbm>>
        %dma_wait3A_209 = arith.constant 0 : i32
        %dma_wait3A_210 = arith.constant 0 : i32
        %dma_wait3A_211 = tpu.memref_slice %arg9[%dma_wait3A_209, %dma_wait3A_210] : memref<32x513xf32, #tpu.memory_space<vmem>> -> memref<32x512xf32, #tpu.memory_space<vmem>>
        tpu.wait_dma2 semaphore(%dma_wait3A_201 : memref<!tpu.dma_semaphore, #tpu.memory_space<semaphore_mem>>) src(%dma_wait3A_211 : memref<32x512xf32, #tpu.memory_space<vmem>>) dst(%dma_wait3A_208 : memref<32x512xf32, #tpu.memory_space<hbm>>)
      } else {
      }
      %dma_wait3A_76 = arith.constant 0 : i32
      %dma_wait3A_77 = arith.constant 0 : i32
      %dma_wait3A_78 = tpu.memref_slice %arg2[%dma_wait3A_77] : memref<819200xi32, #tpu.memory_space<hbm>> -> memref<512xi32, #tpu.memory_space<hbm>>
      %dma_wait3A_79 = tpu.memref_slice %arg11[%dma_wait3A_76] : memref<2x!tpu.dma_semaphore, #tpu.memory_space<semaphore_mem>> -> memref<1x!tpu.dma_semaphore, #tpu.memory_space<semaphore_mem>>
      %dma_wait3A_80 = tpu.memref_squeeze %dma_wait3A_79 : memref<1x!tpu.dma_semaphore, #tpu.memory_space<semaphore_mem>> -> memref<!tpu.dma_semaphore, #tpu.memory_space<semaphore_mem>>
      %dma_wait3A_81 = arith.constant 0 : i32
      %dma_wait3A_82 = tpu.memref_slice %arg2[%dma_wait3A_81] : memref<819200xi32, #tpu.memory_space<hbm>> -> memref<512xi32, #tpu.memory_space<hbm>>
      tpu.wait_dma2 semaphore(%dma_wait3A_80 : memref<!tpu.dma_semaphore, #tpu.memory_space<semaphore_mem>>) src(%dma_wait3A_82 : memref<512xi32, #tpu.memory_space<hbm>>) dst(%arg5 : memref<512xi32, #tpu.memory_space<vmem>>)
      %dma_start3A_83 = arith.constant 0 : i32
      %dma_start3A_84 = arith.constant 0 : i32
      %dma_start3A_85 = arith.constant 0 : i32
      %dma_start3A_86 = tpu.memref_slice %arg3[%dma_start3A_84, %dma_start3A_85] : memref<1000000x32xf32, #tpu.memory_space<hbm>> -> memref<1000000x32xf32, #tpu.memory_space<hbm>>
      %dma_start3A_87 = tpu.memref_slice %arg12[%dma_start3A_83] : memref<2x!tpu.dma_semaphore, #tpu.memory_space<semaphore_mem>> -> memref<1x!tpu.dma_semaphore, #tpu.memory_space<semaphore_mem>>
      %dma_start3A_88 = tpu.memref_squeeze %dma_start3A_87 : memref<1x!tpu.dma_semaphore, #tpu.memory_space<semaphore_mem>> -> memref<!tpu.dma_semaphore, #tpu.memory_space<semaphore_mem>>
      tpu.enqueue_indirect_dma source(%dma_start3A_86 : memref<1000000x32xf32, #tpu.memory_space<hbm>>) target(%arg7 : memref<512x32xf32, #tpu.memory_space<vmem>>) offsets(%arg5 : memref<512xi32, #tpu.memory_space<vmem>>) semaphore(%dma_start3A_88 : memref<!tpu.dma_semaphore, #tpu.memory_space<semaphore_mem>>)
      %gt3A_89 = arith.constant 0 : i32
      %gt3A_90 = arith.cmpi sgt, %add3A_71, %gt3A_89 : i32
      %convert_element_type3A_91 = arith.extui %gt3A_90 : i1 to i32
      %cond3A_92 = arith.constant 0 : i32
      %cond3A_93 = arith.cmpi ne, %convert_element_type3A_91, %cond3A_92 : i32
      scf.if %cond3A_93 {
        %dma_wait3A_188 = arith.constant 0 : i32
        %dma_wait3A_189 = arith.constant 1 : i32
        %dma_wait3A_190 = arith.constant 0 : i32
        %dma_wait3A_191 = arith.constant 0 : i32
        %dma_wait3A_192 = tpu.memref_slice %arg10[%dma_wait3A_190, %dma_wait3A_191] : memref<32x513xf32, #tpu.memory_space<vmem>> -> memref<32x512xf32, #tpu.memory_space<vmem>>
        %dma_wait3A_193 = arith.constant 0 : i32
        %dma_wait3A_194 = arith.constant 0 : i32
        %dma_wait3A_195 = tpu.memref_slice %arg4[%dma_wait3A_188, %dma_wait3A_193, %dma_wait3A_194] : memref<50x32x16384xf32, #tpu.memory_space<hbm>> -> memref<1x32x16384xf32, #tpu.memory_space<hbm>>
        %dma_wait3A_196 = tpu.memref_squeeze %dma_wait3A_195 : memref<1x32x16384xf32, #tpu.memory_space<hbm>> -> memref<32x16384xf32, #tpu.memory_space<hbm>>
        %dma_wait3A_197 = arith.constant 0 : i32
        %dma_wait3A_198 = arith.constant 0 : i32
        %dma_wait3A_199 = tpu.memref_slice %dma_wait3A_196[%dma_wait3A_197, %dma_wait3A_198] : memref<32x16384xf32, #tpu.memory_space<hbm>> -> memref<32x512xf32, #tpu.memory_space<hbm>>
        %dma_wait3A_200 = tpu.memref_slice %arg13[%dma_wait3A_189] : memref<2x!tpu.dma_semaphore, #tpu.memory_space<semaphore_mem>> -> memref<1x!tpu.dma_semaphore, #tpu.memory_space<semaphore_mem>>
        %dma_wait3A_201 = tpu.memref_squeeze %dma_wait3A_200 : memref<1x!tpu.dma_semaphore, #tpu.memory_space<semaphore_mem>> -> memref<!tpu.dma_semaphore, #tpu.memory_space<semaphore_mem>>
        %dma_wait3A_202 = arith.constant 0 : i32
        %dma_wait3A_203 = arith.constant 0 : i32
        %dma_wait3A_204 = tpu.memref_slice %arg4[%dma_wait3A_188, %dma_wait3A_202, %dma_wait3A_203] : memref<50x32x16384xf32, #tpu.memory_space<hbm>> -> memref<1x32x16384xf32, #tpu.memory_space<hbm>>
        %dma_wait3A_205 = tpu.memref_squeeze %dma_wait3A_204 : memref<1x32x16384xf32, #tpu.memory_space<hbm>> -> memref<32x16384xf32, #tpu.memory_space<hbm>>
        %dma_wait3A_206 = arith.constant 0 : i32
        %dma_wait3A_207 = arith.constant 0 : i32
        %dma_wait3A_208 = tpu.memref_slice %dma_wait3A_205[%dma_wait3A_206, %dma_wait3A_207] : memref<32x16384xf32, #tpu.memory_space<hbm>> -> memref<32x512xf32, #tpu.memory_space<hbm>>
        %dma_wait3A_209 = arith.constant 0 : i32
        %dma_wait3A_210 = arith.constant 0 : i32
        %dma_wait3A_211 = tpu.memref_slice %arg10[%dma_wait3A_209, %dma_wait3A_210] : memref<32x513xf32, #tpu.memory_space<vmem>> -> memref<32x512xf32, #tpu.memory_space<vmem>>
        tpu.wait_dma2 semaphore(%dma_wait3A_201 : memref<!tpu.dma_semaphore, #tpu.memory_space<semaphore_mem>>) src(%dma_wait3A_211 : memref<32x512xf32, #tpu.memory_space<vmem>>) dst(%dma_wait3A_208 : memref<32x512xf32, #tpu.memory_space<hbm>>)
      } else {
      }
      %dma_wait3A_94 = arith.constant 1 : i32
      %dma_wait3A_95 = arith.constant 0 : i32
      %dma_wait3A_96 = tpu.memref_slice %arg2[%dma_wait3A_95] : memref<819200xi32, #tpu.memory_space<hbm>> -> memref<512xi32, #tpu.memory_space<hbm>>
      %dma_wait3A_97 = tpu.memref_slice %arg11[%dma_wait3A_94] : memref<2x!tpu.dma_semaphore, #tpu.memory_space<semaphore_mem>> -> memref<1x!tpu.dma_semaphore, #tpu.memory_space<semaphore_mem>>
      %dma_wait3A_98 = tpu.memref_squeeze %dma_wait3A_97 : memref<1x!tpu.dma_semaphore, #tpu.memory_space<semaphore_mem>> -> memref<!tpu.dma_semaphore, #tpu.memory_space<semaphore_mem>>
      %dma_wait3A_99 = arith.constant 0 : i32
      %dma_wait3A_100 = tpu.memref_slice %arg2[%dma_wait3A_99] : memref<819200xi32, #tpu.memory_space<hbm>> -> memref<512xi32, #tpu.memory_space<hbm>>
      tpu.wait_dma2 semaphore(%dma_wait3A_98 : memref<!tpu.dma_semaphore, #tpu.memory_space<semaphore_mem>>) src(%dma_wait3A_100 : memref<512xi32, #tpu.memory_space<hbm>>) dst(%arg6 : memref<512xi32, #tpu.memory_space<vmem>>)
      %dma_start3A_101 = arith.constant 1 : i32
      %dma_start3A_102 = arith.constant 0 : i32
      %dma_start3A_103 = arith.constant 0 : i32
      %dma_start3A_104 = tpu.memref_slice %arg3[%dma_start3A_102, %dma_start3A_103] : memref<1000000x32xf32, #tpu.memory_space<hbm>> -> memref<1000000x32xf32, #tpu.memory_space<hbm>>
      %dma_start3A_105 = tpu.memref_slice %arg12[%dma_start3A_101] : memref<2x!tpu.dma_semaphore, #tpu.memory_space<semaphore_mem>> -> memref<1x!tpu.dma_semaphore, #tpu.memory_space<semaphore_mem>>
      %dma_start3A_106 = tpu.memref_squeeze %dma_start3A_105 : memref<1x!tpu.dma_semaphore, #tpu.memory_space<semaphore_mem>> -> memref<!tpu.dma_semaphore, #tpu.memory_space<semaphore_mem>>
      tpu.enqueue_indirect_dma source(%dma_start3A_104 : memref<1000000x32xf32, #tpu.memory_space<hbm>>) target(%arg8 : memref<512x32xf32, #tpu.memory_space<vmem>>) offsets(%arg6 : memref<512xi32, #tpu.memory_space<vmem>>) semaphore(%dma_start3A_106 : memref<!tpu.dma_semaphore, #tpu.memory_space<semaphore_mem>>)
      %add3A_107 = arith.constant 0 : i32
      %add3A_108 = arith.addi %mul3A_73, %add3A_107 : i32
      %dma_wait3A_109 = arith.constant 0 : i32
      %dma_wait3A_110 = arith.constant 0 : i32
      %dma_wait3A_111 = arith.constant 0 : i32
      %dma_wait3A_112 = tpu.memref_slice %arg3[%dma_wait3A_110, %dma_wait3A_111] : memref<1000000x32xf32, #tpu.memory_space<hbm>> -> memref<1000000x32xf32, #tpu.memory_space<hbm>>
      %dma_wait3A_113 = tpu.memref_slice %arg12[%dma_wait3A_109] : memref<2x!tpu.dma_semaphore, #tpu.memory_space<semaphore_mem>> -> memref<1x!tpu.dma_semaphore, #tpu.memory_space<semaphore_mem>>
      %dma_wait3A_114 = tpu.memref_squeeze %dma_wait3A_113 : memref<1x!tpu.dma_semaphore, #tpu.memory_space<semaphore_mem>> -> memref<!tpu.dma_semaphore, #tpu.memory_space<semaphore_mem>>
      tpu.wait_indirect_dma semaphore(%dma_wait3A_114 : memref<!tpu.dma_semaphore, #tpu.memory_space<semaphore_mem>>) src(%dma_wait3A_112 : memref<1000000x32xf32, #tpu.memory_space<hbm>>) dst(%arg7 : memref<512x32xf32, #tpu.memory_space<vmem>>)
      %add3A_115 = arith.constant 2 : i32
      %add3A_116 = arith.addi %add3A_108, %add3A_115 : i32
      %lt3A = arith.constant 50 : i32
      %lt3A_117 = arith.cmpi slt, %add3A_116, %lt3A : i32
      %convert_element_type3A_118 = arith.extui %lt3A_117 : i1 to i32
      %cond3A_119 = arith.constant 0 : i32
      %cond3A_120 = arith.cmpi ne, %convert_element_type3A_118, %cond3A_119 : i32
      scf.if %cond3A_120 {
        %add3A_188 = arith.constant 2 : i32
        %add3A_189 = arith.addi %add3A_108, %add3A_188 : i32
        %mul3A_190 = arith.constant 16384 : i32
        %mul3A_191 = arith.muli %add3A_189, %mul3A_190 : i32
        %add3A_192 = arith.addi %mul3A_191, %mul3A_2 : i32
        %dma_start3A_193 = arith.constant 0 : i32
        %dma_start3A_194 = tpu.memref_slice %arg2[%add3A_192] : memref<819200xi32, #tpu.memory_space<hbm>> -> memref<512xi32, #tpu.memory_space<hbm>>
        %dma_start3A_195 = tpu.memref_slice %arg11[%dma_start3A_193] : memref<2x!tpu.dma_semaphore, #tpu.memory_space<semaphore_mem>> -> memref<1x!tpu.dma_semaphore, #tpu.memory_space<semaphore_mem>>
        %dma_start3A_196 = tpu.memref_squeeze %dma_start3A_195 : memref<1x!tpu.dma_semaphore, #tpu.memory_space<semaphore_mem>> -> memref<!tpu.dma_semaphore, #tpu.memory_space<semaphore_mem>>
        %dma_start3A_197 = tpu.memref_slice %arg2[%add3A_192] : memref<819200xi32, #tpu.memory_space<hbm>> -> memref<512xi32, #tpu.memory_space<hbm>>
        tpu.enqueue_dma source(%dma_start3A_197 : memref<512xi32, #tpu.memory_space<hbm>>) target(%arg5 : memref<512xi32, #tpu.memory_space<vmem>>) target_semaphore(%dma_start3A_196 : memref<!tpu.dma_semaphore, #tpu.memory_space<semaphore_mem>>)
      } else {
      }
      %scan3A_121 = arith.constant 0 : i32
      %scan3A_122 = arith.constant 512 : i32
      %scan3A_123 = arith.addi %scan3A_121, %scan3A_122 : i32
      %scan3A_124 = arith.constant 16 : i32
      scf.for %scan3A_188 = %scan3A_121 to %scan3A_123 step %scan3A_124  : i32 {
        %mul3A_189 = arith.constant 1 : i32
        %mul3A_190 = arith.muli %scan3A_188, %mul3A_189 : i32
        %add3A_191 = arith.constant 0 : i32
        %add3A_192 = arith.addi %add3A_191, %mul3A_190 : i32
        %broadcast_in_dim3A = vector.broadcast %add3A_192 : i32 to vector<16xi32>
        %get3A = arith.index_cast %add3A_192 : i32 to index
        %get3A_193 = arith.constant 0 : index
        %get3A_194 = tpu.vector_load %arg7[%get3A, %get3A_193] {strides = array<i32>} : memref<512x32xf32, #tpu.memory_space<vmem>>, vector<16xf32>,
        %add3A_195 = arith.constant 0 : i32
        %add3A_196 = vector.broadcast %add3A_195 : i32 to vector<16xi32>
        %add3A_197 = arith.addi %iota3A, %add3A_196 : vector<16xi32>
        tpu.vector_store_idx %arg9[%add3A_197, %broadcast_in_dim3A], %get3A_194 : memref<32x513xf32, #tpu.memory_space<vmem>>[vector<16xi32>, vector<16xi32>], vector<16xf32>,
        %get3A_198 = arith.index_cast %add3A_192 : i32 to index
        %get3A_199 = arith.constant 16 : index
        %get3A_200 = tpu.vector_load %arg7[%get3A_198, %get3A_199] {strides = array<i32>} : memref<512x32xf32, #tpu.memory_space<vmem>>, vector<16xf32>,
        %add3A_201 = arith.constant 16 : i32
        %add3A_202 = vector.broadcast %add3A_201 : i32 to vector<16xi32>
        %add3A_203 = arith.addi %iota3A, %add3A_202 : vector<16xi32>
        tpu.vector_store_idx %arg9[%add3A_203, %broadcast_in_dim3A], %get3A_200 : memref<32x513xf32, #tpu.memory_space<vmem>>[vector<16xi32>, vector<16xi32>], vector<16xf32>,
        %scan3A_204 = arith.constant 1 : i32
        %scan3A_205 = arith.addi %scan3A_188, %scan3A_204 : i32
        %mul3A_206 = arith.constant 1 : i32
        %mul3A_207 = arith.muli %scan3A_205, %mul3A_206 : i32
        %add3A_208 = arith.constant 0 : i32
        %add3A_209 = arith.addi %add3A_208, %mul3A_207 : i32
        %broadcast_in_dim3A_210 = vector.broadcast %add3A_209 : i32 to vector<16xi32>
        %get3A_211 = arith.index_cast %add3A_209 : i32 to index
        %get3A_212 = arith.constant 0 : index
        %get3A_213 = tpu.vector_load %arg7[%get3A_211, %get3A_212] {strides = array<i32>} : memref<512x32xf32, #tpu.memory_space<vmem>>, vector<16xf32>,
        %add3A_214 = arith.constant 0 : i32
        %add3A_215 = vector.broadcast %add3A_214 : i32 to vector<16xi32>
        %add3A_216 = arith.addi %iota3A, %add3A_215 : vector<16xi32>
        tpu.vector_store_idx %arg9[%add3A_216, %broadcast_in_dim3A_210], %get3A_213 : memref<32x513xf32, #tpu.memory_space<vmem>>[vector<16xi32>, vector<16xi32>], vector<16xf32>,
        %get3A_217 = arith.index_cast %add3A_209 : i32 to index
        %get3A_218 = arith.constant 16 : index
        %get3A_219 = tpu.vector_load %arg7[%get3A_217, %get3A_218] {strides = array<i32>} : memref<512x32xf32, #tpu.memory_space<vmem>>, vector<16xf32>,
        %add3A_220 = arith.constant 16 : i32
        %add3A_221 = vector.broadcast %add3A_220 : i32 to vector<16xi32>
        %add3A_222 = arith.addi %iota3A, %add3A_221 : vector<16xi32>
        tpu.vector_store_idx %arg9[%add3A_222, %broadcast_in_dim3A_210], %get3A_219 : memref<32x513xf32, #tpu.memory_space<vmem>>[vector<16xi32>, vector<16xi32>], vector<16xf32>,
        %scan3A_223 = arith.constant 2 : i32
        %scan3A_224 = arith.addi %scan3A_188, %scan3A_223 : i32
        %mul3A_225 = arith.constant 1 : i32
        %mul3A_226 = arith.muli %scan3A_224, %mul3A_225 : i32
        %add3A_227 = arith.constant 0 : i32
        %add3A_228 = arith.addi %add3A_227, %mul3A_226 : i32
        %broadcast_in_dim3A_229 = vector.broadcast %add3A_228 : i32 to vector<16xi32>
        %get3A_230 = arith.index_cast %add3A_228 : i32 to index
        %get3A_231 = arith.constant 0 : index
        %get3A_232 = tpu.vector_load %arg7[%get3A_230, %get3A_231] {strides = array<i32>} : memref<512x32xf32, #tpu.memory_space<vmem>>, vector<16xf32>,
        %add3A_233 = arith.constant 0 : i32
        %add3A_234 = vector.broadcast %add3A_233 : i32 to vector<16xi32>
        %add3A_235 = arith.addi %iota3A, %add3A_234 : vector<16xi32>
        tpu.vector_store_idx %arg9[%add3A_235, %broadcast_in_dim3A_229], %get3A_232 : memref<32x513xf32, #tpu.memory_space<vmem>>[vector<16xi32>, vector<16xi32>], vector<16xf32>,
        %get3A_236 = arith.index_cast %add3A_228 : i32 to index
        %get3A_237 = arith.constant 16 : index
        %get3A_238 = tpu.vector_load %arg7[%get3A_236, %get3A_237] {strides = array<i32>} : memref<512x32xf32, #tpu.memory_space<vmem>>, vector<16xf32>,
        %add3A_239 = arith.constant 16 : i32
        %add3A_240 = vector.broadcast %add3A_239 : i32 to vector<16xi32>
        %add3A_241 = arith.addi %iota3A, %add3A_240 : vector<16xi32>
        tpu.vector_store_idx %arg9[%add3A_241, %broadcast_in_dim3A_229], %get3A_238 : memref<32x513xf32, #tpu.memory_space<vmem>>[vector<16xi32>, vector<16xi32>], vector<16xf32>,
        %scan3A_242 = arith.constant 3 : i32
        %scan3A_243 = arith.addi %scan3A_188, %scan3A_242 : i32
        %mul3A_244 = arith.constant 1 : i32
        %mul3A_245 = arith.muli %scan3A_243, %mul3A_244 : i32
        %add3A_246 = arith.constant 0 : i32
        %add3A_247 = arith.addi %add3A_246, %mul3A_245 : i32
        %broadcast_in_dim3A_248 = vector.broadcast %add3A_247 : i32 to vector<16xi32>
        %get3A_249 = arith.index_cast %add3A_247 : i32 to index
        %get3A_250 = arith.constant 0 : index
        %get3A_251 = tpu.vector_load %arg7[%get3A_249, %get3A_250] {strides = array<i32>} : memref<512x32xf32, #tpu.memory_space<vmem>>, vector<16xf32>,
        %add3A_252 = arith.constant 0 : i32
        %add3A_253 = vector.broadcast %add3A_252 : i32 to vector<16xi32>
        %add3A_254 = arith.addi %iota3A, %add3A_253 : vector<16xi32>
        tpu.vector_store_idx %arg9[%add3A_254, %broadcast_in_dim3A_248], %get3A_251 : memref<32x513xf32, #tpu.memory_space<vmem>>[vector<16xi32>, vector<16xi32>], vector<16xf32>,
        %get3A_255 = arith.index_cast %add3A_247 : i32 to index
        %get3A_256 = arith.constant 16 : index
        %get3A_257 = tpu.vector_load %arg7[%get3A_255, %get3A_256] {strides = array<i32>} : memref<512x32xf32, #tpu.memory_space<vmem>>, vector<16xf32>,
        %add3A_258 = arith.constant 16 : i32
        %add3A_259 = vector.broadcast %add3A_258 : i32 to vector<16xi32>
        %add3A_260 = arith.addi %iota3A, %add3A_259 : vector<16xi32>
        tpu.vector_store_idx %arg9[%add3A_260, %broadcast_in_dim3A_248], %get3A_257 : memref<32x513xf32, #tpu.memory_space<vmem>>[vector<16xi32>, vector<16xi32>], vector<16xf32>,
        %scan3A_261 = arith.constant 4 : i32
        %scan3A_262 = arith.addi %scan3A_188, %scan3A_261 : i32
        %mul3A_263 = arith.constant 1 : i32
        %mul3A_264 = arith.muli %scan3A_262, %mul3A_263 : i32
        %add3A_265 = arith.constant 0 : i32
        %add3A_266 = arith.addi %add3A_265, %mul3A_264 : i32
        %broadcast_in_dim3A_267 = vector.broadcast %add3A_266 : i32 to vector<16xi32>
        %get3A_268 = arith.index_cast %add3A_266 : i32 to index
        %get3A_269 = arith.constant 0 : index
        %get3A_270 = tpu.vector_load %arg7[%get3A_268, %get3A_269] {strides = array<i32>} : memref<512x32xf32, #tpu.memory_space<vmem>>, vector<16xf32>,
        %add3A_271 = arith.constant 0 : i32
        %add3A_272 = vector.broadcast %add3A_271 : i32 to vector<16xi32>
        %add3A_273 = arith.addi %iota3A, %add3A_272 : vector<16xi32>
        tpu.vector_store_idx %arg9[%add3A_273, %broadcast_in_dim3A_267], %get3A_270 : memref<32x513xf32, #tpu.memory_space<vmem>>[vector<16xi32>, vector<16xi32>], vector<16xf32>,
        %get3A_274 = arith.index_cast %add3A_266 : i32 to index
        %get3A_275 = arith.constant 16 : index
        %get3A_276 = tpu.vector_load %arg7[%get3A_274, %get3A_275] {strides = array<i32>} : memref<512x32xf32, #tpu.memory_space<vmem>>, vector<16xf32>,
        %add3A_277 = arith.constant 16 : i32
        %add3A_278 = vector.broadcast %add3A_277 : i32 to vector<16xi32>
        %add3A_279 = arith.addi %iota3A, %add3A_278 : vector<16xi32>
        tpu.vector_store_idx %arg9[%add3A_279, %broadcast_in_dim3A_267], %get3A_276 : memref<32x513xf32, #tpu.memory_space<vmem>>[vector<16xi32>, vector<16xi32>], vector<16xf32>,
        %scan3A_280 = arith.constant 5 : i32
        %scan3A_281 = arith.addi %scan3A_188, %scan3A_280 : i32
        %mul3A_282 = arith.constant 1 : i32
        %mul3A_283 = arith.muli %scan3A_281, %mul3A_282 : i32
        %add3A_284 = arith.constant 0 : i32
        %add3A_285 = arith.addi %add3A_284, %mul3A_283 : i32
        %broadcast_in_dim3A_286 = vector.broadcast %add3A_285 : i32 to vector<16xi32>
        %get3A_287 = arith.index_cast %add3A_285 : i32 to index
        %get3A_288 = arith.constant 0 : index
        %get3A_289 = tpu.vector_load %arg7[%get3A_287, %get3A_288] {strides = array<i32>} : memref<512x32xf32, #tpu.memory_space<vmem>>, vector<16xf32>,
        %add3A_290 = arith.constant 0 : i32
        %add3A_291 = vector.broadcast %add3A_290 : i32 to vector<16xi32>
        %add3A_292 = arith.addi %iota3A, %add3A_291 : vector<16xi32>
        tpu.vector_store_idx %arg9[%add3A_292, %broadcast_in_dim3A_286], %get3A_289 : memref<32x513xf32, #tpu.memory_space<vmem>>[vector<16xi32>, vector<16xi32>], vector<16xf32>,
        %get3A_293 = arith.index_cast %add3A_285 : i32 to index
        %get3A_294 = arith.constant 16 : index
        %get3A_295 = tpu.vector_load %arg7[%get3A_293, %get3A_294] {strides = array<i32>} : memref<512x32xf32, #tpu.memory_space<vmem>>, vector<16xf32>,
        %add3A_296 = arith.constant 16 : i32
        %add3A_297 = vector.broadcast %add3A_296 : i32 to vector<16xi32>
        %add3A_298 = arith.addi %iota3A, %add3A_297 : vector<16xi32>
        tpu.vector_store_idx %arg9[%add3A_298, %broadcast_in_dim3A_286], %get3A_295 : memref<32x513xf32, #tpu.memory_space<vmem>>[vector<16xi32>, vector<16xi32>], vector<16xf32>,
        %scan3A_299 = arith.constant 6 : i32
        %scan3A_300 = arith.addi %scan3A_188, %scan3A_299 : i32
        %mul3A_301 = arith.constant 1 : i32
        %mul3A_302 = arith.muli %scan3A_300, %mul3A_301 : i32
        %add3A_303 = arith.constant 0 : i32
        %add3A_304 = arith.addi %add3A_303, %mul3A_302 : i32
        %broadcast_in_dim3A_305 = vector.broadcast %add3A_304 : i32 to vector<16xi32>
        %get3A_306 = arith.index_cast %add3A_304 : i32 to index
        %get3A_307 = arith.constant 0 : index
        %get3A_308 = tpu.vector_load %arg7[%get3A_306, %get3A_307] {strides = array<i32>} : memref<512x32xf32, #tpu.memory_space<vmem>>, vector<16xf32>,
        %add3A_309 = arith.constant 0 : i32
        %add3A_310 = vector.broadcast %add3A_309 : i32 to vector<16xi32>
        %add3A_311 = arith.addi %iota3A, %add3A_310 : vector<16xi32>
        tpu.vector_store_idx %arg9[%add3A_311, %broadcast_in_dim3A_305], %get3A_308 : memref<32x513xf32, #tpu.memory_space<vmem>>[vector<16xi32>, vector<16xi32>], vector<16xf32>,
        %get3A_312 = arith.index_cast %add3A_304 : i32 to index
        %get3A_313 = arith.constant 16 : index
        %get3A_314 = tpu.vector_load %arg7[%get3A_312, %get3A_313] {strides = array<i32>} : memref<512x32xf32, #tpu.memory_space<vmem>>, vector<16xf32>,
        %add3A_315 = arith.constant 16 : i32
        %add3A_316 = vector.broadcast %add3A_315 : i32 to vector<16xi32>
        %add3A_317 = arith.addi %iota3A, %add3A_316 : vector<16xi32>
        tpu.vector_store_idx %arg9[%add3A_317, %broadcast_in_dim3A_305], %get3A_314 : memref<32x513xf32, #tpu.memory_space<vmem>>[vector<16xi32>, vector<16xi32>], vector<16xf32>,
        %scan3A_318 = arith.constant 7 : i32
        %scan3A_319 = arith.addi %scan3A_188, %scan3A_318 : i32
        %mul3A_320 = arith.constant 1 : i32
        %mul3A_321 = arith.muli %scan3A_319, %mul3A_320 : i32
        %add3A_322 = arith.constant 0 : i32
        %add3A_323 = arith.addi %add3A_322, %mul3A_321 : i32
        %broadcast_in_dim3A_324 = vector.broadcast %add3A_323 : i32 to vector<16xi32>
        %get3A_325 = arith.index_cast %add3A_323 : i32 to index
        %get3A_326 = arith.constant 0 : index
        %get3A_327 = tpu.vector_load %arg7[%get3A_325, %get3A_326] {strides = array<i32>} : memref<512x32xf32, #tpu.memory_space<vmem>>, vector<16xf32>,
        %add3A_328 = arith.constant 0 : i32
        %add3A_329 = vector.broadcast %add3A_328 : i32 to vector<16xi32>
        %add3A_330 = arith.addi %iota3A, %add3A_329 : vector<16xi32>
        tpu.vector_store_idx %arg9[%add3A_330, %broadcast_in_dim3A_324], %get3A_327 : memref<32x513xf32, #tpu.memory_space<vmem>>[vector<16xi32>, vector<16xi32>], vector<16xf32>,
        %get3A_331 = arith.index_cast %add3A_323 : i32 to index
        %get3A_332 = arith.constant 16 : index
        %get3A_333 = tpu.vector_load %arg7[%get3A_331, %get3A_332] {strides = array<i32>} : memref<512x32xf32, #tpu.memory_space<vmem>>, vector<16xf32>,
        %add3A_334 = arith.constant 16 : i32
        %add3A_335 = vector.broadcast %add3A_334 : i32 to vector<16xi32>
        %add3A_336 = arith.addi %iota3A, %add3A_335 : vector<16xi32>
        tpu.vector_store_idx %arg9[%add3A_336, %broadcast_in_dim3A_324], %get3A_333 : memref<32x513xf32, #tpu.memory_space<vmem>>[vector<16xi32>, vector<16xi32>], vector<16xf32>,
        %scan3A_337 = arith.constant 8 : i32
        %scan3A_338 = arith.addi %scan3A_188, %scan3A_337 : i32
        %mul3A_339 = arith.constant 1 : i32
        %mul3A_340 = arith.muli %scan3A_338, %mul3A_339 : i32
        %add3A_341 = arith.constant 0 : i32
        %add3A_342 = arith.addi %add3A_341, %mul3A_340 : i32
        %broadcast_in_dim3A_343 = vector.broadcast %add3A_342 : i32 to vector<16xi32>
        %get3A_344 = arith.index_cast %add3A_342 : i32 to index
        %get3A_345 = arith.constant 0 : index
        %get3A_346 = tpu.vector_load %arg7[%get3A_344, %get3A_345] {strides = array<i32>} : memref<512x32xf32, #tpu.memory_space<vmem>>, vector<16xf32>,
        %add3A_347 = arith.constant 0 : i32
        %add3A_348 = vector.broadcast %add3A_347 : i32 to vector<16xi32>
        %add3A_349 = arith.addi %iota3A, %add3A_348 : vector<16xi32>
        tpu.vector_store_idx %arg9[%add3A_349, %broadcast_in_dim3A_343], %get3A_346 : memref<32x513xf32, #tpu.memory_space<vmem>>[vector<16xi32>, vector<16xi32>], vector<16xf32>,
        %get3A_350 = arith.index_cast %add3A_342 : i32 to index
        %get3A_351 = arith.constant 16 : index
        %get3A_352 = tpu.vector_load %arg7[%get3A_350, %get3A_351] {strides = array<i32>} : memref<512x32xf32, #tpu.memory_space<vmem>>, vector<16xf32>,
        %add3A_353 = arith.constant 16 : i32
        %add3A_354 = vector.broadcast %add3A_353 : i32 to vector<16xi32>
        %add3A_355 = arith.addi %iota3A, %add3A_354 : vector<16xi32>
        tpu.vector_store_idx %arg9[%add3A_355, %broadcast_in_dim3A_343], %get3A_352 : memref<32x513xf32, #tpu.memory_space<vmem>>[vector<16xi32>, vector<16xi32>], vector<16xf32>,
        %scan3A_356 = arith.constant 9 : i32
        %scan3A_357 = arith.addi %scan3A_188, %scan3A_356 : i32
        %mul3A_358 = arith.constant 1 : i32
        %mul3A_359 = arith.muli %scan3A_357, %mul3A_358 : i32
        %add3A_360 = arith.constant 0 : i32
        %add3A_361 = arith.addi %add3A_360, %mul3A_359 : i32
        %broadcast_in_dim3A_362 = vector.broadcast %add3A_361 : i32 to vector<16xi32>
        %get3A_363 = arith.index_cast %add3A_361 : i32 to index
        %get3A_364 = arith.constant 0 : index
        %get3A_365 = tpu.vector_load %arg7[%get3A_363, %get3A_364] {strides = array<i32>} : memref<512x32xf32, #tpu.memory_space<vmem>>, vector<16xf32>,
        %add3A_366 = arith.constant 0 : i32
        %add3A_367 = vector.broadcast %add3A_366 : i32 to vector<16xi32>
        %add3A_368 = arith.addi %iota3A, %add3A_367 : vector<16xi32>
        tpu.vector_store_idx %arg9[%add3A_368, %broadcast_in_dim3A_362], %get3A_365 : memref<32x513xf32, #tpu.memory_space<vmem>>[vector<16xi32>, vector<16xi32>], vector<16xf32>,
        %get3A_369 = arith.index_cast %add3A_361 : i32 to index
        %get3A_370 = arith.constant 16 : index
        %get3A_371 = tpu.vector_load %arg7[%get3A_369, %get3A_370] {strides = array<i32>} : memref<512x32xf32, #tpu.memory_space<vmem>>, vector<16xf32>,
        %add3A_372 = arith.constant 16 : i32
        %add3A_373 = vector.broadcast %add3A_372 : i32 to vector<16xi32>
        %add3A_374 = arith.addi %iota3A, %add3A_373 : vector<16xi32>
        tpu.vector_store_idx %arg9[%add3A_374, %broadcast_in_dim3A_362], %get3A_371 : memref<32x513xf32, #tpu.memory_space<vmem>>[vector<16xi32>, vector<16xi32>], vector<16xf32>,
        %scan3A_375 = arith.constant 10 : i32
        %scan3A_376 = arith.addi %scan3A_188, %scan3A_375 : i32
        %mul3A_377 = arith.constant 1 : i32
        %mul3A_378 = arith.muli %scan3A_376, %mul3A_377 : i32
        %add3A_379 = arith.constant 0 : i32
        %add3A_380 = arith.addi %add3A_379, %mul3A_378 : i32
        %broadcast_in_dim3A_381 = vector.broadcast %add3A_380 : i32 to vector<16xi32>
        %get3A_382 = arith.index_cast %add3A_380 : i32 to index
        %get3A_383 = arith.constant 0 : index
        %get3A_384 = tpu.vector_load %arg7[%get3A_382, %get3A_383] {strides = array<i32>} : memref<512x32xf32, #tpu.memory_space<vmem>>, vector<16xf32>,
        %add3A_385 = arith.constant 0 : i32
        %add3A_386 = vector.broadcast %add3A_385 : i32 to vector<16xi32>
        %add3A_387 = arith.addi %iota3A, %add3A_386 : vector<16xi32>
        tpu.vector_store_idx %arg9[%add3A_387, %broadcast_in_dim3A_381], %get3A_384 : memref<32x513xf32, #tpu.memory_space<vmem>>[vector<16xi32>, vector<16xi32>], vector<16xf32>,
        %get3A_388 = arith.index_cast %add3A_380 : i32 to index
        %get3A_389 = arith.constant 16 : index
        %get3A_390 = tpu.vector_load %arg7[%get3A_388, %get3A_389] {strides = array<i32>} : memref<512x32xf32, #tpu.memory_space<vmem>>, vector<16xf32>,
        %add3A_391 = arith.constant 16 : i32
        %add3A_392 = vector.broadcast %add3A_391 : i32 to vector<16xi32>
        %add3A_393 = arith.addi %iota3A, %add3A_392 : vector<16xi32>
        tpu.vector_store_idx %arg9[%add3A_393, %broadcast_in_dim3A_381], %get3A_390 : memref<32x513xf32, #tpu.memory_space<vmem>>[vector<16xi32>, vector<16xi32>], vector<16xf32>,
        %scan3A_394 = arith.constant 11 : i32
        %scan3A_395 = arith.addi %scan3A_188, %scan3A_394 : i32
        %mul3A_396 = arith.constant 1 : i32
        %mul3A_397 = arith.muli %scan3A_395, %mul3A_396 : i32
        %add3A_398 = arith.constant 0 : i32
        %add3A_399 = arith.addi %add3A_398, %mul3A_397 : i32
        %broadcast_in_dim3A_400 = vector.broadcast %add3A_399 : i32 to vector<16xi32>
        %get3A_401 = arith.index_cast %add3A_399 : i32 to index
        %get3A_402 = arith.constant 0 : index
        %get3A_403 = tpu.vector_load %arg7[%get3A_401, %get3A_402] {strides = array<i32>} : memref<512x32xf32, #tpu.memory_space<vmem>>, vector<16xf32>,
        %add3A_404 = arith.constant 0 : i32
        %add3A_405 = vector.broadcast %add3A_404 : i32 to vector<16xi32>
        %add3A_406 = arith.addi %iota3A, %add3A_405 : vector<16xi32>
        tpu.vector_store_idx %arg9[%add3A_406, %broadcast_in_dim3A_400], %get3A_403 : memref<32x513xf32, #tpu.memory_space<vmem>>[vector<16xi32>, vector<16xi32>], vector<16xf32>,
        %get3A_407 = arith.index_cast %add3A_399 : i32 to index
        %get3A_408 = arith.constant 16 : index
        %get3A_409 = tpu.vector_load %arg7[%get3A_407, %get3A_408] {strides = array<i32>} : memref<512x32xf32, #tpu.memory_space<vmem>>, vector<16xf32>,
        %add3A_410 = arith.constant 16 : i32
        %add3A_411 = vector.broadcast %add3A_410 : i32 to vector<16xi32>
        %add3A_412 = arith.addi %iota3A, %add3A_411 : vector<16xi32>
        tpu.vector_store_idx %arg9[%add3A_412, %broadcast_in_dim3A_400], %get3A_409 : memref<32x513xf32, #tpu.memory_space<vmem>>[vector<16xi32>, vector<16xi32>], vector<16xf32>,
        %scan3A_413 = arith.constant 12 : i32
        %scan3A_414 = arith.addi %scan3A_188, %scan3A_413 : i32
        %mul3A_415 = arith.constant 1 : i32
        %mul3A_416 = arith.muli %scan3A_414, %mul3A_415 : i32
        %add3A_417 = arith.constant 0 : i32
        %add3A_418 = arith.addi %add3A_417, %mul3A_416 : i32
        %broadcast_in_dim3A_419 = vector.broadcast %add3A_418 : i32 to vector<16xi32>
        %get3A_420 = arith.index_cast %add3A_418 : i32 to index
        %get3A_421 = arith.constant 0 : index
        %get3A_422 = tpu.vector_load %arg7[%get3A_420, %get3A_421] {strides = array<i32>} : memref<512x32xf32, #tpu.memory_space<vmem>>, vector<16xf32>,
        %add3A_423 = arith.constant 0 : i32
        %add3A_424 = vector.broadcast %add3A_423 : i32 to vector<16xi32>
        %add3A_425 = arith.addi %iota3A, %add3A_424 : vector<16xi32>
        tpu.vector_store_idx %arg9[%add3A_425, %broadcast_in_dim3A_419], %get3A_422 : memref<32x513xf32, #tpu.memory_space<vmem>>[vector<16xi32>, vector<16xi32>], vector<16xf32>,
        %get3A_426 = arith.index_cast %add3A_418 : i32 to index
        %get3A_427 = arith.constant 16 : index
        %get3A_428 = tpu.vector_load %arg7[%get3A_426, %get3A_427] {strides = array<i32>} : memref<512x32xf32, #tpu.memory_space<vmem>>, vector<16xf32>,
        %add3A_429 = arith.constant 16 : i32
        %add3A_430 = vector.broadcast %add3A_429 : i32 to vector<16xi32>
        %add3A_431 = arith.addi %iota3A, %add3A_430 : vector<16xi32>
        tpu.vector_store_idx %arg9[%add3A_431, %broadcast_in_dim3A_419], %get3A_428 : memref<32x513xf32, #tpu.memory_space<vmem>>[vector<16xi32>, vector<16xi32>], vector<16xf32>,
        %scan3A_432 = arith.constant 13 : i32
        %scan3A_433 = arith.addi %scan3A_188, %scan3A_432 : i32
        %mul3A_434 = arith.constant 1 : i32
        %mul3A_435 = arith.muli %scan3A_433, %mul3A_434 : i32
        %add3A_436 = arith.constant 0 : i32
        %add3A_437 = arith.addi %add3A_436, %mul3A_435 : i32
        %broadcast_in_dim3A_438 = vector.broadcast %add3A_437 : i32 to vector<16xi32>
        %get3A_439 = arith.index_cast %add3A_437 : i32 to index
        %get3A_440 = arith.constant 0 : index
        %get3A_441 = tpu.vector_load %arg7[%get3A_439, %get3A_440] {strides = array<i32>} : memref<512x32xf32, #tpu.memory_space<vmem>>, vector<16xf32>,
        %add3A_442 = arith.constant 0 : i32
        %add3A_443 = vector.broadcast %add3A_442 : i32 to vector<16xi32>
        %add3A_444 = arith.addi %iota3A, %add3A_443 : vector<16xi32>
        tpu.vector_store_idx %arg9[%add3A_444, %broadcast_in_dim3A_438], %get3A_441 : memref<32x513xf32, #tpu.memory_space<vmem>>[vector<16xi32>, vector<16xi32>], vector<16xf32>,
        %get3A_445 = arith.index_cast %add3A_437 : i32 to index
        %get3A_446 = arith.constant 16 : index
        %get3A_447 = tpu.vector_load %arg7[%get3A_445, %get3A_446] {strides = array<i32>} : memref<512x32xf32, #tpu.memory_space<vmem>>, vector<16xf32>,
        %add3A_448 = arith.constant 16 : i32
        %add3A_449 = vector.broadcast %add3A_448 : i32 to vector<16xi32>
        %add3A_450 = arith.addi %iota3A, %add3A_449 : vector<16xi32>
        tpu.vector_store_idx %arg9[%add3A_450, %broadcast_in_dim3A_438], %get3A_447 : memref<32x513xf32, #tpu.memory_space<vmem>>[vector<16xi32>, vector<16xi32>], vector<16xf32>,
        %scan3A_451 = arith.constant 14 : i32
        %scan3A_452 = arith.addi %scan3A_188, %scan3A_451 : i32
        %mul3A_453 = arith.constant 1 : i32
        %mul3A_454 = arith.muli %scan3A_452, %mul3A_453 : i32
        %add3A_455 = arith.constant 0 : i32
        %add3A_456 = arith.addi %add3A_455, %mul3A_454 : i32
        %broadcast_in_dim3A_457 = vector.broadcast %add3A_456 : i32 to vector<16xi32>
        %get3A_458 = arith.index_cast %add3A_456 : i32 to index
        %get3A_459 = arith.constant 0 : index
        %get3A_460 = tpu.vector_load %arg7[%get3A_458, %get3A_459] {strides = array<i32>} : memref<512x32xf32, #tpu.memory_space<vmem>>, vector<16xf32>,
        %add3A_461 = arith.constant 0 : i32
        %add3A_462 = vector.broadcast %add3A_461 : i32 to vector<16xi32>
        %add3A_463 = arith.addi %iota3A, %add3A_462 : vector<16xi32>
        tpu.vector_store_idx %arg9[%add3A_463, %broadcast_in_dim3A_457], %get3A_460 : memref<32x513xf32, #tpu.memory_space<vmem>>[vector<16xi32>, vector<16xi32>], vector<16xf32>,
        %get3A_464 = arith.index_cast %add3A_456 : i32 to index
        %get3A_465 = arith.constant 16 : index
        %get3A_466 = tpu.vector_load %arg7[%get3A_464, %get3A_465] {strides = array<i32>} : memref<512x32xf32, #tpu.memory_space<vmem>>, vector<16xf32>,
        %add3A_467 = arith.constant 16 : i32
        %add3A_468 = vector.broadcast %add3A_467 : i32 to vector<16xi32>
        %add3A_469 = arith.addi %iota3A, %add3A_468 : vector<16xi32>
        tpu.vector_store_idx %arg9[%add3A_469, %broadcast_in_dim3A_457], %get3A_466 : memref<32x513xf32, #tpu.memory_space<vmem>>[vector<16xi32>, vector<16xi32>], vector<16xf32>,
        %scan3A_470 = arith.constant 15 : i32
        %scan3A_471 = arith.addi %scan3A_188, %scan3A_470 : i32
        %mul3A_472 = arith.constant 1 : i32
        %mul3A_473 = arith.muli %scan3A_471, %mul3A_472 : i32
        %add3A_474 = arith.constant 0 : i32
        %add3A_475 = arith.addi %add3A_474, %mul3A_473 : i32
        %broadcast_in_dim3A_476 = vector.broadcast %add3A_475 : i32 to vector<16xi32>
        %get3A_477 = arith.index_cast %add3A_475 : i32 to index
        %get3A_478 = arith.constant 0 : index
        %get3A_479 = tpu.vector_load %arg7[%get3A_477, %get3A_478] {strides = array<i32>} : memref<512x32xf32, #tpu.memory_space<vmem>>, vector<16xf32>,
        %add3A_480 = arith.constant 0 : i32
        %add3A_481 = vector.broadcast %add3A_480 : i32 to vector<16xi32>
        %add3A_482 = arith.addi %iota3A, %add3A_481 : vector<16xi32>
        tpu.vector_store_idx %arg9[%add3A_482, %broadcast_in_dim3A_476], %get3A_479 : memref<32x513xf32, #tpu.memory_space<vmem>>[vector<16xi32>, vector<16xi32>], vector<16xf32>,
        %get3A_483 = arith.index_cast %add3A_475 : i32 to index
        %get3A_484 = arith.constant 16 : index
        %get3A_485 = tpu.vector_load %arg7[%get3A_483, %get3A_484] {strides = array<i32>} : memref<512x32xf32, #tpu.memory_space<vmem>>, vector<16xf32>,
        %add3A_486 = arith.constant 16 : i32
        %add3A_487 = vector.broadcast %add3A_486 : i32 to vector<16xi32>
        %add3A_488 = arith.addi %iota3A, %add3A_487 : vector<16xi32>
        tpu.vector_store_idx %arg9[%add3A_488, %broadcast_in_dim3A_476], %get3A_485 : memref<32x513xf32, #tpu.memory_space<vmem>>[vector<16xi32>, vector<16xi32>], vector<16xf32>,
      }
      %scan3A_125 = arith.constant 512 : i32
      %dma_start3A_126 = arith.constant 0 : i32
      %dma_start3A_127 = arith.constant 0 : i32
      %dma_start3A_128 = arith.constant 0 : i32
      %dma_start3A_129 = tpu.memref_slice %arg9[%dma_start3A_127, %dma_start3A_128] : memref<32x513xf32, #tpu.memory_space<vmem>> -> memref<32x512xf32, #tpu.memory_space<vmem>>
      %dma_start3A_130 = arith.constant 0 : i32
      %dma_start3A_131 = arith.constant 0 : i32
      %dma_start3A_132 = tpu.memref_slice %arg4[%add3A_108, %dma_start3A_130, %dma_start3A_131] : memref<50x32x16384xf32, #tpu.memory_space<hbm>> -> memref<1x32x16384xf32, #tpu.memory_space<hbm>>
      %dma_start3A_133 = tpu.memref_squeeze %dma_start3A_132 : memref<1x32x16384xf32, #tpu.memory_space<hbm>> -> memref<32x16384xf32, #tpu.memory_space<hbm>>
      %dma_start3A_134 = arith.constant 0 : i32
      %dma_start3A_135 = tpu.memref_slice %dma_start3A_133[%dma_start3A_134, %mul3A_2] : memref<32x16384xf32, #tpu.memory_space<hbm>> -> memref<32x512xf32, #tpu.memory_space<hbm>>
      %dma_start3A_136 = tpu.memref_slice %arg13[%dma_start3A_126] : memref<2x!tpu.dma_semaphore, #tpu.memory_space<semaphore_mem>> -> memref<1x!tpu.dma_semaphore, #tpu.memory_space<semaphore_mem>>
      %dma_start3A_137 = tpu.memref_squeeze %dma_start3A_136 : memref<1x!tpu.dma_semaphore, #tpu.memory_space<semaphore_mem>> -> memref<!tpu.dma_semaphore, #tpu.memory_space<semaphore_mem>>
      %dma_start3A_138 = arith.constant 0 : i32
      %dma_start3A_139 = arith.constant 0 : i32
      %dma_start3A_140 = tpu.memref_slice %arg4[%add3A_108, %dma_start3A_138, %dma_start3A_139] : memref<50x32x16384xf32, #tpu.memory_space<hbm>> -> memref<1x32x16384xf32, #tpu.memory_space<hbm>>
      %dma_start3A_141 = tpu.memref_squeeze %dma_start3A_140 : memref<1x32x16384xf32, #tpu.memory_space<hbm>> -> memref<32x16384xf32, #tpu.memory_space<hbm>>
      %dma_start3A_142 = arith.constant 0 : i32
      %dma_start3A_143 = tpu.memref_slice %dma_start3A_141[%dma_start3A_142, %mul3A_2] : memref<32x16384xf32, #tpu.memory_space<hbm>> -> memref<32x512xf32, #tpu.memory_space<hbm>>
      %dma_start3A_144 = arith.constant 0 : i32
      %dma_start3A_145 = arith.constant 0 : i32
      %dma_start3A_146 = tpu.memref_slice %arg9[%dma_start3A_144, %dma_start3A_145] : memref<32x513xf32, #tpu.memory_space<vmem>> -> memref<32x512xf32, #tpu.memory_space<vmem>>
      tpu.enqueue_dma source(%dma_start3A_146 : memref<32x512xf32, #tpu.memory_space<vmem>>) target(%dma_start3A_143 : memref<32x512xf32, #tpu.memory_space<hbm>>) target_semaphore(%dma_start3A_137 : memref<!tpu.dma_semaphore, #tpu.memory_space<semaphore_mem>>)
      %add3A_147 = arith.constant 1 : i32
      %add3A_148 = arith.addi %mul3A_73, %add3A_147 : i32
      %dma_wait3A_149 = arith.constant 1 : i32
      %dma_wait3A_150 = arith.constant 0 : i32
      %dma_wait3A_151 = arith.constant 0 : i32
      %dma_wait3A_152 = tpu.memref_slice %arg3[%dma_wait3A_150, %dma_wait3A_151] : memref<1000000x32xf32, #tpu.memory_space<hbm>> -> memref<1000000x32xf32, #tpu.memory_space<hbm>>
      %dma_wait3A_153 = tpu.memref_slice %arg12[%dma_wait3A_149] : memref<2x!tpu.dma_semaphore, #tpu.memory_space<semaphore_mem>> -> memref<1x!tpu.dma_semaphore, #tpu.memory_space<semaphore_mem>>
      %dma_wait3A_154 = tpu.memref_squeeze %dma_wait3A_153 : memref<1x!tpu.dma_semaphore, #tpu.memory_space<semaphore_mem>> -> memref<!tpu.dma_semaphore, #tpu.memory_space<semaphore_mem>>
      tpu.wait_indirect_dma semaphore(%dma_wait3A_154 : memref<!tpu.dma_semaphore, #tpu.memory_space<semaphore_mem>>) src(%dma_wait3A_152 : memref<1000000x32xf32, #tpu.memory_space<hbm>>) dst(%arg8 : memref<512x32xf32, #tpu.memory_space<vmem>>)
      %add3A_155 = arith.constant 2 : i32
      %add3A_156 = arith.addi %add3A_148, %add3A_155 : i32
      %lt3A_157 = arith.constant 50 : i32
      %lt3A_158 = arith.cmpi slt, %add3A_156, %lt3A_157 : i32
      %convert_element_type3A_159 = arith.extui %lt3A_158 : i1 to i32
      %cond3A_160 = arith.constant 0 : i32
      %cond3A_161 = arith.cmpi ne, %convert_element_type3A_159, %cond3A_160 : i32
      scf.if %cond3A_161 {
        %add3A_188 = arith.constant 2 : i32
        %add3A_189 = arith.addi %add3A_148, %add3A_188 : i32
        %mul3A_190 = arith.constant 16384 : i32
        %mul3A_191 = arith.muli %add3A_189, %mul3A_190 : i32
        %add3A_192 = arith.addi %mul3A_191, %mul3A_2 : i32
        %dma_start3A_193 = arith.constant 1 : i32
        %dma_start3A_194 = tpu.memref_slice %arg2[%add3A_192] : memref<819200xi32, #tpu.memory_space<hbm>> -> memref<512xi32, #tpu.memory_space<hbm>>
        %dma_start3A_195 = tpu.memref_slice %arg11[%dma_start3A_193] : memref<2x!tpu.dma_semaphore, #tpu.memory_space<semaphore_mem>> -> memref<1x!tpu.dma_semaphore, #tpu.memory_space<semaphore_mem>>
        %dma_start3A_196 = tpu.memref_squeeze %dma_start3A_195 : memref<1x!tpu.dma_semaphore, #tpu.memory_space<semaphore_mem>> -> memref<!tpu.dma_semaphore, #tpu.memory_space<semaphore_mem>>
        %dma_start3A_197 = tpu.memref_slice %arg2[%add3A_192] : memref<819200xi32, #tpu.memory_space<hbm>> -> memref<512xi32, #tpu.memory_space<hbm>>
        tpu.enqueue_dma source(%dma_start3A_197 : memref<512xi32, #tpu.memory_space<hbm>>) target(%arg6 : memref<512xi32, #tpu.memory_space<vmem>>) target_semaphore(%dma_start3A_196 : memref<!tpu.dma_semaphore, #tpu.memory_space<semaphore_mem>>)
      } else {
      }
      %scan3A_162 = arith.constant 0 : i32
      %scan3A_163 = arith.constant 512 : i32
      %scan3A_164 = arith.addi %scan3A_162, %scan3A_163 : i32
      %scan3A_165 = arith.constant 16 : i32
      scf.for %scan3A_188 = %scan3A_162 to %scan3A_164 step %scan3A_165  : i32 {
        %mul3A_189 = arith.constant 1 : i32
        %mul3A_190 = arith.muli %scan3A_188, %mul3A_189 : i32
        %add3A_191 = arith.constant 0 : i32
        %add3A_192 = arith.addi %add3A_191, %mul3A_190 : i32
        %broadcast_in_dim3A = vector.broadcast %add3A_192 : i32 to vector<16xi32>
        %get3A = arith.index_cast %add3A_192 : i32 to index
        %get3A_193 = arith.constant 0 : index
        %get3A_194 = tpu.vector_load %arg8[%get3A, %get3A_193] {strides = array<i32>} : memref<512x32xf32, #tpu.memory_space<vmem>>, vector<16xf32>,
        %add3A_195 = arith.constant 0 : i32
        %add3A_196 = vector.broadcast %add3A_195 : i32 to vector<16xi32>
        %add3A_197 = arith.addi %iota3A, %add3A_196 : vector<16xi32>
        tpu.vector_store_idx %arg10[%add3A_197, %broadcast_in_dim3A], %get3A_194 : memref<32x513xf32, #tpu.memory_space<vmem>>[vector<16xi32>, vector<16xi32>], vector<16xf32>,
        %get3A_198 = arith.index_cast %add3A_192 : i32 to index
        %get3A_199 = arith.constant 16 : index
        %get3A_200 = tpu.vector_load %arg8[%get3A_198, %get3A_199] {strides = array<i32>} : memref<512x32xf32, #tpu.memory_space<vmem>>, vector<16xf32>,
        %add3A_201 = arith.constant 16 : i32
        %add3A_202 = vector.broadcast %add3A_201 : i32 to vector<16xi32>
        %add3A_203 = arith.addi %iota3A, %add3A_202 : vector<16xi32>
        tpu.vector_store_idx %arg10[%add3A_203, %broadcast_in_dim3A], %get3A_200 : memref<32x513xf32, #tpu.memory_space<vmem>>[vector<16xi32>, vector<16xi32>], vector<16xf32>,
        %scan3A_204 = arith.constant 1 : i32
        %scan3A_205 = arith.addi %scan3A_188, %scan3A_204 : i32
        %mul3A_206 = arith.constant 1 : i32
        %mul3A_207 = arith.muli %scan3A_205, %mul3A_206 : i32
        %add3A_208 = arith.constant 0 : i32
        %add3A_209 = arith.addi %add3A_208, %mul3A_207 : i32
        %broadcast_in_dim3A_210 = vector.broadcast %add3A_209 : i32 to vector<16xi32>
        %get3A_211 = arith.index_cast %add3A_209 : i32 to index
        %get3A_212 = arith.constant 0 : index
        %get3A_213 = tpu.vector_load %arg8[%get3A_211, %get3A_212] {strides = array<i32>} : memref<512x32xf32, #tpu.memory_space<vmem>>, vector<16xf32>,
        %add3A_214 = arith.constant 0 : i32
        %add3A_215 = vector.broadcast %add3A_214 : i32 to vector<16xi32>
        %add3A_216 = arith.addi %iota3A, %add3A_215 : vector<16xi32>
        tpu.vector_store_idx %arg10[%add3A_216, %broadcast_in_dim3A_210], %get3A_213 : memref<32x513xf32, #tpu.memory_space<vmem>>[vector<16xi32>, vector<16xi32>], vector<16xf32>,
        %get3A_217 = arith.index_cast %add3A_209 : i32 to index
        %get3A_218 = arith.constant 16 : index
        %get3A_219 = tpu.vector_load %arg8[%get3A_217, %get3A_218] {strides = array<i32>} : memref<512x32xf32, #tpu.memory_space<vmem>>, vector<16xf32>,
        %add3A_220 = arith.constant 16 : i32
        %add3A_221 = vector.broadcast %add3A_220 : i32 to vector<16xi32>
        %add3A_222 = arith.addi %iota3A, %add3A_221 : vector<16xi32>
        tpu.vector_store_idx %arg10[%add3A_222, %broadcast_in_dim3A_210], %get3A_219 : memref<32x513xf32, #tpu.memory_space<vmem>>[vector<16xi32>, vector<16xi32>], vector<16xf32>,
        %scan3A_223 = arith.constant 2 : i32
        %scan3A_224 = arith.addi %scan3A_188, %scan3A_223 : i32
        %mul3A_225 = arith.constant 1 : i32
        %mul3A_226 = arith.muli %scan3A_224, %mul3A_225 : i32
        %add3A_227 = arith.constant 0 : i32
        %add3A_228 = arith.addi %add3A_227, %mul3A_226 : i32
        %broadcast_in_dim3A_229 = vector.broadcast %add3A_228 : i32 to vector<16xi32>
        %get3A_230 = arith.index_cast %add3A_228 : i32 to index
        %get3A_231 = arith.constant 0 : index
        %get3A_232 = tpu.vector_load %arg8[%get3A_230, %get3A_231] {strides = array<i32>} : memref<512x32xf32, #tpu.memory_space<vmem>>, vector<16xf32>,
        %add3A_233 = arith.constant 0 : i32
        %add3A_234 = vector.broadcast %add3A_233 : i32 to vector<16xi32>
        %add3A_235 = arith.addi %iota3A, %add3A_234 : vector<16xi32>
        tpu.vector_store_idx %arg10[%add3A_235, %broadcast_in_dim3A_229], %get3A_232 : memref<32x513xf32, #tpu.memory_space<vmem>>[vector<16xi32>, vector<16xi32>], vector<16xf32>,
        %get3A_236 = arith.index_cast %add3A_228 : i32 to index
        %get3A_237 = arith.constant 16 : index
        %get3A_238 = tpu.vector_load %arg8[%get3A_236, %get3A_237] {strides = array<i32>} : memref<512x32xf32, #tpu.memory_space<vmem>>, vector<16xf32>,
        %add3A_239 = arith.constant 16 : i32
        %add3A_240 = vector.broadcast %add3A_239 : i32 to vector<16xi32>
        %add3A_241 = arith.addi %iota3A, %add3A_240 : vector<16xi32>
        tpu.vector_store_idx %arg10[%add3A_241, %broadcast_in_dim3A_229], %get3A_238 : memref<32x513xf32, #tpu.memory_space<vmem>>[vector<16xi32>, vector<16xi32>], vector<16xf32>,
        %scan3A_242 = arith.constant 3 : i32
        %scan3A_243 = arith.addi %scan3A_188, %scan3A_242 : i32
        %mul3A_244 = arith.constant 1 : i32
        %mul3A_245 = arith.muli %scan3A_243, %mul3A_244 : i32
        %add3A_246 = arith.constant 0 : i32
        %add3A_247 = arith.addi %add3A_246, %mul3A_245 : i32
        %broadcast_in_dim3A_248 = vector.broadcast %add3A_247 : i32 to vector<16xi32>
        %get3A_249 = arith.index_cast %add3A_247 : i32 to index
        %get3A_250 = arith.constant 0 : index
        %get3A_251 = tpu.vector_load %arg8[%get3A_249, %get3A_250] {strides = array<i32>} : memref<512x32xf32, #tpu.memory_space<vmem>>, vector<16xf32>,
        %add3A_252 = arith.constant 0 : i32
        %add3A_253 = vector.broadcast %add3A_252 : i32 to vector<16xi32>
        %add3A_254 = arith.addi %iota3A, %add3A_253 : vector<16xi32>
        tpu.vector_store_idx %arg10[%add3A_254, %broadcast_in_dim3A_248], %get3A_251 : memref<32x513xf32, #tpu.memory_space<vmem>>[vector<16xi32>, vector<16xi32>], vector<16xf32>,
        %get3A_255 = arith.index_cast %add3A_247 : i32 to index
        %get3A_256 = arith.constant 16 : index
        %get3A_257 = tpu.vector_load %arg8[%get3A_255, %get3A_256] {strides = array<i32>} : memref<512x32xf32, #tpu.memory_space<vmem>>, vector<16xf32>,
        %add3A_258 = arith.constant 16 : i32
        %add3A_259 = vector.broadcast %add3A_258 : i32 to vector<16xi32>
        %add3A_260 = arith.addi %iota3A, %add3A_259 : vector<16xi32>
        tpu.vector_store_idx %arg10[%add3A_260, %broadcast_in_dim3A_248], %get3A_257 : memref<32x513xf32, #tpu.memory_space<vmem>>[vector<16xi32>, vector<16xi32>], vector<16xf32>,
        %scan3A_261 = arith.constant 4 : i32
        %scan3A_262 = arith.addi %scan3A_188, %scan3A_261 : i32
        %mul3A_263 = arith.constant 1 : i32
        %mul3A_264 = arith.muli %scan3A_262, %mul3A_263 : i32
        %add3A_265 = arith.constant 0 : i32
        %add3A_266 = arith.addi %add3A_265, %mul3A_264 : i32
        %broadcast_in_dim3A_267 = vector.broadcast %add3A_266 : i32 to vector<16xi32>
        %get3A_268 = arith.index_cast %add3A_266 : i32 to index
        %get3A_269 = arith.constant 0 : index
        %get3A_270 = tpu.vector_load %arg8[%get3A_268, %get3A_269] {strides = array<i32>} : memref<512x32xf32, #tpu.memory_space<vmem>>, vector<16xf32>,
        %add3A_271 = arith.constant 0 : i32
        %add3A_272 = vector.broadcast %add3A_271 : i32 to vector<16xi32>
        %add3A_273 = arith.addi %iota3A, %add3A_272 : vector<16xi32>
        tpu.vector_store_idx %arg10[%add3A_273, %broadcast_in_dim3A_267], %get3A_270 : memref<32x513xf32, #tpu.memory_space<vmem>>[vector<16xi32>, vector<16xi32>], vector<16xf32>,
        %get3A_274 = arith.index_cast %add3A_266 : i32 to index
        %get3A_275 = arith.constant 16 : index
        %get3A_276 = tpu.vector_load %arg8[%get3A_274, %get3A_275] {strides = array<i32>} : memref<512x32xf32, #tpu.memory_space<vmem>>, vector<16xf32>,
        %add3A_277 = arith.constant 16 : i32
        %add3A_278 = vector.broadcast %add3A_277 : i32 to vector<16xi32>
        %add3A_279 = arith.addi %iota3A, %add3A_278 : vector<16xi32>
        tpu.vector_store_idx %arg10[%add3A_279, %broadcast_in_dim3A_267], %get3A_276 : memref<32x513xf32, #tpu.memory_space<vmem>>[vector<16xi32>, vector<16xi32>], vector<16xf32>,
        %scan3A_280 = arith.constant 5 : i32
        %scan3A_281 = arith.addi %scan3A_188, %scan3A_280 : i32
        %mul3A_282 = arith.constant 1 : i32
        %mul3A_283 = arith.muli %scan3A_281, %mul3A_282 : i32
        %add3A_284 = arith.constant 0 : i32
        %add3A_285 = arith.addi %add3A_284, %mul3A_283 : i32
        %broadcast_in_dim3A_286 = vector.broadcast %add3A_285 : i32 to vector<16xi32>
        %get3A_287 = arith.index_cast %add3A_285 : i32 to index
        %get3A_288 = arith.constant 0 : index
        %get3A_289 = tpu.vector_load %arg8[%get3A_287, %get3A_288] {strides = array<i32>} : memref<512x32xf32, #tpu.memory_space<vmem>>, vector<16xf32>,
        %add3A_290 = arith.constant 0 : i32
        %add3A_291 = vector.broadcast %add3A_290 : i32 to vector<16xi32>
        %add3A_292 = arith.addi %iota3A, %add3A_291 : vector<16xi32>
        tpu.vector_store_idx %arg10[%add3A_292, %broadcast_in_dim3A_286], %get3A_289 : memref<32x513xf32, #tpu.memory_space<vmem>>[vector<16xi32>, vector<16xi32>], vector<16xf32>,
        %get3A_293 = arith.index_cast %add3A_285 : i32 to index
        %get3A_294 = arith.constant 16 : index
        %get3A_295 = tpu.vector_load %arg8[%get3A_293, %get3A_294] {strides = array<i32>} : memref<512x32xf32, #tpu.memory_space<vmem>>, vector<16xf32>,
        %add3A_296 = arith.constant 16 : i32
        %add3A_297 = vector.broadcast %add3A_296 : i32 to vector<16xi32>
        %add3A_298 = arith.addi %iota3A, %add3A_297 : vector<16xi32>
        tpu.vector_store_idx %arg10[%add3A_298, %broadcast_in_dim3A_286], %get3A_295 : memref<32x513xf32, #tpu.memory_space<vmem>>[vector<16xi32>, vector<16xi32>], vector<16xf32>,
        %scan3A_299 = arith.constant 6 : i32
        %scan3A_300 = arith.addi %scan3A_188, %scan3A_299 : i32
        %mul3A_301 = arith.constant 1 : i32
        %mul3A_302 = arith.muli %scan3A_300, %mul3A_301 : i32
        %add3A_303 = arith.constant 0 : i32
        %add3A_304 = arith.addi %add3A_303, %mul3A_302 : i32
        %broadcast_in_dim3A_305 = vector.broadcast %add3A_304 : i32 to vector<16xi32>
        %get3A_306 = arith.index_cast %add3A_304 : i32 to index
        %get3A_307 = arith.constant 0 : index
        %get3A_308 = tpu.vector_load %arg8[%get3A_306, %get3A_307] {strides = array<i32>} : memref<512x32xf32, #tpu.memory_space<vmem>>, vector<16xf32>,
        %add3A_309 = arith.constant 0 : i32
        %add3A_310 = vector.broadcast %add3A_309 : i32 to vector<16xi32>
        %add3A_311 = arith.addi %iota3A, %add3A_310 : vector<16xi32>
        tpu.vector_store_idx %arg10[%add3A_311, %broadcast_in_dim3A_305], %get3A_308 : memref<32x513xf32, #tpu.memory_space<vmem>>[vector<16xi32>, vector<16xi32>], vector<16xf32>,
        %get3A_312 = arith.index_cast %add3A_304 : i32 to index
        %get3A_313 = arith.constant 16 : index
        %get3A_314 = tpu.vector_load %arg8[%get3A_312, %get3A_313] {strides = array<i32>} : memref<512x32xf32, #tpu.memory_space<vmem>>, vector<16xf32>,
        %add3A_315 = arith.constant 16 : i32
        %add3A_316 = vector.broadcast %add3A_315 : i32 to vector<16xi32>
        %add3A_317 = arith.addi %iota3A, %add3A_316 : vector<16xi32>
        tpu.vector_store_idx %arg10[%add3A_317, %broadcast_in_dim3A_305], %get3A_314 : memref<32x513xf32, #tpu.memory_space<vmem>>[vector<16xi32>, vector<16xi32>], vector<16xf32>,
        %scan3A_318 = arith.constant 7 : i32
        %scan3A_319 = arith.addi %scan3A_188, %scan3A_318 : i32
        %mul3A_320 = arith.constant 1 : i32
        %mul3A_321 = arith.muli %scan3A_319, %mul3A_320 : i32
        %add3A_322 = arith.constant 0 : i32
        %add3A_323 = arith.addi %add3A_322, %mul3A_321 : i32
        %broadcast_in_dim3A_324 = vector.broadcast %add3A_323 : i32 to vector<16xi32>
        %get3A_325 = arith.index_cast %add3A_323 : i32 to index
        %get3A_326 = arith.constant 0 : index
        %get3A_327 = tpu.vector_load %arg8[%get3A_325, %get3A_326] {strides = array<i32>} : memref<512x32xf32, #tpu.memory_space<vmem>>, vector<16xf32>,
        %add3A_328 = arith.constant 0 : i32
        %add3A_329 = vector.broadcast %add3A_328 : i32 to vector<16xi32>
        %add3A_330 = arith.addi %iota3A, %add3A_329 : vector<16xi32>
        tpu.vector_store_idx %arg10[%add3A_330, %broadcast_in_dim3A_324], %get3A_327 : memref<32x513xf32, #tpu.memory_space<vmem>>[vector<16xi32>, vector<16xi32>], vector<16xf32>,
        %get3A_331 = arith.index_cast %add3A_323 : i32 to index
        %get3A_332 = arith.constant 16 : index
        %get3A_333 = tpu.vector_load %arg8[%get3A_331, %get3A_332] {strides = array<i32>} : memref<512x32xf32, #tpu.memory_space<vmem>>, vector<16xf32>,
        %add3A_334 = arith.constant 16 : i32
        %add3A_335 = vector.broadcast %add3A_334 : i32 to vector<16xi32>
        %add3A_336 = arith.addi %iota3A, %add3A_335 : vector<16xi32>
        tpu.vector_store_idx %arg10[%add3A_336, %broadcast_in_dim3A_324], %get3A_333 : memref<32x513xf32, #tpu.memory_space<vmem>>[vector<16xi32>, vector<16xi32>], vector<16xf32>,
        %scan3A_337 = arith.constant 8 : i32
        %scan3A_338 = arith.addi %scan3A_188, %scan3A_337 : i32
        %mul3A_339 = arith.constant 1 : i32
        %mul3A_340 = arith.muli %scan3A_338, %mul3A_339 : i32
        %add3A_341 = arith.constant 0 : i32
        %add3A_342 = arith.addi %add3A_341, %mul3A_340 : i32
        %broadcast_in_dim3A_343 = vector.broadcast %add3A_342 : i32 to vector<16xi32>
        %get3A_344 = arith.index_cast %add3A_342 : i32 to index
        %get3A_345 = arith.constant 0 : index
        %get3A_346 = tpu.vector_load %arg8[%get3A_344, %get3A_345] {strides = array<i32>} : memref<512x32xf32, #tpu.memory_space<vmem>>, vector<16xf32>,
        %add3A_347 = arith.constant 0 : i32
        %add3A_348 = vector.broadcast %add3A_347 : i32 to vector<16xi32>
        %add3A_349 = arith.addi %iota3A, %add3A_348 : vector<16xi32>
        tpu.vector_store_idx %arg10[%add3A_349, %broadcast_in_dim3A_343], %get3A_346 : memref<32x513xf32, #tpu.memory_space<vmem>>[vector<16xi32>, vector<16xi32>], vector<16xf32>,
        %get3A_350 = arith.index_cast %add3A_342 : i32 to index
        %get3A_351 = arith.constant 16 : index
        %get3A_352 = tpu.vector_load %arg8[%get3A_350, %get3A_351] {strides = array<i32>} : memref<512x32xf32, #tpu.memory_space<vmem>>, vector<16xf32>,
        %add3A_353 = arith.constant 16 : i32
        %add3A_354 = vector.broadcast %add3A_353 : i32 to vector<16xi32>
        %add3A_355 = arith.addi %iota3A, %add3A_354 : vector<16xi32>
        tpu.vector_store_idx %arg10[%add3A_355, %broadcast_in_dim3A_343], %get3A_352 : memref<32x513xf32, #tpu.memory_space<vmem>>[vector<16xi32>, vector<16xi32>], vector<16xf32>,
        %scan3A_356 = arith.constant 9 : i32
        %scan3A_357 = arith.addi %scan3A_188, %scan3A_356 : i32
        %mul3A_358 = arith.constant 1 : i32
        %mul3A_359 = arith.muli %scan3A_357, %mul3A_358 : i32
        %add3A_360 = arith.constant 0 : i32
        %add3A_361 = arith.addi %add3A_360, %mul3A_359 : i32
        %broadcast_in_dim3A_362 = vector.broadcast %add3A_361 : i32 to vector<16xi32>
        %get3A_363 = arith.index_cast %add3A_361 : i32 to index
        %get3A_364 = arith.constant 0 : index
        %get3A_365 = tpu.vector_load %arg8[%get3A_363, %get3A_364] {strides = array<i32>} : memref<512x32xf32, #tpu.memory_space<vmem>>, vector<16xf32>,
        %add3A_366 = arith.constant 0 : i32
        %add3A_367 = vector.broadcast %add3A_366 : i32 to vector<16xi32>
        %add3A_368 = arith.addi %iota3A, %add3A_367 : vector<16xi32>
        tpu.vector_store_idx %arg10[%add3A_368, %broadcast_in_dim3A_362], %get3A_365 : memref<32x513xf32, #tpu.memory_space<vmem>>[vector<16xi32>, vector<16xi32>], vector<16xf32>,
        %get3A_369 = arith.index_cast %add3A_361 : i32 to index
        %get3A_370 = arith.constant 16 : index
        %get3A_371 = tpu.vector_load %arg8[%get3A_369, %get3A_370] {strides = array<i32>} : memref<512x32xf32, #tpu.memory_space<vmem>>, vector<16xf32>,
        %add3A_372 = arith.constant 16 : i32
        %add3A_373 = vector.broadcast %add3A_372 : i32 to vector<16xi32>
        %add3A_374 = arith.addi %iota3A, %add3A_373 : vector<16xi32>
        tpu.vector_store_idx %arg10[%add3A_374, %broadcast_in_dim3A_362], %get3A_371 : memref<32x513xf32, #tpu.memory_space<vmem>>[vector<16xi32>, vector<16xi32>], vector<16xf32>,
        %scan3A_375 = arith.constant 10 : i32
        %scan3A_376 = arith.addi %scan3A_188, %scan3A_375 : i32
        %mul3A_377 = arith.constant 1 : i32
        %mul3A_378 = arith.muli %scan3A_376, %mul3A_377 : i32
        %add3A_379 = arith.constant 0 : i32
        %add3A_380 = arith.addi %add3A_379, %mul3A_378 : i32
        %broadcast_in_dim3A_381 = vector.broadcast %add3A_380 : i32 to vector<16xi32>
        %get3A_382 = arith.index_cast %add3A_380 : i32 to index
        %get3A_383 = arith.constant 0 : index
        %get3A_384 = tpu.vector_load %arg8[%get3A_382, %get3A_383] {strides = array<i32>} : memref<512x32xf32, #tpu.memory_space<vmem>>, vector<16xf32>,
        %add3A_385 = arith.constant 0 : i32
        %add3A_386 = vector.broadcast %add3A_385 : i32 to vector<16xi32>
        %add3A_387 = arith.addi %iota3A, %add3A_386 : vector<16xi32>
        tpu.vector_store_idx %arg10[%add3A_387, %broadcast_in_dim3A_381], %get3A_384 : memref<32x513xf32, #tpu.memory_space<vmem>>[vector<16xi32>, vector<16xi32>], vector<16xf32>,
        %get3A_388 = arith.index_cast %add3A_380 : i32 to index
        %get3A_389 = arith.constant 16 : index
        %get3A_390 = tpu.vector_load %arg8[%get3A_388, %get3A_389] {strides = array<i32>} : memref<512x32xf32, #tpu.memory_space<vmem>>, vector<16xf32>,
        %add3A_391 = arith.constant 16 : i32
        %add3A_392 = vector.broadcast %add3A_391 : i32 to vector<16xi32>
        %add3A_393 = arith.addi %iota3A, %add3A_392 : vector<16xi32>
        tpu.vector_store_idx %arg10[%add3A_393, %broadcast_in_dim3A_381], %get3A_390 : memref<32x513xf32, #tpu.memory_space<vmem>>[vector<16xi32>, vector<16xi32>], vector<16xf32>,
        %scan3A_394 = arith.constant 11 : i32
        %scan3A_395 = arith.addi %scan3A_188, %scan3A_394 : i32
        %mul3A_396 = arith.constant 1 : i32
        %mul3A_397 = arith.muli %scan3A_395, %mul3A_396 : i32
        %add3A_398 = arith.constant 0 : i32
        %add3A_399 = arith.addi %add3A_398, %mul3A_397 : i32
        %broadcast_in_dim3A_400 = vector.broadcast %add3A_399 : i32 to vector<16xi32>
        %get3A_401 = arith.index_cast %add3A_399 : i32 to index
        %get3A_402 = arith.constant 0 : index
        %get3A_403 = tpu.vector_load %arg8[%get3A_401, %get3A_402] {strides = array<i32>} : memref<512x32xf32, #tpu.memory_space<vmem>>, vector<16xf32>,
        %add3A_404 = arith.constant 0 : i32
        %add3A_405 = vector.broadcast %add3A_404 : i32 to vector<16xi32>
        %add3A_406 = arith.addi %iota3A, %add3A_405 : vector<16xi32>
        tpu.vector_store_idx %arg10[%add3A_406, %broadcast_in_dim3A_400], %get3A_403 : memref<32x513xf32, #tpu.memory_space<vmem>>[vector<16xi32>, vector<16xi32>], vector<16xf32>,
        %get3A_407 = arith.index_cast %add3A_399 : i32 to index
        %get3A_408 = arith.constant 16 : index
        %get3A_409 = tpu.vector_load %arg8[%get3A_407, %get3A_408] {strides = array<i32>} : memref<512x32xf32, #tpu.memory_space<vmem>>, vector<16xf32>,
        %add3A_410 = arith.constant 16 : i32
        %add3A_411 = vector.broadcast %add3A_410 : i32 to vector<16xi32>
        %add3A_412 = arith.addi %iota3A, %add3A_411 : vector<16xi32>
        tpu.vector_store_idx %arg10[%add3A_412, %broadcast_in_dim3A_400], %get3A_409 : memref<32x513xf32, #tpu.memory_space<vmem>>[vector<16xi32>, vector<16xi32>], vector<16xf32>,
        %scan3A_413 = arith.constant 12 : i32
        %scan3A_414 = arith.addi %scan3A_188, %scan3A_413 : i32
        %mul3A_415 = arith.constant 1 : i32
        %mul3A_416 = arith.muli %scan3A_414, %mul3A_415 : i32
        %add3A_417 = arith.constant 0 : i32
        %add3A_418 = arith.addi %add3A_417, %mul3A_416 : i32
        %broadcast_in_dim3A_419 = vector.broadcast %add3A_418 : i32 to vector<16xi32>
        %get3A_420 = arith.index_cast %add3A_418 : i32 to index
        %get3A_421 = arith.constant 0 : index
        %get3A_422 = tpu.vector_load %arg8[%get3A_420, %get3A_421] {strides = array<i32>} : memref<512x32xf32, #tpu.memory_space<vmem>>, vector<16xf32>,
        %add3A_423 = arith.constant 0 : i32
        %add3A_424 = vector.broadcast %add3A_423 : i32 to vector<16xi32>
        %add3A_425 = arith.addi %iota3A, %add3A_424 : vector<16xi32>
        tpu.vector_store_idx %arg10[%add3A_425, %broadcast_in_dim3A_419], %get3A_422 : memref<32x513xf32, #tpu.memory_space<vmem>>[vector<16xi32>, vector<16xi32>], vector<16xf32>,
        %get3A_426 = arith.index_cast %add3A_418 : i32 to index
        %get3A_427 = arith.constant 16 : index
        %get3A_428 = tpu.vector_load %arg8[%get3A_426, %get3A_427] {strides = array<i32>} : memref<512x32xf32, #tpu.memory_space<vmem>>, vector<16xf32>,
        %add3A_429 = arith.constant 16 : i32
        %add3A_430 = vector.broadcast %add3A_429 : i32 to vector<16xi32>
        %add3A_431 = arith.addi %iota3A, %add3A_430 : vector<16xi32>
        tpu.vector_store_idx %arg10[%add3A_431, %broadcast_in_dim3A_419], %get3A_428 : memref<32x513xf32, #tpu.memory_space<vmem>>[vector<16xi32>, vector<16xi32>], vector<16xf32>,
        %scan3A_432 = arith.constant 13 : i32
        %scan3A_433 = arith.addi %scan3A_188, %scan3A_432 : i32
        %mul3A_434 = arith.constant 1 : i32
        %mul3A_435 = arith.muli %scan3A_433, %mul3A_434 : i32
        %add3A_436 = arith.constant 0 : i32
        %add3A_437 = arith.addi %add3A_436, %mul3A_435 : i32
        %broadcast_in_dim3A_438 = vector.broadcast %add3A_437 : i32 to vector<16xi32>
        %get3A_439 = arith.index_cast %add3A_437 : i32 to index
        %get3A_440 = arith.constant 0 : index
        %get3A_441 = tpu.vector_load %arg8[%get3A_439, %get3A_440] {strides = array<i32>} : memref<512x32xf32, #tpu.memory_space<vmem>>, vector<16xf32>,
        %add3A_442 = arith.constant 0 : i32
        %add3A_443 = vector.broadcast %add3A_442 : i32 to vector<16xi32>
        %add3A_444 = arith.addi %iota3A, %add3A_443 : vector<16xi32>
        tpu.vector_store_idx %arg10[%add3A_444, %broadcast_in_dim3A_438], %get3A_441 : memref<32x513xf32, #tpu.memory_space<vmem>>[vector<16xi32>, vector<16xi32>], vector<16xf32>,
        %get3A_445 = arith.index_cast %add3A_437 : i32 to index
        %get3A_446 = arith.constant 16 : index
        %get3A_447 = tpu.vector_load %arg8[%get3A_445, %get3A_446] {strides = array<i32>} : memref<512x32xf32, #tpu.memory_space<vmem>>, vector<16xf32>,
        %add3A_448 = arith.constant 16 : i32
        %add3A_449 = vector.broadcast %add3A_448 : i32 to vector<16xi32>
        %add3A_450 = arith.addi %iota3A, %add3A_449 : vector<16xi32>
        tpu.vector_store_idx %arg10[%add3A_450, %broadcast_in_dim3A_438], %get3A_447 : memref<32x513xf32, #tpu.memory_space<vmem>>[vector<16xi32>, vector<16xi32>], vector<16xf32>,
        %scan3A_451 = arith.constant 14 : i32
        %scan3A_452 = arith.addi %scan3A_188, %scan3A_451 : i32
        %mul3A_453 = arith.constant 1 : i32
        %mul3A_454 = arith.muli %scan3A_452, %mul3A_453 : i32
        %add3A_455 = arith.constant 0 : i32
        %add3A_456 = arith.addi %add3A_455, %mul3A_454 : i32
        %broadcast_in_dim3A_457 = vector.broadcast %add3A_456 : i32 to vector<16xi32>
        %get3A_458 = arith.index_cast %add3A_456 : i32 to index
        %get3A_459 = arith.constant 0 : index
        %get3A_460 = tpu.vector_load %arg8[%get3A_458, %get3A_459] {strides = array<i32>} : memref<512x32xf32, #tpu.memory_space<vmem>>, vector<16xf32>,
        %add3A_461 = arith.constant 0 : i32
        %add3A_462 = vector.broadcast %add3A_461 : i32 to vector<16xi32>
        %add3A_463 = arith.addi %iota3A, %add3A_462 : vector<16xi32>
        tpu.vector_store_idx %arg10[%add3A_463, %broadcast_in_dim3A_457], %get3A_460 : memref<32x513xf32, #tpu.memory_space<vmem>>[vector<16xi32>, vector<16xi32>], vector<16xf32>,
        %get3A_464 = arith.index_cast %add3A_456 : i32 to index
        %get3A_465 = arith.constant 16 : index
        %get3A_466 = tpu.vector_load %arg8[%get3A_464, %get3A_465] {strides = array<i32>} : memref<512x32xf32, #tpu.memory_space<vmem>>, vector<16xf32>,
        %add3A_467 = arith.constant 16 : i32
        %add3A_468 = vector.broadcast %add3A_467 : i32 to vector<16xi32>
        %add3A_469 = arith.addi %iota3A, %add3A_468 : vector<16xi32>
        tpu.vector_store_idx %arg10[%add3A_469, %broadcast_in_dim3A_457], %get3A_466 : memref<32x513xf32, #tpu.memory_space<vmem>>[vector<16xi32>, vector<16xi32>], vector<16xf32>,
        %scan3A_470 = arith.constant 15 : i32
        %scan3A_471 = arith.addi %scan3A_188, %scan3A_470 : i32
        %mul3A_472 = arith.constant 1 : i32
        %mul3A_473 = arith.muli %scan3A_471, %mul3A_472 : i32
        %add3A_474 = arith.constant 0 : i32
        %add3A_475 = arith.addi %add3A_474, %mul3A_473 : i32
        %broadcast_in_dim3A_476 = vector.broadcast %add3A_475 : i32 to vector<16xi32>
        %get3A_477 = arith.index_cast %add3A_475 : i32 to index
        %get3A_478 = arith.constant 0 : index
        %get3A_479 = tpu.vector_load %arg8[%get3A_477, %get3A_478] {strides = array<i32>} : memref<512x32xf32, #tpu.memory_space<vmem>>, vector<16xf32>,
        %add3A_480 = arith.constant 0 : i32
        %add3A_481 = vector.broadcast %add3A_480 : i32 to vector<16xi32>
        %add3A_482 = arith.addi %iota3A, %add3A_481 : vector<16xi32>
        tpu.vector_store_idx %arg10[%add3A_482, %broadcast_in_dim3A_476], %get3A_479 : memref<32x513xf32, #tpu.memory_space<vmem>>[vector<16xi32>, vector<16xi32>], vector<16xf32>,
        %get3A_483 = arith.index_cast %add3A_475 : i32 to index
        %get3A_484 = arith.constant 16 : index
        %get3A_485 = tpu.vector_load %arg8[%get3A_483, %get3A_484] {strides = array<i32>} : memref<512x32xf32, #tpu.memory_space<vmem>>, vector<16xf32>,
        %add3A_486 = arith.constant 16 : i32
        %add3A_487 = vector.broadcast %add3A_486 : i32 to vector<16xi32>
        %add3A_488 = arith.addi %iota3A, %add3A_487 : vector<16xi32>
        tpu.vector_store_idx %arg10[%add3A_488, %broadcast_in_dim3A_476], %get3A_485 : memref<32x513xf32, #tpu.memory_space<vmem>>[vector<16xi32>, vector<16xi32>], vector<16xf32>,
      }
      %scan3A_166 = arith.constant 512 : i32
      %dma_start3A_167 = arith.constant 1 : i32
      %dma_start3A_168 = arith.constant 0 : i32
      %dma_start3A_169 = arith.constant 0 : i32
      %dma_start3A_170 = tpu.memref_slice %arg10[%dma_start3A_168, %dma_start3A_169] : memref<32x513xf32, #tpu.memory_space<vmem>> -> memref<32x512xf32, #tpu.memory_space<vmem>>
      %dma_start3A_171 = arith.constant 0 : i32
      %dma_start3A_172 = arith.constant 0 : i32
      %dma_start3A_173 = tpu.memref_slice %arg4[%add3A_148, %dma_start3A_171, %dma_start3A_172] : memref<50x32x16384xf32, #tpu.memory_space<hbm>> -> memref<1x32x16384xf32, #tpu.memory_space<hbm>>
      %dma_start3A_174 = tpu.memref_squeeze %dma_start3A_173 : memref<1x32x16384xf32, #tpu.memory_space<hbm>> -> memref<32x16384xf32, #tpu.memory_space<hbm>>
      %dma_start3A_175 = arith.constant 0 : i32
      %dma_start3A_176 = tpu.memref_slice %dma_start3A_174[%dma_start3A_175, %mul3A_2] : memref<32x16384xf32, #tpu.memory_space<hbm>> -> memref<32x512xf32, #tpu.memory_space<hbm>>
      %dma_start3A_177 = tpu.memref_slice %arg13[%dma_start3A_167] : memref<2x!tpu.dma_semaphore, #tpu.memory_space<semaphore_mem>> -> memref<1x!tpu.dma_semaphore, #tpu.memory_space<semaphore_mem>>
      %dma_start3A_178 = tpu.memref_squeeze %dma_start3A_177 : memref<1x!tpu.dma_semaphore, #tpu.memory_space<semaphore_mem>> -> memref<!tpu.dma_semaphore, #tpu.memory_space<semaphore_mem>>
      %dma_start3A_179 = arith.constant 0 : i32
      %dma_start3A_180 = arith.constant 0 : i32
      %dma_start3A_181 = tpu.memref_slice %arg4[%add3A_148, %dma_start3A_179, %dma_start3A_180] : memref<50x32x16384xf32, #tpu.memory_space<hbm>> -> memref<1x32x16384xf32, #tpu.memory_space<hbm>>
      %dma_start3A_182 = tpu.memref_squeeze %dma_start3A_181 : memref<1x32x16384xf32, #tpu.memory_space<hbm>> -> memref<32x16384xf32, #tpu.memory_space<hbm>>
      %dma_start3A_183 = arith.constant 0 : i32
      %dma_start3A_184 = tpu.memref_slice %dma_start3A_182[%dma_start3A_183, %mul3A_2] : memref<32x16384xf32, #tpu.memory_space<hbm>> -> memref<32x512xf32, #tpu.memory_space<hbm>>
      %dma_start3A_185 = arith.constant 0 : i32
      %dma_start3A_186 = arith.constant 0 : i32
      %dma_start3A_187 = tpu.memref_slice %arg10[%dma_start3A_185, %dma_start3A_186] : memref<32x513xf32, #tpu.memory_space<vmem>> -> memref<32x512xf32, #tpu.memory_space<vmem>>
      tpu.enqueue_dma source(%dma_start3A_187 : memref<32x512xf32, #tpu.memory_space<vmem>>) target(%dma_start3A_184 : memref<32x512xf32, #tpu.memory_space<hbm>>) target_semaphore(%dma_start3A_178 : memref<!tpu.dma_semaphore, #tpu.memory_space<semaphore_mem>>)
    }
    %scan3A_19 = arith.constant 25 : i32
    %dma_wait3A = arith.constant 0 : i32
    %dma_wait3A_20 = arith.constant 0 : i32
    %dma_wait3A_21 = arith.constant 0 : i32
    %dma_wait3A_22 = arith.constant 0 : i32
    %dma_wait3A_23 = tpu.memref_slice %arg9[%dma_wait3A_21, %dma_wait3A_22] : memref<32x513xf32, #tpu.memory_space<vmem>> -> memref<32x512xf32, #tpu.memory_space<vmem>>
    %dma_wait3A_24 = arith.constant 0 : i32
    %dma_wait3A_25 = arith.constant 0 : i32
    %dma_wait3A_26 = tpu.memref_slice %arg4[%dma_wait3A, %dma_wait3A_24, %dma_wait3A_25] : memref<50x32x16384xf32, #tpu.memory_space<hbm>> -> memref<1x32x16384xf32, #tpu.memory_space<hbm>>
    %dma_wait3A_27 = tpu.memref_squeeze %dma_wait3A_26 : memref<1x32x16384xf32, #tpu.memory_space<hbm>> -> memref<32x16384xf32, #tpu.memory_space<hbm>>
    %dma_wait3A_28 = arith.constant 0 : i32
    %dma_wait3A_29 = arith.constant 0 : i32
    %dma_wait3A_30 = tpu.memref_slice %dma_wait3A_27[%dma_wait3A_28, %dma_wait3A_29] : memref<32x16384xf32, #tpu.memory_space<hbm>> -> memref<32x512xf32, #tpu.memory_space<hbm>>
    %dma_wait3A_31 = tpu.memref_slice %arg13[%dma_wait3A_20] : memref<2x!tpu.dma_semaphore, #tpu.memory_space<semaphore_mem>> -> memref<1x!tpu.dma_semaphore, #tpu.memory_space<semaphore_mem>>
    %dma_wait3A_32 = tpu.memref_squeeze %dma_wait3A_31 : memref<1x!tpu.dma_semaphore, #tpu.memory_space<semaphore_mem>> -> memref<!tpu.dma_semaphore, #tpu.memory_space<semaphore_mem>>
    %dma_wait3A_33 = arith.constant 0 : i32
    %dma_wait3A_34 = arith.constant 0 : i32
    %dma_wait3A_35 = tpu.memref_slice %arg4[%dma_wait3A, %dma_wait3A_33, %dma_wait3A_34] : memref<50x32x16384xf32, #tpu.memory_space<hbm>> -> memref<1x32x16384xf32, #tpu.memory_space<hbm>>
    %dma_wait3A_36 = tpu.memref_squeeze %dma_wait3A_35 : memref<1x32x16384xf32, #tpu.memory_space<hbm>> -> memref<32x16384xf32, #tpu.memory_space<hbm>>
    %dma_wait3A_37 = arith.constant 0 : i32
    %dma_wait3A_38 = arith.constant 0 : i32
    %dma_wait3A_39 = tpu.memref_slice %dma_wait3A_36[%dma_wait3A_37, %dma_wait3A_38] : memref<32x16384xf32, #tpu.memory_space<hbm>> -> memref<32x512xf32, #tpu.memory_space<hbm>>
    %dma_wait3A_40 = arith.constant 0 : i32
    %dma_wait3A_41 = arith.constant 0 : i32
    %dma_wait3A_42 = tpu.memref_slice %arg9[%dma_wait3A_40, %dma_wait3A_41] : memref<32x513xf32, #tpu.memory_space<vmem>> -> memref<32x512xf32, #tpu.memory_space<vmem>>
    tpu.wait_dma2 semaphore(%dma_wait3A_32 : memref<!tpu.dma_semaphore, #tpu.memory_space<semaphore_mem>>) src(%dma_wait3A_42 : memref<32x512xf32, #tpu.memory_space<vmem>>) dst(%dma_wait3A_39 : memref<32x512xf32, #tpu.memory_space<hbm>>)
    %dma_wait3A_43 = arith.constant 0 : i32
    %dma_wait3A_44 = arith.constant 1 : i32
    %dma_wait3A_45 = arith.constant 0 : i32
    %dma_wait3A_46 = arith.constant 0 : i32
    %dma_wait3A_47 = tpu.memref_slice %arg10[%dma_wait3A_45, %dma_wait3A_46] : memref<32x513xf32, #tpu.memory_space<vmem>> -> memref<32x512xf32, #tpu.memory_space<vmem>>
    %dma_wait3A_48 = arith.constant 0 : i32
    %dma_wait3A_49 = arith.constant 0 : i32
    %dma_wait3A_50 = tpu.memref_slice %arg4[%dma_wait3A_43, %dma_wait3A_48, %dma_wait3A_49] : memref<50x32x16384xf32, #tpu.memory_space<hbm>> -> memref<1x32x16384xf32, #tpu.memory_space<hbm>>
    %dma_wait3A_51 = tpu.memref_squeeze %dma_wait3A_50 : memref<1x32x16384xf32, #tpu.memory_space<hbm>> -> memref<32x16384xf32, #tpu.memory_space<hbm>>
    %dma_wait3A_52 = arith.constant 0 : i32
    %dma_wait3A_53 = arith.constant 0 : i32
    %dma_wait3A_54 = tpu.memref_slice %dma_wait3A_51[%dma_wait3A_52, %dma_wait3A_53] : memref<32x16384xf32, #tpu.memory_space<hbm>> -> memref<32x512xf32, #tpu.memory_space<hbm>>
    %dma_wait3A_55 = tpu.memref_slice %arg13[%dma_wait3A_44] : memref<2x!tpu.dma_semaphore, #tpu.memory_space<semaphore_mem>> -> memref<1x!tpu.dma_semaphore, #tpu.memory_space<semaphore_mem>>
    %dma_wait3A_56 = tpu.memref_squeeze %dma_wait3A_55 : memref<1x!tpu.dma_semaphore, #tpu.memory_space<semaphore_mem>> -> memref<!tpu.dma_semaphore, #tpu.memory_space<semaphore_mem>>
    %dma_wait3A_57 = arith.constant 0 : i32
    %dma_wait3A_58 = arith.constant 0 : i32
    %dma_wait3A_59 = tpu.memref_slice %arg4[%dma_wait3A_43, %dma_wait3A_57, %dma_wait3A_58] : memref<50x32x16384xf32, #tpu.memory_space<hbm>> -> memref<1x32x16384xf32, #tpu.memory_space<hbm>>
    %dma_wait3A_60 = tpu.memref_squeeze %dma_wait3A_59 : memref<1x32x16384xf32, #tpu.memory_space<hbm>> -> memref<32x16384xf32, #tpu.memory_space<hbm>>
    %dma_wait3A_61 = arith.constant 0 : i32
    %dma_wait3A_62 = arith.constant 0 : i32
    %dma_wait3A_63 = tpu.memref_slice %dma_wait3A_60[%dma_wait3A_61, %dma_wait3A_62] : memref<32x16384xf32, #tpu.memory_space<hbm>> -> memref<32x512xf32, #tpu.memory_space<hbm>>
    %dma_wait3A_64 = arith.constant 0 : i32
    %dma_wait3A_65 = arith.constant 0 : i32
    %dma_wait3A_66 = tpu.memref_slice %arg10[%dma_wait3A_64, %dma_wait3A_65] : memref<32x513xf32, #tpu.memory_space<vmem>> -> memref<32x512xf32, #tpu.memory_space<vmem>>
    tpu.wait_dma2 semaphore(%dma_wait3A_56 : memref<!tpu.dma_semaphore, #tpu.memory_space<semaphore_mem>>) src(%dma_wait3A_66 : memref<32x512xf32, #tpu.memory_space<vmem>>) dst(%dma_wait3A_63 : memref<32x512xf32, #tpu.memory_space<hbm>>)
    return
  }
}

</mosaic_0001>

<sc_bundles>
// kernel: kernel.4.cloned.1.call-start
scs
__scs_entry_jumppad:
0x0: {  	(pc) =	sbr.rel $0x88, $3  }
0x1: {  	(tag) =	ssettag $0x0;
	lr =	simm.s32 $0x1  }
0x2: {  	[smem:$0x3F9F] =	sst lr;
	_ =	strace $0xD0000000  }
0x3: {  	_ = 	snop  }
0x4: {  	_ = 	snop  }
0x5: {  	_ = 	snop  }
0x6: {  	_ = 	snop  }
0x7: {  	_ = 	snop  }
__scs_overlays_trampoline_lowered:
0x8: {  	[smem:$0x3FAE] =	sst s0  }
0x9: {  	[smem:$0x3FAF] =	sst s1  }
0xa: {  	[smem:$0x3FB0] =	sst s2  }
0xb: {  	[smem:$0x3FB1] =	sst s3  }
0xc: {  	[smem:$0x3FB2] =	sst s4  }
0xd: {  	[smem:$0x3FB3] =	sst s5  }
0xe: {  	[smem:$0x3FB4] =	sst s6  }
0xf: {  	[smem:$0x3FB5] =	sst s7  }
0x10: {  	[smem:$0x3FB6] =	sst s8  }
0x11: {  	[smem:$0x3FB7] =	sst s9;
	s0 =	simm.s32 @!p0 $0x0  }
0x12: {  	s1 =	sld [smem:$0x3F9D];
	s0 =	simm.s32 @p0 $0x1  }
0x13: {  	[smem:$0x3FB8] =	sst s0;
	s0 =	simm.s32 @!p1 $0x0  }
0x14: {  	s2 =	sld [smem:$0x3F9C];
	s0 =	simm.s32 @p1 $0x1  }
0x15: {  	[smem:$0x3FB9] =	sst s0;
	s0 =	simm.s32 @!p2 $0x0  }
0x16: {  	s3 =	sld [smem:$0x3FDB];
	s0 =	simm.s32 @p2 $0x1  }
0x17: {  	s4 =	simm.s32 $0x1BF5;
	[smem:$0x3FBB] =	sst s0  }
0x18: {  	s0 =	sld [smem:$0x3F9E];
	_ =	swait.ge [sflag:s4], $0x0  }
0x19: {  	s7 =	sld [smem:$0x3F9F]  }
0x1a: {  	s8 =	sadd.s32 $0xFFFFE003, lr  }
0x1b: {  	s9 =	sadd.s32 $0xFFFFFEF7, lr;
	s5 =	simm.s32 $0xFFFFFFFF;
	p2 =	slt.u32 s8, $0xFFFFF086  }
0x1c: {  	p1 =	slt.u32 s9, $0xF7A;
	s5 =	simm.s32 @!p2 $0x0  }
0x1d: {  	s5 =	simm.s32 @p1 $0x1;
	p0 =	seq.s32 s7, s2  }
0x1e: {  	s7 =	smul.u32 @!p0 $0xF7A, s2;
	p2 =	seq.s32 @!p0 s5, $0x0  }
0x1f: {  	s9 =	smul.u32 $0xF7A, s1;
	s8 =	simm.s32 @!p0 $0x1BF5;
	p2 =	por !p2, p0  }
0x20: {  	[sflag:s8] =	ssyncset.s32 @!p0 $0xFFFFF086;
	s6 =	sadd.s32 @!p0 s3, s7;
	s7 =	simm.s32 @!p0 $0x108  }
0x21: {  	s3 =	sadd.s32 s3, s9;
	s6 =	sadd.s32 @!p0 $0x88, s6;
	s7 =	simm.s32 @p2 $0x1082  }
0x22: {  	[simem:s7], [sflag:s8] =	dma.local @!p0 [hbm:s6], $0xF7A  }
0x23: {  	s9 =	sor.u32 $0xD0000000, s2;
	s6 =	simm.s32 $0x108;
	_ =	swait.ge @!p0 [sflag:s8], $0x0  }
0x24: {  	s3 =	sadd.s32 $0x88, s3;
	s6 =	simm.s32 @!p1 $0x1082;
	[sflag:s4] =	ssyncset.s32 $0xFFFFF086  }
0x25: {  	[simem:s6], [sflag:s4] =	dma.local [hbm:s3], $0xF7A  }
0x26: {  	[smem:$0x3F9F] =	sst s1;
	(tag) =	ssettag s2;
	_ =	strace s9  }
0x27: {  	s1 =	sld [smem:$0x3FAF]  }
0x28: {  	s2 =	sld [smem:$0x3FB0]  }
0x29: {  	s4 =	sld [smem:$0x3FB2]  }
0x2a: {  	p0 =	seq.s32 s5, $0x0;
	s5 =	sld [smem:$0x3FB3]  }
0x2b: {  	s6 =	sld [smem:$0x3FB4]  }
0x2c: {  	s7 =	sld [smem:$0x3FB5]  }
0x2d: {  	s3 =	simm.s32 $0x108;
	s8 =	sld [smem:$0x3FB6]  }
0x2e: {  	s3 =	simm.s32 @!p0 $0x1082;
	s9 =	sld [smem:$0x3FB7]  }
0x2f: {  	lr =	sadd.s32 s0, s3;
	s0 =	sld [smem:$0x3FAE]  }
0x30: {  	s3 =	sld [smem:$0x3FB1]  }
0x31: {  	[smem:$0x3FBA] =	sst s10  }
0x32: {  	s10 =	sld [smem:$0x3FB8];
	_ =	sdelay $0x3  }
0x33: {  	p0 =	seq.s32 s10, $0x1;
	s10 =	sld [smem:$0x3FBA];
	_ =	sdelay $0x3  }
0x34: {  	[smem:$0x3FBA] =	sst s10  }
0x35: {  	s10 =	sld [smem:$0x3FB9];
	_ =	sdelay $0x3  }
0x36: {  	p1 =	seq.s32 s10, $0x1;
	s10 =	sld [smem:$0x3FBA];
	_ =	sdelay $0x3  }
0x37: {  	[smem:$0x3FBA] =	sst s10  }
0x38: {  	s10 =	sld [smem:$0x3FBB]  }
0x39: {  	_ = 	snop;
	(pc) =	sbr.ind lr, $3  }
0x3a: {  	_ = 	snop  }
0x3b: {  	_ = 	snop  }
0x3c: {  	p2 =	seq.s32 s10, $0x1;
	s10 =	sld [smem:$0x3FBA]  }
0x3d: {  	_ =	shalt  }
0x3e: {  	_ =	shalt  }
0x3f: {  	_ =	shalt  }
0x40: {  	_ =	shalt  }
0x41: {  	_ =	shalt  }
0x42: {  	_ =	shalt  }
0x43: {  	_ =	shalt  }
0x44: {  	_ =	shalt  }
0x45: {  	_ =	shalt  }
0x46: {  	_ =	shalt  }
0x47: {  	_ =	shalt  }
0x48: {  	_ =	shalt  }
0x49: {  	_ =	shalt  }
0x4a: {  	_ =	shalt  }
0x4b: {  	_ =	shalt  }
0x4c: {  	_ =	shalt  }
0x4d: {  	_ =	shalt  }
0x4e: {  	_ =	shalt  }
0x4f: {  	_ =	shalt  }
0x50: {  	_ =	shalt  }
0x51: {  	_ =	shalt  }
0x52: {  	_ =	shalt  }
0x53: {  	_ =	shalt  }
0x54: {  	_ =	shalt  }
0x55: {  	_ =	shalt  }
0x56: {  	_ =	shalt  }
0x57: {  	_ =	shalt  }
0x58: {  	_ =	shalt  }
0x59: {  	_ =	shalt  }
0x5a: {  	_ =	shalt  }
0x5b: {  	_ =	shalt  }
0x5c: {  	_ =	shalt  }
0x5d: {  	_ =	shalt  }
0x5e: {  	_ =	shalt  }
0x5f: {  	_ =	shalt  }
0x60: {  	_ =	shalt  }
0x61: {  	_ =	shalt  }
0x62: {  	_ =	shalt  }
0x63: {  	_ =	shalt  }
0x64: {  	_ =	shalt  }
0x65: {  	_ =	shalt  }
0x66: {  	_ =	shalt  }
0x67: {  	_ =	shalt  }
0x68: {  	_ =	shalt  }
0x69: {  	_ =	shalt  }
0x6a: {  	_ =	shalt  }
0x6b: {  	_ =	shalt  }
0x6c: {  	_ =	shalt  }
0x6d: {  	_ =	shalt  }
0x6e: {  	_ =	shalt  }
0x6f: {  	_ =	shalt  }
0x70: {  	_ =	shalt  }
0x71: {  	_ =	shalt  }
0x72: {  	_ =	shalt  }
0x73: {  	_ =	shalt  }
0x74: {  	_ =	shalt  }
0x75: {  	_ =	shalt  }
0x76: {  	_ =	shalt  }
0x77: {  	_ =	shalt  }
0x78: {  	_ =	shalt  }
0x79: {  	_ =	shalt  }
0x7a: {  	_ =	shalt  }
0x7b: {  	_ =	shalt  }
0x7c: {  	_ =	shalt  }
0x7d: {  	_ =	shalt  }
0x7e: {  	_ =	shalt  }
0x7f: {  	_ =	shalt  }
0x80: {  	_ =	shalt  }
0x81: {  	_ =	shalt  }
0x82: {  	_ =	shalt  }
0x83: {  	_ =	shalt  }
0x84: {  	_ =	shalt  }
0x85: {  	_ =	shalt  }
0x86: {  	_ =	shalt  }
0x87: {  	_ =	shalt  }
.Lfunc_end0:
.L_simem_size_0:
called_computation_lowered:
.L_overlay_start_0:
0x88: {  	s2 =	sld [smem:$0x3FD9]  }
0x89: {  	s3 =	sld [smem:$0x3FFE];
	_ =	sdelay $0x1  }
0x8a: {  	s1 =	srdreg.scid  }
0x8b: {  	s0 =	sand.u32 $0x1, s1  }
0x8c: {  	s18 =	sshll.u32 s0, $0xA;
	s2 =	sadd.s32 s3, s2  }
0x8d: {  	s2 =	sadd.s32 s2, s18  }
0x8e: {  	[smem:$0x3FC6] =	sst s2  }
0x8f: {  	_ = 	snop  }
0x90: {  	s2 =	sld [smem:$0x3FC9]  }
0x91: {  	s19 =	sld [smem:$0x3FD0];
	(tm) =	ssettm $0x1  }
0x92: {  	s4 =	sld [smem:$0x3FFB];
	_ =	sdelay $0x3  }
0x93: {  	_ =	strace s4  }
0x94: {  	s4 =	sld [smem:$0x3FFC];
	_ =	sdelay $0x3  }
0x95: {  	_ =	strace s4  }
0x96: {  	s4 =	sld [smem:$0x3FFD];
	_ =	sdelay $0x3  }
0x97: {  	_ =	strace s4  }
0x98: {  	_ =	strace $0x8FFFFFFF  }
0x99: {  	s20 =	sld [smem:$0x3FDB];
	_ =	sdelay $0x1  }
0x9a: {  	s5 =	simm.s32 $_scs_section_size  }
0x9b: {  	s6 =	simm.s32 $_size__tile_overlayer_lowered;
	s7 =	simm.s32 $_tile_overlayer_lowered  }
0x9c: {  	s23 =	simm.s32 $0x1BFF;
	s22 =	sshll.u32 s7, $0x1;
	s4 =	sadd.s32 s5, s20  }
0x9d: {  	s8 =	simm.s32 $0x0;
	s21 =	sshll.u32 s6, $0x1;
	s6 =	sadd.s32 s22, s4  }
0x9e: {  	[timem:s8], [sflag:s23] =	dma.local [hbm:s6], s21  }
0x9f: {  	_ =	swait.ge [sflag:s23], s21  }
0xa0: {  	s5 =	ssub.s32 $0x0, s21;
	[sflag:s23] =	ssyncset.done $0x0  }
0xa1: {  	[sflag:s23] =	ssyncadd.s32 s5;
	_ =	sdelay $0x1  }
0xa2: {  	s24 =	simm.s32 $0x1B8B  }
0xa3: {  	_ =	swait.ge [sflag:s24], $0x1  }
0xa4: {  	[sflag:s24] =	ssyncset.done $0x0  }
0xa5: {  	s25 =	simm.s32 $0x1B8E;
	[sflag:s24] =	ssyncadd.s32 $0xFFFFFFFF  }
0xa6: {  	s26 =	simm.s32 $execute0_lowered;
	[smem:$0x3FD2] =	sst s25  }
0xa7: {  	s5 =	sshll.u32 s26, $0x1;
	_ =	strace $0x80000046;
	[dreg:$0x1] =	wrdreg $0xFFFFFFFF  }
0xa8: {  	s28 =	simm.s32 $_size_execute0_lowered;
	s4 =	sadd.s32 s4, s5;
	[dreg:$0x0] =	wrdreg $0x0  }
0xa9: {  	s5 =	sshll.u32 s28, $0x1;
	[dreg:$0x2] =	wrdreg s4  }
0xaa: {  	[dreg:$0x3] =	wrdreg s5  }
0xab: {  	[dreg:$0x4] =	wrdreg $0xC0  }
0xac: {  	_ =	task [dreg:s8], $0x5FFFF  }
0xad: {  	[dreg:$0x1] =	wrdreg $0xFFFFFFFF  }
0xae: {  	[dreg:$0x0] =	wrdreg $0x60  }
0xaf: {  	[dreg:$0x2] =	wrdreg s2  }
0xb0: {  	[dreg:$0x3] =	wrdreg s19  }
0xb1: {  	[dreg:$0x4] =	wrdreg $0x9  }
0xb2: {  	_ =	task.clear_ibuf [dreg:s8], $0x5FFFF;
	_ =	strace $0x90000046  }
0xb3: {  	s29 =	simm.s32 $0x9;
	_ =	strace $0x80000048  }
0xb4: {  	_ =	swait.ge [sflag:s29], $0x1  }
0xb5: {  	[sflag:s29] =	ssyncadd.s32 $0xFFFFFFFF  }
0xb6: {  	_ =	strace $0x90000048  }
0xb7: {  	_ =	sfence  }
0xb8: {  	s30 =	sld [smem:$0x0];
	_ =	sdelay $0x2  }
0xb9: {  	s31 =	sshll.u32 s1, $0xD;
	s1 =	sshrl.u32 s1, $0x2  }
0xba: {  	s3 =	sand.u32 $0x4000, s31;
	s1 =	sadd.s32 s1, s30  }
0xbb: {  	s0 =	sor.u32 s3, s0;
	s1 =	sshll.u32 s1, $0x11  }
0xbc: {  	s0 =	sor.u32 s1, s0  }
0xbd: {  	s0 =	sadd.s32 $0x8F2B, s0  }
0xbe: {  	[sflag:s0] =	ssyncadd.remote.s32 $0x1  }
0xbf: {  	_ =	sfence.sel $0xFFFF  }
0xc0: {  	[dreg:$0x0] =	wrdreg $0xFFFFFFFF;
	(pc) =	sbr.abs _section_cstart, $3  }
0xc1: {  	[dreg:$0x1] =	wrdreg $0xFFFFFFFF  }
0xc2: {  	_ =	task.clear_ibuf [dreg:s8], $0x2FFFF;
	_ =	strace $0x9FFFFFFF  }
0xc3: {  	(tm) =	ssettm $0x7FFFFFFF  }
tec
execute0_lowered:
.L_overlay_start_1:
0x0: {  	(tag) =	ssettag $0x1  }
0x1: {  	s4 =	rddreg [dreg:$0x0]  }
0x2: {  	s0 =	rddreg [dreg:$0x1];
	s2 =	simm.s32 $0x0  }
0x3: {  	s10 =	simm.s32 $0x20000;
	[smem:$0x7FF] =	sst s2  }
0x4: {  	s11 =	simm.s32 $0x400;
	_ =	strace $0x80000047;
	[dreg:$0x4] =	wrdreg s10  }
0x5: {  	s12 =	simm.s32 $0x800;
	[dreg:$0x5] =	wrdreg s11  }
0x6: {  	s13 =	simm.s32 $0xC00;
	[dreg:$0x6] =	wrdreg s12  }
0x7: {  	s14 =	simm.s32 $0x80;
	[dreg:$0x7] =	wrdreg s13  }
0x8: {  	s15 =	simm.s32 $0x480;
	[dreg:$0x8] =	wrdreg s14  }
0x9: {  	s16 =	simm.s32 $0x880;
	[dreg:$0x9] =	wrdreg s15  }
0xa: {  	s17 =	simm.s32 $0xC80;
	[dreg:$0xa] =	wrdreg s16  }
0xb: {  	s18 =	simm.s32 $0x100;
	[dreg:$0xb] =	wrdreg s17  }
0xc: {  	s19 =	simm.s32 $0x500;
	[dreg:$0xc] =	wrdreg s18  }
0xd: {  	s20 =	simm.s32 $0x900;
	[dreg:$0xd] =	wrdreg s19  }
0xe: {  	s21 =	simm.s32 $0xD00;
	[dreg:$0xe] =	wrdreg s20  }
0xf: {  	s22 =	simm.s32 $0x180;
	[dreg:$0xf] =	wrdreg s21  }
0x10: {  	s23 =	simm.s32 $0x580;
	[dreg:$0x10] =	wrdreg s22  }
0x11: {  	s24 =	simm.s32 $0x980;
	[dreg:$0x11] =	wrdreg s23  }
0x12: {  	s25 =	simm.s32 $0xD80;
	[dreg:$0x12] =	wrdreg s24  }
0x13: {  	s5 =	stileid.u32;
	s26 =	simm.s32 $0x200;
	[dreg:$0x13] =	wrdreg s25  }
0x14: {  	s8 =	sshll.u32 s5, $0xA;
	s5 =	simm.s32 $0x600;
	[dreg:$0x14] =	wrdreg s26  }
0x15: {  	s6 =	simm.s32 $0xA00;
	[dreg:$0x15] =	wrdreg s5  }
0x16: {  	s7 =	simm.s32 $0xE00;
	[dreg:$0x16] =	wrdreg s6  }
0x17: {  	[dreg:$0x17] =	wrdreg s7;
	s10 =	simm.s32 $0xA80  }
0x18: {  	s11 =	simm.s32 $0xE80;
	[dreg:$0x1a] =	wrdreg s10  }
0x19: {  	s12 =	simm.s32 $0x300;
	[dreg:$0x1b] =	wrdreg s11  }
0x1a: {  	s13 =	simm.s32 $0x700;
	[dreg:$0x1c] =	wrdreg s12  }
0x1b: {  	s14 =	simm.s32 $0xB00;
	[dreg:$0x1d] =	wrdreg s13  }
0x1c: {  	s15 =	simm.s32 $0xF00;
	[dreg:$0x1e] =	wrdreg s14  }
0x1d: {  	s16 =	simm.s32 $0x380;
	[dreg:$0x1f] =	wrdreg s15  }
0x1e: {  	s17 =	simm.s32 $0x780;
	[smem:$0x72F] =	sst s16  }
0x1f: {  	s18 =	simm.s32 $0xB80;
	[smem:$0x730] =	sst s17  }
0x20: {  	s19 =	simm.s32 $0xF80;
	[smem:$0x731] =	sst s18  }
0x21: {  	s20 =	simm.s32 $0x1400;
	[smem:$0x732] =	sst s19  }
0x22: {  	s21 =	simm.s32 $0x1800;
	[smem:$0x733] =	sst s20  }
0x23: {  	s22 =	simm.s32 $0x1C00;
	[smem:$0x734] =	sst s21  }
0x24: {  	s23 =	simm.s32 $0x1080;
	[smem:$0x735] =	sst s22  }
0x25: {  	s24 =	simm.s32 $0x1480;
	[smem:$0x736] =	sst s23  }
0x26: {  	s25 =	simm.s32 $0x1880;
	[smem:$0x737] =	sst s24  }
0x27: {  	s26 =	simm.s32 $0x1C80;
	[smem:$0x738] =	sst s25  }
0x28: {  	s1 =	srdreg.scid;
	s5 =	simm.s32 $0x1100;
	[smem:$0x739] =	sst s26  }
0x29: {  	s3 =	sand.u32 $0x1, s1;
	s6 =	simm.s32 $0x1500;
	[smem:$0x73A] =	sst s5  }
0x2a: {  	s9 =	sshll.u32 s3, $0x9;
	s7 =	simm.s32 $0x1900;
	[smem:$0x73B] =	sst s6  }
0x2b: {  	s1 =	sor.u32 s9, s8;
	s8 =	simm.s32 $0x280;
	[smem:$0x73C] =	sst s7  }
0x2c: {  	s9 =	simm.s32 $0x680;
	[dreg:$0x18] =	wrdreg s8  }
0x2d: {  	s10 =	simm.s32 $0x1580;
	[dreg:$0x19] =	wrdreg s9  }
0x2e: {  	s11 =	simm.s32 $0x1980;
	[smem:$0x73F] =	sst s10  }
0x2f: {  	s12 =	simm.s32 $0x1D80;
	[smem:$0x740] =	sst s11  }
0x30: {  	s13 =	simm.s32 $0x1200;
	[smem:$0x741] =	sst s12  }
0x31: {  	s14 =	simm.s32 $0x1600;
	[smem:$0x742] =	sst s13  }
0x32: {  	s15 =	simm.s32 $0x1A00;
	[smem:$0x743] =	sst s14  }
0x33: {  	s16 =	simm.s32 $0x1E00;
	[smem:$0x744] =	sst s15  }
0x34: {  	s17 =	simm.s32 $0x1280;
	[smem:$0x745] =	sst s16  }
0x35: {  	s18 =	simm.s32 $0x1680;
	[smem:$0x746] =	sst s17  }
0x36: {  	s19 =	simm.s32 $0x1A80;
	[smem:$0x747] =	sst s18  }
0x37: {  	s20 =	simm.s32 $0x1E80;
	[smem:$0x748] =	sst s19  }
0x38: {  	s21 =	simm.s32 $0x1300;
	[smem:$0x749] =	sst s20  }
0x39: {  	s22 =	simm.s32 $0x1700;
	[smem:$0x74A] =	sst s21  }
0x3a: {  	s23 =	simm.s32 $0x1B00;
	[smem:$0x74B] =	sst s22  }
0x3b: {  	s24 =	simm.s32 $0x1F00;
	[smem:$0x74C] =	sst s23  }
0x3c: {  	s25 =	simm.s32 $0x1380;
	[smem:$0x74D] =	sst s24  }
0x3d: {  	s26 =	simm.s32 $0x1780;
	[smem:$0x74E] =	sst s25  }
0x3e: {  	s5 =	simm.s32 $0x1B80;
	[smem:$0x74F] =	sst s26  }
0x3f: {  	s6 =	simm.s32 $0x1F80;
	[smem:$0x750] =	sst s5  }
0x40: {  	s7 =	simm.s32 $0x2000;
	[smem:$0x751] =	sst s6  }
0x41: {  	s4 =	sadd.s32 s4, s1;
	[smem:$0x752] =	sst s7  }
0x42: {  	s8 =	simm.s32 $0x1D00;
	[dreg:$0x3] =	wrdreg s4  }
0x43: {  	s9 =	simm.s32 $0x1180;
	[smem:$0x73D] =	sst s8  }
0x44: {  	s10 =	simm.s32 $0x2C00;
	[smem:$0x73E] =	sst s9  }
0x45: {  	s11 =	simm.s32 $0x2080;
	[smem:$0x755] =	sst s10  }
0x46: {  	s12 =	simm.s32 $0x2480;
	[smem:$0x756] =	sst s11  }
0x47: {  	s13 =	simm.s32 $0x2880;
	[smem:$0x757] =	sst s12  }
0x48: {  	s14 =	simm.s32 $0x2C80;
	[smem:$0x758] =	sst s13  }
0x49: {  	s15 =	simm.s32 $0x2100;
	[smem:$0x759] =	sst s14  }
0x4a: {  	s16 =	simm.s32 $0x2500;
	[smem:$0x75A] =	sst s15  }
0x4b: {  	s17 =	simm.s32 $0x2900;
	[smem:$0x75B] =	sst s16  }
0x4c: {  	s18 =	simm.s32 $0x2D00;
	[smem:$0x75C] =	sst s17  }
0x4d: {  	s19 =	simm.s32 $0x2180;
	[smem:$0x75D] =	sst s18  }
0x4e: {  	s20 =	simm.s32 $0x2580;
	[smem:$0x75E] =	sst s19  }
0x4f: {  	s21 =	simm.s32 $0x2980;
	[smem:$0x75F] =	sst s20  }
0x50: {  	s22 =	simm.s32 $0x2D80;
	[smem:$0x760] =	sst s21  }
0x51: {  	s23 =	simm.s32 $0x2200;
	[smem:$0x761] =	sst s22  }
0x52: {  	s24 =	simm.s32 $0x2600;
	[smem:$0x762] =	sst s23  }
0x53: {  	s25 =	simm.s32 $0x2A00;
	[smem:$0x763] =	sst s24  }
0x54: {  	s26 =	simm.s32 $0x2E00;
	[smem:$0x764] =	sst s25  }
0x55: {  	s5 =	simm.s32 $0x2280;
	[smem:$0x765] =	sst s26  }
0x56: {  	s6 =	simm.s32 $0x2680;
	[smem:$0x766] =	sst s5  }
0x57: {  	s7 =	simm.s32 $0x2A80;
	[smem:$0x767] =	sst s6  }
0x58: {  	s8 =	simm.s32 $0x2400;
	[smem:$0x768] =	sst s7  }
0x59: {  	s9 =	simm.s32 $0x2800;
	[smem:$0x753] =	sst s8  }
0x5a: {  	s10 =	simm.s32 $0x2700;
	[smem:$0x754] =	sst s9  }
0x5b: {  	s11 =	simm.s32 $0x2B00;
	[smem:$0x76B] =	sst s10  }
0x5c: {  	s12 =	simm.s32 $0x2F00;
	[smem:$0x76C] =	sst s11  }
0x5d: {  	s13 =	simm.s32 $0x2380;
	[smem:$0x76D] =	sst s12  }
0x5e: {  	s14 =	simm.s32 $0x2780;
	[smem:$0x76E] =	sst s13  }
0x5f: {  	s15 =	simm.s32 $0x2B80;
	[smem:$0x76F] =	sst s14  }
0x60: {  	s16 =	simm.s32 $0x2F80;
	[smem:$0x770] =	sst s15  }
0x61: {  	s17 =	simm.s32 $0x3000;
	[smem:$0x771] =	sst s16  }
0x62: {  	s18 =	simm.s32 $0x3400;
	[smem:$0x772] =	sst s17  }
0x63: {  	s19 =	simm.s32 $0x3800;
	[smem:$0x773] =	sst s18  }
0x64: {  	s20 =	simm.s32 $0x3C00;
	[smem:$0x774] =	sst s19  }
0x65: {  	s21 =	simm.s32 $0x3080;
	[smem:$0x775] =	sst s20  }
0x66: {  	s22 =	simm.s32 $0x3480;
	[smem:$0x776] =	sst s21  }
0x67: {  	s23 =	simm.s32 $0x3880;
	[smem:$0x777] =	sst s22  }
0x68: {  	s24 =	simm.s32 $0x3C80;
	[smem:$0x778] =	sst s23  }
0x69: {  	s25 =	simm.s32 $0x3100;
	[smem:$0x779] =	sst s24  }
0x6a: {  	s26 =	simm.s32 $0x3500;
	[smem:$0x77A] =	sst s25  }
0x6b: {  	s5 =	simm.s32 $0x3900;
	[smem:$0x77B] =	sst s26  }
0x6c: {  	s6 =	simm.s32 $0x3D00;
	[smem:$0x77C] =	sst s5  }
0x6d: {  	s7 =	simm.s32 $0x3180;
	[smem:$0x77D] =	sst s6  }
0x6e: {  	s4 =	simm.s32 $0x5780;
	[smem:$0x77E] =	sst s7  }
0x6f: {  	s8 =	simm.s32 $0x2E80;
	[smem:$0x7D1] =	sst s4  }
0x70: {  	s9 =	simm.s32 $0x2300;
	[smem:$0x769] =	sst s8  }
0x71: {  	s10 =	simm.s32 $0x3D80;
	[smem:$0x76A] =	sst s9  }
0x72: {  	s11 =	simm.s32 $0x3200;
	[smem:$0x781] =	sst s10  }
0x73: {  	s12 =	simm.s32 $0x3600;
	[smem:$0x782] =	sst s11  }
0x74: {  	s13 =	simm.s32 $0x3A00;
	[smem:$0x783] =	sst s12  }
0x75: {  	s14 =	simm.s32 $0x3E00;
	[smem:$0x784] =	sst s13  }
0x76: {  	s15 =	simm.s32 $0x3280;
	[smem:$0x785] =	sst s14  }
0x77: {  	s16 =	simm.s32 $0x3680;
	[smem:$0x786] =	sst s15  }
0x78: {  	s17 =	simm.s32 $0x3A80;
	[smem:$0x787] =	sst s16  }
0x79: {  	s18 =	simm.s32 $0x3E80;
	[smem:$0x788] =	sst s17  }
0x7a: {  	s19 =	simm.s32 $0x3300;
	[smem:$0x789] =	sst s18  }
0x7b: {  	s20 =	simm.s32 $0x3700;
	[smem:$0x78A] =	sst s19  }
0x7c: {  	s21 =	simm.s32 $0x3B00;
	[smem:$0x78B] =	sst s20  }
0x7d: {  	s22 =	simm.s32 $0x3F00;
	[smem:$0x78C] =	sst s21  }
0x7e: {  	s23 =	simm.s32 $0x3380;
	[smem:$0x78D] =	sst s22  }
0x7f: {  	s24 =	simm.s32 $0x3780;
	[smem:$0x78E] =	sst s23  }
0x80: {  	s25 =	simm.s32 $0x3B80;
	[smem:$0x78F] =	sst s24  }
0x81: {  	s26 =	simm.s32 $0x3F80;
	[smem:$0x790] =	sst s25  }
0x82: {  	s5 =	simm.s32 $0x4000;
	[smem:$0x791] =	sst s26  }
0x83: {  	s6 =	simm.s32 $0x4400;
	[smem:$0x792] =	sst s5  }
0x84: {  	s7 =	simm.s32 $0x4800;
	[smem:$0x793] =	sst s6  }
0x85: {  	s4 =	simm.s32 $0x6480;
	[smem:$0x794] =	sst s7  }
0x86: {  	s8 =	simm.s32 $0x3580;
	[smem:$0x7E1] =	sst s4  }
0x87: {  	s9 =	simm.s32 $0x3980;
	[smem:$0x77F] =	sst s8  }
0x88: {  	s10 =	simm.s32 $0x4480;
	[smem:$0x780] =	sst s9  }
0x89: {  	s11 =	simm.s32 $0x4880;
	[smem:$0x797] =	sst s10  }
0x8a: {  	s12 =	simm.s32 $0x4C80;
	[smem:$0x798] =	sst s11  }
0x8b: {  	s13 =	simm.s32 $0x4100;
	[smem:$0x799] =	sst s12  }
0x8c: {  	s14 =	simm.s32 $0x4500;
	[smem:$0x79A] =	sst s13  }
0x8d: {  	s15 =	simm.s32 $0x4900;
	[smem:$0x79B] =	sst s14  }
0x8e: {  	s16 =	simm.s32 $0x4D00;
	[smem:$0x79C] =	sst s15  }
0x8f: {  	s17 =	simm.s32 $0x4180;
	[smem:$0x79D] =	sst s16  }
0x90: {  	s18 =	simm.s32 $0x4580;
	[smem:$0x79E] =	sst s17  }
0x91: {  	s19 =	simm.s32 $0x4980;
	[smem:$0x79F] =	sst s18  }
0x92: {  	s20 =	simm.s32 $0x4D80;
	[smem:$0x7A0] =	sst s19  }
0x93: {  	s21 =	simm.s32 $0x4200;
	[smem:$0x7A1] =	sst s20  }
0x94: {  	s22 =	simm.s32 $0x4600;
	[smem:$0x7A2] =	sst s21  }
0x95: {  	s23 =	simm.s32 $0x4A00;
	[smem:$0x7A3] =	sst s22  }
0x96: {  	s24 =	simm.s32 $0x4E00;
	[smem:$0x7A4] =	sst s23  }
0x97: {  	s25 =	simm.s32 $0x4280;
	[smem:$0x7A5] =	sst s24  }
0x98: {  	s26 =	simm.s32 $0x4680;
	[smem:$0x7A6] =	sst s25  }
0x99: {  	s5 =	simm.s32 $0x4A80;
	[smem:$0x7A7] =	sst s26  }
0x9a: {  	s6 =	simm.s32 $0x4E80;
	[smem:$0x7A8] =	sst s5  }
0x9b: {  	s7 =	simm.s32 $0x4300;
	[smem:$0x7A9] =	sst s6  }
0x9c: {  	s8 =	simm.s32 $0x4C00;
	[smem:$0x7AA] =	sst s7  }
0x9d: {  	s9 =	simm.s32 $0x4080;
	[smem:$0x795] =	sst s8  }
0x9e: {  	s10 =	simm.s32 $0x4F00;
	[smem:$0x796] =	sst s9  }
0x9f: {  	s11 =	simm.s32 $0x4380;
	[smem:$0x7AD] =	sst s10  }
0xa0: {  	s12 =	simm.s32 $0x4780;
	[smem:$0x7AE] =	sst s11  }
0xa1: {  	s13 =	simm.s32 $0x4B80;
	[smem:$0x7AF] =	sst s12  }
0xa2: {  	s14 =	simm.s32 $0x4F80;
	[smem:$0x7B0] =	sst s13  }
0xa3: {  	s15 =	simm.s32 $0x5000;
	[smem:$0x7B1] =	sst s14  }
0xa4: {  	s16 =	simm.s32 $0x5400;
	[smem:$0x7B2] =	sst s15  }
0xa5: {  	s17 =	simm.s32 $0x5800;
	[smem:$0x7B3] =	sst s16  }
0xa6: {  	s18 =	simm.s32 $0x5C00;
	[smem:$0x7B4] =	sst s17  }
0xa7: {  	s19 =	simm.s32 $0x5080;
	[smem:$0x7B5] =	sst s18  }
0xa8: {  	s20 =	simm.s32 $0x5480;
	[smem:$0x7B6] =	sst s19  }
0xa9: {  	s21 =	simm.s32 $0x5880;
	[smem:$0x7B7] =	sst s20  }
0xaa: {  	s22 =	simm.s32 $0x5C80;
	[smem:$0x7B8] =	sst s21  }
0xab: {  	s23 =	simm.s32 $0x5100;
	[smem:$0x7B9] =	sst s22  }
0xac: {  	s24 =	simm.s32 $0x5500;
	[smem:$0x7BA] =	sst s23  }
0xad: {  	s25 =	simm.s32 $0x5900;
	[smem:$0x7BB] =	sst s24  }
0xae: {  	s26 =	simm.s32 $0x5D00;
	[smem:$0x7BC] =	sst s25  }
0xaf: {  	s5 =	simm.s32 $0x5180;
	[smem:$0x7BD] =	sst s26  }
0xb0: {  	s6 =	simm.s32 $0x5580;
	[smem:$0x7BE] =	sst s5  }
0xb1: {  	s7 =	simm.s32 $0x5980;
	[smem:$0x7BF] =	sst s6  }
0xb2: {  	s8 =	simm.s32 $0x4700;
	[smem:$0x7C0] =	sst s7  }
0xb3: {  	s9 =	simm.s32 $0x4B00;
	[smem:$0x7AB] =	sst s8  }
0xb4: {  	s11 =	simm.s32 $0x5600;
	[smem:$0x7AC] =	sst s9  }
0xb5: {  	s12 =	simm.s32 $0x5A00;
	[smem:$0x7C3] =	sst s11  }
0xb6: {  	s13 =	simm.s32 $0x5E00;
	[smem:$0x7C4] =	sst s12  }
0xb7: {  	s14 =	simm.s32 $0x5280;
	[smem:$0x7C5] =	sst s13  }
0xb8: {  	s15 =	simm.s32 $0x5680;
	[smem:$0x7C6] =	sst s14  }
0xb9: {  	s17 =	simm.s32 $0x5A80;
	[smem:$0x7C7] =	sst s15  }
0xba: {  	s18 =	simm.s32 $0x5E80;
	[smem:$0x7C8] =	sst s17  }
0xbb: {  	s21 =	simm.s32 $0x5300;
	[smem:$0x7C9] =	sst s18  }
0xbc: {  	s22 =	simm.s32 $0x5700;
	[smem:$0x7CA] =	sst s21  }
0xbd: {  	s23 =	simm.s32 $0x5B00;
	[smem:$0x7CB] =	sst s22  }
0xbe: {  	s24 =	simm.s32 $0x5F00;
	[smem:$0x7CC] =	sst s23  }
0xbf: {  	s26 =	simm.s32 $0x5380;
	[smem:$0x7CD] =	sst s24  }
0xc0: {  	s6 =	simm.s32 $0x5B80;
	[smem:$0x7CF] =	sst s26  }
0xc1: {  	s1 =	sshrl.u32 s1, $0x3;
	s8 =	simm.s32 $0x5D80;
	[smem:$0x7D3] =	sst s6  }
0xc2: {  	s19 =	sadd.s32 s0, s1;
	s9 =	simm.s32 $0x5200;
	[smem:$0x7C1] =	sst s8  }
0xc3: {  	s1 =	sadd.s32 $0x4800, s19;
	[smem:$0x7C2] =	sst s9  }
0xc4: {  	s5 =	sadd.s32 $0x5000, s19;
	[smem:$0x7CE] =	sst s1  }
0xc5: {  	s3 =	ssub.s32 $0x2, s3;
	s7 =	sadd.s32 $0x5800, s19;
	[smem:$0x7D0] =	sst s5  }
0xc6: {  	s10 =	sshrl.u32 s3, $0x1;
	s11 =	sadd.s32 $0x6800, s19;
	[smem:$0x7D2] =	sst s7  }
0xc7: {  	s3 =	ssub.s32 s3, s10;
	s10 =	simm.s32 $0x6000;
	[smem:$0x7D6] =	sst s11  }
0xc8: {  	s14 =	sadd.s32 $0x7000, s19;
	[smem:$0x7D7] =	sst s10  }
0xc9: {  	s12 =	simm.s32 $0x6400;
	[smem:$0x7D8] =	sst s14  }
0xca: {  	s17 =	sadd.s32 $0x7800, s19;
	[smem:$0x7D9] =	sst s12  }
0xcb: {  	s15 =	simm.s32 $0x6800;
	[smem:$0x7DA] =	sst s17  }
0xcc: {  	s23 =	sadd.s32 $0x8000, s19;
	[smem:$0x7DB] =	sst s15  }
0xcd: {  	s21 =	simm.s32 $0x6C00;
	[smem:$0x7DC] =	sst s23  }
0xce: {  	s26 =	sadd.s32 $0x8800, s19;
	[smem:$0x7DD] =	sst s21  }
0xcf: {  	s24 =	simm.s32 $0x6080;
	[smem:$0x7DE] =	sst s26  }
0xd0: {  	s6 =	simm.s32 $0x6880;
	[smem:$0x7DF] =	sst s24  }
0xd1: {  	s4 =	sadd.s32 $0x14800, s19;
	[smem:$0x7E3] =	sst s6  }
0xd2: {  	s29 =	sadd.s32 $0x12800, s19;
	[smem:$0x7F0] =	sst s4  }
0xd3: {  	s31 =	sadd.s32 $0x12000, s19;
	[smem:$0x7F7] =	sst s29  }
0xd4: {  	s9 =	sadd.s32 $0x6000, s19;
	[smem:$0x7F9] =	sst s31  }
0xd5: {  	s8 =	simm.s32 $0x5F80;
	[smem:$0x7D4] =	sst s9  }
0xd6: {  	s5 =	sadd.s32 $0x9000, s19;
	[smem:$0x7D5] =	sst s8  }
0xd7: {  	s7 =	sadd.s32 $0x9800, s19;
	[smem:$0x7E0] =	sst s5  }
0xd8: {  	s11 =	sadd.s32 $0xA800, s19;
	[smem:$0x7E2] =	sst s7  }
0xd9: {  	s14 =	sadd.s32 $0xB000, s19;
	[smem:$0x7E6] =	sst s11  }
0xda: {  	s15 =	sadd.s32 $0xB800, s19;
	[smem:$0x7E8] =	sst s14  }
0xdb: {  	s17 =	sadd.s32 $0xC000, s19;
	[smem:$0x7E9] =	sst s15  }
0xdc: {  	s21 =	sadd.s32 $0xC800, s19;
	[smem:$0x7EA] =	sst s17  }
0xdd: {  	s23 =	sadd.s32 $0xD800, s19;
	[smem:$0x7EB] =	sst s21  }
0xde: {  	p0 =	por $0x0, $0x0;
	s24 =	sadd.s32 $0xE000, s19;
	[smem:$0x7EC] =	sst s23  }
0xdf: {  	s20 =	sadd.s32 $0x800, s19;
	s26 =	sadd.s32 $0x10800, s19;
	[smem:$0x7ED] =	sst s24  }
0xe0: {  	s10 =	smax.u32 s3, $0x1;
	s3 =	sadd.s32 $0x13000, s19;
	[smem:$0x7EE] =	sst s26  }
0xe1: {  	s16 =	sadd.s32 $0x1000, s19;
	s6 =	sadd.s32 $0x16000, s19;
	[smem:$0x7EF] =	sst s3  }
0xe2: {  	s30 =	sadd.s32 $0x1800, s19;
	s4 =	sadd.s32 $0x15800, s19;
	[smem:$0x7F1] =	sst s6  }
0xe3: {  	s13 =	sadd.s32 $0x2000, s19;
	s9 =	sadd.s32 $0xA000, s19;
	[smem:$0x7FA] =	sst s4  }
0xe4: {  	s25 =	sadd.s32 $0x2800, s19;
	s8 =	simm.s32 $0x6C80;
	[smem:$0x7E4] =	sst s9  }
0xe5: {  	s28 =	sadd.s32 $0x3000, s19;
	s12 =	sadd.s32 $0xFFFFFFFF, s10;
	[smem:$0x7E5] =	sst s8  }
0xe6: {  	s18 =	sadd.s32 $0x3800, s19;
	s21 =	sadd.s32 $0x17800, s19;
	[smem:$0x7E7] =	sst s12  }
0xe7: {  	s22 =	sadd.s32 $0x4000, s19;
	s24 =	sadd.s32 $0x18000, s19;
	[smem:$0x7F4] =	sst s21  }
0xe8: {  	s1 =	sadd.s32 $0xE800, s19;
	s26 =	sadd.s32 $0x18800, s19;
	[smem:$0x7F5] =	sst s24  }
0xe9: {  	p1 =	sne.s32 s10, $0x1;
	s14 =	sadd.s32 $0x13800, s19;
	[smem:$0x7F6] =	sst s26  }
0xea: {  	s17 =	sadd.s32 $0xD000, s19;
	s7 =	sadd.s32 $0x14000, s19;
	[smem:$0x7F8] =	sst s14  }
0xeb: {  	s15 =	sadd.s32 $0xF000, s19;
	s10 =	sadd.s32 $0x15000, s19;
	[smem:$0x7FB] =	sst s7  }
.Ltmp0:
0xec: {  	s5 =	sadd.s32 $0xF800, s19;
	[smem:$0x7FC] =	sst s10;
	(pc) =	sbr.rel @!p1 .LBB2_1-.Ltmp0, $4  }
0xed: {  	s23 =	sadd.s32 $0x11000, s19;
	s8 =	sadd.s32 $0x16800, s19;
	[smem:$0x7FD] =	sst s17  }
0xee: {  	s11 =	sadd.s32 $0x11800, s19;
	s9 =	sadd.s32 $0x17000, s19;
	[smem:$0x7F2] =	sst s8  }
0xef: {  	s3 =	simm.s32 $0x2;
	s12 =	sadd.s32 $0x10000, s19;
	[smem:$0x7F3] =	sst s9  }
0xf0: {  	s21 =	simm.s32 $0x1000;
	s26 =	simm.s32 $0x1;
	s9 =	rddreg [dreg:$0x3]  }
0xf1: {  	s0 =	rddreg [dreg:$0x4]  }
0xf2: {  	[tilespmem:s2], [sflag:$0x1] =	stream.strided.gather [hbm4b:s9+s21], $0x7000, s0, s21, $0x38;
	[tilespmem:$0x7000] =	vst v63  }
0xf3: {  	_ =	swait.ge [sflag:s26], $0x7000  }
0xf4: {  	s24 =	rddreg [dreg:$0x5]  }
0xf5: {  	[smem:$0x72A] =	sst s1  }
0xf6: {  	s6 =	sadd.s32 $0x10, s19;
	s8 =	rddreg [dreg:$0x6]  }
0xf7: {  	s9 =	sadd.s32 $0x20, s19;
	[smem:$0x695] =	sst s6  }
0xf8: {  	[smem:$0x696] =	sst s9  }
0xf9: {  	[smem:$0x72B] =	sst s16  }
0xfa: {  	[smem:$0x72C] =	sst s13  }
0xfb: {  	[sflag:s26] =	ssyncset.done $0x0;
	[smem:$0x72D] =	sst s28  }
0xfc: {  	s1 =	sadd.s32 $0x10, s20;
	[smem:$0x72E] =	sst s18;
	[sflag:s26] =	ssyncadd.s32 $0xFFFF9000  }
0xfd: {  	[hbm4b:s19+s2] =	stream.linear.scatter [tilespmem:s2], [sflag:$0x2], $0x80, $0x38;
	[tilespmem:$0x7000] =	vst v63  }
0xfe: {  	[smem:$0x698] =	sst s1  }
0xff: {  	[hbm4b:s6+s2] =	stream.linear.scatter [tilespmem:s24], [sflag:$0x2], $0x80, $0x38;
	[tilespmem:$0x7000] =	vst v63  }
0x100: {  	s24 =	rddreg [dreg:$0x7]  }
0x101: {  	s6 =	rddreg [dreg:$0x15]  }
0x102: {  	[hbm4b:s9+s2] =	stream.linear.scatter [tilespmem:s8], [sflag:$0x2], $0x80, $0x38;
	[tilespmem:$0x7000] =	vst v63  }
0x103: {  	s8 =	sadd.s32 $0x30, s19;
	s9 =	rddreg [dreg:$0x8]  }
0x104: {  	[smem:$0x697] =	sst s8  }
0x105: {  	[hbm4b:s8+s2] =	stream.linear.scatter [tilespmem:s24], [sflag:$0x2], $0x80, $0x38;
	[tilespmem:$0x7000] =	vst v63  }
0x106: {  	s24 =	rddreg [dreg:$0x9]  }
0x107: {  	[hbm4b:s20+s2] =	stream.linear.scatter [tilespmem:s9], [sflag:$0x2], $0x80, $0x38;
	[tilespmem:$0x7000] =	vst v63  }
0x108: {  	s8 =	rddreg [dreg:$0xa];
	s9 =	sadd.s32 $0x20, s20  }
0x109: {  	[smem:$0x699] =	sst s9  }
0x10a: {  	[hbm4b:s1+s2] =	stream.linear.scatter [tilespmem:s24], [sflag:$0x2], $0x80, $0x38;
	[tilespmem:$0x7000] =	vst v63  }
0x10b: {  	s24 =	rddreg [dreg:$0xb];
	s1 =	sadd.s32 $0x10, s16  }
0x10c: {  	[smem:$0x69B] =	sst s1  }
0x10d: {  	[hbm4b:s9+s2] =	stream.linear.scatter [tilespmem:s8], [sflag:$0x2], $0x80, $0x38;
	[tilespmem:$0x7000] =	vst v63  }
0x10e: {  	s8 =	sadd.s32 $0x30, s20;
	s9 =	rddreg [dreg:$0xc]  }
0x10f: {  	[smem:$0x69A] =	sst s8  }
0x110: {  	[hbm4b:s8+s2] =	stream.linear.scatter [tilespmem:s24], [sflag:$0x2], $0x80, $0x38;
	[tilespmem:$0x7000] =	vst v63  }
0x111: {  	s24 =	rddreg [dreg:$0xd]  }
0x112: {  	[hbm4b:s16+s2] =	stream.linear.scatter [tilespmem:s9], [sflag:$0x2], $0x80, $0x38;
	[tilespmem:$0x7000] =	vst v63  }
0x113: {  	s8 =	rddreg [dreg:$0xe];
	s9 =	sadd.s32 $0x20, s16  }
0x114: {  	[smem:$0x69C] =	sst s9  }
0x115: {  	[hbm4b:s1+s2] =	stream.linear.scatter [tilespmem:s24], [sflag:$0x2], $0x80, $0x38;
	[tilespmem:$0x7000] =	vst v63  }
0x116: {  	s24 =	rddreg [dreg:$0xf];
	s1 =	sadd.s32 $0x30, s16  }
0x117: {  	s16 =	sadd.s32 $0x10, s30;
	[smem:$0x69D] =	sst s1  }
0x118: {  	[smem:$0x69E] =	sst s16  }
0x119: {  	[hbm4b:s9+s2] =	stream.linear.scatter [tilespmem:s8], [sflag:$0x2], $0x80, $0x38;
	[tilespmem:$0x7000] =	vst v63  }
0x11a: {  	s8 =	rddreg [dreg:$0x10]  }
0x11b: {  	s9 =	rddreg [dreg:$0x11]  }
0x11c: {  	[hbm4b:s1+s2] =	stream.linear.scatter [tilespmem:s24], [sflag:$0x2], $0x80, $0x38;
	[tilespmem:$0x7000] =	vst v63  }
0x11d: {  	s24 =	rddreg [dreg:$0x12];
	s1 =	sadd.s32 $0x10, s28  }
0x11e: {  	[hbm4b:s30+s2] =	stream.linear.scatter [tilespmem:s8], [sflag:$0x2], $0x80, $0x38;
	[tilespmem:$0x7000] =	vst v63  }
0x11f: {  	[smem:$0x6A7] =	sst s1;
	s8 =	sadd.s32 $0x20, s30  }
0x120: {  	[smem:$0x69F] =	sst s8  }
0x121: {  	[hbm4b:s16+s2] =	stream.linear.scatter [tilespmem:s9], [sflag:$0x2], $0x80, $0x38;
	[tilespmem:$0x7000] =	vst v63  }
0x122: {  	s9 =	rddreg [dreg:$0x13];
	s16 =	sadd.s32 $0x30, s30  }
0x123: {  	[smem:$0x6A0] =	sst s16  }
0x124: {  	[hbm4b:s8+s2] =	stream.linear.scatter [tilespmem:s24], [sflag:$0x2], $0x80, $0x38;
	[tilespmem:$0x7000] =	vst v63  }
0x125: {  	s24 =	rddreg [dreg:$0x14];
	s8 =	sadd.s32 $0x10, s13  }
0x126: {  	[smem:$0x6A1] =	sst s8  }
0x127: {  	[hbm4b:s16+s2] =	stream.linear.scatter [tilespmem:s9], [sflag:$0x2], $0x80, $0x38;
	[tilespmem:$0x7000] =	vst v63  }
0x128: {  	s9 =	rddreg [dreg:$0x16];
	s16 =	sadd.s32 $0x20, s13  }
0x129: {  	[smem:$0x6A2] =	sst s16  }
0x12a: {  	[hbm4b:s13+s2] =	stream.linear.scatter [tilespmem:s24], [sflag:$0x2], $0x80, $0x38;
	[tilespmem:$0x7000] =	vst v63  }
0x12b: {  	s24 =	rddreg [dreg:$0x17]  }
0x12c: {  	[hbm4b:s8+s2] =	stream.linear.scatter [tilespmem:s6], [sflag:$0x2], $0x80, $0x38;
	[tilespmem:$0x7000] =	vst v63  }
0x12d: {  	s8 =	sadd.s32 $0x30, s13;
	s13 =	rddreg [dreg:$0x19]  }
0x12e: {  	s6 =	sadd.s32 $0x30, s18;
	[smem:$0x6A3] =	sst s8  }
0x12f: {  	[smem:$0x6AC] =	sst s6  }
0x130: {  	[hbm4b:s16+s2] =	stream.linear.scatter [tilespmem:s9], [sflag:$0x2], $0x80, $0x38;
	[tilespmem:$0x7000] =	vst v63  }
0x131: {  	s9 =	rddreg [dreg:$0x18];
	s16 =	sadd.s32 $0x10, s25  }
0x132: {  	[smem:$0x6A4] =	sst s16  }
0x133: {  	[hbm4b:s8+s2] =	stream.linear.scatter [tilespmem:s24], [sflag:$0x2], $0x80, $0x38;
	[tilespmem:$0x7000] =	vst v63  }
0x134: {  	s24 =	rddreg [dreg:$0x1a];
	s8 =	sadd.s32 $0x20, s25  }
0x135: {  	[smem:$0x6A5] =	sst s8  }
0x136: {  	[hbm4b:s25+s2] =	stream.linear.scatter [tilespmem:s9], [sflag:$0x2], $0x80, $0x38;
	[tilespmem:$0x7000] =	vst v63  }
0x137: {  	s9 =	rddreg [dreg:$0x1b]  }
0x138: {  	[hbm4b:s16+s2] =	stream.linear.scatter [tilespmem:s13], [sflag:$0x2], $0x80, $0x38;
	[tilespmem:$0x7000] =	vst v63  }
0x139: {  	s13 =	sadd.s32 $0x30, s25;
	s16 =	rddreg [dreg:$0x1c]  }
0x13a: {  	[smem:$0x6A6] =	sst s13  }
0x13b: {  	[hbm4b:s8+s2] =	stream.linear.scatter [tilespmem:s24], [sflag:$0x2], $0x80, $0x38;
	[tilespmem:$0x7000] =	vst v63  }
0x13c: {  	s24 =	rddreg [dreg:$0x1d]  }
0x13d: {  	s8 =	rddreg [dreg:$0x1e]  }
0x13e: {  	[hbm4b:s13+s2] =	stream.linear.scatter [tilespmem:s9], [sflag:$0x2], $0x80, $0x38;
	[tilespmem:$0x7000] =	vst v63  }
0x13f: {  	s9 =	sadd.s32 $0x20, s28;
	s13 =	rddreg [dreg:$0x1f]  }
0x140: {  	[hbm4b:s28+s2] =	stream.linear.scatter [tilespmem:s16], [sflag:$0x2], $0x80, $0x38;
	[tilespmem:$0x7000] =	vst v63  }
0x141: {  	[smem:$0x6A8] =	sst s9;
	s16 =	sadd.s32 $0x30, s28  }
0x142: {  	[smem:$0x6A9] =	sst s16  }
0x143: {  	[hbm4b:s1+s2] =	stream.linear.scatter [tilespmem:s24], [sflag:$0x2], $0x80, $0x38;
	[tilespmem:$0x7000] =	vst v63  }
0x144: {  	s24 =	sld [smem:$0x72F]  }
0x145: {  	[hbm4b:s9+s2] =	stream.linear.scatter [tilespmem:s8], [sflag:$0x2], $0x80, $0x38;
	[tilespmem:$0x7000] =	vst v63  }
0x146: {  	s8 =	sld [smem:$0x730];
	s9 =	sadd.s32 $0x10, s18  }
0x147: {  	[smem:$0x6AA] =	sst s9  }
0x148: {  	[hbm4b:s16+s2] =	stream.linear.scatter [tilespmem:s13], [sflag:$0x2], $0x80, $0x38;
	[tilespmem:$0x7000] =	vst v63  }
0x149: {  	s13 =	sld [smem:$0x731];
	s16 =	sadd.s32 $0x20, s18  }
0x14a: {  	[smem:$0x6AB] =	sst s16  }
0x14b: {  	[hbm4b:s18+s2] =	stream.linear.scatter [tilespmem:s24], [sflag:$0x2], $0x80, $0x38;
	[tilespmem:$0x7000] =	vst v63  }
0x14c: {  	s24 =	sld [smem:$0x732]  }
0x14d: {  	s18 =	sld [smem:$0x735]  }
0x14e: {  	[hbm4b:s9+s2] =	stream.linear.scatter [tilespmem:s8], [sflag:$0x2], $0x80, $0x38;
	[tilespmem:$0x7000] =	vst v63  }
0x14f: {  	s8 =	sld [smem:$0x733];
	s9 =	sadd.s32 $0x10, s22  }
0x150: {  	[smem:$0x6AD] =	sst s9  }
0x151: {  	[hbm4b:s16+s2] =	stream.linear.scatter [tilespmem:s13], [sflag:$0x2], $0x80, $0x38;
	[tilespmem:$0x7000] =	vst v63  }
0x152: {  	s13 =	sld [smem:$0x734];
	s16 =	sadd.s32 $0x20, s22  }
0x153: {  	[hbm4b:s6+s2] =	stream.linear.scatter [tilespmem:s24], [sflag:$0x2], $0x80, $0x38;
	[tilespmem:$0x7000] =	vst v63  }
0x154: {  	[smem:$0x6AE] =	sst s16  }
0x155: {  	[hbm4b:s22+s2] =	stream.linear.scatter [tilespmem:s21], [sflag:$0x2], $0x80, $0x38;
	[tilespmem:$0x7000] =	vst v63  }
0x156: {  	s24 =	sld [smem:$0x736];
	s21 =	sadd.s32 $0x30, s22  }
0x157: {  	[smem:$0x6AF] =	sst s21  }
0x158: {  	[hbm4b:s9+s2] =	stream.linear.scatter [tilespmem:s8], [sflag:$0x2], $0x80, $0x38;
	[tilespmem:$0x7000] =	vst v63  }
0x159: {  	s9 =	sld [smem:$0x7CE]  }
0x15a: {  	s8 =	sld [smem:$0x737]  }
0x15b: {  	[hbm4b:s16+s2] =	stream.linear.scatter [tilespmem:s13], [sflag:$0x2], $0x80, $0x38;
	[tilespmem:$0x7000] =	vst v63  }
0x15c: {  	s16 =	sld [smem:$0x738];
	s13 =	sadd.s32 $0x10, s9  }
0x15d: {  	[hbm4b:s21+s2] =	stream.linear.scatter [tilespmem:s18], [sflag:$0x2], $0x80, $0x38;
	[tilespmem:$0x7000] =	vst v63  }
0x15e: {  	s1 =	sadd.s32 $0x30, s9;
	[smem:$0x6B0] =	sst s13  }
0x15f: {  	[smem:$0x6B2] =	sst s1  }
0x160: {  	s21 =	sadd.s32 $0x20, s9;
	s18 =	sld [smem:$0x73C]  }
0x161: {  	[smem:$0x6B1] =	sst s21  }
0x162: {  	[hbm4b:s9+s2] =	stream.linear.scatter [tilespmem:s24], [sflag:$0x2], $0x80, $0x38;
	[tilespmem:$0x7000] =	vst v63  }
0x163: {  	s24 =	sld [smem:$0x739]  }
0x164: {  	[hbm4b:s13+s2] =	stream.linear.scatter [tilespmem:s8], [sflag:$0x2], $0x80, $0x38;
	[tilespmem:$0x7000] =	vst v63  }
0x165: {  	s13 =	sld [smem:$0x7D0]  }
0x166: {  	s9 =	sld [smem:$0x73B]  }
0x167: {  	[hbm4b:s21+s2] =	stream.linear.scatter [tilespmem:s16], [sflag:$0x2], $0x80, $0x38;
	[tilespmem:$0x7000] =	vst v63  }
0x168: {  	s8 =	sld [smem:$0x73A];
	s16 =	sadd.s32 $0x10, s13  }
0x169: {  	[hbm4b:s1+s2] =	stream.linear.scatter [tilespmem:s24], [sflag:$0x2], $0x80, $0x38;
	[tilespmem:$0x7000] =	vst v63  }
0x16a: {  	[smem:$0x6B3] =	sst s16  }
0x16b: {  	s21 =	sadd.s32 $0x20, s13;
	s24 =	sld [smem:$0x73D]  }
0x16c: {  	[smem:$0x6B4] =	sst s21;
	s1 =	sadd.s32 $0x30, s13  }
0x16d: {  	[smem:$0x6B5] =	sst s1  }
0x16e: {  	[hbm4b:s13+s2] =	stream.linear.scatter [tilespmem:s8], [sflag:$0x2], $0x80, $0x38;
	[tilespmem:$0x7000] =	vst v63  }
0x16f: {  	s8 =	sld [smem:$0x73E]  }
0x170: {  	s13 =	sld [smem:$0x7D2]  }
0x171: {  	[hbm4b:s16+s2] =	stream.linear.scatter [tilespmem:s9], [sflag:$0x2], $0x80, $0x38;
	[tilespmem:$0x7000] =	vst v63  }
0x172: {  	s9 =	sld [smem:$0x73F]  }
0x173: {  	[hbm4b:s21+s2] =	stream.linear.scatter [tilespmem:s18], [sflag:$0x2], $0x80, $0x38;
	[tilespmem:$0x7000] =	vst v63  }
0x174: {  	s16 =	sadd.s32 $0x10, s13;
	s18 =	sld [smem:$0x740]  }
0x175: {  	[smem:$0x6B6] =	sst s16;
	s21 =	sadd.s32 $0x20, s13  }
0x176: {  	[hbm4b:s1+s2] =	stream.linear.scatter [tilespmem:s24], [sflag:$0x2], $0x80, $0x38;
	[tilespmem:$0x7000] =	vst v63  }
0x177: {  	[smem:$0x6B7] =	sst s21  }
0x178: {  	[hbm4b:s13+s2] =	stream.linear.scatter [tilespmem:s8], [sflag:$0x2], $0x80, $0x38;
	[tilespmem:$0x7000] =	vst v63  }
0x179: {  	s24 =	sld [smem:$0x741];
	s8 =	sadd.s32 $0x30, s13  }
0x17a: {  	[hbm4b:s16+s2] =	stream.linear.scatter [tilespmem:s9], [sflag:$0x2], $0x80, $0x38;
	[tilespmem:$0x7000] =	vst v63  }
0x17b: {  	[smem:$0x6B8] =	sst s8  }
0x17c: {  	[hbm4b:s21+s2] =	stream.linear.scatter [tilespmem:s18], [sflag:$0x2], $0x80, $0x38;
	[tilespmem:$0x7000] =	vst v63  }
0x17d: {  	s9 =	sld [smem:$0x742]  }
0x17e: {  	[hbm4b:s8+s2] =	stream.linear.scatter [tilespmem:s24], [sflag:$0x2], $0x80, $0x38;
	[tilespmem:$0x7000] =	vst v63  }
0x17f: {  	s8 =	sld [smem:$0x7D4]  }
0x180: {  	s13 =	sld [smem:$0x743]  }
0x181: {  	s18 =	sld [smem:$0x744]  }
0x182: {  	[hbm4b:s8+s2] =	stream.linear.scatter [tilespmem:s9], [sflag:$0x2], $0x80, $0x38;
	[tilespmem:$0x7000] =	vst v63  }
0x183: {  	s24 =	sld [smem:$0x745];
	s16 =	sadd.s32 $0x10, s8  }
0x184: {  	s21 =	sadd.s32 $0x20, s8;
	s1 =	sadd.s32 $0x30, s8;
	s8 =	sld [smem:$0x746]  }
0x185: {  	s9 =	sld [smem:$0x747]  }
0x186: {  	[smem:$0x6B9] =	sst s16  }
0x187: {  	[smem:$0x6BA] =	sst s21  }
0x188: {  	[hbm4b:s16+s2] =	stream.linear.scatter [tilespmem:s13], [sflag:$0x2], $0x80, $0x38;
	[tilespmem:$0x7000] =	vst v63  }
0x189: {  	s13 =	sld [smem:$0x7D6]  }
0x18a: {  	[smem:$0x6BB] =	sst s1  }
0x18b: {  	[hbm4b:s21+s2] =	stream.linear.scatter [tilespmem:s18], [sflag:$0x2], $0x80, $0x38;
	[tilespmem:$0x7000] =	vst v63  }
0x18c: {  	s18 =	sld [smem:$0x748];
	s16 =	sadd.s32 $0x10, s13  }
0x18d: {  	[hbm4b:s1+s2] =	stream.linear.scatter [tilespmem:s24], [sflag:$0x2], $0x80, $0x38;
	[tilespmem:$0x7000] =	vst v63  }
0x18e: {  	[smem:$0x6BC] =	sst s16  }
0x18f: {  	s21 =	sadd.s32 $0x20, s13;
	s24 =	sld [smem:$0x749]  }
0x190: {  	s6 =	sadd.s32 $0x30, s13;
	[smem:$0x6BD] =	sst s21  }
0x191: {  	[smem:$0x6BE] =	sst s6  }
0x192: {  	[hbm4b:s13+s2] =	stream.linear.scatter [tilespmem:s8], [sflag:$0x2], $0x80, $0x38;
	[tilespmem:$0x7000] =	vst v63  }
0x193: {  	s8 =	sld [smem:$0x74A]  }
0x194: {  	s13 =	sld [smem:$0x7D8]  }
0x195: {  	[hbm4b:s16+s2] =	stream.linear.scatter [tilespmem:s9], [sflag:$0x2], $0x80, $0x38;
	[tilespmem:$0x7000] =	vst v63  }
0x196: {  	s9 =	sld [smem:$0x74B]  }
0x197: {  	[hbm4b:s21+s2] =	stream.linear.scatter [tilespmem:s18], [sflag:$0x2], $0x80, $0x38;
	[tilespmem:$0x7000] =	vst v63  }
0x198: {  	s16 =	sadd.s32 $0x10, s13;
	s18 =	sld [smem:$0x74C]  }
0x199: {  	[smem:$0x6BF] =	sst s16;
	s21 =	sadd.s32 $0x20, s13  }
0x19a: {  	[smem:$0x6C0] =	sst s21  }
0x19b: {  	[hbm4b:s6+s2] =	stream.linear.scatter [tilespmem:s24], [sflag:$0x2], $0x80, $0x38;
	[tilespmem:$0x7000] =	vst v63  }
0x19c: {  	s24 =	sld [smem:$0x74D];
	s6 =	sadd.s32 $0x30, s13  }
0x19d: {  	[smem:$0x6C1] =	sst s6  }
0x19e: {  	[hbm4b:s13+s2] =	stream.linear.scatter [tilespmem:s8], [sflag:$0x2], $0x80, $0x38;
	[tilespmem:$0x7000] =	vst v63  }
0x19f: {  	s8 =	sld [smem:$0x74E]  }
0x1a0: {  	[hbm4b:s16+s2] =	stream.linear.scatter [tilespmem:s9], [sflag:$0x2], $0x80, $0x38;
	[tilespmem:$0x7000] =	vst v63  }
0x1a1: {  	s9 =	sld [smem:$0x74F]  }
0x1a2: {  	[hbm4b:s21+s2] =	stream.linear.scatter [tilespmem:s18], [sflag:$0x2], $0x80, $0x38;
	[tilespmem:$0x7000] =	vst v63  }
0x1a3: {  	s18 =	sld [smem:$0x7DA]  }
0x1a4: {  	s16 =	sld [smem:$0x750]  }
0x1a5: {  	[hbm4b:s6+s2] =	stream.linear.scatter [tilespmem:s24], [sflag:$0x2], $0x80, $0x38;
	[tilespmem:$0x7000] =	vst v63  }
0x1a6: {  	s24 =	sld [smem:$0x751];
	s13 =	sadd.s32 $0x10, s18  }
0x1a7: {  	[hbm4b:s18+s2] =	stream.linear.scatter [tilespmem:s8], [sflag:$0x2], $0x80, $0x38;
	[tilespmem:$0x7000] =	vst v63  }
0x1a8: {  	s21 =	sadd.s32 $0x20, s18;
	[smem:$0x6C2] =	sst s13  }
0x1a9: {  	[smem:$0x6C3] =	sst s21;
	s8 =	sadd.s32 $0x30, s18  }
0x1aa: {  	[smem:$0x6C4] =	sst s8  }
0x1ab: {  	[hbm4b:s13+s2] =	stream.linear.scatter [tilespmem:s9], [sflag:$0x2], $0x80, $0x38;
	[tilespmem:$0x7000] =	vst v63  }
0x1ac: {  	s9 =	sld [smem:$0x752]  }
0x1ad: {  	[hbm4b:s21+s2] =	stream.linear.scatter [tilespmem:s16], [sflag:$0x2], $0x80, $0x38;
	[tilespmem:$0x7000] =	vst v63  }
0x1ae: {  	s16 =	sld [smem:$0x7DC]  }
0x1af: {  	s13 =	sld [smem:$0x753]  }
0x1b0: {  	[hbm4b:s8+s2] =	stream.linear.scatter [tilespmem:s24], [sflag:$0x2], $0x80, $0x38;
	[tilespmem:$0x7000] =	vst v63  }
0x1b1: {  	s24 =	sld [smem:$0x754];
	s21 =	sadd.s32 $0x10, s16  }
0x1b2: {  	[hbm4b:s16+s2] =	stream.linear.scatter [tilespmem:s9], [sflag:$0x2], $0x80, $0x38;
	[tilespmem:$0x7000] =	vst v63  }
0x1b3: {  	s0 =	sadd.s32 $0x20, s16;
	[smem:$0x6C5] =	sst s21  }
0x1b4: {  	s6 =	sadd.s32 $0x30, s16;
	[smem:$0x6C6] =	sst s0  }
0x1b5: {  	[smem:$0x6C7] =	sst s6  }
0x1b6: {  	[smem:$0x725] =	sst s11  }
0x1b7: {  	[smem:$0x726] =	sst s23  }
0x1b8: {  	[hbm4b:s21+s2] =	stream.linear.scatter [tilespmem:s13], [sflag:$0x2], $0x80, $0x38;
	[tilespmem:$0x7000] =	vst v63  }
0x1b9: {  	s8 =	sld [smem:$0x755]  }
0x1ba: {  	s9 =	sld [smem:$0x756]  }
0x1bb: {  	s13 =	sld [smem:$0x757]  }
0x1bc: {  	s16 =	sld [smem:$0x7DE]  }
0x1bd: {  	s28 =	sld [smem:$0x7F3]  }
0x1be: {  	[hbm4b:s0+s2] =	stream.linear.scatter [tilespmem:s24], [sflag:$0x2], $0x80, $0x38;
	[tilespmem:$0x7000] =	vst v63  }
0x1bf: {  	s24 =	sld [smem:$0x758];
	s21 =	sadd.s32 $0x10, s16  }
0x1c0: {  	[hbm4b:s6+s2] =	stream.linear.scatter [tilespmem:s8], [sflag:$0x2], $0x80, $0x38;
	[tilespmem:$0x7000] =	vst v63  }
0x1c1: {  	[smem:$0x6C8] =	sst s21  }
0x1c2: {  	s0 =	sadd.s32 $0x20, s16;
	s8 =	sld [smem:$0x759]  }
0x1c3: {  	[smem:$0x6C9] =	sst s0;
	s6 =	sadd.s32 $0x30, s16  }
0x1c4: {  	[smem:$0x6CA] =	sst s6  }
0x1c5: {  	[hbm4b:s16+s2] =	stream.linear.scatter [tilespmem:s9], [sflag:$0x2], $0x80, $0x38;
	[tilespmem:$0x7000] =	vst v63  }
0x1c6: {  	s9 =	sld [smem:$0x75A]  }
0x1c7: {  	s16 =	sld [smem:$0x7E0]  }
0x1c8: {  	[hbm4b:s21+s2] =	stream.linear.scatter [tilespmem:s13], [sflag:$0x2], $0x80, $0x38;
	[tilespmem:$0x7000] =	vst v63  }
0x1c9: {  	s13 =	sld [smem:$0x75B]  }
0x1ca: {  	[hbm4b:s0+s2] =	stream.linear.scatter [tilespmem:s24], [sflag:$0x2], $0x80, $0x38;
	[tilespmem:$0x7000] =	vst v63  }
0x1cb: {  	s21 =	sadd.s32 $0x10, s16;
	s24 =	sld [smem:$0x75C]  }
0x1cc: {  	[smem:$0x6CB] =	sst s21;
	s0 =	sadd.s32 $0x20, s16  }
0x1cd: {  	[smem:$0x6CC] =	sst s0  }
0x1ce: {  	[hbm4b:s6+s2] =	stream.linear.scatter [tilespmem:s8], [sflag:$0x2], $0x80, $0x38;
	[tilespmem:$0x7000] =	vst v63  }
0x1cf: {  	s8 =	sld [smem:$0x75D];
	s6 =	sadd.s32 $0x30, s16  }
0x1d0: {  	[smem:$0x6CD] =	sst s6  }
0x1d1: {  	[hbm4b:s16+s2] =	stream.linear.scatter [tilespmem:s9], [sflag:$0x2], $0x80, $0x38;
	[tilespmem:$0x7000] =	vst v63  }
0x1d2: {  	s9 =	sld [smem:$0x75E]  }
0x1d3: {  	s16 =	sld [smem:$0x7E2]  }
0x1d4: {  	[hbm4b:s21+s2] =	stream.linear.scatter [tilespmem:s13], [sflag:$0x2], $0x80, $0x38;
	[tilespmem:$0x7000] =	vst v63  }
0x1d5: {  	s13 =	sld [smem:$0x75F]  }
0x1d6: {  	[hbm4b:s0+s2] =	stream.linear.scatter [tilespmem:s24], [sflag:$0x2], $0x80, $0x38;
	[tilespmem:$0x7000] =	vst v63  }
0x1d7: {  	s21 =	sadd.s32 $0x10, s16;
	s24 =	sld [smem:$0x760]  }
0x1d8: {  	[smem:$0x6CE] =	sst s21;
	s0 =	sadd.s32 $0x20, s16  }
0x1d9: {  	[smem:$0x6CF] =	sst s0  }
0x1da: {  	[hbm4b:s6+s2] =	stream.linear.scatter [tilespmem:s8], [sflag:$0x2], $0x80, $0x38;
	[tilespmem:$0x7000] =	vst v63  }
0x1db: {  	s8 =	sld [smem:$0x761];
	s6 =	sadd.s32 $0x30, s16  }
0x1dc: {  	[smem:$0x6D0] =	sst s6  }
0x1dd: {  	[hbm4b:s16+s2] =	stream.linear.scatter [tilespmem:s9], [sflag:$0x2], $0x80, $0x38;
	[tilespmem:$0x7000] =	vst v63  }
0x1de: {  	s9 =	sld [smem:$0x762]  }
0x1df: {  	s16 =	sld [smem:$0x7E4]  }
0x1e0: {  	[hbm4b:s21+s2] =	stream.linear.scatter [tilespmem:s13], [sflag:$0x2], $0x80, $0x38;
	[tilespmem:$0x7000] =	vst v63  }
0x1e1: {  	s13 =	sld [smem:$0x763]  }
0x1e2: {  	[hbm4b:s0+s2] =	stream.linear.scatter [tilespmem:s24], [sflag:$0x2], $0x80, $0x38;
	[tilespmem:$0x7000] =	vst v63  }
0x1e3: {  	s21 =	sadd.s32 $0x10, s16;
	s24 =	sld [smem:$0x764]  }
0x1e4: {  	[smem:$0x6D1] =	sst s21;
	s0 =	sadd.s32 $0x20, s16  }
0x1e5: {  	[smem:$0x6D2] =	sst s0  }
0x1e6: {  	[hbm4b:s6+s2] =	stream.linear.scatter [tilespmem:s8], [sflag:$0x2], $0x80, $0x38;
	[tilespmem:$0x7000] =	vst v63  }
0x1e7: {  	s8 =	sld [smem:$0x765];
	s6 =	sadd.s32 $0x30, s16  }
0x1e8: {  	[smem:$0x6D3] =	sst s6  }
0x1e9: {  	[hbm4b:s16+s2] =	stream.linear.scatter [tilespmem:s9], [sflag:$0x2], $0x80, $0x38;
	[tilespmem:$0x7000] =	vst v63  }
0x1ea: {  	s9 =	sld [smem:$0x766]  }
0x1eb: {  	s16 =	sld [smem:$0x7E6]  }
0x1ec: {  	[hbm4b:s21+s2] =	stream.linear.scatter [tilespmem:s13], [sflag:$0x2], $0x80, $0x38;
	[tilespmem:$0x7000] =	vst v63  }
0x1ed: {  	s13 =	sld [smem:$0x767]  }
0x1ee: {  	[hbm4b:s0+s2] =	stream.linear.scatter [tilespmem:s24], [sflag:$0x2], $0x80, $0x38;
	[tilespmem:$0x7000] =	vst v63  }
0x1ef: {  	s21 =	sadd.s32 $0x10, s16;
	s24 =	sld [smem:$0x768]  }
0x1f0: {  	[smem:$0x6D4] =	sst s21;
	s0 =	sadd.s32 $0x20, s16  }
0x1f1: {  	[smem:$0x6D5] =	sst s0  }
0x1f2: {  	[hbm4b:s6+s2] =	stream.linear.scatter [tilespmem:s8], [sflag:$0x2], $0x80, $0x38;
	[tilespmem:$0x7000] =	vst v63  }
0x1f3: {  	s8 =	sld [smem:$0x769];
	s6 =	sadd.s32 $0x30, s16  }
0x1f4: {  	[smem:$0x6D6] =	sst s6  }
0x1f5: {  	[hbm4b:s16+s2] =	stream.linear.scatter [tilespmem:s9], [sflag:$0x2], $0x80, $0x38;
	[tilespmem:$0x7000] =	vst v63  }
0x1f6: {  	s9 =	sld [smem:$0x76A]  }
0x1f7: {  	s16 =	sld [smem:$0x7E8]  }
0x1f8: {  	[hbm4b:s21+s2] =	stream.linear.scatter [tilespmem:s13], [sflag:$0x2], $0x80, $0x38;
	[tilespmem:$0x7000] =	vst v63  }
0x1f9: {  	s13 =	sld [smem:$0x76B]  }
0x1fa: {  	[hbm4b:s0+s2] =	stream.linear.scatter [tilespmem:s24], [sflag:$0x2], $0x80, $0x38;
	[tilespmem:$0x7000] =	vst v63  }
0x1fb: {  	s21 =	sadd.s32 $0x10, s16;
	s24 =	sld [smem:$0x76C]  }
0x1fc: {  	[smem:$0x6D7] =	sst s21;
	s0 =	sadd.s32 $0x20, s16  }
0x1fd: {  	[smem:$0x6D8] =	sst s0  }
0x1fe: {  	[hbm4b:s6+s2] =	stream.linear.scatter [tilespmem:s8], [sflag:$0x2], $0x80, $0x38;
	[tilespmem:$0x7000] =	vst v63  }
0x1ff: {  	s8 =	sld [smem:$0x76D];
	s6 =	sadd.s32 $0x30, s16  }
0x200: {  	[smem:$0x6D9] =	sst s6  }
0x201: {  	[hbm4b:s16+s2] =	stream.linear.scatter [tilespmem:s9], [sflag:$0x2], $0x80, $0x38;
	[tilespmem:$0x7000] =	vst v63  }
0x202: {  	s9 =	sld [smem:$0x76E]  }
0x203: {  	s16 =	sld [smem:$0x7E9]  }
0x204: {  	[hbm4b:s21+s2] =	stream.linear.scatter [tilespmem:s13], [sflag:$0x2], $0x80, $0x38;
	[tilespmem:$0x7000] =	vst v63  }
0x205: {  	s13 =	sld [smem:$0x76F]  }
0x206: {  	[hbm4b:s0+s2] =	stream.linear.scatter [tilespmem:s24], [sflag:$0x2], $0x80, $0x38;
	[tilespmem:$0x7000] =	vst v63  }
0x207: {  	s21 =	sadd.s32 $0x10, s16;
	s24 =	sld [smem:$0x770]  }
0x208: {  	[smem:$0x6DA] =	sst s21;
	s0 =	sadd.s32 $0x20, s16  }
0x209: {  	[smem:$0x6DB] =	sst s0  }
0x20a: {  	[hbm4b:s6+s2] =	stream.linear.scatter [tilespmem:s8], [sflag:$0x2], $0x80, $0x38;
	[tilespmem:$0x7000] =	vst v63  }
0x20b: {  	s8 =	sld [smem:$0x771];
	s6 =	sadd.s32 $0x30, s16  }
0x20c: {  	[smem:$0x6DC] =	sst s6  }
0x20d: {  	[hbm4b:s16+s2] =	stream.linear.scatter [tilespmem:s9], [sflag:$0x2], $0x80, $0x38;
	[tilespmem:$0x7000] =	vst v63  }
0x20e: {  	s9 =	sld [smem:$0x772]  }
0x20f: {  	s16 =	sld [smem:$0x7EA]  }
0x210: {  	[hbm4b:s21+s2] =	stream.linear.scatter [tilespmem:s13], [sflag:$0x2], $0x80, $0x38;
	[tilespmem:$0x7000] =	vst v63  }
0x211: {  	s13 =	sld [smem:$0x773]  }
0x212: {  	[hbm4b:s0+s2] =	stream.linear.scatter [tilespmem:s24], [sflag:$0x2], $0x80, $0x38;
	[tilespmem:$0x7000] =	vst v63  }
0x213: {  	s21 =	sadd.s32 $0x10, s16;
	s24 =	sld [smem:$0x774]  }
0x214: {  	[hbm4b:s6+s2] =	stream.linear.scatter [tilespmem:s8], [sflag:$0x2], $0x80, $0x38;
	[tilespmem:$0x7000] =	vst v63  }
0x215: {  	[smem:$0x6DD] =	sst s21;
	s8 =	sadd.s32 $0x20, s16  }
0x216: {  	s6 =	sadd.s32 $0x30, s16;
	[smem:$0x6DE] =	sst s8  }
0x217: {  	[smem:$0x6DF] =	sst s6  }
0x218: {  	[hbm4b:s16+s2] =	stream.linear.scatter [tilespmem:s9], [sflag:$0x2], $0x80, $0x38;
	[tilespmem:$0x7000] =	vst v63  }
0x219: {  	s16 =	sld [smem:$0x776];
	s9 =	sadd.s32 $0x20, s17  }
0x21a: {  	[smem:$0x6E4] =	sst s9  }
0x21b: {  	[hbm4b:s21+s2] =	stream.linear.scatter [tilespmem:s13], [sflag:$0x2], $0x80, $0x38;
	[tilespmem:$0x7000] =	vst v63  }
0x21c: {  	s13 =	sld [smem:$0x775]  }
0x21d: {  	[hbm4b:s8+s2] =	stream.linear.scatter [tilespmem:s24], [sflag:$0x2], $0x80, $0x38;
	[tilespmem:$0x7000] =	vst v63  }
0x21e: {  	s24 =	sld [smem:$0x7EB]  }
0x21f: {  	s21 =	sld [smem:$0x777]  }
0x220: {  	[hbm4b:s6+s2] =	stream.linear.scatter [tilespmem:s13], [sflag:$0x2], $0x80, $0x38;
	[tilespmem:$0x7000] =	vst v63  }
0x221: {  	s8 =	sld [smem:$0x778];
	s1 =	sadd.s32 $0x10, s24  }
0x222: {  	[hbm4b:s24+s2] =	stream.linear.scatter [tilespmem:s16], [sflag:$0x2], $0x80, $0x38;
	[tilespmem:$0x7000] =	vst v63  }
0x223: {  	[smem:$0x6E0] =	sst s1  }
0x224: {  	s13 =	sadd.s32 $0x20, s24;
	s16 =	sld [smem:$0x779]  }
0x225: {  	s6 =	sadd.s32 $0x30, s24;
	[smem:$0x6E1] =	sst s13  }
0x226: {  	[smem:$0x6E2] =	sst s6  }
0x227: {  	s24 =	sld [smem:$0x77B]  }
0x228: {  	[hbm4b:s1+s2] =	stream.linear.scatter [tilespmem:s21], [sflag:$0x2], $0x80, $0x38;
	[tilespmem:$0x7000] =	vst v63  }
0x229: {  	s21 =	sld [smem:$0x77A];
	s1 =	sadd.s32 $0x10, s17  }
0x22a: {  	[smem:$0x6E3] =	sst s1  }
0x22b: {  	[hbm4b:s13+s2] =	stream.linear.scatter [tilespmem:s8], [sflag:$0x2], $0x80, $0x38;
	[tilespmem:$0x7000] =	vst v63  }
0x22c: {  	s8 =	sld [smem:$0x77C]  }
0x22d: {  	[hbm4b:s6+s2] =	stream.linear.scatter [tilespmem:s16], [sflag:$0x2], $0x80, $0x38;
	[tilespmem:$0x7000] =	vst v63  }
0x22e: {  	s13 =	sld [smem:$0x77D];
	s16 =	sadd.s32 $0x30, s17  }
0x22f: {  	[smem:$0x6E5] =	sst s16  }
0x230: {  	[hbm4b:s17+s2] =	stream.linear.scatter [tilespmem:s21], [sflag:$0x2], $0x80, $0x38;
	[tilespmem:$0x7000] =	vst v63  }
0x231: {  	s17 =	sld [smem:$0x77E]  }
0x232: {  	[hbm4b:s1+s2] =	stream.linear.scatter [tilespmem:s24], [sflag:$0x2], $0x80, $0x38;
	[tilespmem:$0x7000] =	vst v63  }
0x233: {  	s24 =	sld [smem:$0x7EC]  }
0x234: {  	s21 =	sld [smem:$0x77F]  }
0x235: {  	[hbm4b:s9+s2] =	stream.linear.scatter [tilespmem:s8], [sflag:$0x2], $0x80, $0x38;
	[tilespmem:$0x7000] =	vst v63  }
0x236: {  	s8 =	sld [smem:$0x780];
	s1 =	sadd.s32 $0x10, s24  }
0x237: {  	[hbm4b:s16+s2] =	stream.linear.scatter [tilespmem:s13], [sflag:$0x2], $0x80, $0x38;
	[tilespmem:$0x7000] =	vst v63  }
0x238: {  	[smem:$0x6E6] =	sst s1  }
0x239: {  	s6 =	sadd.s32 $0x30, s24;
	s16 =	sld [smem:$0x781]  }
0x23a: {  	s13 =	sadd.s32 $0x20, s24;
	[smem:$0x6E8] =	sst s6  }
0x23b: {  	[smem:$0x6E7] =	sst s13  }
0x23c: {  	[hbm4b:s24+s2] =	stream.linear.scatter [tilespmem:s17], [sflag:$0x2], $0x80, $0x38;
	[tilespmem:$0x7000] =	vst v63  }
0x23d: {  	s17 =	sld [smem:$0x782]  }
0x23e: {  	s24 =	sld [smem:$0x7ED]  }
0x23f: {  	[hbm4b:s1+s2] =	stream.linear.scatter [tilespmem:s21], [sflag:$0x2], $0x80, $0x38;
	[tilespmem:$0x7000] =	vst v63  }
0x240: {  	s21 =	sld [smem:$0x783]  }
0x241: {  	[hbm4b:s13+s2] =	stream.linear.scatter [tilespmem:s8], [sflag:$0x2], $0x80, $0x38;
	[tilespmem:$0x7000] =	vst v63  }
0x242: {  	s1 =	sadd.s32 $0x10, s24;
	s8 =	sld [smem:$0x784]  }
0x243: {  	[smem:$0x6E9] =	sst s1  }
0x244: {  	s9 =	sadd.s32 $0x20, s24;
	s13 =	sld [smem:$0x785]  }
0x245: {  	[smem:$0x6EA] =	sst s9  }
0x246: {  	[hbm4b:s6+s2] =	stream.linear.scatter [tilespmem:s16], [sflag:$0x2], $0x80, $0x38;
	[tilespmem:$0x7000] =	vst v63  }
0x247: {  	s16 =	sadd.s32 $0x30, s24;
	s6 =	sld [smem:$0x793]  }
0x248: {  	[smem:$0x6EB] =	sst s16  }
0x249: {  	[hbm4b:s24+s2] =	stream.linear.scatter [tilespmem:s17], [sflag:$0x2], $0x80, $0x38;
	[tilespmem:$0x7000] =	vst v63  }
0x24a: {  	s17 =	sld [smem:$0x786]  }
0x24b: {  	s24 =	sld [smem:$0x72A]  }
0x24c: {  	[hbm4b:s1+s2] =	stream.linear.scatter [tilespmem:s21], [sflag:$0x2], $0x80, $0x38;
	[tilespmem:$0x7000] =	vst v63  }
0x24d: {  	s21 =	sld [smem:$0x787];
	s1 =	sadd.s32 $0x30, s14  }
0x24e: {  	[smem:$0x70C] =	sst s1  }
0x24f: {  	[hbm4b:s9+s2] =	stream.linear.scatter [tilespmem:s8], [sflag:$0x2], $0x80, $0x38;
	[tilespmem:$0x7000] =	vst v63  }
0x250: {  	s9 =	sadd.s32 $0x10, s24;
	s8 =	sld [smem:$0x78B]  }
0x251: {  	[smem:$0x6EC] =	sst s9  }
0x252: {  	[hbm4b:s16+s2] =	stream.linear.scatter [tilespmem:s13], [sflag:$0x2], $0x80, $0x38;
	[tilespmem:$0x7000] =	vst v63  }
0x253: {  	s13 =	sld [smem:$0x788];
	s16 =	sadd.s32 $0x20, s24  }
0x254: {  	[smem:$0x6ED] =	sst s16  }
0x255: {  	[hbm4b:s24+s2] =	stream.linear.scatter [tilespmem:s17], [sflag:$0x2], $0x80, $0x38;
	[tilespmem:$0x7000] =	vst v63  }
0x256: {  	s17 =	sld [smem:$0x789]  }
0x257: {  	[hbm4b:s9+s2] =	stream.linear.scatter [tilespmem:s21], [sflag:$0x2], $0x80, $0x38;
	[tilespmem:$0x7000] =	vst v63  }
0x258: {  	s21 =	sadd.s32 $0x30, s24;
	s24 =	sld [smem:$0x78A]  }
0x259: {  	s9 =	sadd.s32 $0x10, s15;
	[smem:$0x6EE] =	sst s21  }
0x25a: {  	[smem:$0x6EF] =	sst s9  }
0x25b: {  	[hbm4b:s16+s2] =	stream.linear.scatter [tilespmem:s13], [sflag:$0x2], $0x80, $0x38;
	[tilespmem:$0x7000] =	vst v63  }
0x25c: {  	s13 =	sld [smem:$0x78C];
	s16 =	sadd.s32 $0x20, s15  }
0x25d: {  	[smem:$0x6F0] =	sst s16  }
0x25e: {  	[hbm4b:s21+s2] =	stream.linear.scatter [tilespmem:s17], [sflag:$0x2], $0x80, $0x38;
	[tilespmem:$0x7000] =	vst v63  }
0x25f: {  	s17 =	sld [smem:$0x78D];
	s21 =	sadd.s32 $0x30, s15  }
0x260: {  	[smem:$0x6F1] =	sst s21  }
0x261: {  	[hbm4b:s15+s2] =	stream.linear.scatter [tilespmem:s24], [sflag:$0x2], $0x80, $0x38;
	[tilespmem:$0x7000] =	vst v63  }
0x262: {  	s24 =	sld [smem:$0x78E]  }
0x263: {  	[hbm4b:s9+s2] =	stream.linear.scatter [tilespmem:s8], [sflag:$0x2], $0x80, $0x38;
	[tilespmem:$0x7000] =	vst v63  }
0x264: {  	s8 =	sld [smem:$0x78F];
	s9 =	sadd.s32 $0x10, s5  }
0x265: {  	[smem:$0x6F2] =	sst s9  }
0x266: {  	[hbm4b:s16+s2] =	stream.linear.scatter [tilespmem:s13], [sflag:$0x2], $0x80, $0x38;
	[tilespmem:$0x7000] =	vst v63  }
0x267: {  	s13 =	sld [smem:$0x790];
	s16 =	sadd.s32 $0x20, s5  }
0x268: {  	[smem:$0x6F3] =	sst s16  }
0x269: {  	[hbm4b:s21+s2] =	stream.linear.scatter [tilespmem:s17], [sflag:$0x2], $0x80, $0x38;
	[tilespmem:$0x7000] =	vst v63  }
0x26a: {  	s17 =	sld [smem:$0x791];
	s21 =	sadd.s32 $0x30, s5  }
0x26b: {  	[smem:$0x6F4] =	sst s21  }
0x26c: {  	[hbm4b:s5+s2] =	stream.linear.scatter [tilespmem:s24], [sflag:$0x2], $0x80, $0x38;
	[tilespmem:$0x7000] =	vst v63  }
0x26d: {  	s24 =	sld [smem:$0x792]  }
0x26e: {  	[hbm4b:s9+s2] =	stream.linear.scatter [tilespmem:s8], [sflag:$0x2], $0x80, $0x38;
	[tilespmem:$0x7000] =	vst v63  }
0x26f: {  	s8 =	sadd.s32 $0x10, s12;
	s9 =	sld [smem:$0x794]  }
0x270: {  	[smem:$0x6F5] =	sst s8  }
0x271: {  	[hbm4b:s16+s2] =	stream.linear.scatter [tilespmem:s13], [sflag:$0x2], $0x80, $0x38;
	[tilespmem:$0x7000] =	vst v63  }
0x272: {  	s13 =	sadd.s32 $0x20, s12;
	s16 =	sld [smem:$0x795]  }
0x273: {  	[smem:$0x6F6] =	sst s13  }
0x274: {  	[hbm4b:s21+s2] =	stream.linear.scatter [tilespmem:s17], [sflag:$0x2], $0x80, $0x38;
	[tilespmem:$0x7000] =	vst v63  }
0x275: {  	s17 =	sadd.s32 $0x30, s12;
	s21 =	sld [smem:$0x796]  }
0x276: {  	[smem:$0x6F7] =	sst s17  }
0x277: {  	[hbm4b:s12+s2] =	stream.linear.scatter [tilespmem:s24], [sflag:$0x2], $0x80, $0x38;
	[tilespmem:$0x7000] =	vst v63  }
0x278: {  	s24 =	sld [smem:$0x7EE]  }
0x279: {  	[hbm4b:s8+s2] =	stream.linear.scatter [tilespmem:s6], [sflag:$0x2], $0x80, $0x38;
	[tilespmem:$0x7000] =	vst v63  }
0x27a: {  	s8 =	sld [smem:$0x797]  }
0x27b: {  	s6 =	sld [smem:$0x7B7]  }
0x27c: {  	[hbm4b:s13+s2] =	stream.linear.scatter [tilespmem:s9], [sflag:$0x2], $0x80, $0x38;
	[tilespmem:$0x7000] =	vst v63  }
0x27d: {  	s9 =	sadd.s32 $0x10, s24;
	s13 =	sld [smem:$0x798]  }
0x27e: {  	[smem:$0x6F8] =	sst s9  }
0x27f: {  	[hbm4b:s17+s2] =	stream.linear.scatter [tilespmem:s16], [sflag:$0x2], $0x80, $0x38;
	[tilespmem:$0x7000] =	vst v63  }
0x280: {  	s16 =	sadd.s32 $0x20, s24;
	s17 =	sld [smem:$0x799]  }
0x281: {  	[smem:$0x6F9] =	sst s16  }
0x282: {  	[hbm4b:s24+s2] =	stream.linear.scatter [tilespmem:s21], [sflag:$0x2], $0x80, $0x38;
	[tilespmem:$0x7000] =	vst v63  }
0x283: {  	s21 =	sadd.s32 $0x30, s24;
	s24 =	sld [smem:$0x79A]  }
0x284: {  	[smem:$0x6FA] =	sst s21  }
0x285: {  	[hbm4b:s9+s2] =	stream.linear.scatter [tilespmem:s8], [sflag:$0x2], $0x80, $0x38;
	[tilespmem:$0x7000] =	vst v63  }
0x286: {  	s8 =	sld [smem:$0x79B];
	s9 =	sadd.s32 $0x10, s23  }
0x287: {  	[smem:$0x6FB] =	sst s9  }
0x288: {  	[hbm4b:s16+s2] =	stream.linear.scatter [tilespmem:s13], [sflag:$0x2], $0x80, $0x38;
	[tilespmem:$0x7000] =	vst v63  }
0x289: {  	s13 =	sld [smem:$0x79C];
	s16 =	sadd.s32 $0x20, s23  }
0x28a: {  	[smem:$0x6FC] =	sst s16  }
0x28b: {  	[hbm4b:s21+s2] =	stream.linear.scatter [tilespmem:s17], [sflag:$0x2], $0x80, $0x38;
	[tilespmem:$0x7000] =	vst v63  }
0x28c: {  	s17 =	sld [smem:$0x79D];
	s21 =	sadd.s32 $0x30, s23  }
0x28d: {  	[smem:$0x6FD] =	sst s21  }
0x28e: {  	[hbm4b:s23+s2] =	stream.linear.scatter [tilespmem:s24], [sflag:$0x2], $0x80, $0x38;
	[tilespmem:$0x7000] =	vst v63  }
0x28f: {  	s24 =	sld [smem:$0x79E]  }
0x290: {  	[hbm4b:s9+s2] =	stream.linear.scatter [tilespmem:s8], [sflag:$0x2], $0x80, $0x38;
	[tilespmem:$0x7000] =	vst v63  }
0x291: {  	s8 =	sld [smem:$0x79F];
	s9 =	sadd.s32 $0x10, s11  }
0x292: {  	[smem:$0x6FE] =	sst s9  }
0x293: {  	[hbm4b:s16+s2] =	stream.linear.scatter [tilespmem:s13], [sflag:$0x2], $0x80, $0x38;
	[tilespmem:$0x7000] =	vst v63  }
0x294: {  	s13 =	sld [smem:$0x7A0];
	s16 =	sadd.s32 $0x20, s11  }
0x295: {  	[smem:$0x6FF] =	sst s16  }
0x296: {  	[hbm4b:s21+s2] =	stream.linear.scatter [tilespmem:s17], [sflag:$0x2], $0x80, $0x38;
	[tilespmem:$0x7000] =	vst v63  }
0x297: {  	s17 =	sld [smem:$0x7A1];
	s21 =	sadd.s32 $0x30, s11  }
0x298: {  	[smem:$0x700] =	sst s21  }
0x299: {  	[hbm4b:s11+s2] =	stream.linear.scatter [tilespmem:s24], [sflag:$0x2], $0x80, $0x38;
	[tilespmem:$0x7000] =	vst v63  }
0x29a: {  	s24 =	sld [smem:$0x7A2]  }
0x29b: {  	s11 =	sld [smem:$0x7F6]  }
0x29c: {  	[hbm4b:s9+s2] =	stream.linear.scatter [tilespmem:s8], [sflag:$0x2], $0x80, $0x38;
	[tilespmem:$0x7000] =	vst v63  }
0x29d: {  	s8 =	sld [smem:$0x7A3];
	s9 =	sadd.s32 $0x10, s31  }
0x29e: {  	[smem:$0x701] =	sst s9  }
0x29f: {  	[hbm4b:s16+s2] =	stream.linear.scatter [tilespmem:s13], [sflag:$0x2], $0x80, $0x38;
	[tilespmem:$0x7000] =	vst v63  }
0x2a0: {  	s13 =	sld [smem:$0x7A4];
	s16 =	sadd.s32 $0x20, s31  }
0x2a1: {  	[smem:$0x702] =	sst s16  }
0x2a2: {  	[hbm4b:s21+s2] =	stream.linear.scatter [tilespmem:s17], [sflag:$0x2], $0x80, $0x38;
	[tilespmem:$0x7000] =	vst v63  }
0x2a3: {  	s17 =	sld [smem:$0x7A5];
	s21 =	sadd.s32 $0x30, s31  }
0x2a4: {  	[smem:$0x703] =	sst s21  }
0x2a5: {  	[hbm4b:s31+s2] =	stream.linear.scatter [tilespmem:s24], [sflag:$0x2], $0x80, $0x38;
	[tilespmem:$0x7000] =	vst v63  }
0x2a6: {  	s24 =	sld [smem:$0x7A6]  }
0x2a7: {  	[hbm4b:s9+s2] =	stream.linear.scatter [tilespmem:s8], [sflag:$0x2], $0x80, $0x38;
	[tilespmem:$0x7000] =	vst v63  }
0x2a8: {  	s8 =	sld [smem:$0x7A7];
	s9 =	sadd.s32 $0x10, s29  }
0x2a9: {  	[smem:$0x704] =	sst s9  }
0x2aa: {  	[hbm4b:s16+s2] =	stream.linear.scatter [tilespmem:s13], [sflag:$0x2], $0x80, $0x38;
	[tilespmem:$0x7000] =	vst v63  }
0x2ab: {  	s13 =	sld [smem:$0x7A8];
	s16 =	sadd.s32 $0x20, s29  }
0x2ac: {  	[smem:$0x705] =	sst s16  }
0x2ad: {  	[hbm4b:s21+s2] =	stream.linear.scatter [tilespmem:s17], [sflag:$0x2], $0x80, $0x38;
	[tilespmem:$0x7000] =	vst v63  }
0x2ae: {  	s17 =	sld [smem:$0x7A9];
	s21 =	sadd.s32 $0x30, s29  }
0x2af: {  	[smem:$0x706] =	sst s21  }
0x2b0: {  	[hbm4b:s29+s2] =	stream.linear.scatter [tilespmem:s24], [sflag:$0x2], $0x80, $0x38;
	[tilespmem:$0x7000] =	vst v63  }
0x2b1: {  	s24 =	sld [smem:$0x7AA]  }
0x2b2: {  	[hbm4b:s9+s2] =	stream.linear.scatter [tilespmem:s8], [sflag:$0x2], $0x80, $0x38;
	[tilespmem:$0x7000] =	vst v63  }
0x2b3: {  	s9 =	sld [smem:$0x7EF]  }
0x2b4: {  	s8 =	sld [smem:$0x7AB]  }
0x2b5: {  	[hbm4b:s16+s2] =	stream.linear.scatter [tilespmem:s13], [sflag:$0x2], $0x80, $0x38;
	[tilespmem:$0x7000] =	vst v63  }
0x2b6: {  	s16 =	sld [smem:$0x7AC];
	s13 =	sadd.s32 $0x10, s9  }
0x2b7: {  	[hbm4b:s21+s2] =	stream.linear.scatter [tilespmem:s17], [sflag:$0x2], $0x80, $0x38;
	[tilespmem:$0x7000] =	vst v63  }
0x2b8: {  	[smem:$0x707] =	sst s13;
	s17 =	sadd.s32 $0x20, s9  }
0x2b9: {  	s21 =	sadd.s32 $0x20, s14;
	[smem:$0x708] =	sst s17  }
0x2ba: {  	[smem:$0x70B] =	sst s21  }
0x2bb: {  	[hbm4b:s9+s2] =	stream.linear.scatter [tilespmem:s24], [sflag:$0x2], $0x80, $0x38;
	[tilespmem:$0x7000] =	vst v63  }
0x2bc: {  	s24 =	sld [smem:$0x7AD]  }
0x2bd: {  	[hbm4b:s13+s2] =	stream.linear.scatter [tilespmem:s8], [sflag:$0x2], $0x80, $0x38;
	[tilespmem:$0x7000] =	vst v63  }
0x2be: {  	s8 =	sadd.s32 $0x30, s9;
	s9 =	sld [smem:$0x7AE]  }
0x2bf: {  	s13 =	sld [smem:$0x7AF]  }
0x2c0: {  	[smem:$0x709] =	sst s8  }
0x2c1: {  	[hbm4b:s17+s2] =	stream.linear.scatter [tilespmem:s16], [sflag:$0x2], $0x80, $0x38;
	[tilespmem:$0x7000] =	vst v63  }
0x2c2: {  	s16 =	sadd.s32 $0x10, s14;
	s17 =	sld [smem:$0x7B0]  }
0x2c3: {  	[smem:$0x70A] =	sst s16  }
0x2c4: {  	[hbm4b:s8+s2] =	stream.linear.scatter [tilespmem:s24], [sflag:$0x2], $0x80, $0x38;
	[tilespmem:$0x7000] =	vst v63  }
0x2c5: {  	s24 =	sld [smem:$0x7B1]  }
0x2c6: {  	s8 =	sld [smem:$0x7B2]  }
0x2c7: {  	[hbm4b:s14+s2] =	stream.linear.scatter [tilespmem:s9], [sflag:$0x2], $0x80, $0x38;
	[tilespmem:$0x7000] =	vst v63  }
0x2c8: {  	s9 =	sld [smem:$0x7B3]  }
0x2c9: {  	[hbm4b:s16+s2] =	stream.linear.scatter [tilespmem:s13], [sflag:$0x2], $0x80, $0x38;
	[tilespmem:$0x7000] =	vst v63  }
0x2ca: {  	s14 =	sld [smem:$0x7B4];
	s13 =	sadd.s32 $0x10, s7  }
0x2cb: {  	s16 =	sadd.s32 $0x20, s7;
	[smem:$0x70D] =	sst s13  }
0x2cc: {  	[smem:$0x70E] =	sst s16  }
0x2cd: {  	[hbm4b:s21+s2] =	stream.linear.scatter [tilespmem:s17], [sflag:$0x2], $0x80, $0x38;
	[tilespmem:$0x7000] =	vst v63  }
0x2ce: {  	s17 =	sld [smem:$0x7B5];
	s21 =	sadd.s32 $0x30, s7  }
0x2cf: {  	[smem:$0x70F] =	sst s21  }
0x2d0: {  	[hbm4b:s1+s2] =	stream.linear.scatter [tilespmem:s24], [sflag:$0x2], $0x80, $0x38;
	[tilespmem:$0x7000] =	vst v63  }
0x2d1: {  	s24 =	sld [smem:$0x7B6];
	s1 =	sadd.s32 $0x10, s10  }
0x2d2: {  	[smem:$0x713] =	sst s1  }
0x2d3: {  	[hbm4b:s7+s2] =	stream.linear.scatter [tilespmem:s8], [sflag:$0x2], $0x80, $0x38;
	[tilespmem:$0x7000] =	vst v63  }
0x2d4: {  	s7 =	sld [smem:$0x7F0]  }
0x2d5: {  	[hbm4b:s13+s2] =	stream.linear.scatter [tilespmem:s9], [sflag:$0x2], $0x80, $0x38;
	[tilespmem:$0x7000] =	vst v63  }
0x2d6: {  	s13 =	sld [smem:$0x7B8]  }
0x2d7: {  	s9 =	sld [smem:$0x7BD];
	s8 =	sadd.s32 $0x10, s7  }
0x2d8: {  	[hbm4b:s16+s2] =	stream.linear.scatter [tilespmem:s14], [sflag:$0x2], $0x80, $0x38;
	[tilespmem:$0x7000] =	vst v63  }
0x2d9: {  	[smem:$0x710] =	sst s8  }
0x2da: {  	s14 =	sadd.s32 $0x20, s7;
	s16 =	sld [smem:$0x7B9]  }
0x2db: {  	[smem:$0x711] =	sst s14  }
0x2dc: {  	[hbm4b:s21+s2] =	stream.linear.scatter [tilespmem:s17], [sflag:$0x2], $0x80, $0x38;
	[tilespmem:$0x7000] =	vst v63  }
0x2dd: {  	s17 =	sadd.s32 $0x30, s7;
	s21 =	sld [smem:$0x7BA]  }
0x2de: {  	[smem:$0x712] =	sst s17  }
0x2df: {  	[hbm4b:s7+s2] =	stream.linear.scatter [tilespmem:s24], [sflag:$0x2], $0x80, $0x38;
	[tilespmem:$0x7000] =	vst v63  }
0x2e0: {  	s24 =	sld [smem:$0x7BB]  }
0x2e1: {  	s7 =	sld [smem:$0x7BC]  }
0x2e2: {  	[hbm4b:s8+s2] =	stream.linear.scatter [tilespmem:s6], [sflag:$0x2], $0x80, $0x38;
	[tilespmem:$0x7000] =	vst v63  }
0x2e3: {  	s8 =	sadd.s32 $0x20, s10;
	s6 =	sld [smem:$0x7CF]  }
0x2e4: {  	[smem:$0x714] =	sst s8  }
0x2e5: {  	[hbm4b:s14+s2] =	stream.linear.scatter [tilespmem:s13], [sflag:$0x2], $0x80, $0x38;
	[tilespmem:$0x7000] =	vst v63  }
0x2e6: {  	s13 =	sld [smem:$0x7BE]  }
0x2e7: {  	s14 =	sld [smem:$0x7BF]  }
0x2e8: {  	[hbm4b:s17+s2] =	stream.linear.scatter [tilespmem:s16], [sflag:$0x2], $0x80, $0x38;
	[tilespmem:$0x7000] =	vst v63  }
0x2e9: {  	s16 =	sadd.s32 $0x10, s4;
	s17 =	sld [smem:$0x7C0]  }
0x2ea: {  	[hbm4b:s10+s2] =	stream.linear.scatter [tilespmem:s21], [sflag:$0x2], $0x80, $0x38;
	[tilespmem:$0x7000] =	vst v63  }
0x2eb: {  	[smem:$0x716] =	sst s16;
	s10 =	sadd.s32 $0x30, s10  }
0x2ec: {  	s21 =	sadd.s32 $0x20, s4;
	[smem:$0x715] =	sst s10  }
0x2ed: {  	[smem:$0x717] =	sst s21  }
0x2ee: {  	[hbm4b:s1+s2] =	stream.linear.scatter [tilespmem:s24], [sflag:$0x2], $0x80, $0x38;
	[tilespmem:$0x7000] =	vst v63  }
0x2ef: {  	s24 =	sld [smem:$0x7C1];
	s1 =	sadd.s32 $0x30, s4  }
0x2f0: {  	[smem:$0x718] =	sst s1  }
0x2f1: {  	[hbm4b:s8+s2] =	stream.linear.scatter [tilespmem:s7], [sflag:$0x2], $0x80, $0x38;
	[tilespmem:$0x7000] =	vst v63  }
0x2f2: {  	s8 =	sld [smem:$0x7F1]  }
0x2f3: {  	s7 =	sld [smem:$0x7C3]  }
0x2f4: {  	[hbm4b:s10+s2] =	stream.linear.scatter [tilespmem:s9], [sflag:$0x2], $0x80, $0x38;
	[tilespmem:$0x7000] =	vst v63  }
0x2f5: {  	s10 =	sld [smem:$0x7C4];
	s9 =	sadd.s32 $0x10, s8  }
0x2f6: {  	[hbm4b:s4+s2] =	stream.linear.scatter [tilespmem:s13], [sflag:$0x2], $0x80, $0x38;
	[tilespmem:$0x7000] =	vst v63  }
0x2f7: {  	s4 =	sld [smem:$0x7C2];
	s13 =	smov.u32 s15;
	s15 =	smov.u32 s5  }
0x2f8: {  	s5 =	smov.u32 s12;
	[smem:$0x719] =	sst s9;
	s12 =	sadd.s32 $0x20, s8  }
0x2f9: {  	[smem:$0x71A] =	sst s12  }
0x2fa: {  	[smem:$0x727] =	sst s5  }
0x2fb: {  	[smem:$0x728] =	sst s15  }
0x2fc: {  	[smem:$0x729] =	sst s13  }
0x2fd: {  	s13 =	sld [smem:$0x7DF]  }
0x2fe: {  	[hbm4b:s16+s2] =	stream.linear.scatter [tilespmem:s14], [sflag:$0x2], $0x80, $0x38;
	[tilespmem:$0x7000] =	vst v63  }
0x2ff: {  	s14 =	sld [smem:$0x7C5];
	s16 =	sadd.s32 $0x30, s8  }
0x300: {  	[smem:$0x71B] =	sst s16  }
0x301: {  	[hbm4b:s21+s2] =	stream.linear.scatter [tilespmem:s17], [sflag:$0x2], $0x80, $0x38;
	[tilespmem:$0x7000] =	vst v63  }
0x302: {  	s17 =	sld [smem:$0x7C6]  }
0x303: {  	[hbm4b:s1+s2] =	stream.linear.scatter [tilespmem:s24], [sflag:$0x2], $0x80, $0x38;
	[tilespmem:$0x7000] =	vst v63  }
0x304: {  	s24 =	sld [smem:$0x7F2]  }
0x305: {  	[hbm4b:s8+s2] =	stream.linear.scatter [tilespmem:s4], [sflag:$0x2], $0x80, $0x38;
	[tilespmem:$0x7000] =	vst v63  }
0x306: {  	s21 =	sld [smem:$0x7C7]  }
0x307: {  	[hbm4b:s9+s2] =	stream.linear.scatter [tilespmem:s7], [sflag:$0x2], $0x80, $0x38;
	[tilespmem:$0x7000] =	vst v63  }
0x308: {  	s4 =	sadd.s32 $0x10, s24;
	s7 =	sld [smem:$0x7C8]  }
0x309: {  	[smem:$0x71C] =	sst s4  }
0x30a: {  	s8 =	sadd.s32 $0x20, s24;
	s9 =	sld [smem:$0x7C9]  }
0x30b: {  	[smem:$0x71D] =	sst s8  }
0x30c: {  	[hbm4b:s12+s2] =	stream.linear.scatter [tilespmem:s10], [sflag:$0x2], $0x80, $0x38;
	[tilespmem:$0x7000] =	vst v63  }
0x30d: {  	s10 =	sadd.s32 $0x30, s24;
	s12 =	sld [smem:$0x7CA]  }
0x30e: {  	[smem:$0x71E] =	sst s10  }
0x30f: {  	[hbm4b:s16+s2] =	stream.linear.scatter [tilespmem:s14], [sflag:$0x2], $0x80, $0x38;
	[tilespmem:$0x7000] =	vst v63  }
0x310: {  	s14 =	sld [smem:$0x7CB];
	s16 =	sadd.s32 $0x10, s28  }
0x311: {  	[smem:$0x71F] =	sst s16  }
0x312: {  	[hbm4b:s24+s2] =	stream.linear.scatter [tilespmem:s17], [sflag:$0x2], $0x80, $0x38;
	[tilespmem:$0x7000] =	vst v63  }
0x313: {  	s17 =	sld [smem:$0x7CC]  }
0x314: {  	[hbm4b:s4+s2] =	stream.linear.scatter [tilespmem:s21], [sflag:$0x2], $0x80, $0x38;
	[tilespmem:$0x7000] =	vst v63  }
0x315: {  	s24 =	sld [smem:$0x7CD];
	s21 =	sadd.s32 $0x20, s28  }
0x316: {  	[hbm4b:s8+s2] =	stream.linear.scatter [tilespmem:s7], [sflag:$0x2], $0x80, $0x38;
	[tilespmem:$0x7000] =	vst v63  }
0x317: {  	[smem:$0x720] =	sst s21  }
0x318: {  	[hbm4b:s10+s2] =	stream.linear.scatter [tilespmem:s9], [sflag:$0x2], $0x80, $0x38;
	[tilespmem:$0x7000] =	vst v63  }
0x319: {  	s7 =	sld [smem:$0x7D1]  }
0x31a: {  	[hbm4b:s28+s2] =	stream.linear.scatter [tilespmem:s12], [sflag:$0x2], $0x80, $0x38;
	[tilespmem:$0x7000] =	vst v63  }
0x31b: {  	s8 =	sld [smem:$0x7F4]  }
0x31c: {  	[hbm4b:s16+s2] =	stream.linear.scatter [tilespmem:s14], [sflag:$0x2], $0x80, $0x38;
	[tilespmem:$0x7000] =	vst v63  }
0x31d: {  	s9 =	sld [smem:$0x7DD]  }
0x31e: {  	[hbm4b:s21+s2] =	stream.linear.scatter [tilespmem:s17], [sflag:$0x2], $0x80, $0x38;
	[tilespmem:$0x7000] =	vst v63  }
0x31f: {  	s4 =	sadd.s32 $0x30, s28;
	s10 =	sadd.s32 $0x10, s8;
	s12 =	sld [smem:$0x7D3]  }
0x320: {  	[hbm4b:s4+s2] =	stream.linear.scatter [tilespmem:s24], [sflag:$0x2], $0x80, $0x38;
	[tilespmem:$0x7000] =	vst v63  }
0x321: {  	[smem:$0x722] =	sst s10  }
0x322: {  	[hbm4b:s8+s2] =	stream.linear.scatter [tilespmem:s6], [sflag:$0x2], $0x80, $0x38;
	[tilespmem:$0x7000] =	vst v63  }
0x323: {  	s16 =	sld [smem:$0x7D5]  }
0x324: {  	[hbm4b:s10+s2] =	stream.linear.scatter [tilespmem:s7], [sflag:$0x2], $0x80, $0x38;
	[tilespmem:$0x7000] =	vst v63  }
0x325: {  	s14 =	sadd.s32 $0x20, s8;
	s21 =	sld [smem:$0x7D7]  }
0x326: {  	[hbm4b:s14+s2] =	stream.linear.scatter [tilespmem:s12], [sflag:$0x2], $0x80, $0x38;
	[tilespmem:$0x7000] =	vst v63  }
0x327: {  	s17 =	sadd.s32 $0x30, s8;
	s12 =	sld [smem:$0x7F5]  }
0x328: {  	[hbm4b:s17+s2] =	stream.linear.scatter [tilespmem:s16], [sflag:$0x2], $0x80, $0x38;
	[tilespmem:$0x7000] =	vst v63  }
0x329: {  	s24 =	sld [smem:$0x7D9]  }
0x32a: {  	[hbm4b:s12+s2] =	stream.linear.scatter [tilespmem:s21], [sflag:$0x2], $0x80, $0x38;
	[tilespmem:$0x7000] =	vst v63  }
0x32b: {  	s7 =	sld [smem:$0x7DB];
	s6 =	sadd.s32 $0x10, s12  }
0x32c: {  	[hbm4b:s6+s2] =	stream.linear.scatter [tilespmem:s24], [sflag:$0x2], $0x80, $0x38;
	[tilespmem:$0x7000] =	vst v63  }
0x32d: {  	[smem:$0x723] =	sst s14;
	s8 =	sadd.s32 $0x20, s12  }
0x32e: {  	[hbm4b:s8+s2] =	stream.linear.scatter [tilespmem:s7], [sflag:$0x2], $0x80, $0x38;
	[tilespmem:$0x7000] =	vst v63  }
0x32f: {  	[smem:$0x724] =	sst s17;
	s10 =	sadd.s32 $0x30, s12  }
0x330: {  	[hbm4b:s10+s2] =	stream.linear.scatter [tilespmem:s9], [sflag:$0x2], $0x80, $0x38;
	[tilespmem:$0x7000] =	vst v63  }
0x331: {  	s14 =	sld [smem:$0x7E1]  }
0x332: {  	[hbm4b:s11+s2] =	stream.linear.scatter [tilespmem:s13], [sflag:$0x2], $0x80, $0x38;
	[tilespmem:$0x7000] =	vst v63  }
0x333: {  	s15 =	sadd.s32 $0x10, s11;
	s16 =	sld [smem:$0x7E3]  }
0x334: {  	[hbm4b:s15+s2] =	stream.linear.scatter [tilespmem:s14], [sflag:$0x2], $0x80, $0x38;
	[tilespmem:$0x7000] =	vst v63  }
0x335: {  	s17 =	sadd.s32 $0x20, s11;
	s21 =	sld [smem:$0x7E5]  }
0x336: {  	[hbm4b:s17+s2] =	stream.linear.scatter [tilespmem:s16], [sflag:$0x2], $0x80, $0x38;
	[tilespmem:$0x7000] =	vst v63  }
0x337: {  	s23 =	sadd.s32 $0x30, s11;
	[smem:$0x721] =	sst s4  }
0x338: {  	[hbm4b:s23+s2] =	stream.linear.scatter [tilespmem:s21], [sflag:$0x2], $0x80, $0x38;
	[tilespmem:$0x7000] =	vst v63  }
0x339: {  	_ =	swait.ge [sflag:s3], $0x200  }
0x33a: {  	[sflag:s3] =	ssyncset.done $0x0  }
0x33b: {  	[sflag:s3] =	ssyncadd.s32 $0xFFFFFE00  }
0x33c: {  	_ =	swait.ge [sflag:s3], $0x200  }
0x33d: {  	[sflag:s3] =	ssyncset.done $0x0  }
0x33e: {  	[sflag:s3] =	ssyncadd.s32 $0xFFFFFE00  }
0x33f: {  	_ =	swait.ge [sflag:s3], $0x200  }
0x340: {  	[sflag:s3] =	ssyncset.done $0x0  }
0x341: {  	[sflag:s3] =	ssyncadd.s32 $0xFFFFFE00  }
0x342: {  	_ =	swait.ge [sflag:s3], $0x200  }
0x343: {  	[sflag:s3] =	ssyncset.done $0x0  }
0x344: {  	[sflag:s3] =	ssyncadd.s32 $0xFFFFFE00  }
0x345: {  	_ =	swait.ge [sflag:s3], $0x200  }
0x346: {  	[sflag:s3] =	ssyncset.done $0x0  }
0x347: {  	[sflag:s3] =	ssyncadd.s32 $0xFFFFFE00  }
0x348: {  	_ =	swait.ge [sflag:s3], $0x200  }
0x349: {  	[sflag:s3] =	ssyncset.done $0x0  }
0x34a: {  	[sflag:s3] =	ssyncadd.s32 $0xFFFFFE00  }
0x34b: {  	_ =	swait.ge [sflag:s3], $0x200  }
0x34c: {  	[sflag:s3] =	ssyncset.done $0x0  }
0x34d: {  	[sflag:s3] =	ssyncadd.s32 $0xFFFFFE00  }
0x34e: {  	_ =	swait.ge [sflag:s3], $0x200  }
0x34f: {  	[sflag:s3] =	ssyncset.done $0x0  }
0x350: {  	[sflag:s3] =	ssyncadd.s32 $0xFFFFFE00  }
0x351: {  	_ =	swait.ge [sflag:s3], $0x200  }
0x352: {  	[sflag:s3] =	ssyncset.done $0x0  }
0x353: {  	[sflag:s3] =	ssyncadd.s32 $0xFFFFFE00  }
0x354: {  	_ =	swait.ge [sflag:s3], $0x200  }
0x355: {  	[sflag:s3] =	ssyncset.done $0x0  }
0x356: {  	[sflag:s3] =	ssyncadd.s32 $0xFFFFFE00  }
0x357: {  	_ =	swait.ge [sflag:s3], $0x200  }
0x358: {  	[sflag:s3] =	ssyncset.done $0x0  }
0x359: {  	[sflag:s3] =	ssyncadd.s32 $0xFFFFFE00  }
0x35a: {  	_ =	swait.ge [sflag:s3], $0x200  }
0x35b: {  	[sflag:s3] =	ssyncset.done $0x0  }
0x35c: {  	[sflag:s3] =	ssyncadd.s32 $0xFFFFFE00  }
0x35d: {  	_ =	swait.ge [sflag:s3], $0x200  }
0x35e: {  	[sflag:s3] =	ssyncset.done $0x0  }
0x35f: {  	[sflag:s3] =	ssyncadd.s32 $0xFFFFFE00  }
0x360: {  	_ =	swait.ge [sflag:s3], $0x200  }
0x361: {  	[sflag:s3] =	ssyncset.done $0x0  }
0x362: {  	[sflag:s3] =	ssyncadd.s32 $0xFFFFFE00  }
0x363: {  	_ =	swait.ge [sflag:s3], $0x200  }
0x364: {  	[sflag:s3] =	ssyncset.done $0x0  }
0x365: {  	[sflag:s3] =	ssyncadd.s32 $0xFFFFFE00  }
0x366: {  	_ =	swait.ge [sflag:s3], $0x200  }
0x367: {  	[sflag:s3] =	ssyncset.done $0x0  }
0x368: {  	[sflag:s3] =	ssyncadd.s32 $0xFFFFFE00  }
0x369: {  	_ =	swait.ge [sflag:s3], $0x200  }
0x36a: {  	[sflag:s3] =	ssyncset.done $0x0  }
0x36b: {  	[sflag:s3] =	ssyncadd.s32 $0xFFFFFE00  }
0x36c: {  	_ =	swait.ge [sflag:s3], $0x200  }
0x36d: {  	[sflag:s3] =	ssyncset.done $0x0  }
0x36e: {  	[sflag:s3] =	ssyncadd.s32 $0xFFFFFE00  }
0x36f: {  	_ =	swait.ge [sflag:s3], $0x200  }
0x370: {  	[sflag:s3] =	ssyncset.done $0x0  }
0x371: {  	[sflag:s3] =	ssyncadd.s32 $0xFFFFFE00  }
0x372: {  	_ =	swait.ge [sflag:s3], $0x200  }
0x373: {  	[sflag:s3] =	ssyncset.done $0x0  }
0x374: {  	[sflag:s3] =	ssyncadd.s32 $0xFFFFFE00  }
0x375: {  	_ =	swait.ge [sflag:s3], $0x200  }
0x376: {  	[sflag:s3] =	ssyncset.done $0x0  }
0x377: {  	[sflag:s3] =	ssyncadd.s32 $0xFFFFFE00  }
0x378: {  	_ =	swait.ge [sflag:s3], $0x200  }
0x379: {  	[sflag:s3] =	ssyncset.done $0x0  }
0x37a: {  	[sflag:s3] =	ssyncadd.s32 $0xFFFFFE00  }
0x37b: {  	_ =	swait.ge [sflag:s3], $0x200  }
0x37c: {  	[sflag:s3] =	ssyncset.done $0x0  }
0x37d: {  	[sflag:s3] =	ssyncadd.s32 $0xFFFFFE00  }
0x37e: {  	_ =	swait.ge [sflag:s3], $0x200  }
0x37f: {  	[sflag:s3] =	ssyncset.done $0x0  }
0x380: {  	[sflag:s3] =	ssyncadd.s32 $0xFFFFFE00  }
0x381: {  	_ =	swait.ge [sflag:s3], $0x200  }
0x382: {  	[sflag:s3] =	ssyncset.done $0x0  }
0x383: {  	[sflag:s3] =	ssyncadd.s32 $0xFFFFFE00  }
0x384: {  	_ =	swait.ge [sflag:s3], $0x200  }
0x385: {  	[sflag:s3] =	ssyncset.done $0x0  }
0x386: {  	[sflag:s3] =	ssyncadd.s32 $0xFFFFFE00  }
0x387: {  	_ =	swait.ge [sflag:s3], $0x200  }
0x388: {  	[sflag:s3] =	ssyncset.done $0x0  }
0x389: {  	[sflag:s3] =	ssyncadd.s32 $0xFFFFFE00  }
0x38a: {  	_ =	swait.ge [sflag:s3], $0x200  }
0x38b: {  	[sflag:s3] =	ssyncset.done $0x0  }
0x38c: {  	[sflag:s3] =	ssyncadd.s32 $0xFFFFFE00  }
0x38d: {  	_ =	swait.ge [sflag:s3], $0x200  }
0x38e: {  	[sflag:s3] =	ssyncset.done $0x0  }
0x38f: {  	[sflag:s3] =	ssyncadd.s32 $0xFFFFFE00  }
0x390: {  	_ =	swait.ge [sflag:s3], $0x200  }
0x391: {  	[sflag:s3] =	ssyncset.done $0x0  }
0x392: {  	[sflag:s3] =	ssyncadd.s32 $0xFFFFFE00  }
0x393: {  	_ =	swait.ge [sflag:s3], $0x200  }
0x394: {  	[sflag:s3] =	ssyncset.done $0x0  }
0x395: {  	[sflag:s3] =	ssyncadd.s32 $0xFFFFFE00  }
0x396: {  	_ =	swait.ge [sflag:s3], $0x200  }
0x397: {  	[sflag:s3] =	ssyncset.done $0x0  }
0x398: {  	[sflag:s3] =	ssyncadd.s32 $0xFFFFFE00  }
0x399: {  	_ =	swait.ge [sflag:s3], $0x200  }
0x39a: {  	[sflag:s3] =	ssyncset.done $0x0  }
0x39b: {  	[sflag:s3] =	ssyncadd.s32 $0xFFFFFE00  }
0x39c: {  	_ =	swait.ge [sflag:s3], $0x200  }
0x39d: {  	[sflag:s3] =	ssyncset.done $0x0  }
0x39e: {  	[sflag:s3] =	ssyncadd.s32 $0xFFFFFE00  }
0x39f: {  	_ =	swait.ge [sflag:s3], $0x200  }
0x3a0: {  	[sflag:s3] =	ssyncset.done $0x0  }
0x3a1: {  	[sflag:s3] =	ssyncadd.s32 $0xFFFFFE00  }
0x3a2: {  	_ =	swait.ge [sflag:s3], $0x200  }
0x3a3: {  	[sflag:s3] =	ssyncset.done $0x0  }
0x3a4: {  	[sflag:s3] =	ssyncadd.s32 $0xFFFFFE00  }
0x3a5: {  	_ =	swait.ge [sflag:s3], $0x200  }
0x3a6: {  	[sflag:s3] =	ssyncset.done $0x0  }
0x3a7: {  	[sflag:s3] =	ssyncadd.s32 $0xFFFFFE00  }
0x3a8: {  	_ =	swait.ge [sflag:s3], $0x200  }
0x3a9: {  	[sflag:s3] =	ssyncset.done $0x0  }
0x3aa: {  	[sflag:s3] =	ssyncadd.s32 $0xFFFFFE00  }
0x3ab: {  	_ =	swait.ge [sflag:s3], $0x200  }
0x3ac: {  	[sflag:s3] =	ssyncset.done $0x0  }
0x3ad: {  	[sflag:s3] =	ssyncadd.s32 $0xFFFFFE00  }
0x3ae: {  	_ =	swait.ge [sflag:s3], $0x200  }
0x3af: {  	[sflag:s3] =	ssyncset.done $0x0  }
0x3b0: {  	[sflag:s3] =	ssyncadd.s32 $0xFFFFFE00  }
0x3b1: {  	_ =	swait.ge [sflag:s3], $0x200  }
0x3b2: {  	[sflag:s3] =	ssyncset.done $0x0  }
0x3b3: {  	[sflag:s3] =	ssyncadd.s32 $0xFFFFFE00  }
0x3b4: {  	_ =	swait.ge [sflag:s3], $0x200  }
0x3b5: {  	[sflag:s3] =	ssyncset.done $0x0  }
0x3b6: {  	[sflag:s3] =	ssyncadd.s32 $0xFFFFFE00  }
0x3b7: {  	_ =	swait.ge [sflag:s3], $0x200  }
0x3b8: {  	[sflag:s3] =	ssyncset.done $0x0  }
0x3b9: {  	[sflag:s3] =	ssyncadd.s32 $0xFFFFFE00  }
0x3ba: {  	_ =	swait.ge [sflag:s3], $0x200  }
0x3bb: {  	[sflag:s3] =	ssyncset.done $0x0  }
0x3bc: {  	[sflag:s3] =	ssyncadd.s32 $0xFFFFFE00  }
0x3bd: {  	_ =	swait.ge [sflag:s3], $0x200  }
0x3be: {  	[sflag:s3] =	ssyncset.done $0x0  }
0x3bf: {  	[sflag:s3] =	ssyncadd.s32 $0xFFFFFE00  }
0x3c0: {  	_ =	swait.ge [sflag:s3], $0x200  }
0x3c1: {  	[sflag:s3] =	ssyncset.done $0x0  }
0x3c2: {  	[sflag:s3] =	ssyncadd.s32 $0xFFFFFE00  }
0x3c3: {  	_ =	swait.ge [sflag:s3], $0x200  }
0x3c4: {  	[sflag:s3] =	ssyncset.done $0x0  }
0x3c5: {  	[sflag:s3] =	ssyncadd.s32 $0xFFFFFE00  }
0x3c6: {  	_ =	swait.ge [sflag:s3], $0x200  }
0x3c7: {  	[sflag:s3] =	ssyncset.done $0x0  }
0x3c8: {  	[sflag:s3] =	ssyncadd.s32 $0xFFFFFE00  }
0x3c9: {  	_ =	swait.ge [sflag:s3], $0x200  }
0x3ca: {  	[sflag:s3] =	ssyncset.done $0x0  }
0x3cb: {  	[sflag:s3] =	ssyncadd.s32 $0xFFFFFE00  }
0x3cc: {  	s24 =	sld [smem:$0x7E7];
	_ =	swait.ge [sflag:s3], $0x200  }
0x3cd: {  	s9 =	rddreg [dreg:$0x3]  }
0x3ce: {  	p0 =	por $0x1, $0x1;
	s1 =	sld [smem:$0x72A]  }
0x3cf: {  	s0 =	smov.u32 s23;
	s29 =	smov.u32 s17;
	s17 =	sld [smem:$0x72B]  }
0x3d0: {  	s5 =	smov.u32 s18;
	s31 =	smov.u32 s15;
	s13 =	sld [smem:$0x72C]  }
0x3d1: {  	s15 =	smov.u32 s30;
	p1 =	sne.s32 s24, $0x1;
	s28 =	sld [smem:$0x72D]  }
.Ltmp1:
0x3d2: {  	s30 =	smov.u32 s25;
	s25 =	sld [smem:$0x72E];
	(pc) =	sbr.rel @!p1 .LBB2_3-.Ltmp1, $4  }
0x3d3: {  	s21 =	smov.u32 s19;
	s19 =	smov.u32 s20;
	s20 =	sld [smem:$0x7CE]  }
0x3d4: {  	s4 =	smov.u32 s6;
	s6 =	smov.u32 s8;
	s18 =	sld [smem:$0x7D0]  }
0x3d5: {  	s7 =	smov.u32 s10;
	s23 =	simm.s32 $0x1000;
	s16 =	sld [smem:$0x7D2]  }
0x3d6: {  	s8 =	sadd.s32 $0xFFFFFFFF, s24;
	[sflag:s3] =	ssyncset.done $0x0;
	s14 =	sld [smem:$0x7D4]  }
.LBB2_4:
0x3d7: {  	s10 =	rddreg [dreg:$0x4];
	[sflag:s3] =	ssyncadd.s32 $0xFFFFFE00  }
0x3d8: {  	[tilespmem:s2], [sflag:$0x1] =	stream.strided.gather [hbm4b:s9+s23], $0x7000, s10, s23, $0x38;
	[tilespmem:$0x7000] =	vst v63  }
0x3d9: {  	_ =	swait.ge [sflag:s26], $0x7000  }
0x3da: {  	[sflag:s26] =	ssyncset.done $0x0  }
0x3db: {  	s24 =	sld [smem:$0x695];
	[sflag:s26] =	ssyncadd.s32 $0xFFFF9000  }
0x3dc: {  	[hbm4b:s21+s2] =	stream.linear.scatter [tilespmem:s2], [sflag:$0x2], $0x80, $0x38;
	[tilespmem:$0x7000] =	vst v63  }
0x3dd: {  	s9 =	rddreg [dreg:$0x5]  }
0x3de: {  	[hbm4b:s24+s2] =	stream.linear.scatter [tilespmem:s9], [sflag:$0x2], $0x80, $0x38;
	[tilespmem:$0x7000] =	vst v63  }
0x3df: {  	s24 =	sld [smem:$0x696];
	_ =	sdelay $0x1  }
0x3e0: {  	s10 =	rddreg [dreg:$0x6]  }
0x3e1: {  	[hbm4b:s24+s2] =	stream.linear.scatter [tilespmem:s10], [sflag:$0x2], $0x80, $0x38;
	[tilespmem:$0x7000] =	vst v63  }
0x3e2: {  	s24 =	sld [smem:$0x697]  }
0x3e3: {  	s9 =	rddreg [dreg:$0x7]  }
0x3e4: {  	s10 =	rddreg [dreg:$0x8]  }
0x3e5: {  	[hbm4b:s24+s2] =	stream.linear.scatter [tilespmem:s9], [sflag:$0x2], $0x80, $0x38;
	[tilespmem:$0x7000] =	vst v63  }
0x3e6: {  	s24 =	sld [smem:$0x698]  }
0x3e7: {  	[hbm4b:s19+s2] =	stream.linear.scatter [tilespmem:s10], [sflag:$0x2], $0x80, $0x38;
	[tilespmem:$0x7000] =	vst v63  }
0x3e8: {  	s9 =	rddreg [dreg:$0x9]  }
0x3e9: {  	[hbm4b:s24+s2] =	stream.linear.scatter [tilespmem:s9], [sflag:$0x2], $0x80, $0x38;
	[tilespmem:$0x7000] =	vst v63  }
0x3ea: {  	s24 =	sld [smem:$0x699];
	_ =	sdelay $0x1  }
0x3eb: {  	s10 =	rddreg [dreg:$0xa]  }
0x3ec: {  	[hbm4b:s24+s2] =	stream.linear.scatter [tilespmem:s10], [sflag:$0x2], $0x80, $0x38;
	[tilespmem:$0x7000] =	vst v63  }
0x3ed: {  	s24 =	sld [smem:$0x69A]  }
0x3ee: {  	s9 =	rddreg [dreg:$0xb]  }
0x3ef: {  	s10 =	rddreg [dreg:$0xc]  }
0x3f0: {  	[hbm4b:s24+s2] =	stream.linear.scatter [tilespmem:s9], [sflag:$0x2], $0x80, $0x38;
	[tilespmem:$0x7000] =	vst v63  }
0x3f1: {  	s24 =	sld [smem:$0x69B]  }
0x3f2: {  	[hbm4b:s17+s2] =	stream.linear.scatter [tilespmem:s10], [sflag:$0x2], $0x80, $0x38;
	[tilespmem:$0x7000] =	vst v63  }
0x3f3: {  	s9 =	rddreg [dreg:$0xd]  }
0x3f4: {  	[hbm4b:s24+s2] =	stream.linear.scatter [tilespmem:s9], [sflag:$0x2], $0x80, $0x38;
	[tilespmem:$0x7000] =	vst v63  }
0x3f5: {  	s24 =	sld [smem:$0x69C];
	_ =	sdelay $0x1  }
0x3f6: {  	s10 =	rddreg [dreg:$0xe]  }
0x3f7: {  	[hbm4b:s24+s2] =	stream.linear.scatter [tilespmem:s10], [sflag:$0x2], $0x80, $0x38;
	[tilespmem:$0x7000] =	vst v63  }
0x3f8: {  	s24 =	sld [smem:$0x69D]  }
0x3f9: {  	s9 =	rddreg [dreg:$0xf]  }
0x3fa: {  	s10 =	rddreg [dreg:$0x10]  }
0x3fb: {  	[hbm4b:s24+s2] =	stream.linear.scatter [tilespmem:s9], [sflag:$0x2], $0x80, $0x38;
	[tilespmem:$0x7000] =	vst v63  }
0x3fc: {  	s24 =	sld [smem:$0x69E]  }
0x3fd: {  	[hbm4b:s15+s2] =	stream.linear.scatter [tilespmem:s10], [sflag:$0x2], $0x80, $0x38;
	[tilespmem:$0x7000] =	vst v63  }
0x3fe: {  	s9 =	rddreg [dreg:$0x11]  }
0x3ff: {  	[hbm4b:s24+s2] =	stream.linear.scatter [tilespmem:s9], [sflag:$0x2], $0x80, $0x38;
	[tilespmem:$0x7000] =	vst v63  }
0x400: {  	s24 =	sld [smem:$0x69F];
	_ =	sdelay $0x1  }
0x401: {  	s10 =	rddreg [dreg:$0x12]  }
0x402: {  	[hbm4b:s24+s2] =	stream.linear.scatter [tilespmem:s10], [sflag:$0x2], $0x80, $0x38;
	[tilespmem:$0x7000] =	vst v63  }
0x403: {  	s24 =	sld [smem:$0x6A0]  }
0x404: {  	s9 =	rddreg [dreg:$0x13]  }
0x405: {  	s10 =	rddreg [dreg:$0x14]  }
0x406: {  	[hbm4b:s24+s2] =	stream.linear.scatter [tilespmem:s9], [sflag:$0x2], $0x80, $0x38;
	[tilespmem:$0x7000] =	vst v63  }
0x407: {  	s24 =	sld [smem:$0x6A1]  }
0x408: {  	[hbm4b:s13+s2] =	stream.linear.scatter [tilespmem:s10], [sflag:$0x2], $0x80, $0x38;
	[tilespmem:$0x7000] =	vst v63  }
0x409: {  	s9 =	rddreg [dreg:$0x15]  }
0x40a: {  	[hbm4b:s24+s2] =	stream.linear.scatter [tilespmem:s9], [sflag:$0x2], $0x80, $0x38;
	[tilespmem:$0x7000] =	vst v63  }
0x40b: {  	s24 =	sld [smem:$0x6A2];
	_ =	sdelay $0x1  }
0x40c: {  	s10 =	rddreg [dreg:$0x16]  }
0x40d: {  	[hbm4b:s24+s2] =	stream.linear.scatter [tilespmem:s10], [sflag:$0x2], $0x80, $0x38;
	[tilespmem:$0x7000] =	vst v63  }
0x40e: {  	s24 =	sld [smem:$0x6A3]  }
0x40f: {  	s9 =	rddreg [dreg:$0x17]  }
0x410: {  	s10 =	rddreg [dreg:$0x18]  }
0x411: {  	[hbm4b:s24+s2] =	stream.linear.scatter [tilespmem:s9], [sflag:$0x2], $0x80, $0x38;
	[tilespmem:$0x7000] =	vst v63  }
0x412: {  	s24 =	sld [smem:$0x6A4]  }
0x413: {  	[hbm4b:s30+s2] =	stream.linear.scatter [tilespmem:s10], [sflag:$0x2], $0x80, $0x38;
	[tilespmem:$0x7000] =	vst v63  }
0x414: {  	s9 =	rddreg [dreg:$0x19]  }
0x415: {  	[hbm4b:s24+s2] =	stream.linear.scatter [tilespmem:s9], [sflag:$0x2], $0x80, $0x38;
	[tilespmem:$0x7000] =	vst v63  }
0x416: {  	s24 =	sld [smem:$0x6A5];
	_ =	sdelay $0x1  }
0x417: {  	s10 =	rddreg [dreg:$0x1a]  }
0x418: {  	[hbm4b:s24+s2] =	stream.linear.scatter [tilespmem:s10], [sflag:$0x2], $0x80, $0x38;
	[tilespmem:$0x7000] =	vst v63  }
0x419: {  	s24 =	sld [smem:$0x6A6]  }
0x41a: {  	s9 =	rddreg [dreg:$0x1b]  }
0x41b: {  	s10 =	rddreg [dreg:$0x1c]  }
0x41c: {  	[hbm4b:s24+s2] =	stream.linear.scatter [tilespmem:s9], [sflag:$0x2], $0x80, $0x38;
	[tilespmem:$0x7000] =	vst v63  }
0x41d: {  	s24 =	sld [smem:$0x6A7]  }
0x41e: {  	[hbm4b:s28+s2] =	stream.linear.scatter [tilespmem:s10], [sflag:$0x2], $0x80, $0x38;
	[tilespmem:$0x7000] =	vst v63  }
0x41f: {  	s9 =	rddreg [dreg:$0x1d]  }
0x420: {  	[hbm4b:s24+s2] =	stream.linear.scatter [tilespmem:s9], [sflag:$0x2], $0x80, $0x38;
	[tilespmem:$0x7000] =	vst v63  }
0x421: {  	s24 =	sld [smem:$0x6A8];
	_ =	sdelay $0x1  }
0x422: {  	s10 =	rddreg [dreg:$0x1e]  }
0x423: {  	[hbm4b:s24+s2] =	stream.linear.scatter [tilespmem:s10], [sflag:$0x2], $0x80, $0x38;
	[tilespmem:$0x7000] =	vst v63  }
0x424: {  	s24 =	sld [smem:$0x6A9]  }
0x425: {  	s9 =	rddreg [dreg:$0x1f]  }
0x426: {  	s10 =	sld [smem:$0x72F]  }
0x427: {  	[hbm4b:s24+s2] =	stream.linear.scatter [tilespmem:s9], [sflag:$0x2], $0x80, $0x38;
	[tilespmem:$0x7000] =	vst v63  }
0x428: {  	s9 =	sld [smem:$0x730]  }
0x429: {  	s24 =	sld [smem:$0x6AA]  }
0x42a: {  	[hbm4b:s25+s2] =	stream.linear.scatter [tilespmem:s10], [sflag:$0x2], $0x80, $0x38;
	[tilespmem:$0x7000] =	vst v63  }
0x42b: {  	s10 =	sld [smem:$0x731]  }
0x42c: {  	[hbm4b:s24+s2] =	stream.linear.scatter [tilespmem:s9], [sflag:$0x2], $0x80, $0x38;
	[tilespmem:$0x7000] =	vst v63  }
0x42d: {  	s24 =	sld [smem:$0x6AB];
	_ =	sdelay $0x1  }
0x42e: {  	s9 =	sld [smem:$0x732]  }
0x42f: {  	[hbm4b:s24+s2] =	stream.linear.scatter [tilespmem:s10], [sflag:$0x2], $0x80, $0x38;
	[tilespmem:$0x7000] =	vst v63  }
0x430: {  	s24 =	sld [smem:$0x6AC];
	_ =	sdelay $0x2  }
0x431: {  	[hbm4b:s24+s2] =	stream.linear.scatter [tilespmem:s9], [sflag:$0x2], $0x80, $0x38;
	[tilespmem:$0x7000] =	vst v63  }
0x432: {  	s9 =	sld [smem:$0x733]  }
0x433: {  	s24 =	sld [smem:$0x6AD]  }
0x434: {  	[hbm4b:s22+s2] =	stream.linear.scatter [tilespmem:s23], [sflag:$0x2], $0x80, $0x38;
	[tilespmem:$0x7000] =	vst v63  }
0x435: {  	s10 =	sld [smem:$0x734]  }
0x436: {  	[hbm4b:s24+s2] =	stream.linear.scatter [tilespmem:s9], [sflag:$0x2], $0x80, $0x38;
	[tilespmem:$0x7000] =	vst v63  }
0x437: {  	s24 =	sld [smem:$0x6AE];
	_ =	sdelay $0x1  }
0x438: {  	s9 =	sld [smem:$0x735]  }
0x439: {  	[hbm4b:s24+s2] =	stream.linear.scatter [tilespmem:s10], [sflag:$0x2], $0x80, $0x38;
	[tilespmem:$0x7000] =	vst v63  }
0x43a: {  	s24 =	sld [smem:$0x6AF];
	_ =	sdelay $0x1  }
0x43b: {  	s10 =	sld [smem:$0x736]  }
0x43c: {  	[hbm4b:s24+s2] =	stream.linear.scatter [tilespmem:s9], [sflag:$0x2], $0x80, $0x38;
	[tilespmem:$0x7000] =	vst v63  }
0x43d: {  	s9 =	sld [smem:$0x737]  }
0x43e: {  	s24 =	sld [smem:$0x6B0]  }
0x43f: {  	[hbm4b:s20+s2] =	stream.linear.scatter [tilespmem:s10], [sflag:$0x2], $0x80, $0x38;
	[tilespmem:$0x7000] =	vst v63  }
0x440: {  	s10 =	sld [smem:$0x738]  }
0x441: {  	[hbm4b:s24+s2] =	stream.linear.scatter [tilespmem:s9], [sflag:$0x2], $0x80, $0x38;
	[tilespmem:$0x7000] =	vst v63  }
0x442: {  	s24 =	sld [smem:$0x6B1];
	_ =	sdelay $0x1  }
0x443: {  	s9 =	sld [smem:$0x739]  }
0x444: {  	[hbm4b:s24+s2] =	stream.linear.scatter [tilespmem:s10], [sflag:$0x2], $0x80, $0x38;
	[tilespmem:$0x7000] =	vst v63  }
0x445: {  	s24 =	sld [smem:$0x6B2];
	_ =	sdelay $0x1  }
0x446: {  	s10 =	sld [smem:$0x73A]  }
0x447: {  	[hbm4b:s24+s2] =	stream.linear.scatter [tilespmem:s9], [sflag:$0x2], $0x80, $0x38;
	[tilespmem:$0x7000] =	vst v63  }
0x448: {  	s9 =	sld [smem:$0x73B]  }
0x449: {  	s24 =	sld [smem:$0x6B3]  }
0x44a: {  	[hbm4b:s18+s2] =	stream.linear.scatter [tilespmem:s10], [sflag:$0x2], $0x80, $0x38;
	[tilespmem:$0x7000] =	vst v63  }
0x44b: {  	s10 =	sld [smem:$0x73C]  }
0x44c: {  	[hbm4b:s24+s2] =	stream.linear.scatter [tilespmem:s9], [sflag:$0x2], $0x80, $0x38;
	[tilespmem:$0x7000] =	vst v63  }
0x44d: {  	s24 =	sld [smem:$0x6B4];
	_ =	sdelay $0x1  }
0x44e: {  	s9 =	sld [smem:$0x73D]  }
0x44f: {  	[hbm4b:s24+s2] =	stream.linear.scatter [tilespmem:s10], [sflag:$0x2], $0x80, $0x38;
	[tilespmem:$0x7000] =	vst v63  }
0x450: {  	s24 =	sld [smem:$0x6B5];
	_ =	sdelay $0x1  }
0x451: {  	s10 =	sld [smem:$0x73E]  }
0x452: {  	[hbm4b:s24+s2] =	stream.linear.scatter [tilespmem:s9], [sflag:$0x2], $0x80, $0x38;
	[tilespmem:$0x7000] =	vst v63  }
0x453: {  	s9 =	sld [smem:$0x73F]  }
0x454: {  	s24 =	sld [smem:$0x6B6]  }
0x455: {  	[hbm4b:s16+s2] =	stream.linear.scatter [tilespmem:s10], [sflag:$0x2], $0x80, $0x38;
	[tilespmem:$0x7000] =	vst v63  }
0x456: {  	s10 =	sld [smem:$0x740]  }
0x457: {  	[hbm4b:s24+s2] =	stream.linear.scatter [tilespmem:s9], [sflag:$0x2], $0x80, $0x38;
	[tilespmem:$0x7000] =	vst v63  }
0x458: {  	s24 =	sld [smem:$0x6B7];
	_ =	sdelay $0x1  }
0x459: {  	s9 =	sld [smem:$0x741]  }
0x45a: {  	[hbm4b:s24+s2] =	stream.linear.scatter [tilespmem:s10], [sflag:$0x2], $0x80, $0x38;
	[tilespmem:$0x7000] =	vst v63  }
0x45b: {  	s24 =	sld [smem:$0x6B8];
	_ =	sdelay $0x1  }
0x45c: {  	s10 =	sld [smem:$0x742]  }
0x45d: {  	[hbm4b:s24+s2] =	stream.linear.scatter [tilespmem:s9], [sflag:$0x2], $0x80, $0x38;
	[tilespmem:$0x7000] =	vst v63  }
0x45e: {  	s9 =	sld [smem:$0x743]  }
0x45f: {  	s24 =	sld [smem:$0x6B9]  }
0x460: {  	[hbm4b:s14+s2] =	stream.linear.scatter [tilespmem:s10], [sflag:$0x2], $0x80, $0x38;
	[tilespmem:$0x7000] =	vst v63  }
0x461: {  	s10 =	sld [smem:$0x744]  }
0x462: {  	[hbm4b:s24+s2] =	stream.linear.scatter [tilespmem:s9], [sflag:$0x2], $0x80, $0x38;
	[tilespmem:$0x7000] =	vst v63  }
0x463: {  	s24 =	sld [smem:$0x6BA];
	_ =	sdelay $0x1  }
0x464: {  	s9 =	sld [smem:$0x745]  }
0x465: {  	[hbm4b:s24+s2] =	stream.linear.scatter [tilespmem:s10], [sflag:$0x2], $0x80, $0x38;
	[tilespmem:$0x7000] =	vst v63  }
0x466: {  	s24 =	sld [smem:$0x6BB];
	_ =	sdelay $0x1  }
0x467: {  	s10 =	sld [smem:$0x746]  }
0x468: {  	[hbm4b:s24+s2] =	stream.linear.scatter [tilespmem:s9], [sflag:$0x2], $0x80, $0x38;
	[tilespmem:$0x7000] =	vst v63  }
0x469: {  	s24 =	sld [smem:$0x7D6];
	_ =	sdelay $0x1  }
0x46a: {  	s9 =	sld [smem:$0x747]  }
0x46b: {  	[hbm4b:s24+s2] =	stream.linear.scatter [tilespmem:s10], [sflag:$0x2], $0x80, $0x38;
	[tilespmem:$0x7000] =	vst v63  }
0x46c: {  	s24 =	sld [smem:$0x6BC];
	_ =	sdelay $0x1  }
0x46d: {  	s10 =	sld [smem:$0x748]  }
0x46e: {  	[hbm4b:s24+s2] =	stream.linear.scatter [tilespmem:s9], [sflag:$0x2], $0x80, $0x38;
	[tilespmem:$0x7000] =	vst v63  }
0x46f: {  	s24 =	sld [smem:$0x6BD];
	_ =	sdelay $0x1  }
0x470: {  	s9 =	sld [smem:$0x749]  }
0x471: {  	[hbm4b:s24+s2] =	stream.linear.scatter [tilespmem:s10], [sflag:$0x2], $0x80, $0x38;
	[tilespmem:$0x7000] =	vst v63  }
0x472: {  	s24 =	sld [smem:$0x6BE];
	_ =	sdelay $0x1  }
0x473: {  	s10 =	sld [smem:$0x74A]  }
0x474: {  	[hbm4b:s24+s2] =	stream.linear.scatter [tilespmem:s9], [sflag:$0x2], $0x80, $0x38;
	[tilespmem:$0x7000] =	vst v63  }
0x475: {  	s24 =	sld [smem:$0x7D8];
	_ =	sdelay $0x1  }
0x476: {  	s9 =	sld [smem:$0x74B]  }
0x477: {  	[hbm4b:s24+s2] =	stream.linear.scatter [tilespmem:s10], [sflag:$0x2], $0x80, $0x38;
	[tilespmem:$0x7000] =	vst v63  }
0x478: {  	s24 =	sld [smem:$0x6BF];
	_ =	sdelay $0x1  }
0x479: {  	s10 =	sld [smem:$0x74C]  }
0x47a: {  	[hbm4b:s24+s2] =	stream.linear.scatter [tilespmem:s9], [sflag:$0x2], $0x80, $0x38;
	[tilespmem:$0x7000] =	vst v63  }
0x47b: {  	s24 =	sld [smem:$0x6C0];
	_ =	sdelay $0x1  }
0x47c: {  	s9 =	sld [smem:$0x74D]  }
0x47d: {  	[hbm4b:s24+s2] =	stream.linear.scatter [tilespmem:s10], [sflag:$0x2], $0x80, $0x38;
	[tilespmem:$0x7000] =	vst v63  }
0x47e: {  	s24 =	sld [smem:$0x6C1];
	_ =	sdelay $0x1  }
0x47f: {  	s10 =	sld [smem:$0x74E]  }
0x480: {  	[hbm4b:s24+s2] =	stream.linear.scatter [tilespmem:s9], [sflag:$0x2], $0x80, $0x38;
	[tilespmem:$0x7000] =	vst v63  }
0x481: {  	s9 =	sld [smem:$0x74F]  }
0x482: {  	s24 =	sld [smem:$0x6C2]  }
0x483: {  	[hbm4b:s5+s2] =	stream.linear.scatter [tilespmem:s10], [sflag:$0x2], $0x80, $0x38;
	[tilespmem:$0x7000] =	vst v63  }
0x484: {  	s10 =	sld [smem:$0x750]  }
0x485: {  	[hbm4b:s24+s2] =	stream.linear.scatter [tilespmem:s9], [sflag:$0x2], $0x80, $0x38;
	[tilespmem:$0x7000] =	vst v63  }
0x486: {  	s24 =	sld [smem:$0x6C3];
	_ =	sdelay $0x1  }
0x487: {  	s9 =	sld [smem:$0x751]  }
0x488: {  	[hbm4b:s24+s2] =	stream.linear.scatter [tilespmem:s10], [sflag:$0x2], $0x80, $0x38;
	[tilespmem:$0x7000] =	vst v63  }
0x489: {  	s10 =	sld [smem:$0x752]  }
0x48a: {  	s24 =	sld [smem:$0x6C4];
	_ =	sdelay $0x2  }
0x48b: {  	[hbm4b:s24+s2] =	stream.linear.scatter [tilespmem:s9], [sflag:$0x2], $0x80, $0x38;
	[tilespmem:$0x7000] =	vst v63  }
0x48c: {  	s24 =	sld [smem:$0x7DC];
	_ =	sdelay $0x1  }
0x48d: {  	s9 =	sld [smem:$0x753]  }
0x48e: {  	[hbm4b:s24+s2] =	stream.linear.scatter [tilespmem:s10], [sflag:$0x2], $0x80, $0x38;
	[tilespmem:$0x7000] =	vst v63  }
0x48f: {  	s24 =	sld [smem:$0x6C5];
	_ =	sdelay $0x1  }
0x490: {  	s10 =	sld [smem:$0x754]  }
0x491: {  	[hbm4b:s24+s2] =	stream.linear.scatter [tilespmem:s9], [sflag:$0x2], $0x80, $0x38;
	[tilespmem:$0x7000] =	vst v63  }
0x492: {  	s24 =	sld [smem:$0x6C6];
	_ =	sdelay $0x1  }
0x493: {  	s9 =	sld [smem:$0x755]  }
0x494: {  	[hbm4b:s24+s2] =	stream.linear.scatter [tilespmem:s10], [sflag:$0x2], $0x80, $0x38;
	[tilespmem:$0x7000] =	vst v63  }
0x495: {  	s24 =	sld [smem:$0x6C7];
	_ =	sdelay $0x1  }
0x496: {  	s10 =	sld [smem:$0x756]  }
0x497: {  	[hbm4b:s24+s2] =	stream.linear.scatter [tilespmem:s9], [sflag:$0x2], $0x80, $0x38;
	[tilespmem:$0x7000] =	vst v63  }
0x498: {  	s24 =	sld [smem:$0x7DE];
	_ =	sdelay $0x1  }
0x499: {  	s9 =	sld [smem:$0x757]  }
0x49a: {  	[hbm4b:s24+s2] =	stream.linear.scatter [tilespmem:s10], [sflag:$0x2], $0x80, $0x38;
	[tilespmem:$0x7000] =	vst v63  }
0x49b: {  	s24 =	sld [smem:$0x6C8];
	_ =	sdelay $0x1  }
0x49c: {  	s10 =	sld [smem:$0x758]  }
0x49d: {  	[hbm4b:s24+s2] =	stream.linear.scatter [tilespmem:s9], [sflag:$0x2], $0x80, $0x38;
	[tilespmem:$0x7000] =	vst v63  }
0x49e: {  	s24 =	sld [smem:$0x6C9];
	_ =	sdelay $0x1  }
0x49f: {  	s9 =	sld [smem:$0x759]  }
0x4a0: {  	[hbm4b:s24+s2] =	stream.linear.scatter [tilespmem:s10], [sflag:$0x2], $0x80, $0x38;
	[tilespmem:$0x7000] =	vst v63  }
0x4a1: {  	s24 =	sld [smem:$0x6CA];
	_ =	sdelay $0x1  }
0x4a2: {  	s10 =	sld [smem:$0x75A]  }
0x4a3: {  	[hbm4b:s24+s2] =	stream.linear.scatter [tilespmem:s9], [sflag:$0x2], $0x80, $0x38;
	[tilespmem:$0x7000] =	vst v63  }
0x4a4: {  	s24 =	sld [smem:$0x7E0];
	_ =	sdelay $0x1  }
0x4a5: {  	s9 =	sld [smem:$0x75B]  }
0x4a6: {  	[hbm4b:s24+s2] =	stream.linear.scatter [tilespmem:s10], [sflag:$0x2], $0x80, $0x38;
	[tilespmem:$0x7000] =	vst v63  }
0x4a7: {  	s24 =	sld [smem:$0x6CB];
	_ =	sdelay $0x1  }
0x4a8: {  	s10 =	sld [smem:$0x75C]  }
0x4a9: {  	[hbm4b:s24+s2] =	stream.linear.scatter [tilespmem:s9], [sflag:$0x2], $0x80, $0x38;
	[tilespmem:$0x7000] =	vst v63  }
0x4aa: {  	s24 =	sld [smem:$0x6CC];
	_ =	sdelay $0x1  }
0x4ab: {  	s9 =	sld [smem:$0x75D]  }
0x4ac: {  	[hbm4b:s24+s2] =	stream.linear.scatter [tilespmem:s10], [sflag:$0x2], $0x80, $0x38;
	[tilespmem:$0x7000] =	vst v63  }
0x4ad: {  	s24 =	sld [smem:$0x6CD];
	_ =	sdelay $0x1  }
0x4ae: {  	s10 =	sld [smem:$0x75E]  }
0x4af: {  	[hbm4b:s24+s2] =	stream.linear.scatter [tilespmem:s9], [sflag:$0x2], $0x80, $0x38;
	[tilespmem:$0x7000] =	vst v63  }
0x4b0: {  	s24 =	sld [smem:$0x7E2];
	_ =	sdelay $0x1  }
0x4b1: {  	s9 =	sld [smem:$0x75F]  }
0x4b2: {  	[hbm4b:s24+s2] =	stream.linear.scatter [tilespmem:s10], [sflag:$0x2], $0x80, $0x38;
	[tilespmem:$0x7000] =	vst v63  }
0x4b3: {  	s24 =	sld [smem:$0x6CE];
	_ =	sdelay $0x1  }
0x4b4: {  	s10 =	sld [smem:$0x760]  }
0x4b5: {  	[hbm4b:s24+s2] =	stream.linear.scatter [tilespmem:s9], [sflag:$0x2], $0x80, $0x38;
	[tilespmem:$0x7000] =	vst v63  }
0x4b6: {  	s24 =	sld [smem:$0x6CF];
	_ =	sdelay $0x1  }
0x4b7: {  	s9 =	sld [smem:$0x761]  }
0x4b8: {  	[hbm4b:s24+s2] =	stream.linear.scatter [tilespmem:s10], [sflag:$0x2], $0x80, $0x38;
	[tilespmem:$0x7000] =	vst v63  }
0x4b9: {  	s24 =	sld [smem:$0x6D0];
	_ =	sdelay $0x1  }
0x4ba: {  	s10 =	sld [smem:$0x762]  }
0x4bb: {  	[hbm4b:s24+s2] =	stream.linear.scatter [tilespmem:s9], [sflag:$0x2], $0x80, $0x38;
	[tilespmem:$0x7000] =	vst v63  }
0x4bc: {  	s24 =	sld [smem:$0x7E4];
	_ =	sdelay $0x1  }
0x4bd: {  	s9 =	sld [smem:$0x763]  }
0x4be: {  	[hbm4b:s24+s2] =	stream.linear.scatter [tilespmem:s10], [sflag:$0x2], $0x80, $0x38;
	[tilespmem:$0x7000] =	vst v63  }
0x4bf: {  	s24 =	sld [smem:$0x6D1];
	_ =	sdelay $0x1  }
0x4c0: {  	s10 =	sld [smem:$0x764]  }
0x4c1: {  	[hbm4b:s24+s2] =	stream.linear.scatter [tilespmem:s9], [sflag:$0x2], $0x80, $0x38;
	[tilespmem:$0x7000] =	vst v63  }
0x4c2: {  	s24 =	sld [smem:$0x6D2];
	_ =	sdelay $0x1  }
0x4c3: {  	s9 =	sld [smem:$0x765]  }
0x4c4: {  	[hbm4b:s24+s2] =	stream.linear.scatter [tilespmem:s10], [sflag:$0x2], $0x80, $0x38;
	[tilespmem:$0x7000] =	vst v63  }
0x4c5: {  	s24 =	sld [smem:$0x6D3];
	_ =	sdelay $0x1  }
0x4c6: {  	s10 =	sld [smem:$0x766]  }
0x4c7: {  	[hbm4b:s24+s2] =	stream.linear.scatter [tilespmem:s9], [sflag:$0x2], $0x80, $0x38;
	[tilespmem:$0x7000] =	vst v63  }
0x4c8: {  	s24 =	sld [smem:$0x7E6];
	_ =	sdelay $0x1  }
0x4c9: {  	s9 =	sld [smem:$0x767]  }
0x4ca: {  	[hbm4b:s24+s2] =	stream.linear.scatter [tilespmem:s10], [sflag:$0x2], $0x80, $0x38;
	[tilespmem:$0x7000] =	vst v63  }
0x4cb: {  	s24 =	sld [smem:$0x6D4];
	_ =	sdelay $0x1  }
0x4cc: {  	s10 =	sld [smem:$0x768]  }
0x4cd: {  	[hbm4b:s24+s2] =	stream.linear.scatter [tilespmem:s9], [sflag:$0x2], $0x80, $0x38;
	[tilespmem:$0x7000] =	vst v63  }
0x4ce: {  	s24 =	sld [smem:$0x6D5];
	_ =	sdelay $0x1  }
0x4cf: {  	s9 =	sld [smem:$0x769]  }
0x4d0: {  	[hbm4b:s24+s2] =	stream.linear.scatter [tilespmem:s10], [sflag:$0x2], $0x80, $0x38;
	[tilespmem:$0x7000] =	vst v63  }
0x4d1: {  	s24 =	sld [smem:$0x6D6];
	_ =	sdelay $0x1  }
0x4d2: {  	s10 =	sld [smem:$0x76A]  }
0x4d3: {  	[hbm4b:s24+s2] =	stream.linear.scatter [tilespmem:s9], [sflag:$0x2], $0x80, $0x38;
	[tilespmem:$0x7000] =	vst v63  }
0x4d4: {  	s24 =	sld [smem:$0x7E8];
	_ =	sdelay $0x1  }
0x4d5: {  	s9 =	sld [smem:$0x76B]  }
0x4d6: {  	[hbm4b:s24+s2] =	stream.linear.scatter [tilespmem:s10], [sflag:$0x2], $0x80, $0x38;
	[tilespmem:$0x7000] =	vst v63  }
0x4d7: {  	s24 =	sld [smem:$0x6D7];
	_ =	sdelay $0x1  }
0x4d8: {  	s10 =	sld [smem:$0x76C]  }
0x4d9: {  	[hbm4b:s24+s2] =	stream.linear.scatter [tilespmem:s9], [sflag:$0x2], $0x80, $0x38;
	[tilespmem:$0x7000] =	vst v63  }
0x4da: {  	s24 =	sld [smem:$0x6D8];
	_ =	sdelay $0x1  }
0x4db: {  	s9 =	sld [smem:$0x76D]  }
0x4dc: {  	[hbm4b:s24+s2] =	stream.linear.scatter [tilespmem:s10], [sflag:$0x2], $0x80, $0x38;
	[tilespmem:$0x7000] =	vst v63  }
0x4dd: {  	s24 =	sld [smem:$0x6D9];
	_ =	sdelay $0x1  }
0x4de: {  	s10 =	sld [smem:$0x76E]  }
0x4df: {  	[hbm4b:s24+s2] =	stream.linear.scatter [tilespmem:s9], [sflag:$0x2], $0x80, $0x38;
	[tilespmem:$0x7000] =	vst v63  }
0x4e0: {  	s24 =	sld [smem:$0x7E9];
	_ =	sdelay $0x1  }
0x4e1: {  	s9 =	sld [smem:$0x76F]  }
0x4e2: {  	[hbm4b:s24+s2] =	stream.linear.scatter [tilespmem:s10], [sflag:$0x2], $0x80, $0x38;
	[tilespmem:$0x7000] =	vst v63  }
0x4e3: {  	s24 =	sld [smem:$0x6DA];
	_ =	sdelay $0x1  }
0x4e4: {  	s10 =	sld [smem:$0x770]  }
0x4e5: {  	[hbm4b:s24+s2] =	stream.linear.scatter [tilespmem:s9], [sflag:$0x2], $0x80, $0x38;
	[tilespmem:$0x7000] =	vst v63  }
0x4e6: {  	s24 =	sld [smem:$0x6DB];
	_ =	sdelay $0x1  }
0x4e7: {  	s9 =	sld [smem:$0x771]  }
0x4e8: {  	[hbm4b:s24+s2] =	stream.linear.scatter [tilespmem:s10], [sflag:$0x2], $0x80, $0x38;
	[tilespmem:$0x7000] =	vst v63  }
0x4e9: {  	s24 =	sld [smem:$0x6DC];
	_ =	sdelay $0x1  }
0x4ea: {  	s10 =	sld [smem:$0x772]  }
0x4eb: {  	[hbm4b:s24+s2] =	stream.linear.scatter [tilespmem:s9], [sflag:$0x2], $0x80, $0x38;
	[tilespmem:$0x7000] =	vst v63  }
0x4ec: {  	s24 =	sld [smem:$0x7EA];
	_ =	sdelay $0x1  }
0x4ed: {  	s9 =	sld [smem:$0x773]  }
0x4ee: {  	[hbm4b:s24+s2] =	stream.linear.scatter [tilespmem:s10], [sflag:$0x2], $0x80, $0x38;
	[tilespmem:$0x7000] =	vst v63  }
0x4ef: {  	s24 =	sld [smem:$0x6DD];
	_ =	sdelay $0x1  }
0x4f0: {  	s10 =	sld [smem:$0x774]  }
0x4f1: {  	[hbm4b:s24+s2] =	stream.linear.scatter [tilespmem:s9], [sflag:$0x2], $0x80, $0x38;
	[tilespmem:$0x7000] =	vst v63  }
0x4f2: {  	s24 =	sld [smem:$0x6DE];
	_ =	sdelay $0x1  }
0x4f3: {  	s9 =	sld [smem:$0x775]  }
0x4f4: {  	[hbm4b:s24+s2] =	stream.linear.scatter [tilespmem:s10], [sflag:$0x2], $0x80, $0x38;
	[tilespmem:$0x7000] =	vst v63  }
0x4f5: {  	s24 =	sld [smem:$0x6DF];
	_ =	sdelay $0x1  }
0x4f6: {  	s10 =	sld [smem:$0x776]  }
0x4f7: {  	[hbm4b:s24+s2] =	stream.linear.scatter [tilespmem:s9], [sflag:$0x2], $0x80, $0x38;
	[tilespmem:$0x7000] =	vst v63  }
0x4f8: {  	s24 =	sld [smem:$0x7EB];
	_ =	sdelay $0x1  }
0x4f9: {  	s9 =	sld [smem:$0x777]  }
0x4fa: {  	[hbm4b:s24+s2] =	stream.linear.scatter [tilespmem:s10], [sflag:$0x2], $0x80, $0x38;
	[tilespmem:$0x7000] =	vst v63  }
0x4fb: {  	s24 =	sld [smem:$0x6E0];
	_ =	sdelay $0x1  }
0x4fc: {  	s10 =	sld [smem:$0x778]  }
0x4fd: {  	[hbm4b:s24+s2] =	stream.linear.scatter [tilespmem:s9], [sflag:$0x2], $0x80, $0x38;
	[tilespmem:$0x7000] =	vst v63  }
0x4fe: {  	s24 =	sld [smem:$0x6E1];
	_ =	sdelay $0x1  }
0x4ff: {  	s9 =	sld [smem:$0x779]  }
0x500: {  	[hbm4b:s24+s2] =	stream.linear.scatter [tilespmem:s10], [sflag:$0x2], $0x80, $0x38;
	[tilespmem:$0x7000] =	vst v63  }
0x501: {  	s24 =	sld [smem:$0x6E2];
	_ =	sdelay $0x1  }
0x502: {  	s10 =	sld [smem:$0x77A]  }
0x503: {  	[hbm4b:s24+s2] =	stream.linear.scatter [tilespmem:s9], [sflag:$0x2], $0x80, $0x38;
	[tilespmem:$0x7000] =	vst v63  }
0x504: {  	s24 =	sld [smem:$0x7FD];
	_ =	sdelay $0x1  }
0x505: {  	s9 =	sld [smem:$0x77B]  }
0x506: {  	[hbm4b:s24+s2] =	stream.linear.scatter [tilespmem:s10], [sflag:$0x2], $0x80, $0x38;
	[tilespmem:$0x7000] =	vst v63  }
0x507: {  	s24 =	sld [smem:$0x6E3];
	_ =	sdelay $0x1  }
0x508: {  	s10 =	sld [smem:$0x77C]  }
0x509: {  	[hbm4b:s24+s2] =	stream.linear.scatter [tilespmem:s9], [sflag:$0x2], $0x80, $0x38;
	[tilespmem:$0x7000] =	vst v63  }
0x50a: {  	s24 =	sld [smem:$0x6E4];
	_ =	sdelay $0x1  }
0x50b: {  	s9 =	sld [smem:$0x77D]  }
0x50c: {  	[hbm4b:s24+s2] =	stream.linear.scatter [tilespmem:s10], [sflag:$0x2], $0x80, $0x38;
	[tilespmem:$0x7000] =	vst v63  }
0x50d: {  	s24 =	sld [smem:$0x6E5];
	_ =	sdelay $0x1  }
0x50e: {  	s10 =	sld [smem:$0x77E]  }
0x50f: {  	[hbm4b:s24+s2] =	stream.linear.scatter [tilespmem:s9], [sflag:$0x2], $0x80, $0x38;
	[tilespmem:$0x7000] =	vst v63  }
0x510: {  	s24 =	sld [smem:$0x7EC];
	_ =	sdelay $0x1  }
0x511: {  	s9 =	sld [smem:$0x77F]  }
0x512: {  	[hbm4b:s24+s2] =	stream.linear.scatter [tilespmem:s10], [sflag:$0x2], $0x80, $0x38;
	[tilespmem:$0x7000] =	vst v63  }
0x513: {  	s24 =	sld [smem:$0x6E6];
	_ =	sdelay $0x1  }
0x514: {  	s10 =	sld [smem:$0x780]  }
0x515: {  	[hbm4b:s24+s2] =	stream.linear.scatter [tilespmem:s9], [sflag:$0x2], $0x80, $0x38;
	[tilespmem:$0x7000] =	vst v63  }
0x516: {  	s24 =	sld [smem:$0x6E7];
	_ =	sdelay $0x1  }
0x517: {  	s9 =	sld [smem:$0x781]  }
0x518: {  	[hbm4b:s24+s2] =	stream.linear.scatter [tilespmem:s10], [sflag:$0x2], $0x80, $0x38;
	[tilespmem:$0x7000] =	vst v63  }
0x519: {  	s24 =	sld [smem:$0x6E8];
	_ =	sdelay $0x1  }
0x51a: {  	s10 =	sld [smem:$0x782]  }
0x51b: {  	[hbm4b:s24+s2] =	stream.linear.scatter [tilespmem:s9], [sflag:$0x2], $0x80, $0x38;
	[tilespmem:$0x7000] =	vst v63  }
0x51c: {  	s24 =	sld [smem:$0x7ED];
	_ =	sdelay $0x1  }
0x51d: {  	s9 =	sld [smem:$0x783]  }
0x51e: {  	[hbm4b:s24+s2] =	stream.linear.scatter [tilespmem:s10], [sflag:$0x2], $0x80, $0x38;
	[tilespmem:$0x7000] =	vst v63  }
0x51f: {  	s24 =	sld [smem:$0x6E9];
	_ =	sdelay $0x1  }
0x520: {  	s10 =	sld [smem:$0x784]  }
0x521: {  	[hbm4b:s24+s2] =	stream.linear.scatter [tilespmem:s9], [sflag:$0x2], $0x80, $0x38;
	[tilespmem:$0x7000] =	vst v63  }
0x522: {  	s24 =	sld [smem:$0x6EA];
	_ =	sdelay $0x1  }
0x523: {  	s9 =	sld [smem:$0x785]  }
0x524: {  	[hbm4b:s24+s2] =	stream.linear.scatter [tilespmem:s10], [sflag:$0x2], $0x80, $0x38;
	[tilespmem:$0x7000] =	vst v63  }
0x525: {  	s24 =	sld [smem:$0x6EB];
	_ =	sdelay $0x1  }
0x526: {  	s10 =	sld [smem:$0x786]  }
0x527: {  	[hbm4b:s24+s2] =	stream.linear.scatter [tilespmem:s9], [sflag:$0x2], $0x80, $0x38;
	[tilespmem:$0x7000] =	vst v63  }
0x528: {  	s9 =	sld [smem:$0x787]  }
0x529: {  	s24 =	sld [smem:$0x6EC]  }
0x52a: {  	[hbm4b:s1+s2] =	stream.linear.scatter [tilespmem:s10], [sflag:$0x2], $0x80, $0x38;
	[tilespmem:$0x7000] =	vst v63  }
0x52b: {  	s10 =	sld [smem:$0x788]  }
0x52c: {  	[hbm4b:s24+s2] =	stream.linear.scatter [tilespmem:s9], [sflag:$0x2], $0x80, $0x38;
	[tilespmem:$0x7000] =	vst v63  }
0x52d: {  	s24 =	sld [smem:$0x6ED];
	_ =	sdelay $0x1  }
0x52e: {  	s9 =	sld [smem:$0x789]  }
0x52f: {  	[hbm4b:s24+s2] =	stream.linear.scatter [tilespmem:s10], [sflag:$0x2], $0x80, $0x38;
	[tilespmem:$0x7000] =	vst v63  }
0x530: {  	s24 =	sld [smem:$0x6EE];
	_ =	sdelay $0x1  }
0x531: {  	s10 =	sld [smem:$0x78A]  }
0x532: {  	[hbm4b:s24+s2] =	stream.linear.scatter [tilespmem:s9], [sflag:$0x2], $0x80, $0x38;
	[tilespmem:$0x7000] =	vst v63  }
0x533: {  	s24 =	sld [smem:$0x729];
	_ =	sdelay $0x1  }
0x534: {  	s9 =	sld [smem:$0x78B]  }
0x535: {  	[hbm4b:s24+s2] =	stream.linear.scatter [tilespmem:s10], [sflag:$0x2], $0x80, $0x38;
	[tilespmem:$0x7000] =	vst v63  }
0x536: {  	s24 =	sld [smem:$0x6EF];
	_ =	sdelay $0x1  }
0x537: {  	s10 =	sld [smem:$0x78C]  }
0x538: {  	[hbm4b:s24+s2] =	stream.linear.scatter [tilespmem:s9], [sflag:$0x2], $0x80, $0x38;
	[tilespmem:$0x7000] =	vst v63  }
0x539: {  	s24 =	sld [smem:$0x6F0];
	_ =	sdelay $0x1  }
0x53a: {  	s9 =	sld [smem:$0x78D]  }
0x53b: {  	[hbm4b:s24+s2] =	stream.linear.scatter [tilespmem:s10], [sflag:$0x2], $0x80, $0x38;
	[tilespmem:$0x7000] =	vst v63  }
0x53c: {  	s24 =	sld [smem:$0x6F1];
	_ =	sdelay $0x1  }
0x53d: {  	s10 =	sld [smem:$0x78E]  }
0x53e: {  	[hbm4b:s24+s2] =	stream.linear.scatter [tilespmem:s9], [sflag:$0x2], $0x80, $0x38;
	[tilespmem:$0x7000] =	vst v63  }
0x53f: {  	s24 =	sld [smem:$0x728];
	_ =	sdelay $0x1  }
0x540: {  	s9 =	sld [smem:$0x78F]  }
0x541: {  	[hbm4b:s24+s2] =	stream.linear.scatter [tilespmem:s10], [sflag:$0x2], $0x80, $0x38;
	[tilespmem:$0x7000] =	vst v63  }
0x542: {  	s24 =	sld [smem:$0x6F2];
	_ =	sdelay $0x1  }
0x543: {  	s10 =	sld [smem:$0x790]  }
0x544: {  	[hbm4b:s24+s2] =	stream.linear.scatter [tilespmem:s9], [sflag:$0x2], $0x80, $0x38;
	[tilespmem:$0x7000] =	vst v63  }
0x545: {  	s24 =	sld [smem:$0x6F3];
	_ =	sdelay $0x1  }
0x546: {  	s9 =	sld [smem:$0x791]  }
0x547: {  	[hbm4b:s24+s2] =	stream.linear.scatter [tilespmem:s10], [sflag:$0x2], $0x80, $0x38;
	[tilespmem:$0x7000] =	vst v63  }
0x548: {  	s24 =	sld [smem:$0x6F4];
	_ =	sdelay $0x1  }
0x549: {  	s10 =	sld [smem:$0x792]  }
0x54a: {  	[hbm4b:s24+s2] =	stream.linear.scatter [tilespmem:s9], [sflag:$0x2], $0x80, $0x38;
	[tilespmem:$0x7000] =	vst v63  }
0x54b: {  	s24 =	sld [smem:$0x727];
	_ =	sdelay $0x1  }
0x54c: {  	s9 =	sld [smem:$0x793]  }
0x54d: {  	[hbm4b:s24+s2] =	stream.linear.scatter [tilespmem:s10], [sflag:$0x2], $0x80, $0x38;
	[tilespmem:$0x7000] =	vst v63  }
0x54e: {  	s24 =	sld [smem:$0x6F5];
	_ =	sdelay $0x1  }
0x54f: {  	s10 =	sld [smem:$0x794]  }
0x550: {  	[hbm4b:s24+s2] =	stream.linear.scatter [tilespmem:s9], [sflag:$0x2], $0x80, $0x38;
	[tilespmem:$0x7000] =	vst v63  }
0x551: {  	s24 =	sld [smem:$0x6F6];
	_ =	sdelay $0x1  }
0x552: {  	s9 =	sld [smem:$0x795]  }
0x553: {  	[hbm4b:s24+s2] =	stream.linear.scatter [tilespmem:s10], [sflag:$0x2], $0x80, $0x38;
	[tilespmem:$0x7000] =	vst v63  }
0x554: {  	s24 =	sld [smem:$0x6F7];
	_ =	sdelay $0x1  }
0x555: {  	s10 =	sld [smem:$0x796]  }
0x556: {  	[hbm4b:s24+s2] =	stream.linear.scatter [tilespmem:s9], [sflag:$0x2], $0x80, $0x38;
	[tilespmem:$0x7000] =	vst v63  }
0x557: {  	s24 =	sld [smem:$0x7EE];
	_ =	sdelay $0x1  }
0x558: {  	s9 =	sld [smem:$0x797]  }
0x559: {  	[hbm4b:s24+s2] =	stream.linear.scatter [tilespmem:s10], [sflag:$0x2], $0x80, $0x38;
	[tilespmem:$0x7000] =	vst v63  }
0x55a: {  	s24 =	sld [smem:$0x6F8];
	_ =	sdelay $0x1  }
0x55b: {  	s10 =	sld [smem:$0x798]  }
0x55c: {  	[hbm4b:s24+s2] =	stream.linear.scatter [tilespmem:s9], [sflag:$0x2], $0x80, $0x38;
	[tilespmem:$0x7000] =	vst v63  }
0x55d: {  	s24 =	sld [smem:$0x6F9];
	_ =	sdelay $0x1  }
0x55e: {  	s9 =	sld [smem:$0x799]  }
0x55f: {  	[hbm4b:s24+s2] =	stream.linear.scatter [tilespmem:s10], [sflag:$0x2], $0x80, $0x38;
	[tilespmem:$0x7000] =	vst v63  }
0x560: {  	s24 =	sld [smem:$0x6FA];
	_ =	sdelay $0x1  }
0x561: {  	s10 =	sld [smem:$0x79A]  }
0x562: {  	[hbm4b:s24+s2] =	stream.linear.scatter [tilespmem:s9], [sflag:$0x2], $0x80, $0x38;
	[tilespmem:$0x7000] =	vst v63  }
0x563: {  	s24 =	sld [smem:$0x726];
	_ =	sdelay $0x1  }
0x564: {  	s9 =	sld [smem:$0x79B]  }
0x565: {  	[hbm4b:s24+s2] =	stream.linear.scatter [tilespmem:s10], [sflag:$0x2], $0x80, $0x38;
	[tilespmem:$0x7000] =	vst v63  }
0x566: {  	s24 =	sld [smem:$0x6FB];
	_ =	sdelay $0x1  }
0x567: {  	s10 =	sld [smem:$0x79C]  }
0x568: {  	[hbm4b:s24+s2] =	stream.linear.scatter [tilespmem:s9], [sflag:$0x2], $0x80, $0x38;
	[tilespmem:$0x7000] =	vst v63  }
0x569: {  	s24 =	sld [smem:$0x6FC];
	_ =	sdelay $0x1  }
0x56a: {  	s9 =	sld [smem:$0x79D]  }
0x56b: {  	[hbm4b:s24+s2] =	stream.linear.scatter [tilespmem:s10], [sflag:$0x2], $0x80, $0x38;
	[tilespmem:$0x7000] =	vst v63  }
0x56c: {  	s24 =	sld [smem:$0x6FD];
	_ =	sdelay $0x1  }
0x56d: {  	s10 =	sld [smem:$0x79E]  }
0x56e: {  	[hbm4b:s24+s2] =	stream.linear.scatter [tilespmem:s9], [sflag:$0x2], $0x80, $0x38;
	[tilespmem:$0x7000] =	vst v63  }
0x56f: {  	s24 =	sld [smem:$0x725];
	_ =	sdelay $0x1  }
0x570: {  	s9 =	sld [smem:$0x79F]  }
0x571: {  	[hbm4b:s24+s2] =	stream.linear.scatter [tilespmem:s10], [sflag:$0x2], $0x80, $0x38;
	[tilespmem:$0x7000] =	vst v63  }
0x572: {  	s24 =	sld [smem:$0x6FE];
	_ =	sdelay $0x1  }
0x573: {  	s10 =	sld [smem:$0x7A0]  }
0x574: {  	[hbm4b:s24+s2] =	stream.linear.scatter [tilespmem:s9], [sflag:$0x2], $0x80, $0x38;
	[tilespmem:$0x7000] =	vst v63  }
0x575: {  	s24 =	sld [smem:$0x6FF];
	_ =	sdelay $0x1  }
0x576: {  	s9 =	sld [smem:$0x7A1]  }
0x577: {  	[hbm4b:s24+s2] =	stream.linear.scatter [tilespmem:s10], [sflag:$0x2], $0x80, $0x38;
	[tilespmem:$0x7000] =	vst v63  }
0x578: {  	s24 =	sld [smem:$0x700];
	_ =	sdelay $0x1  }
0x579: {  	s10 =	sld [smem:$0x7A2]  }
0x57a: {  	[hbm4b:s24+s2] =	stream.linear.scatter [tilespmem:s9], [sflag:$0x2], $0x80, $0x38;
	[tilespmem:$0x7000] =	vst v63  }
0x57b: {  	s24 =	sld [smem:$0x7F9];
	_ =	sdelay $0x1  }
0x57c: {  	s9 =	sld [smem:$0x7A3]  }
0x57d: {  	[hbm4b:s24+s2] =	stream.linear.scatter [tilespmem:s10], [sflag:$0x2], $0x80, $0x38;
	[tilespmem:$0x7000] =	vst v63  }
0x57e: {  	s24 =	sld [smem:$0x701];
	_ =	sdelay $0x1  }
0x57f: {  	s10 =	sld [smem:$0x7A4]  }
0x580: {  	[hbm4b:s24+s2] =	stream.linear.scatter [tilespmem:s9], [sflag:$0x2], $0x80, $0x38;
	[tilespmem:$0x7000] =	vst v63  }
0x581: {  	s24 =	sld [smem:$0x702];
	_ =	sdelay $0x1  }
0x582: {  	s9 =	sld [smem:$0x7A5]  }
0x583: {  	[hbm4b:s24+s2] =	stream.linear.scatter [tilespmem:s10], [sflag:$0x2], $0x80, $0x38;
	[tilespmem:$0x7000] =	vst v63  }
0x584: {  	s24 =	sld [smem:$0x703];
	_ =	sdelay $0x1  }
0x585: {  	s10 =	sld [smem:$0x7A6]  }
0x586: {  	[hbm4b:s24+s2] =	stream.linear.scatter [tilespmem:s9], [sflag:$0x2], $0x80, $0x38;
	[tilespmem:$0x7000] =	vst v63  }
0x587: {  	s24 =	sld [smem:$0x7F7];
	_ =	sdelay $0x1  }
0x588: {  	s9 =	sld [smem:$0x7A7]  }
0x589: {  	[hbm4b:s24+s2] =	stream.linear.scatter [tilespmem:s10], [sflag:$0x2], $0x80, $0x38;
	[tilespmem:$0x7000] =	vst v63  }
0x58a: {  	s24 =	sld [smem:$0x704];
	_ =	sdelay $0x1  }
0x58b: {  	s10 =	sld [smem:$0x7A8]  }
0x58c: {  	[hbm4b:s24+s2] =	stream.linear.scatter [tilespmem:s9], [sflag:$0x2], $0x80, $0x38;
	[tilespmem:$0x7000] =	vst v63  }
0x58d: {  	s24 =	sld [smem:$0x705];
	_ =	sdelay $0x1  }
0x58e: {  	s9 =	sld [smem:$0x7A9]  }
0x58f: {  	[hbm4b:s24+s2] =	stream.linear.scatter [tilespmem:s10], [sflag:$0x2], $0x80, $0x38;
	[tilespmem:$0x7000] =	vst v63  }
0x590: {  	s24 =	sld [smem:$0x706];
	_ =	sdelay $0x1  }
0x591: {  	s10 =	sld [smem:$0x7AA]  }
0x592: {  	[hbm4b:s24+s2] =	stream.linear.scatter [tilespmem:s9], [sflag:$0x2], $0x80, $0x38;
	[tilespmem:$0x7000] =	vst v63  }
0x593: {  	s24 =	sld [smem:$0x7EF];
	_ =	sdelay $0x1  }
0x594: {  	s9 =	sld [smem:$0x7AB]  }
0x595: {  	[hbm4b:s24+s2] =	stream.linear.scatter [tilespmem:s10], [sflag:$0x2], $0x80, $0x38;
	[tilespmem:$0x7000] =	vst v63  }
0x596: {  	s24 =	sld [smem:$0x707];
	_ =	sdelay $0x1  }
0x597: {  	s10 =	sld [smem:$0x7AC]  }
0x598: {  	[hbm4b:s24+s2] =	stream.linear.scatter [tilespmem:s9], [sflag:$0x2], $0x80, $0x38;
	[tilespmem:$0x7000] =	vst v63  }
0x599: {  	s24 =	sld [smem:$0x708];
	_ =	sdelay $0x1  }
0x59a: {  	s9 =	sld [smem:$0x7AD]  }
0x59b: {  	[hbm4b:s24+s2] =	stream.linear.scatter [tilespmem:s10], [sflag:$0x2], $0x80, $0x38;
	[tilespmem:$0x7000] =	vst v63  }
0x59c: {  	s24 =	sld [smem:$0x709];
	_ =	sdelay $0x1  }
0x59d: {  	s10 =	sld [smem:$0x7AE]  }
0x59e: {  	[hbm4b:s24+s2] =	stream.linear.scatter [tilespmem:s9], [sflag:$0x2], $0x80, $0x38;
	[tilespmem:$0x7000] =	vst v63  }
0x59f: {  	s24 =	sld [smem:$0x7F8];
	_ =	sdelay $0x1  }
0x5a0: {  	s9 =	sld [smem:$0x7AF]  }
0x5a1: {  	[hbm4b:s24+s2] =	stream.linear.scatter [tilespmem:s10], [sflag:$0x2], $0x80, $0x38;
	[tilespmem:$0x7000] =	vst v63  }
0x5a2: {  	s24 =	sld [smem:$0x70A];
	_ =	sdelay $0x1  }
0x5a3: {  	s10 =	sld [smem:$0x7B0]  }
0x5a4: {  	[hbm4b:s24+s2] =	stream.linear.scatter [tilespmem:s9], [sflag:$0x2], $0x80, $0x38;
	[tilespmem:$0x7000] =	vst v63  }
0x5a5: {  	s24 =	sld [smem:$0x70B];
	_ =	sdelay $0x1  }
0x5a6: {  	s9 =	sld [smem:$0x7B1]  }
0x5a7: {  	[hbm4b:s24+s2] =	stream.linear.scatter [tilespmem:s10], [sflag:$0x2], $0x80, $0x38;
	[tilespmem:$0x7000] =	vst v63  }
0x5a8: {  	s24 =	sld [smem:$0x70C];
	_ =	sdelay $0x1  }
0x5a9: {  	s10 =	sld [smem:$0x7B2]  }
0x5aa: {  	[hbm4b:s24+s2] =	stream.linear.scatter [tilespmem:s9], [sflag:$0x2], $0x80, $0x38;
	[tilespmem:$0x7000] =	vst v63  }
0x5ab: {  	s24 =	sld [smem:$0x7FB];
	_ =	sdelay $0x1  }
0x5ac: {  	s9 =	sld [smem:$0x7B3]  }
0x5ad: {  	[hbm4b:s24+s2] =	stream.linear.scatter [tilespmem:s10], [sflag:$0x2], $0x80, $0x38;
	[tilespmem:$0x7000] =	vst v63  }
0x5ae: {  	s24 =	sld [smem:$0x70D];
	_ =	sdelay $0x1  }
0x5af: {  	s10 =	sld [smem:$0x7B4]  }
0x5b0: {  	[hbm4b:s24+s2] =	stream.linear.scatter [tilespmem:s9], [sflag:$0x2], $0x80, $0x38;
	[tilespmem:$0x7000] =	vst v63  }
0x5b1: {  	s24 =	sld [smem:$0x70E];
	_ =	sdelay $0x1  }
0x5b2: {  	s9 =	sld [smem:$0x7B5]  }
0x5b3: {  	[hbm4b:s24+s2] =	stream.linear.scatter [tilespmem:s10], [sflag:$0x2], $0x80, $0x38;
	[tilespmem:$0x7000] =	vst v63  }
0x5b4: {  	s24 =	sld [smem:$0x70F];
	_ =	sdelay $0x1  }
0x5b5: {  	s10 =	sld [smem:$0x7B6]  }
0x5b6: {  	[hbm4b:s24+s2] =	stream.linear.scatter [tilespmem:s9], [sflag:$0x2], $0x80, $0x38;
	[tilespmem:$0x7000] =	vst v63  }
0x5b7: {  	s24 =	sld [smem:$0x7F0];
	_ =	sdelay $0x1  }
0x5b8: {  	s9 =	sld [smem:$0x7B7]  }
0x5b9: {  	[hbm4b:s24+s2] =	stream.linear.scatter [tilespmem:s10], [sflag:$0x2], $0x80, $0x38;
	[tilespmem:$0x7000] =	vst v63  }
0x5ba: {  	s24 =	sld [smem:$0x710];
	_ =	sdelay $0x1  }
0x5bb: {  	s10 =	sld [smem:$0x7B8]  }
0x5bc: {  	[hbm4b:s24+s2] =	stream.linear.scatter [tilespmem:s9], [sflag:$0x2], $0x80, $0x38;
	[tilespmem:$0x7000] =	vst v63  }
0x5bd: {  	s24 =	sld [smem:$0x711];
	_ =	sdelay $0x1  }
0x5be: {  	s9 =	sld [smem:$0x7B9]  }
0x5bf: {  	[hbm4b:s24+s2] =	stream.linear.scatter [tilespmem:s10], [sflag:$0x2], $0x80, $0x38;
	[tilespmem:$0x7000] =	vst v63  }
0x5c0: {  	s24 =	sld [smem:$0x712];
	_ =	sdelay $0x1  }
0x5c1: {  	s10 =	sld [smem:$0x7BA]  }
0x5c2: {  	[hbm4b:s24+s2] =	stream.linear.scatter [tilespmem:s9], [sflag:$0x2], $0x80, $0x38;
	[tilespmem:$0x7000] =	vst v63  }
0x5c3: {  	s24 =	sld [smem:$0x7FC];
	_ =	sdelay $0x1  }
0x5c4: {  	s9 =	sld [smem:$0x7BB]  }
0x5c5: {  	[hbm4b:s24+s2] =	stream.linear.scatter [tilespmem:s10], [sflag:$0x2], $0x80, $0x38;
	[tilespmem:$0x7000] =	vst v63  }
0x5c6: {  	s24 =	sld [smem:$0x713];
	_ =	sdelay $0x1  }
0x5c7: {  	s10 =	sld [smem:$0x7BC]  }
0x5c8: {  	[hbm4b:s24+s2] =	stream.linear.scatter [tilespmem:s9], [sflag:$0x2], $0x80, $0x38;
	[tilespmem:$0x7000] =	vst v63  }
0x5c9: {  	s24 =	sld [smem:$0x714];
	_ =	sdelay $0x1  }
0x5ca: {  	s9 =	sld [smem:$0x7BD]  }
0x5cb: {  	[hbm4b:s24+s2] =	stream.linear.scatter [tilespmem:s10], [sflag:$0x2], $0x80, $0x38;
	[tilespmem:$0x7000] =	vst v63  }
0x5cc: {  	s24 =	sld [smem:$0x715];
	_ =	sdelay $0x1  }
0x5cd: {  	s10 =	sld [smem:$0x7BE]  }
0x5ce: {  	[hbm4b:s24+s2] =	stream.linear.scatter [tilespmem:s9], [sflag:$0x2], $0x80, $0x38;
	[tilespmem:$0x7000] =	vst v63  }
0x5cf: {  	s24 =	sld [smem:$0x7FA];
	_ =	sdelay $0x1  }
0x5d0: {  	s9 =	sld [smem:$0x7BF]  }
0x5d1: {  	[hbm4b:s24+s2] =	stream.linear.scatter [tilespmem:s10], [sflag:$0x2], $0x80, $0x38;
	[tilespmem:$0x7000] =	vst v63  }
0x5d2: {  	s24 =	sld [smem:$0x716];
	_ =	sdelay $0x1  }
0x5d3: {  	s10 =	sld [smem:$0x7C0]  }
0x5d4: {  	[hbm4b:s24+s2] =	stream.linear.scatter [tilespmem:s9], [sflag:$0x2], $0x80, $0x38;
	[tilespmem:$0x7000] =	vst v63  }
0x5d5: {  	s24 =	sld [smem:$0x717];
	_ =	sdelay $0x1  }
0x5d6: {  	s9 =	sld [smem:$0x7C1]  }
0x5d7: {  	[hbm4b:s24+s2] =	stream.linear.scatter [tilespmem:s10], [sflag:$0x2], $0x80, $0x38;
	[tilespmem:$0x7000] =	vst v63  }
0x5d8: {  	s24 =	sld [smem:$0x718];
	_ =	sdelay $0x1  }
0x5d9: {  	s10 =	sld [smem:$0x7C2]  }
0x5da: {  	[hbm4b:s24+s2] =	stream.linear.scatter [tilespmem:s9], [sflag:$0x2], $0x80, $0x38;
	[tilespmem:$0x7000] =	vst v63  }
0x5db: {  	s24 =	sld [smem:$0x7F1];
	_ =	sdelay $0x1  }
0x5dc: {  	s9 =	sld [smem:$0x7C3]  }
0x5dd: {  	[hbm4b:s24+s2] =	stream.linear.scatter [tilespmem:s10], [sflag:$0x2], $0x80, $0x38;
	[tilespmem:$0x7000] =	vst v63  }
0x5de: {  	s24 =	sld [smem:$0x719];
	_ =	sdelay $0x1  }
0x5df: {  	s10 =	sld [smem:$0x7C4]  }
0x5e0: {  	[hbm4b:s24+s2] =	stream.linear.scatter [tilespmem:s9], [sflag:$0x2], $0x80, $0x38;
	[tilespmem:$0x7000] =	vst v63  }
0x5e1: {  	s24 =	sld [smem:$0x71A];
	_ =	sdelay $0x1  }
0x5e2: {  	s9 =	sld [smem:$0x7C5]  }
0x5e3: {  	[hbm4b:s24+s2] =	stream.linear.scatter [tilespmem:s10], [sflag:$0x2], $0x80, $0x38;
	[tilespmem:$0x7000] =	vst v63  }
0x5e4: {  	s24 =	sld [smem:$0x71B];
	_ =	sdelay $0x1  }
0x5e5: {  	s10 =	sld [smem:$0x7C6]  }
0x5e6: {  	[hbm4b:s24+s2] =	stream.linear.scatter [tilespmem:s9], [sflag:$0x2], $0x80, $0x38;
	[tilespmem:$0x7000] =	vst v63  }
0x5e7: {  	s24 =	sld [smem:$0x7F2];
	_ =	sdelay $0x1  }
0x5e8: {  	s9 =	sld [smem:$0x7C7]  }
0x5e9: {  	[hbm4b:s24+s2] =	stream.linear.scatter [tilespmem:s10], [sflag:$0x2], $0x80, $0x38;
	[tilespmem:$0x7000] =	vst v63  }
0x5ea: {  	s24 =	sld [smem:$0x71C];
	_ =	sdelay $0x1  }
0x5eb: {  	s10 =	sld [smem:$0x7C8]  }
0x5ec: {  	[hbm4b:s24+s2] =	stream.linear.scatter [tilespmem:s9], [sflag:$0x2], $0x80, $0x38;
	[tilespmem:$0x7000] =	vst v63  }
0x5ed: {  	s24 =	sld [smem:$0x71D];
	_ =	sdelay $0x1  }
0x5ee: {  	s9 =	sld [smem:$0x7C9]  }
0x5ef: {  	[hbm4b:s24+s2] =	stream.linear.scatter [tilespmem:s10], [sflag:$0x2], $0x80, $0x38;
	[tilespmem:$0x7000] =	vst v63  }
0x5f0: {  	s24 =	sld [smem:$0x71E];
	_ =	sdelay $0x1  }
0x5f1: {  	s10 =	sld [smem:$0x7CA]  }
0x5f2: {  	[hbm4b:s24+s2] =	stream.linear.scatter [tilespmem:s9], [sflag:$0x2], $0x80, $0x38;
	[tilespmem:$0x7000] =	vst v63  }
0x5f3: {  	s24 =	sld [smem:$0x7F3];
	_ =	sdelay $0x1  }
0x5f4: {  	s9 =	sld [smem:$0x7CB]  }
0x5f5: {  	[hbm4b:s24+s2] =	stream.linear.scatter [tilespmem:s10], [sflag:$0x2], $0x80, $0x38;
	[tilespmem:$0x7000] =	vst v63  }
0x5f6: {  	s24 =	sld [smem:$0x71F];
	_ =	sdelay $0x1  }
0x5f7: {  	s10 =	sld [smem:$0x7CC]  }
0x5f8: {  	[hbm4b:s24+s2] =	stream.linear.scatter [tilespmem:s9], [sflag:$0x2], $0x80, $0x38;
	[tilespmem:$0x7000] =	vst v63  }
0x5f9: {  	s24 =	sld [smem:$0x720];
	_ =	sdelay $0x1  }
0x5fa: {  	s9 =	sld [smem:$0x7CD]  }
0x5fb: {  	[hbm4b:s24+s2] =	stream.linear.scatter [tilespmem:s10], [sflag:$0x2], $0x80, $0x38;
	[tilespmem:$0x7000] =	vst v63  }
0x5fc: {  	s24 =	sld [smem:$0x721];
	_ =	sdelay $0x1  }
0x5fd: {  	s10 =	sld [smem:$0x7CF]  }
0x5fe: {  	[hbm4b:s24+s2] =	stream.linear.scatter [tilespmem:s9], [sflag:$0x2], $0x80, $0x38;
	[tilespmem:$0x7000] =	vst v63  }
0x5ff: {  	s24 =	sld [smem:$0x7F4];
	_ =	sdelay $0x1  }
0x600: {  	s9 =	sld [smem:$0x7D1]  }
0x601: {  	[hbm4b:s24+s2] =	stream.linear.scatter [tilespmem:s10], [sflag:$0x2], $0x80, $0x38;
	[tilespmem:$0x7000] =	vst v63  }
0x602: {  	s24 =	sld [smem:$0x722];
	_ =	sdelay $0x1  }
0x603: {  	s10 =	sld [smem:$0x7D3]  }
0x604: {  	[hbm4b:s24+s2] =	stream.linear.scatter [tilespmem:s9], [sflag:$0x2], $0x80, $0x38;
	[tilespmem:$0x7000] =	vst v63  }
0x605: {  	s24 =	sld [smem:$0x723];
	_ =	sdelay $0x1  }
0x606: {  	s9 =	sld [smem:$0x7D5]  }
0x607: {  	[hbm4b:s24+s2] =	stream.linear.scatter [tilespmem:s10], [sflag:$0x2], $0x80, $0x38;
	[tilespmem:$0x7000] =	vst v63  }
0x608: {  	s24 =	sld [smem:$0x724];
	_ =	sdelay $0x1  }
0x609: {  	s10 =	sld [smem:$0x7D7]  }
0x60a: {  	[hbm4b:s24+s2] =	stream.linear.scatter [tilespmem:s9], [sflag:$0x2], $0x80, $0x38;
	[tilespmem:$0x7000] =	vst v63  }
0x60b: {  	s24 =	sld [smem:$0x7D9]  }
0x60c: {  	[hbm4b:s12+s2] =	stream.linear.scatter [tilespmem:s10], [sflag:$0x2], $0x80, $0x38;
	[tilespmem:$0x7000] =	vst v63  }
0x60d: {  	s10 =	sld [smem:$0x7DB]  }
0x60e: {  	[hbm4b:s4+s2] =	stream.linear.scatter [tilespmem:s24], [sflag:$0x2], $0x80, $0x38;
	[tilespmem:$0x7000] =	vst v63  }
0x60f: {  	s24 =	sld [smem:$0x7DD]  }
0x610: {  	[hbm4b:s6+s2] =	stream.linear.scatter [tilespmem:s10], [sflag:$0x2], $0x80, $0x38;
	[tilespmem:$0x7000] =	vst v63  }
0x611: {  	s10 =	sld [smem:$0x7DF]  }
0x612: {  	[hbm4b:s7+s2] =	stream.linear.scatter [tilespmem:s24], [sflag:$0x2], $0x80, $0x38;
	[tilespmem:$0x7000] =	vst v63  }
0x613: {  	s24 =	sld [smem:$0x7E1]  }
0x614: {  	[hbm4b:s11+s2] =	stream.linear.scatter [tilespmem:s10], [sflag:$0x2], $0x80, $0x38;
	[tilespmem:$0x7000] =	vst v63  }
0x615: {  	s10 =	sld [smem:$0x7E3]  }
0x616: {  	[hbm4b:s31+s2] =	stream.linear.scatter [tilespmem:s24], [sflag:$0x2], $0x80, $0x38;
	[tilespmem:$0x7000] =	vst v63  }
0x617: {  	s24 =	sld [smem:$0x7E5]  }
0x618: {  	[hbm4b:s29+s2] =	stream.linear.scatter [tilespmem:s10], [sflag:$0x2], $0x80, $0x38;
	[tilespmem:$0x7000] =	vst v63  }
0x619: {  	_ = 	snop  }
0x61a: {  	[hbm4b:s0+s2] =	stream.linear.scatter [tilespmem:s24], [sflag:$0x2], $0x80, $0x38;
	[tilespmem:$0x7000] =	vst v63  }
0x61b: {  	_ =	swait.ge [sflag:s3], $0x200  }
0x61c: {  	[sflag:s3] =	ssyncset.done $0x0  }
0x61d: {  	[sflag:s3] =	ssyncadd.s32 $0xFFFFFE00  }
0x61e: {  	_ =	swait.ge [sflag:s3], $0x200  }
0x61f: {  	[sflag:s3] =	ssyncset.done $0x0  }
0x620: {  	[sflag:s3] =	ssyncadd.s32 $0xFFFFFE00  }
0x621: {  	_ =	swait.ge [sflag:s3], $0x200  }
0x622: {  	[sflag:s3] =	ssyncset.done $0x0  }
0x623: {  	[sflag:s3] =	ssyncadd.s32 $0xFFFFFE00  }
0x624: {  	_ =	swait.ge [sflag:s3], $0x200  }
0x625: {  	[sflag:s3] =	ssyncset.done $0x0  }
0x626: {  	[sflag:s3] =	ssyncadd.s32 $0xFFFFFE00  }
0x627: {  	_ =	swait.ge [sflag:s3], $0x200  }
0x628: {  	[sflag:s3] =	ssyncset.done $0x0  }
0x629: {  	[sflag:s3] =	ssyncadd.s32 $0xFFFFFE00  }
0x62a: {  	_ =	swait.ge [sflag:s3], $0x200  }
0x62b: {  	[sflag:s3] =	ssyncset.done $0x0  }
0x62c: {  	[sflag:s3] =	ssyncadd.s32 $0xFFFFFE00  }
0x62d: {  	_ =	swait.ge [sflag:s3], $0x200  }
0x62e: {  	[sflag:s3] =	ssyncset.done $0x0  }
0x62f: {  	[sflag:s3] =	ssyncadd.s32 $0xFFFFFE00  }
0x630: {  	_ =	swait.ge [sflag:s3], $0x200  }
0x631: {  	[sflag:s3] =	ssyncset.done $0x0  }
0x632: {  	[sflag:s3] =	ssyncadd.s32 $0xFFFFFE00  }
0x633: {  	_ =	swait.ge [sflag:s3], $0x200  }
0x634: {  	[sflag:s3] =	ssyncset.done $0x0  }
0x635: {  	[sflag:s3] =	ssyncadd.s32 $0xFFFFFE00  }
0x636: {  	_ =	swait.ge [sflag:s3], $0x200  }
0x637: {  	[sflag:s3] =	ssyncset.done $0x0  }
0x638: {  	[sflag:s3] =	ssyncadd.s32 $0xFFFFFE00  }
0x639: {  	_ =	swait.ge [sflag:s3], $0x200  }
0x63a: {  	[sflag:s3] =	ssyncset.done $0x0  }
0x63b: {  	[sflag:s3] =	ssyncadd.s32 $0xFFFFFE00  }
0x63c: {  	_ =	swait.ge [sflag:s3], $0x200  }
0x63d: {  	[sflag:s3] =	ssyncset.done $0x0  }
0x63e: {  	[sflag:s3] =	ssyncadd.s32 $0xFFFFFE00  }
0x63f: {  	_ =	swait.ge [sflag:s3], $0x200  }
0x640: {  	[sflag:s3] =	ssyncset.done $0x0  }
0x641: {  	[sflag:s3] =	ssyncadd.s32 $0xFFFFFE00  }
0x642: {  	_ =	swait.ge [sflag:s3], $0x200  }
0x643: {  	[sflag:s3] =	ssyncset.done $0x0  }
0x644: {  	[sflag:s3] =	ssyncadd.s32 $0xFFFFFE00  }
0x645: {  	_ =	swait.ge [sflag:s3], $0x200  }
0x646: {  	[sflag:s3] =	ssyncset.done $0x0  }
0x647: {  	[sflag:s3] =	ssyncadd.s32 $0xFFFFFE00  }
0x648: {  	_ =	swait.ge [sflag:s3], $0x200  }
0x649: {  	[sflag:s3] =	ssyncset.done $0x0  }
0x64a: {  	[sflag:s3] =	ssyncadd.s32 $0xFFFFFE00  }
0x64b: {  	_ =	swait.ge [sflag:s3], $0x200  }
0x64c: {  	[sflag:s3] =	ssyncset.done $0x0  }
0x64d: {  	[sflag:s3] =	ssyncadd.s32 $0xFFFFFE00  }
0x64e: {  	_ =	swait.ge [sflag:s3], $0x200  }
0x64f: {  	[sflag:s3] =	ssyncset.done $0x0  }
0x650: {  	[sflag:s3] =	ssyncadd.s32 $0xFFFFFE00  }
0x651: {  	_ =	swait.ge [sflag:s3], $0x200  }
0x652: {  	[sflag:s3] =	ssyncset.done $0x0  }
0x653: {  	[sflag:s3] =	ssyncadd.s32 $0xFFFFFE00  }
0x654: {  	_ =	swait.ge [sflag:s3], $0x200  }
0x655: {  	[sflag:s3] =	ssyncset.done $0x0  }
0x656: {  	[sflag:s3] =	ssyncadd.s32 $0xFFFFFE00  }
0x657: {  	_ =	swait.ge [sflag:s3], $0x200  }
0x658: {  	[sflag:s3] =	ssyncset.done $0x0  }
0x659: {  	[sflag:s3] =	ssyncadd.s32 $0xFFFFFE00  }
0x65a: {  	_ =	swait.ge [sflag:s3], $0x200  }
0x65b: {  	[sflag:s3] =	ssyncset.done $0x0  }
0x65c: {  	[sflag:s3] =	ssyncadd.s32 $0xFFFFFE00  }
0x65d: {  	_ =	swait.ge [sflag:s3], $0x200  }
0x65e: {  	[sflag:s3] =	ssyncset.done $0x0  }
0x65f: {  	[sflag:s3] =	ssyncadd.s32 $0xFFFFFE00  }
0x660: {  	_ =	swait.ge [sflag:s3], $0x200  }
0x661: {  	[sflag:s3] =	ssyncset.done $0x0  }
0x662: {  	[sflag:s3] =	ssyncadd.s32 $0xFFFFFE00  }
0x663: {  	_ =	swait.ge [sflag:s3], $0x200  }
0x664: {  	[sflag:s3] =	ssyncset.done $0x0  }
0x665: {  	[sflag:s3] =	ssyncadd.s32 $0xFFFFFE00  }
0x666: {  	_ =	swait.ge [sflag:s3], $0x200  }
0x667: {  	[sflag:s3] =	ssyncset.done $0x0  }
0x668: {  	[sflag:s3] =	ssyncadd.s32 $0xFFFFFE00  }
0x669: {  	_ =	swait.ge [sflag:s3], $0x200  }
0x66a: {  	[sflag:s3] =	ssyncset.done $0x0  }
0x66b: {  	[sflag:s3] =	ssyncadd.s32 $0xFFFFFE00  }
0x66c: {  	_ =	swait.ge [sflag:s3], $0x200  }
0x66d: {  	[sflag:s3] =	ssyncset.done $0x0  }
0x66e: {  	[sflag:s3] =	ssyncadd.s32 $0xFFFFFE00  }
0x66f: {  	_ =	swait.ge [sflag:s3], $0x200  }
0x670: {  	[sflag:s3] =	ssyncset.done $0x0  }
0x671: {  	[sflag:s3] =	ssyncadd.s32 $0xFFFFFE00  }
0x672: {  	_ =	swait.ge [sflag:s3], $0x200  }
0x673: {  	[sflag:s3] =	ssyncset.done $0x0  }
0x674: {  	[sflag:s3] =	ssyncadd.s32 $0xFFFFFE00  }
0x675: {  	_ =	swait.ge [sflag:s3], $0x200  }
0x676: {  	[sflag:s3] =	ssyncset.done $0x0  }
0x677: {  	[sflag:s3] =	ssyncadd.s32 $0xFFFFFE00  }
0x678: {  	_ =	swait.ge [sflag:s3], $0x200  }
0x679: {  	[sflag:s3] =	ssyncset.done $0x0  }
0x67a: {  	[sflag:s3] =	ssyncadd.s32 $0xFFFFFE00  }
0x67b: {  	_ =	swait.ge [sflag:s3], $0x200  }
0x67c: {  	[sflag:s3] =	ssyncset.done $0x0  }
0x67d: {  	[sflag:s3] =	ssyncadd.s32 $0xFFFFFE00  }
0x67e: {  	_ =	swait.ge [sflag:s3], $0x200  }
0x67f: {  	[sflag:s3] =	ssyncset.done $0x0  }
0x680: {  	[sflag:s3] =	ssyncadd.s32 $0xFFFFFE00  }
0x681: {  	_ =	swait.ge [sflag:s3], $0x200  }
0x682: {  	[sflag:s3] =	ssyncset.done $0x0  }
0x683: {  	[sflag:s3] =	ssyncadd.s32 $0xFFFFFE00  }
0x684: {  	_ =	swait.ge [sflag:s3], $0x200  }
0x685: {  	[sflag:s3] =	ssyncset.done $0x0  }
0x686: {  	[sflag:s3] =	ssyncadd.s32 $0xFFFFFE00  }
0x687: {  	_ =	swait.ge [sflag:s3], $0x200  }
0x688: {  	[sflag:s3] =	ssyncset.done $0x0  }
0x689: {  	[sflag:s3] =	ssyncadd.s32 $0xFFFFFE00  }
0x68a: {  	_ =	swait.ge [sflag:s3], $0x200  }
0x68b: {  	[sflag:s3] =	ssyncset.done $0x0  }
0x68c: {  	[sflag:s3] =	ssyncadd.s32 $0xFFFFFE00  }
0x68d: {  	_ =	swait.ge [sflag:s3], $0x200  }
0x68e: {  	[sflag:s3] =	ssyncset.done $0x0  }
0x68f: {  	[sflag:s3] =	ssyncadd.s32 $0xFFFFFE00  }
0x690: {  	_ =	swait.ge [sflag:s3], $0x200  }
0x691: {  	[sflag:s3] =	ssyncset.done $0x0  }
0x692: {  	[sflag:s3] =	ssyncadd.s32 $0xFFFFFE00  }
0x693: {  	_ =	swait.ge [sflag:s3], $0x200  }
0x694: {  	[sflag:s3] =	ssyncset.done $0x0  }
0x695: {  	[sflag:s3] =	ssyncadd.s32 $0xFFFFFE00  }
0x696: {  	_ =	swait.ge [sflag:s3], $0x200  }
0x697: {  	[sflag:s3] =	ssyncset.done $0x0  }
0x698: {  	[sflag:s3] =	ssyncadd.s32 $0xFFFFFE00  }
0x699: {  	_ =	swait.ge [sflag:s3], $0x200  }
0x69a: {  	[sflag:s3] =	ssyncset.done $0x0  }
0x69b: {  	[sflag:s3] =	ssyncadd.s32 $0xFFFFFE00  }
0x69c: {  	_ =	swait.ge [sflag:s3], $0x200  }
0x69d: {  	[sflag:s3] =	ssyncset.done $0x0  }
0x69e: {  	[sflag:s3] =	ssyncadd.s32 $0xFFFFFE00  }
0x69f: {  	_ =	swait.ge [sflag:s3], $0x200  }
0x6a0: {  	[sflag:s3] =	ssyncset.done $0x0  }
0x6a1: {  	[sflag:s3] =	ssyncadd.s32 $0xFFFFFE00  }
0x6a2: {  	_ =	swait.ge [sflag:s3], $0x200  }
0x6a3: {  	[sflag:s3] =	ssyncset.done $0x0  }
0x6a4: {  	[sflag:s3] =	ssyncadd.s32 $0xFFFFFE00  }
0x6a5: {  	_ =	swait.ge [sflag:s3], $0x200  }
0x6a6: {  	[sflag:s3] =	ssyncset.done $0x0  }
0x6a7: {  	[sflag:s3] =	ssyncadd.s32 $0xFFFFFE00  }
0x6a8: {  	_ =	swait.ge [sflag:s3], $0x200  }
0x6a9: {  	[sflag:s3] =	ssyncset.done $0x0  }
0x6aa: {  	p1 =	sne.s32 s8, $0x1;
	[sflag:s3] =	ssyncadd.s32 $0xFFFFFE00  }
.Ltmp2:
0x6ab: {  	_ =	swait.ge [sflag:s3], $0x200;
	(pc) =	sbr.rel @p1 .LBB2_4-.Ltmp2, $4  }
0x6ac: {  	[sflag:s3] =	ssyncset.done $0x0  }
0x6ad: {  	[sflag:s3] =	ssyncadd.s32 $0xFFFFFE00  }
0x6ae: {  	_ =	swait.ge [sflag:s3], $0x200  }
0x6af: {  	s8 =	sadd.s32 $0xFFFFFFFF, s8;
	s9 =	rddreg [dreg:$0x3];
	[sflag:s3] =	ssyncset.done $0x0  }
0x6b0: {  	s11 =	sld [smem:$0x725]  }
0x6b1: {  	s23 =	sld [smem:$0x726]  }
0x6b2: {  	s31 =	sld [smem:$0x7EE]  }
0x6b3: {  	s12 =	sld [smem:$0x727]  }
0x6b4: {  	s8 =	smov.u32 s17;
	s5 =	sld [smem:$0x728]  }
0x6b5: {  	s7 =	smov.u32 s14;
	s24 =	sld [smem:$0x729];
	s29 =	smov.u32 s1  }
.LBB2_6:
0x6b6: {  	s0 =	rddreg [dreg:$0x4];
	[sflag:s3] =	ssyncadd.s32 @p0 $0xFFFFFE00;
	s6 =	simm.s32 $0x1000  }
0x6b7: {  	[tilespmem:s2], [sflag:$0x1] =	stream.strided.gather [hbm4b:s9+s6], $0x7000, s0, s6, $0x38;
	[tilespmem:$0x7000] =	vst v63  }
0x6b8: {  	_ =	swait.ge [sflag:s26], $0x7000  }
0x6b9: {  	[sflag:s26] =	ssyncset.done $0x0  }
0x6ba: {  	s14 =	rddreg [dreg:$0x5];
	[sflag:s26] =	ssyncadd.s32 $0xFFFF9000  }
0x6bb: {  	[hbm4b:s21+s2] =	stream.linear.scatter [tilespmem:s2], [sflag:$0x2], $0x80, $0x38;
	[tilespmem:$0x7000] =	vst v63  }
0x6bc: {  	s1 =	sadd.s32 $0x10, s21;
	s4 =	rddreg [dreg:$0x6]  }
0x6bd: {  	[hbm4b:s1+s2] =	stream.linear.scatter [tilespmem:s14], [sflag:$0x2], $0x80, $0x38;
	[tilespmem:$0x7000] =	vst v63  }
0x6be: {  	s16 =	sadd.s32 $0x20, s21;
	s17 =	rddreg [dreg:$0x7]  }
0x6bf: {  	[hbm4b:s16+s2] =	stream.linear.scatter [tilespmem:s4], [sflag:$0x2], $0x80, $0x38;
	[tilespmem:$0x7000] =	vst v63  }
0x6c0: {  	s9 =	rddreg [dreg:$0x9];
	s21 =	sadd.s32 $0x30, s21  }
0x6c1: {  	[hbm4b:s21+s2] =	stream.linear.scatter [tilespmem:s17], [sflag:$0x2], $0x80, $0x38;
	[tilespmem:$0x7000] =	vst v63  }
0x6c2: {  	s26 =	rddreg [dreg:$0x8]  }
0x6c3: {  	[hbm4b:s19+s2] =	stream.linear.scatter [tilespmem:s26], [sflag:$0x2], $0x80, $0x38;
	[tilespmem:$0x7000] =	vst v63  }
0x6c4: {  	s10 =	sadd.s32 $0x10, s19;
	s14 =	rddreg [dreg:$0xa]  }
0x6c5: {  	[hbm4b:s10+s2] =	stream.linear.scatter [tilespmem:s9], [sflag:$0x2], $0x80, $0x38;
	[tilespmem:$0x7000] =	vst v63  }
0x6c6: {  	s1 =	rddreg [dreg:$0xd];
	s16 =	sadd.s32 $0x20, s19  }
0x6c7: {  	[hbm4b:s16+s2] =	stream.linear.scatter [tilespmem:s14], [sflag:$0x2], $0x80, $0x38;
	[tilespmem:$0x7000] =	vst v63  }
0x6c8: {  	s17 =	rddreg [dreg:$0xb];
	s21 =	sadd.s32 $0x30, s19  }
0x6c9: {  	[hbm4b:s21+s2] =	stream.linear.scatter [tilespmem:s17], [sflag:$0x2], $0x80, $0x38;
	[tilespmem:$0x7000] =	vst v63  }
0x6ca: {  	s26 =	rddreg [dreg:$0xc]  }
0x6cb: {  	[hbm4b:s8+s2] =	stream.linear.scatter [tilespmem:s26], [sflag:$0x2], $0x80, $0x38;
	[tilespmem:$0x7000] =	vst v63  }
0x6cc: {  	s4 =	sadd.s32 $0x10, s8;
	s19 =	rddreg [dreg:$0x11]  }
0x6cd: {  	[hbm4b:s4+s2] =	stream.linear.scatter [tilespmem:s1], [sflag:$0x2], $0x80, $0x38;
	[tilespmem:$0x7000] =	vst v63  }
0x6ce: {  	s9 =	rddreg [dreg:$0xe];
	s10 =	sadd.s32 $0x20, s8  }
0x6cf: {  	[hbm4b:s10+s2] =	stream.linear.scatter [tilespmem:s9], [sflag:$0x2], $0x80, $0x38;
	[tilespmem:$0x7000] =	vst v63  }
0x6d0: {  	s14 =	rddreg [dreg:$0xf];
	s16 =	sadd.s32 $0x30, s8  }
0x6d1: {  	[hbm4b:s16+s2] =	stream.linear.scatter [tilespmem:s14], [sflag:$0x2], $0x80, $0x38;
	[tilespmem:$0x7000] =	vst v63  }
0x6d2: {  	s17 =	rddreg [dreg:$0x10]  }
0x6d3: {  	[hbm4b:s15+s2] =	stream.linear.scatter [tilespmem:s17], [sflag:$0x2], $0x80, $0x38;
	[tilespmem:$0x7000] =	vst v63  }
0x6d4: {  	s21 =	sadd.s32 $0x10, s15;
	s26 =	rddreg [dreg:$0x12]  }
0x6d5: {  	[hbm4b:s21+s2] =	stream.linear.scatter [tilespmem:s19], [sflag:$0x2], $0x80, $0x38;
	[tilespmem:$0x7000] =	vst v63  }
0x6d6: {  	s8 =	sadd.s32 $0x20, s15;
	s9 =	rddreg [dreg:$0x13]  }
0x6d7: {  	[hbm4b:s8+s2] =	stream.linear.scatter [tilespmem:s26], [sflag:$0x2], $0x80, $0x38;
	[tilespmem:$0x7000] =	vst v63  }
0x6d8: {  	s10 =	sadd.s32 $0x30, s15;
	s14 =	rddreg [dreg:$0x14]  }
0x6d9: {  	[hbm4b:s10+s2] =	stream.linear.scatter [tilespmem:s9], [sflag:$0x2], $0x80, $0x38;
	[tilespmem:$0x7000] =	vst v63  }
0x6da: {  	s0 =	rddreg [dreg:$0x15]  }
0x6db: {  	s16 =	rddreg [dreg:$0x16]  }
0x6dc: {  	s19 =	rddreg [dreg:$0x17]  }
0x6dd: {  	s26 =	rddreg [dreg:$0x18]  }
0x6de: {  	s8 =	rddreg [dreg:$0x19]  }
0x6df: {  	[hbm4b:s13+s2] =	stream.linear.scatter [tilespmem:s14], [sflag:$0x2], $0x80, $0x38;
	[tilespmem:$0x7000] =	vst v63  }
0x6e0: {  	s15 =	sadd.s32 $0x10, s13;
	s10 =	rddreg [dreg:$0x1a]  }
0x6e1: {  	[hbm4b:s15+s2] =	stream.linear.scatter [tilespmem:s0], [sflag:$0x2], $0x80, $0x38;
	[tilespmem:$0x7000] =	vst v63  }
0x6e2: {  	s17 =	sadd.s32 $0x20, s13;
	s14 =	rddreg [dreg:$0x1b]  }
0x6e3: {  	[hbm4b:s17+s2] =	stream.linear.scatter [tilespmem:s16], [sflag:$0x2], $0x80, $0x38;
	[tilespmem:$0x7000] =	vst v63  }
0x6e4: {  	s16 =	rddreg [dreg:$0x1c]  }
0x6e5: {  	s21 =	sadd.s32 $0x30, s13;
	s17 =	rddreg [dreg:$0x1d]  }
0x6e6: {  	[hbm4b:s21+s2] =	stream.linear.scatter [tilespmem:s19], [sflag:$0x2], $0x80, $0x38;
	[tilespmem:$0x7000] =	vst v63  }
0x6e7: {  	s9 =	sadd.s32 $0x10, s30;
	s21 =	rddreg [dreg:$0x1e]  }
0x6e8: {  	[hbm4b:s30+s2] =	stream.linear.scatter [tilespmem:s26], [sflag:$0x2], $0x80, $0x38;
	[tilespmem:$0x7000] =	vst v63  }
0x6e9: {  	s13 =	sadd.s32 $0x20, s30;
	s15 =	sadd.s32 $0x30, s30;
	s30 =	rddreg [dreg:$0x1f]  }
0x6ea: {  	[hbm4b:s9+s2] =	stream.linear.scatter [tilespmem:s8], [sflag:$0x2], $0x80, $0x38;
	[tilespmem:$0x7000] =	vst v63  }
0x6eb: {  	s8 =	sld [smem:$0x72F]  }
0x6ec: {  	[hbm4b:s13+s2] =	stream.linear.scatter [tilespmem:s10], [sflag:$0x2], $0x80, $0x38;
	[tilespmem:$0x7000] =	vst v63  }
0x6ed: {  	s9 =	sld [smem:$0x730]  }
0x6ee: {  	[hbm4b:s15+s2] =	stream.linear.scatter [tilespmem:s14], [sflag:$0x2], $0x80, $0x38;
	[tilespmem:$0x7000] =	vst v63  }
0x6ef: {  	s13 =	sld [smem:$0x731]  }
0x6f0: {  	[hbm4b:s28+s2] =	stream.linear.scatter [tilespmem:s16], [sflag:$0x2], $0x80, $0x38;
	[tilespmem:$0x7000] =	vst v63  }
0x6f1: {  	s19 =	sadd.s32 $0x10, s28;
	s15 =	sld [smem:$0x732]  }
0x6f2: {  	[hbm4b:s19+s2] =	stream.linear.scatter [tilespmem:s17], [sflag:$0x2], $0x80, $0x38;
	[tilespmem:$0x7000] =	vst v63  }
0x6f3: {  	s26 =	sadd.s32 $0x20, s28;
	s17 =	sld [smem:$0x733]  }
0x6f4: {  	[hbm4b:s26+s2] =	stream.linear.scatter [tilespmem:s21], [sflag:$0x2], $0x80, $0x38;
	[tilespmem:$0x7000] =	vst v63  }
0x6f5: {  	s4 =	sadd.s32 $0x30, s28;
	s21 =	sld [smem:$0x734]  }
0x6f6: {  	[hbm4b:s4+s2] =	stream.linear.scatter [tilespmem:s30], [sflag:$0x2], $0x80, $0x38;
	[tilespmem:$0x7000] =	vst v63  }
0x6f7: {  	s26 =	sld [smem:$0x735]  }
0x6f8: {  	[hbm4b:s25+s2] =	stream.linear.scatter [tilespmem:s8], [sflag:$0x2], $0x80, $0x38;
	[tilespmem:$0x7000] =	vst v63  }
0x6f9: {  	s10 =	sadd.s32 $0x10, s25;
	s30 =	sld [smem:$0x736]  }
0x6fa: {  	[hbm4b:s10+s2] =	stream.linear.scatter [tilespmem:s9], [sflag:$0x2], $0x80, $0x38;
	[tilespmem:$0x7000] =	vst v63  }
0x6fb: {  	s14 =	sadd.s32 $0x20, s25;
	s9 =	sld [smem:$0x738]  }
0x6fc: {  	[hbm4b:s14+s2] =	stream.linear.scatter [tilespmem:s13], [sflag:$0x2], $0x80, $0x38;
	[tilespmem:$0x7000] =	vst v63  }
0x6fd: {  	s16 =	sadd.s32 $0x30, s25;
	s13 =	sld [smem:$0x739]  }
0x6fe: {  	[hbm4b:s16+s2] =	stream.linear.scatter [tilespmem:s15], [sflag:$0x2], $0x80, $0x38;
	[tilespmem:$0x7000] =	vst v63  }
0x6ff: {  	s15 =	sld [smem:$0x73A]  }
0x700: {  	s16 =	sld [smem:$0x73B]  }
0x701: {  	[hbm4b:s22+s2] =	stream.linear.scatter [tilespmem:s6], [sflag:$0x2], $0x80, $0x38;
	[tilespmem:$0x7000] =	vst v63  }
0x702: {  	s19 =	sadd.s32 $0x10, s22;
	s6 =	sld [smem:$0x737]  }
0x703: {  	[hbm4b:s19+s2] =	stream.linear.scatter [tilespmem:s17], [sflag:$0x2], $0x80, $0x38;
	[tilespmem:$0x7000] =	vst v63  }
0x704: {  	s25 =	sadd.s32 $0x20, s22;
	s19 =	sld [smem:$0x73C]  }
0x705: {  	[hbm4b:s25+s2] =	stream.linear.scatter [tilespmem:s21], [sflag:$0x2], $0x80, $0x38;
	[tilespmem:$0x7000] =	vst v63  }
0x706: {  	s21 =	sld [smem:$0x73D]  }
0x707: {  	s28 =	sadd.s32 $0x30, s22;
	s25 =	sld [smem:$0x73E]  }
0x708: {  	[hbm4b:s28+s2] =	stream.linear.scatter [tilespmem:s26], [sflag:$0x2], $0x80, $0x38;
	[tilespmem:$0x7000] =	vst v63  }
0x709: {  	s26 =	sld [smem:$0x73F]  }
0x70a: {  	[hbm4b:s20+s2] =	stream.linear.scatter [tilespmem:s30], [sflag:$0x2], $0x80, $0x38;
	[tilespmem:$0x7000] =	vst v63  }
0x70b: {  	s8 =	sadd.s32 $0x10, s20;
	s30 =	sld [smem:$0x740]  }
0x70c: {  	[hbm4b:s8+s2] =	stream.linear.scatter [tilespmem:s6], [sflag:$0x2], $0x80, $0x38;
	[tilespmem:$0x7000] =	vst v63  }
0x70d: {  	s10 =	sadd.s32 $0x20, s20;
	s8 =	sld [smem:$0x741]  }
0x70e: {  	[hbm4b:s10+s2] =	stream.linear.scatter [tilespmem:s9], [sflag:$0x2], $0x80, $0x38;
	[tilespmem:$0x7000] =	vst v63  }
0x70f: {  	s14 =	sadd.s32 $0x30, s20;
	s10 =	sld [smem:$0x742]  }
0x710: {  	[hbm4b:s14+s2] =	stream.linear.scatter [tilespmem:s13], [sflag:$0x2], $0x80, $0x38;
	[tilespmem:$0x7000] =	vst v63  }
0x711: {  	s13 =	sld [smem:$0x743]  }
0x712: {  	[hbm4b:s18+s2] =	stream.linear.scatter [tilespmem:s15], [sflag:$0x2], $0x80, $0x38;
	[tilespmem:$0x7000] =	vst v63  }
0x713: {  	s17 =	sadd.s32 $0x10, s18;
	s15 =	sld [smem:$0x744]  }
0x714: {  	[hbm4b:s17+s2] =	stream.linear.scatter [tilespmem:s16], [sflag:$0x2], $0x80, $0x38;
	[tilespmem:$0x7000] =	vst v63  }
0x715: {  	s16 =	sld [smem:$0x7D2]  }
0x716: {  	s20 =	sadd.s32 $0x20, s18;
	s17 =	sld [smem:$0x745]  }
0x717: {  	[hbm4b:s20+s2] =	stream.linear.scatter [tilespmem:s19], [sflag:$0x2], $0x80, $0x38;
	[tilespmem:$0x7000] =	vst v63  }
0x718: {  	s22 =	sadd.s32 $0x30, s18;
	s19 =	sld [smem:$0x746]  }
0x719: {  	[hbm4b:s22+s2] =	stream.linear.scatter [tilespmem:s21], [sflag:$0x2], $0x80, $0x38;
	[tilespmem:$0x7000] =	vst v63  }
0x71a: {  	s20 =	sld [smem:$0x747]  }
0x71b: {  	[hbm4b:s16+s2] =	stream.linear.scatter [tilespmem:s25], [sflag:$0x2], $0x80, $0x38;
	[tilespmem:$0x7000] =	vst v63  }
0x71c: {  	s28 =	sadd.s32 $0x10, s16;
	s22 =	sld [smem:$0x748]  }
0x71d: {  	[hbm4b:s28+s2] =	stream.linear.scatter [tilespmem:s26], [sflag:$0x2], $0x80, $0x38;
	[tilespmem:$0x7000] =	vst v63  }
0x71e: {  	s6 =	sadd.s32 $0x20, s16;
	s26 =	sld [smem:$0x749]  }
0x71f: {  	[hbm4b:s6+s2] =	stream.linear.scatter [tilespmem:s30], [sflag:$0x2], $0x80, $0x38;
	[tilespmem:$0x7000] =	vst v63  }
0x720: {  	s9 =	sadd.s32 $0x30, s16;
	s30 =	sld [smem:$0x74A]  }
0x721: {  	[hbm4b:s9+s2] =	stream.linear.scatter [tilespmem:s8], [sflag:$0x2], $0x80, $0x38;
	[tilespmem:$0x7000] =	vst v63  }
0x722: {  	s6 =	sld [smem:$0x74B]  }
0x723: {  	[hbm4b:s7+s2] =	stream.linear.scatter [tilespmem:s10], [sflag:$0x2], $0x80, $0x38;
	[tilespmem:$0x7000] =	vst v63  }
0x724: {  	s14 =	sadd.s32 $0x10, s7;
	s10 =	sld [smem:$0x7D6]  }
0x725: {  	s18 =	sadd.s32 $0x30, s7;
	s16 =	sadd.s32 $0x20, s7;
	s7 =	sld [smem:$0x7D8]  }
0x726: {  	[hbm4b:s14+s2] =	stream.linear.scatter [tilespmem:s13], [sflag:$0x2], $0x80, $0x38;
	[tilespmem:$0x7000] =	vst v63  }
0x727: {  	s14 =	sld [smem:$0x74D]  }
0x728: {  	[hbm4b:s16+s2] =	stream.linear.scatter [tilespmem:s15], [sflag:$0x2], $0x80, $0x38;
	[tilespmem:$0x7000] =	vst v63  }
0x729: {  	s16 =	sld [smem:$0x74E]  }
0x72a: {  	[hbm4b:s18+s2] =	stream.linear.scatter [tilespmem:s17], [sflag:$0x2], $0x80, $0x38;
	[tilespmem:$0x7000] =	vst v63  }
0x72b: {  	s17 =	sld [smem:$0x74F]  }
0x72c: {  	s21 =	sadd.s32 $0x10, s10;
	s18 =	sld [smem:$0x7DA]  }
0x72d: {  	[hbm4b:s10+s2] =	stream.linear.scatter [tilespmem:s19], [sflag:$0x2], $0x80, $0x38;
	[tilespmem:$0x7000] =	vst v63  }
0x72e: {  	s25 =	sadd.s32 $0x20, s10;
	s28 =	sadd.s32 $0x30, s10;
	s10 =	sld [smem:$0x74C]  }
0x72f: {  	[hbm4b:s21+s2] =	stream.linear.scatter [tilespmem:s20], [sflag:$0x2], $0x80, $0x38;
	[tilespmem:$0x7000] =	vst v63  }
0x730: {  	s20 =	sld [smem:$0x750]  }
0x731: {  	[hbm4b:s25+s2] =	stream.linear.scatter [tilespmem:s22], [sflag:$0x2], $0x80, $0x38;
	[tilespmem:$0x7000] =	vst v63  }
0x732: {  	s22 =	sld [smem:$0x751]  }
0x733: {  	[hbm4b:s28+s2] =	stream.linear.scatter [tilespmem:s26], [sflag:$0x2], $0x80, $0x38;
	[tilespmem:$0x7000] =	vst v63  }
0x734: {  	s26 =	sld [smem:$0x752]  }
0x735: {  	s28 =	sld [smem:$0x753]  }
0x736: {  	[hbm4b:s7+s2] =	stream.linear.scatter [tilespmem:s30], [sflag:$0x2], $0x80, $0x38;
	[tilespmem:$0x7000] =	vst v63  }
0x737: {  	s9 =	sadd.s32 $0x10, s7;
	s30 =	sld [smem:$0x7DC]  }
0x738: {  	s13 =	sadd.s32 $0x20, s7;
	s15 =	sadd.s32 $0x30, s7;
	s7 =	sld [smem:$0x754]  }
0x739: {  	[hbm4b:s9+s2] =	stream.linear.scatter [tilespmem:s6], [sflag:$0x2], $0x80, $0x38;
	[tilespmem:$0x7000] =	vst v63  }
0x73a: {  	s9 =	sld [smem:$0x755]  }
0x73b: {  	[hbm4b:s13+s2] =	stream.linear.scatter [tilespmem:s10], [sflag:$0x2], $0x80, $0x38;
	[tilespmem:$0x7000] =	vst v63  }
0x73c: {  	s10 =	sld [smem:$0x7E2]  }
0x73d: {  	[hbm4b:s15+s2] =	stream.linear.scatter [tilespmem:s14], [sflag:$0x2], $0x80, $0x38;
	[tilespmem:$0x7000] =	vst v63  }
0x73e: {  	s14 =	sld [smem:$0x756]  }
0x73f: {  	s15 =	sld [smem:$0x757]  }
0x740: {  	[hbm4b:s18+s2] =	stream.linear.scatter [tilespmem:s16], [sflag:$0x2], $0x80, $0x38;
	[tilespmem:$0x7000] =	vst v63  }
0x741: {  	s19 =	sadd.s32 $0x10, s18;
	s16 =	sld [smem:$0x7DE]  }
0x742: {  	[hbm4b:s19+s2] =	stream.linear.scatter [tilespmem:s17], [sflag:$0x2], $0x80, $0x38;
	[tilespmem:$0x7000] =	vst v63  }
0x743: {  	s21 =	sadd.s32 $0x20, s18;
	s25 =	sadd.s32 $0x30, s18;
	s18 =	sld [smem:$0x758]  }
0x744: {  	[hbm4b:s21+s2] =	stream.linear.scatter [tilespmem:s20], [sflag:$0x2], $0x80, $0x38;
	[tilespmem:$0x7000] =	vst v63  }
0x745: {  	s20 =	sld [smem:$0x759]  }
0x746: {  	[hbm4b:s25+s2] =	stream.linear.scatter [tilespmem:s22], [sflag:$0x2], $0x80, $0x38;
	[tilespmem:$0x7000] =	vst v63  }
0x747: {  	s22 =	sld [smem:$0x75A]  }
0x748: {  	s25 =	sld [smem:$0x75B]  }
0x749: {  	[hbm4b:s30+s2] =	stream.linear.scatter [tilespmem:s26], [sflag:$0x2], $0x80, $0x38;
	[tilespmem:$0x7000] =	vst v63  }
0x74a: {  	s6 =	sadd.s32 $0x10, s30;
	s26 =	sld [smem:$0x7E0]  }
0x74b: {  	s8 =	sadd.s32 $0x20, s30;
	s13 =	sadd.s32 $0x30, s30;
	s30 =	sld [smem:$0x75C]  }
0x74c: {  	[hbm4b:s6+s2] =	stream.linear.scatter [tilespmem:s28], [sflag:$0x2], $0x80, $0x38;
	[tilespmem:$0x7000] =	vst v63  }
0x74d: {  	s6 =	sld [smem:$0x75D]  }
0x74e: {  	[hbm4b:s8+s2] =	stream.linear.scatter [tilespmem:s7], [sflag:$0x2], $0x80, $0x38;
	[tilespmem:$0x7000] =	vst v63  }
0x74f: {  	s8 =	sld [smem:$0x75E]  }
0x750: {  	[hbm4b:s13+s2] =	stream.linear.scatter [tilespmem:s9], [sflag:$0x2], $0x80, $0x38;
	[tilespmem:$0x7000] =	vst v63  }
0x751: {  	s9 =	sld [smem:$0x75F]  }
0x752: {  	[hbm4b:s16+s2] =	stream.linear.scatter [tilespmem:s14], [sflag:$0x2], $0x80, $0x38;
	[tilespmem:$0x7000] =	vst v63  }
0x753: {  	s17 =	sadd.s32 $0x10, s16;
	s14 =	sld [smem:$0x760]  }
0x754: {  	[hbm4b:s17+s2] =	stream.linear.scatter [tilespmem:s15], [sflag:$0x2], $0x80, $0x38;
	[tilespmem:$0x7000] =	vst v63  }
0x755: {  	s19 =	sadd.s32 $0x20, s16;
	s21 =	sadd.s32 $0x30, s16;
	s16 =	sld [smem:$0x761]  }
0x756: {  	[hbm4b:s19+s2] =	stream.linear.scatter [tilespmem:s18], [sflag:$0x2], $0x80, $0x38;
	[tilespmem:$0x7000] =	vst v63  }
0x757: {  	s18 =	sld [smem:$0x762]  }
0x758: {  	s19 =	sld [smem:$0x763]  }
0x759: {  	[hbm4b:s21+s2] =	stream.linear.scatter [tilespmem:s20], [sflag:$0x2], $0x80, $0x38;
	[tilespmem:$0x7000] =	vst v63  }
0x75a: {  	s20 =	sld [smem:$0x7E4]  }
0x75b: {  	[hbm4b:s26+s2] =	stream.linear.scatter [tilespmem:s22], [sflag:$0x2], $0x80, $0x38;
	[tilespmem:$0x7000] =	vst v63  }
0x75c: {  	s28 =	sadd.s32 $0x10, s26;
	s22 =	sld [smem:$0x764]  }
0x75d: {  	[hbm4b:s28+s2] =	stream.linear.scatter [tilespmem:s25], [sflag:$0x2], $0x80, $0x38;
	[tilespmem:$0x7000] =	vst v63  }
0x75e: {  	s1 =	sadd.s32 $0x20, s26;
	s7 =	sadd.s32 $0x30, s26;
	s26 =	sld [smem:$0x765]  }
0x75f: {  	[hbm4b:s1+s2] =	stream.linear.scatter [tilespmem:s30], [sflag:$0x2], $0x80, $0x38;
	[tilespmem:$0x7000] =	vst v63  }
0x760: {  	s30 =	sld [smem:$0x766]  }
0x761: {  	[hbm4b:s7+s2] =	stream.linear.scatter [tilespmem:s6], [sflag:$0x2], $0x80, $0x38;
	[tilespmem:$0x7000] =	vst v63  }
0x762: {  	s6 =	sld [smem:$0x767]  }
0x763: {  	s13 =	sadd.s32 $0x10, s10;
	s7 =	sld [smem:$0x7E6]  }
0x764: {  	[hbm4b:s10+s2] =	stream.linear.scatter [tilespmem:s8], [sflag:$0x2], $0x80, $0x38;
	[tilespmem:$0x7000] =	vst v63  }
0x765: {  	s15 =	sadd.s32 $0x20, s10;
	s17 =	sadd.s32 $0x30, s10;
	s10 =	sld [smem:$0x768]  }
0x766: {  	[hbm4b:s13+s2] =	stream.linear.scatter [tilespmem:s9], [sflag:$0x2], $0x80, $0x38;
	[tilespmem:$0x7000] =	vst v63  }
0x767: {  	s8 =	sld [smem:$0x783]  }
0x768: {  	[hbm4b:s15+s2] =	stream.linear.scatter [tilespmem:s14], [sflag:$0x2], $0x80, $0x38;
	[tilespmem:$0x7000] =	vst v63  }
0x769: {  	s14 =	sld [smem:$0x769]  }
0x76a: {  	[hbm4b:s17+s2] =	stream.linear.scatter [tilespmem:s16], [sflag:$0x2], $0x80, $0x38;
	[tilespmem:$0x7000] =	vst v63  }
0x76b: {  	s16 =	sld [smem:$0x76A]  }
0x76c: {  	s17 =	sld [smem:$0x76B]  }
0x76d: {  	[hbm4b:s20+s2] =	stream.linear.scatter [tilespmem:s18], [sflag:$0x2], $0x80, $0x38;
	[tilespmem:$0x7000] =	vst v63  }
0x76e: {  	s21 =	sadd.s32 $0x10, s20;
	s18 =	sld [smem:$0x7E8]  }
0x76f: {  	[hbm4b:s21+s2] =	stream.linear.scatter [tilespmem:s19], [sflag:$0x2], $0x80, $0x38;
	[tilespmem:$0x7000] =	vst v63  }
0x770: {  	s25 =	sadd.s32 $0x20, s20;
	s28 =	sadd.s32 $0x30, s20;
	s20 =	sld [smem:$0x76C]  }
0x771: {  	[hbm4b:s25+s2] =	stream.linear.scatter [tilespmem:s22], [sflag:$0x2], $0x80, $0x38;
	[tilespmem:$0x7000] =	vst v63  }
0x772: {  	s22 =	sld [smem:$0x76D]  }
0x773: {  	[hbm4b:s28+s2] =	stream.linear.scatter [tilespmem:s26], [sflag:$0x2], $0x80, $0x38;
	[tilespmem:$0x7000] =	vst v63  }
0x774: {  	s26 =	sld [smem:$0x76E]  }
0x775: {  	s28 =	sld [smem:$0x76F]  }
0x776: {  	[hbm4b:s7+s2] =	stream.linear.scatter [tilespmem:s30], [sflag:$0x2], $0x80, $0x38;
	[tilespmem:$0x7000] =	vst v63  }
0x777: {  	s9 =	sadd.s32 $0x10, s7;
	s30 =	sld [smem:$0x7E9]  }
0x778: {  	[hbm4b:s9+s2] =	stream.linear.scatter [tilespmem:s6], [sflag:$0x2], $0x80, $0x38;
	[tilespmem:$0x7000] =	vst v63  }
0x779: {  	s13 =	sadd.s32 $0x20, s7;
	s15 =	sadd.s32 $0x30, s7;
	s7 =	sld [smem:$0x770]  }
0x77a: {  	[hbm4b:s13+s2] =	stream.linear.scatter [tilespmem:s10], [sflag:$0x2], $0x80, $0x38;
	[tilespmem:$0x7000] =	vst v63  }
0x77b: {  	s10 =	sld [smem:$0x771]  }
0x77c: {  	[hbm4b:s15+s2] =	stream.linear.scatter [tilespmem:s14], [sflag:$0x2], $0x80, $0x38;
	[tilespmem:$0x7000] =	vst v63  }
0x77d: {  	s14 =	sld [smem:$0x772]  }
0x77e: {  	s15 =	sld [smem:$0x773]  }
0x77f: {  	[hbm4b:s18+s2] =	stream.linear.scatter [tilespmem:s16], [sflag:$0x2], $0x80, $0x38;
	[tilespmem:$0x7000] =	vst v63  }
0x780: {  	s19 =	sadd.s32 $0x10, s18;
	s16 =	sld [smem:$0x7EA]  }
0x781: {  	[hbm4b:s19+s2] =	stream.linear.scatter [tilespmem:s17], [sflag:$0x2], $0x80, $0x38;
	[tilespmem:$0x7000] =	vst v63  }
0x782: {  	s21 =	sadd.s32 $0x20, s18;
	s25 =	sadd.s32 $0x30, s18;
	s18 =	sld [smem:$0x774]  }
0x783: {  	[hbm4b:s21+s2] =	stream.linear.scatter [tilespmem:s20], [sflag:$0x2], $0x80, $0x38;
	[tilespmem:$0x7000] =	vst v63  }
0x784: {  	s20 =	sld [smem:$0x775]  }
0x785: {  	[hbm4b:s25+s2] =	stream.linear.scatter [tilespmem:s22], [sflag:$0x2], $0x80, $0x38;
	[tilespmem:$0x7000] =	vst v63  }
0x786: {  	s22 =	sld [smem:$0x776]  }
0x787: {  	s25 =	sld [smem:$0x777]  }
0x788: {  	[hbm4b:s30+s2] =	stream.linear.scatter [tilespmem:s26], [sflag:$0x2], $0x80, $0x38;
	[tilespmem:$0x7000] =	vst v63  }
0x789: {  	s6 =	sadd.s32 $0x10, s30;
	s26 =	sld [smem:$0x7EB]  }
0x78a: {  	[hbm4b:s6+s2] =	stream.linear.scatter [tilespmem:s28], [sflag:$0x2], $0x80, $0x38;
	[tilespmem:$0x7000] =	vst v63  }
0x78b: {  	s9 =	sadd.s32 $0x20, s30;
	s13 =	sadd.s32 $0x30, s30;
	s30 =	sld [smem:$0x778]  }
0x78c: {  	[hbm4b:s9+s2] =	stream.linear.scatter [tilespmem:s7], [sflag:$0x2], $0x80, $0x38;
	[tilespmem:$0x7000] =	vst v63  }
0x78d: {  	s7 =	sld [smem:$0x779]  }
0x78e: {  	[hbm4b:s13+s2] =	stream.linear.scatter [tilespmem:s10], [sflag:$0x2], $0x80, $0x38;
	[tilespmem:$0x7000] =	vst v63  }
0x78f: {  	s10 =	sld [smem:$0x77A]  }
0x790: {  	s13 =	sld [smem:$0x77B]  }
0x791: {  	[hbm4b:s16+s2] =	stream.linear.scatter [tilespmem:s14], [sflag:$0x2], $0x80, $0x38;
	[tilespmem:$0x7000] =	vst v63  }
0x792: {  	s17 =	sadd.s32 $0x10, s16;
	s14 =	sld [smem:$0x7FD]  }
0x793: {  	[hbm4b:s17+s2] =	stream.linear.scatter [tilespmem:s15], [sflag:$0x2], $0x80, $0x38;
	[tilespmem:$0x7000] =	vst v63  }
0x794: {  	s19 =	sadd.s32 $0x20, s16;
	s21 =	sadd.s32 $0x30, s16;
	s16 =	sld [smem:$0x77C]  }
0x795: {  	[hbm4b:s19+s2] =	stream.linear.scatter [tilespmem:s18], [sflag:$0x2], $0x80, $0x38;
	[tilespmem:$0x7000] =	vst v63  }
0x796: {  	s18 =	sld [smem:$0x77D]  }
0x797: {  	[hbm4b:s21+s2] =	stream.linear.scatter [tilespmem:s20], [sflag:$0x2], $0x80, $0x38;
	[tilespmem:$0x7000] =	vst v63  }
0x798: {  	s20 =	sld [smem:$0x77E]  }
0x799: {  	s21 =	sld [smem:$0x77F]  }
0x79a: {  	[hbm4b:s26+s2] =	stream.linear.scatter [tilespmem:s22], [sflag:$0x2], $0x80, $0x38;
	[tilespmem:$0x7000] =	vst v63  }
0x79b: {  	s28 =	sadd.s32 $0x10, s26;
	s22 =	sld [smem:$0x7EC]  }
0x79c: {  	[hbm4b:s28+s2] =	stream.linear.scatter [tilespmem:s25], [sflag:$0x2], $0x80, $0x38;
	[tilespmem:$0x7000] =	vst v63  }
0x79d: {  	s6 =	sadd.s32 $0x20, s26;
	s9 =	sadd.s32 $0x30, s26;
	s26 =	sld [smem:$0x780]  }
0x79e: {  	[hbm4b:s6+s2] =	stream.linear.scatter [tilespmem:s30], [sflag:$0x2], $0x80, $0x38;
	[tilespmem:$0x7000] =	vst v63  }
0x79f: {  	s30 =	sld [smem:$0x781]  }
0x7a0: {  	[hbm4b:s9+s2] =	stream.linear.scatter [tilespmem:s7], [sflag:$0x2], $0x80, $0x38;
	[tilespmem:$0x7000] =	vst v63  }
0x7a1: {  	s7 =	sld [smem:$0x782]  }
0x7a2: {  	[hbm4b:s14+s2] =	stream.linear.scatter [tilespmem:s10], [sflag:$0x2], $0x80, $0x38;
	[tilespmem:$0x7000] =	vst v63  }
0x7a3: {  	s15 =	sadd.s32 $0x10, s14;
	s9 =	sld [smem:$0x7ED]  }
0x7a4: {  	[hbm4b:s15+s2] =	stream.linear.scatter [tilespmem:s13], [sflag:$0x2], $0x80, $0x38;
	[tilespmem:$0x7000] =	vst v63  }
0x7a5: {  	s13 =	sld [smem:$0x784]  }
0x7a6: {  	s17 =	sadd.s32 $0x20, s14;
	s15 =	sld [smem:$0x785]  }
0x7a7: {  	[hbm4b:s17+s2] =	stream.linear.scatter [tilespmem:s16], [sflag:$0x2], $0x80, $0x38;
	[tilespmem:$0x7000] =	vst v63  }
0x7a8: {  	s19 =	sadd.s32 $0x30, s14;
	s17 =	sld [smem:$0x786]  }
0x7a9: {  	[hbm4b:s19+s2] =	stream.linear.scatter [tilespmem:s18], [sflag:$0x2], $0x80, $0x38;
	[tilespmem:$0x7000] =	vst v63  }
0x7aa: {  	s18 =	sld [smem:$0x787]  }
0x7ab: {  	[hbm4b:s22+s2] =	stream.linear.scatter [tilespmem:s20], [sflag:$0x2], $0x80, $0x38;
	[tilespmem:$0x7000] =	vst v63  }
0x7ac: {  	s25 =	sadd.s32 $0x10, s22;
	s20 =	sld [smem:$0x788]  }
0x7ad: {  	[hbm4b:s25+s2] =	stream.linear.scatter [tilespmem:s21], [sflag:$0x2], $0x80, $0x38;
	[tilespmem:$0x7000] =	vst v63  }
0x7ae: {  	s28 =	sadd.s32 $0x20, s22;
	s6 =	sadd.s32 $0x30, s22;
	s22 =	sld [smem:$0x789]  }
0x7af: {  	[hbm4b:s28+s2] =	stream.linear.scatter [tilespmem:s26], [sflag:$0x2], $0x80, $0x38;
	[tilespmem:$0x7000] =	vst v63  }
0x7b0: {  	s26 =	sld [smem:$0x78A]  }
0x7b1: {  	s28 =	sld [smem:$0x78B]  }
0x7b2: {  	[hbm4b:s6+s2] =	stream.linear.scatter [tilespmem:s30], [sflag:$0x2], $0x80, $0x38;
	[tilespmem:$0x7000] =	vst v63  }
0x7b3: {  	s30 =	sld [smem:$0x78C]  }
0x7b4: {  	[hbm4b:s9+s2] =	stream.linear.scatter [tilespmem:s7], [sflag:$0x2], $0x80, $0x38;
	[tilespmem:$0x7000] =	vst v63  }
0x7b5: {  	s10 =	sadd.s32 $0x10, s9;
	s7 =	sld [smem:$0x78D]  }
0x7b6: {  	[hbm4b:s10+s2] =	stream.linear.scatter [tilespmem:s8], [sflag:$0x2], $0x80, $0x38;
	[tilespmem:$0x7000] =	vst v63  }
0x7b7: {  	s14 =	sadd.s32 $0x20, s9;
	s16 =	sadd.s32 $0x30, s9;
	s9 =	sld [smem:$0x78E]  }
0x7b8: {  	[hbm4b:s14+s2] =	stream.linear.scatter [tilespmem:s13], [sflag:$0x2], $0x80, $0x38;
	[tilespmem:$0x7000] =	vst v63  }
0x7b9: {  	s10 =	sld [smem:$0x78F]  }
0x7ba: {  	[hbm4b:s16+s2] =	stream.linear.scatter [tilespmem:s15], [sflag:$0x2], $0x80, $0x38;
	[tilespmem:$0x7000] =	vst v63  }
0x7bb: {  	s14 =	sld [smem:$0x790]  }
0x7bc: {  	[hbm4b:s29+s2] =	stream.linear.scatter [tilespmem:s17], [sflag:$0x2], $0x80, $0x38;
	[tilespmem:$0x7000] =	vst v63  }
0x7bd: {  	s19 =	sadd.s32 $0x10, s29;
	s16 =	sld [smem:$0x791]  }
0x7be: {  	[hbm4b:s19+s2] =	stream.linear.scatter [tilespmem:s18], [sflag:$0x2], $0x80, $0x38;
	[tilespmem:$0x7000] =	vst v63  }
0x7bf: {  	s21 =	sadd.s32 $0x20, s29;
	s18 =	sld [smem:$0x792]  }
0x7c0: {  	[hbm4b:s21+s2] =	stream.linear.scatter [tilespmem:s20], [sflag:$0x2], $0x80, $0x38;
	[tilespmem:$0x7000] =	vst v63  }
0x7c1: {  	s25 =	sadd.s32 $0x30, s29;
	s19 =	sld [smem:$0x793]  }
0x7c2: {  	[hbm4b:s25+s2] =	stream.linear.scatter [tilespmem:s22], [sflag:$0x2], $0x80, $0x38;
	[tilespmem:$0x7000] =	vst v63  }
0x7c3: {  	s6 =	sadd.s32 $0x20, s24;
	s21 =	sld [smem:$0x794]  }
0x7c4: {  	[hbm4b:s24+s2] =	stream.linear.scatter [tilespmem:s26], [sflag:$0x2], $0x80, $0x38;
	[tilespmem:$0x7000] =	vst v63  }
0x7c5: {  	s8 =	sadd.s32 $0x30, s24;
	s29 =	sadd.s32 $0x10, s24;
	s24 =	sld [smem:$0x795]  }
0x7c6: {  	s26 =	sld [smem:$0x796]  }
0x7c7: {  	[hbm4b:s29+s2] =	stream.linear.scatter [tilespmem:s28], [sflag:$0x2], $0x80, $0x38;
	[tilespmem:$0x7000] =	vst v63  }
0x7c8: {  	s28 =	sld [smem:$0x797]  }
0x7c9: {  	[hbm4b:s6+s2] =	stream.linear.scatter [tilespmem:s30], [sflag:$0x2], $0x80, $0x38;
	[tilespmem:$0x7000] =	vst v63  }
0x7ca: {  	s30 =	sld [smem:$0x798]  }
0x7cb: {  	[hbm4b:s8+s2] =	stream.linear.scatter [tilespmem:s7], [sflag:$0x2], $0x80, $0x38;
	[tilespmem:$0x7000] =	vst v63  }
0x7cc: {  	s7 =	sld [smem:$0x79A]  }
0x7cd: {  	s13 =	sadd.s32 $0x10, s5;
	s8 =	sld [smem:$0x79B]  }
0x7ce: {  	[hbm4b:s5+s2] =	stream.linear.scatter [tilespmem:s9], [sflag:$0x2], $0x80, $0x38;
	[tilespmem:$0x7000] =	vst v63  }
0x7cf: {  	s15 =	sadd.s32 $0x20, s5;
	s17 =	sadd.s32 $0x30, s5;
	s5 =	sld [smem:$0x799]  }
0x7d0: {  	[hbm4b:s13+s2] =	stream.linear.scatter [tilespmem:s10], [sflag:$0x2], $0x80, $0x38;
	[tilespmem:$0x7000] =	vst v63  }
0x7d1: {  	s10 =	sld [smem:$0x79C]  }
0x7d2: {  	s13 =	sld [smem:$0x79D]  }
0x7d3: {  	[hbm4b:s15+s2] =	stream.linear.scatter [tilespmem:s14], [sflag:$0x2], $0x80, $0x38;
	[tilespmem:$0x7000] =	vst v63  }
0x7d4: {  	s15 =	sld [smem:$0x79E]  }
0x7d5: {  	[hbm4b:s17+s2] =	stream.linear.scatter [tilespmem:s16], [sflag:$0x2], $0x80, $0x38;
	[tilespmem:$0x7000] =	vst v63  }
0x7d6: {  	s16 =	sld [smem:$0x79F]  }
0x7d7: {  	[hbm4b:s12+s2] =	stream.linear.scatter [tilespmem:s18], [sflag:$0x2], $0x80, $0x38;
	[tilespmem:$0x7000] =	vst v63  }
0x7d8: {  	s20 =	sadd.s32 $0x10, s12;
	s18 =	sld [smem:$0x7A0]  }
0x7d9: {  	[hbm4b:s20+s2] =	stream.linear.scatter [tilespmem:s19], [sflag:$0x2], $0x80, $0x38;
	[tilespmem:$0x7000] =	vst v63  }
0x7da: {  	s22 =	sadd.s32 $0x20, s12;
	s20 =	sld [smem:$0x7A1]  }
0x7db: {  	[hbm4b:s22+s2] =	stream.linear.scatter [tilespmem:s21], [sflag:$0x2], $0x80, $0x38;
	[tilespmem:$0x7000] =	vst v63  }
0x7dc: {  	s25 =	sadd.s32 $0x30, s12;
	s22 =	sld [smem:$0x7A2]  }
0x7dd: {  	[hbm4b:s25+s2] =	stream.linear.scatter [tilespmem:s24], [sflag:$0x2], $0x80, $0x38;
	[tilespmem:$0x7000] =	vst v63  }
0x7de: {  	s24 =	sld [smem:$0x7F9]  }
0x7df: {  	[hbm4b:s31+s2] =	stream.linear.scatter [tilespmem:s26], [sflag:$0x2], $0x80, $0x38;
	[tilespmem:$0x7000] =	vst v63  }
0x7e0: {  	s29 =	sadd.s32 $0x10, s31;
	s26 =	sld [smem:$0x7A4]  }
0x7e1: {  	[hbm4b:s29+s2] =	stream.linear.scatter [tilespmem:s28], [sflag:$0x2], $0x80, $0x38;
	[tilespmem:$0x7000] =	vst v63  }
0x7e2: {  	s1 =	sadd.s32 $0x20, s31;
	s6 =	sadd.s32 $0x30, s31;
	s31 =	sld [smem:$0x7A6]  }
0x7e3: {  	[hbm4b:s1+s2] =	stream.linear.scatter [tilespmem:s30], [sflag:$0x2], $0x80, $0x38;
	[tilespmem:$0x7000] =	vst v63  }
0x7e4: {  	s29 =	sld [smem:$0x7A5]  }
0x7e5: {  	[hbm4b:s6+s2] =	stream.linear.scatter [tilespmem:s5], [sflag:$0x2], $0x80, $0x38;
	[tilespmem:$0x7000] =	vst v63  }
0x7e6: {  	s5 =	sld [smem:$0x7A7]  }
0x7e7: {  	s9 =	sadd.s32 $0x10, s23;
	s6 =	sld [smem:$0x7F7]  }
0x7e8: {  	[hbm4b:s23+s2] =	stream.linear.scatter [tilespmem:s7], [sflag:$0x2], $0x80, $0x38;
	[tilespmem:$0x7000] =	vst v63  }
0x7e9: {  	s14 =	sadd.s32 $0x30, s23;
	s12 =	sadd.s32 $0x20, s23;
	s23 =	sld [smem:$0x7A3]  }
0x7ea: {  	[hbm4b:s9+s2] =	stream.linear.scatter [tilespmem:s8], [sflag:$0x2], $0x80, $0x38;
	[tilespmem:$0x7000] =	vst v63  }
0x7eb: {  	s8 =	sld [smem:$0x7A8]  }
0x7ec: {  	[hbm4b:s12+s2] =	stream.linear.scatter [tilespmem:s10], [sflag:$0x2], $0x80, $0x38;
	[tilespmem:$0x7000] =	vst v63  }
0x7ed: {  	s10 =	sld [smem:$0x7A9]  }
0x7ee: {  	s12 =	sld [smem:$0x7AA]  }
0x7ef: {  	[hbm4b:s14+s2] =	stream.linear.scatter [tilespmem:s13], [sflag:$0x2], $0x80, $0x38;
	[tilespmem:$0x7000] =	vst v63  }
0x7f0: {  	s13 =	sld [smem:$0x7AB]  }
0x7f1: {  	[hbm4b:s11+s2] =	stream.linear.scatter [tilespmem:s15], [sflag:$0x2], $0x80, $0x38;
	[tilespmem:$0x7000] =	vst v63  }
0x7f2: {  	s17 =	sadd.s32 $0x10, s11;
	s14 =	sld [smem:$0x7EF]  }
0x7f3: {  	[hbm4b:s17+s2] =	stream.linear.scatter [tilespmem:s16], [sflag:$0x2], $0x80, $0x38;
	[tilespmem:$0x7000] =	vst v63  }
0x7f4: {  	s19 =	sadd.s32 $0x20, s11;
	s16 =	sld [smem:$0x7AC]  }
0x7f5: {  	[hbm4b:s19+s2] =	stream.linear.scatter [tilespmem:s18], [sflag:$0x2], $0x80, $0x38;
	[tilespmem:$0x7000] =	vst v63  }
0x7f6: {  	s21 =	sadd.s32 $0x30, s11;
	s18 =	sld [smem:$0x7AD]  }
0x7f7: {  	[hbm4b:s21+s2] =	stream.linear.scatter [tilespmem:s20], [sflag:$0x2], $0x80, $0x38;
	[tilespmem:$0x7000] =	vst v63  }
0x7f8: {  	s20 =	sld [smem:$0x7AE]  }
0x7f9: {  	[hbm4b:s24+s2] =	stream.linear.scatter [tilespmem:s22], [sflag:$0x2], $0x80, $0x38;
	[tilespmem:$0x7000] =	vst v63  }
0x7fa: {  	s25 =	sadd.s32 $0x10, s24;
	s21 =	sld [smem:$0x7AF]  }
0x7fb: {  	[hbm4b:s25+s2] =	stream.linear.scatter [tilespmem:s23], [sflag:$0x2], $0x80, $0x38;
	[tilespmem:$0x7000] =	vst v63  }
0x7fc: {  	s28 =	sadd.s32 $0x20, s24;
	s22 =	sld [smem:$0x7F8]  }
0x7fd: {  	[hbm4b:s28+s2] =	stream.linear.scatter [tilespmem:s26], [sflag:$0x2], $0x80, $0x38;
	[tilespmem:$0x7000] =	vst v63  }
0x7fe: {  	s30 =	sadd.s32 $0x30, s24;
	s24 =	sld [smem:$0x7B0]  }
0x7ff: {  	[hbm4b:s30+s2] =	stream.linear.scatter [tilespmem:s29], [sflag:$0x2], $0x80, $0x38;
	[tilespmem:$0x7000] =	vst v63  }
0x800: {  	s26 =	sld [smem:$0x7B1]  }
0x801: {  	[hbm4b:s6+s2] =	stream.linear.scatter [tilespmem:s31], [sflag:$0x2], $0x80, $0x38;
	[tilespmem:$0x7000] =	vst v63  }
0x802: {  	s7 =	sadd.s32 $0x10, s6;
	s29 =	sld [smem:$0x7B2]  }
0x803: {  	[hbm4b:s7+s2] =	stream.linear.scatter [tilespmem:s5], [sflag:$0x2], $0x80, $0x38;
	[tilespmem:$0x7000] =	vst v63  }
0x804: {  	s9 =	sadd.s32 $0x20, s6;
	s30 =	sld [smem:$0x7B3]  }
0x805: {  	[hbm4b:s9+s2] =	stream.linear.scatter [tilespmem:s8], [sflag:$0x2], $0x80, $0x38;
	[tilespmem:$0x7000] =	vst v63  }
0x806: {  	s11 =	sadd.s32 $0x30, s6;
	s31 =	sld [smem:$0x7FB]  }
0x807: {  	[hbm4b:s11+s2] =	stream.linear.scatter [tilespmem:s10], [sflag:$0x2], $0x80, $0x38;
	[tilespmem:$0x7000] =	vst v63  }
0x808: {  	s6 =	sld [smem:$0x7B4]  }
0x809: {  	[hbm4b:s14+s2] =	stream.linear.scatter [tilespmem:s12], [sflag:$0x2], $0x80, $0x38;
	[tilespmem:$0x7000] =	vst v63  }
0x80a: {  	s15 =	sadd.s32 $0x10, s14;
	s8 =	sld [smem:$0x7B5]  }
0x80b: {  	[hbm4b:s15+s2] =	stream.linear.scatter [tilespmem:s13], [sflag:$0x2], $0x80, $0x38;
	[tilespmem:$0x7000] =	vst v63  }
0x80c: {  	s17 =	sadd.s32 $0x20, s14;
	s10 =	sld [smem:$0x7B6]  }
0x80d: {  	[hbm4b:s17+s2] =	stream.linear.scatter [tilespmem:s16], [sflag:$0x2], $0x80, $0x38;
	[tilespmem:$0x7000] =	vst v63  }
0x80e: {  	s19 =	sadd.s32 $0x30, s14;
	s11 =	sld [smem:$0x7B7]  }
0x80f: {  	[hbm4b:s19+s2] =	stream.linear.scatter [tilespmem:s18], [sflag:$0x2], $0x80, $0x38;
	[tilespmem:$0x7000] =	vst v63  }
0x810: {  	s12 =	sld [smem:$0x7F0]  }
0x811: {  	[hbm4b:s22+s2] =	stream.linear.scatter [tilespmem:s20], [sflag:$0x2], $0x80, $0x38;
	[tilespmem:$0x7000] =	vst v63  }
0x812: {  	s23 =	sadd.s32 $0x10, s22;
	s14 =	sld [smem:$0x7B8]  }
0x813: {  	[hbm4b:s23+s2] =	stream.linear.scatter [tilespmem:s21], [sflag:$0x2], $0x80, $0x38;
	[tilespmem:$0x7000] =	vst v63  }
0x814: {  	s25 =	sadd.s32 $0x20, s22;
	s16 =	sld [smem:$0x7B9]  }
0x815: {  	[hbm4b:s25+s2] =	stream.linear.scatter [tilespmem:s24], [sflag:$0x2], $0x80, $0x38;
	[tilespmem:$0x7000] =	vst v63  }
0x816: {  	s28 =	sadd.s32 $0x30, s22;
	s18 =	sld [smem:$0x7BA]  }
0x817: {  	[hbm4b:s28+s2] =	stream.linear.scatter [tilespmem:s26], [sflag:$0x2], $0x80, $0x38;
	[tilespmem:$0x7000] =	vst v63  }
0x818: {  	s19 =	sld [smem:$0x7BB]  }
0x819: {  	[hbm4b:s31+s2] =	stream.linear.scatter [tilespmem:s29], [sflag:$0x2], $0x80, $0x38;
	[tilespmem:$0x7000] =	vst v63  }
0x81a: {  	s4 =	sadd.s32 $0x10, s31;
	s20 =	sld [smem:$0x7FC]  }
0x81b: {  	[hbm4b:s4+s2] =	stream.linear.scatter [tilespmem:s30], [sflag:$0x2], $0x80, $0x38;
	[tilespmem:$0x7000] =	vst v63  }
0x81c: {  	s7 =	sadd.s32 $0x20, s31;
	s22 =	sld [smem:$0x7BC]  }
0x81d: {  	[hbm4b:s7+s2] =	stream.linear.scatter [tilespmem:s6], [sflag:$0x2], $0x80, $0x38;
	[tilespmem:$0x7000] =	vst v63  }
0x81e: {  	s9 =	sadd.s32 $0x30, s31;
	s24 =	sld [smem:$0x7BD]  }
0x81f: {  	[hbm4b:s9+s2] =	stream.linear.scatter [tilespmem:s8], [sflag:$0x2], $0x80, $0x38;
	[tilespmem:$0x7000] =	vst v63  }
0x820: {  	s26 =	sld [smem:$0x7BE]  }
0x821: {  	[hbm4b:s12+s2] =	stream.linear.scatter [tilespmem:s10], [sflag:$0x2], $0x80, $0x38;
	[tilespmem:$0x7000] =	vst v63  }
0x822: {  	s13 =	sadd.s32 $0x10, s12;
	s28 =	sld [smem:$0x7BF]  }
0x823: {  	[hbm4b:s13+s2] =	stream.linear.scatter [tilespmem:s11], [sflag:$0x2], $0x80, $0x38;
	[tilespmem:$0x7000] =	vst v63  }
0x824: {  	s15 =	sadd.s32 $0x20, s12;
	s29 =	sld [smem:$0x7FA]  }
0x825: {  	[hbm4b:s15+s2] =	stream.linear.scatter [tilespmem:s14], [sflag:$0x2], $0x80, $0x38;
	[tilespmem:$0x7000] =	vst v63  }
0x826: {  	s17 =	sadd.s32 $0x30, s12;
	s31 =	sld [smem:$0x7C0]  }
0x827: {  	[hbm4b:s17+s2] =	stream.linear.scatter [tilespmem:s16], [sflag:$0x2], $0x80, $0x38;
	[tilespmem:$0x7000] =	vst v63  }
0x828: {  	s6 =	sld [smem:$0x7C1]  }
0x829: {  	[hbm4b:s20+s2] =	stream.linear.scatter [tilespmem:s18], [sflag:$0x2], $0x80, $0x38;
	[tilespmem:$0x7000] =	vst v63  }
0x82a: {  	s21 =	sadd.s32 $0x10, s20;
	s8 =	sld [smem:$0x7C2]  }
0x82b: {  	[hbm4b:s21+s2] =	stream.linear.scatter [tilespmem:s19], [sflag:$0x2], $0x80, $0x38;
	[tilespmem:$0x7000] =	vst v63  }
0x82c: {  	s23 =	sadd.s32 $0x20, s20;
	s9 =	sld [smem:$0x7C3]  }
0x82d: {  	[hbm4b:s23+s2] =	stream.linear.scatter [tilespmem:s22], [sflag:$0x2], $0x80, $0x38;
	[tilespmem:$0x7000] =	vst v63  }
0x82e: {  	s25 =	sadd.s32 $0x30, s20;
	s10 =	sld [smem:$0x7F1]  }
0x82f: {  	[hbm4b:s25+s2] =	stream.linear.scatter [tilespmem:s24], [sflag:$0x2], $0x80, $0x38;
	[tilespmem:$0x7000] =	vst v63  }
0x830: {  	s12 =	sld [smem:$0x7C4]  }
0x831: {  	[hbm4b:s29+s2] =	stream.linear.scatter [tilespmem:s26], [sflag:$0x2], $0x80, $0x38;
	[tilespmem:$0x7000] =	vst v63  }
0x832: {  	s30 =	sadd.s32 $0x10, s29;
	s14 =	sld [smem:$0x7C5]  }
0x833: {  	[hbm4b:s30+s2] =	stream.linear.scatter [tilespmem:s28], [sflag:$0x2], $0x80, $0x38;
	[tilespmem:$0x7000] =	vst v63  }
0x834: {  	s1 =	sadd.s32 $0x20, s29;
	s16 =	sld [smem:$0x7C6]  }
0x835: {  	[hbm4b:s1+s2] =	stream.linear.scatter [tilespmem:s31], [sflag:$0x2], $0x80, $0x38;
	[tilespmem:$0x7000] =	vst v63  }
0x836: {  	s7 =	sadd.s32 $0x30, s29;
	s17 =	sld [smem:$0x7C7]  }
0x837: {  	[hbm4b:s7+s2] =	stream.linear.scatter [tilespmem:s6], [sflag:$0x2], $0x80, $0x38;
	[tilespmem:$0x7000] =	vst v63  }
0x838: {  	s18 =	sld [smem:$0x7F2]  }
0x839: {  	[hbm4b:s10+s2] =	stream.linear.scatter [tilespmem:s8], [sflag:$0x2], $0x80, $0x38;
	[tilespmem:$0x7000] =	vst v63  }
0x83a: {  	s11 =	sadd.s32 $0x10, s10;
	s20 =	sld [smem:$0x7C8]  }
0x83b: {  	[hbm4b:s11+s2] =	stream.linear.scatter [tilespmem:s9], [sflag:$0x2], $0x80, $0x38;
	[tilespmem:$0x7000] =	vst v63  }
0x83c: {  	s13 =	sadd.s32 $0x20, s10;
	s22 =	sld [smem:$0x7C9]  }
0x83d: {  	[hbm4b:s13+s2] =	stream.linear.scatter [tilespmem:s12], [sflag:$0x2], $0x80, $0x38;
	[tilespmem:$0x7000] =	vst v63  }
0x83e: {  	s15 =	sadd.s32 $0x30, s10;
	s24 =	sld [smem:$0x7CA]  }
0x83f: {  	[hbm4b:s15+s2] =	stream.linear.scatter [tilespmem:s14], [sflag:$0x2], $0x80, $0x38;
	[tilespmem:$0x7000] =	vst v63  }
0x840: {  	s25 =	sld [smem:$0x7CB]  }
0x841: {  	[hbm4b:s18+s2] =	stream.linear.scatter [tilespmem:s16], [sflag:$0x2], $0x80, $0x38;
	[tilespmem:$0x7000] =	vst v63  }
0x842: {  	s19 =	sadd.s32 $0x10, s18;
	s26 =	sld [smem:$0x7F3]  }
0x843: {  	[hbm4b:s19+s2] =	stream.linear.scatter [tilespmem:s17], [sflag:$0x2], $0x80, $0x38;
	[tilespmem:$0x7000] =	vst v63  }
0x844: {  	s21 =	sadd.s32 $0x20, s18;
	s29 =	sld [smem:$0x7CC]  }
0x845: {  	[hbm4b:s21+s2] =	stream.linear.scatter [tilespmem:s20], [sflag:$0x2], $0x80, $0x38;
	[tilespmem:$0x7000] =	vst v63  }
0x846: {  	s23 =	sadd.s32 $0x30, s18;
	s31 =	sld [smem:$0x7CD]  }
0x847: {  	[hbm4b:s23+s2] =	stream.linear.scatter [tilespmem:s22], [sflag:$0x2], $0x80, $0x38;
	[tilespmem:$0x7000] =	vst v63  }
0x848: {  	s6 =	sld [smem:$0x7CF]  }
0x849: {  	[hbm4b:s26+s2] =	stream.linear.scatter [tilespmem:s24], [sflag:$0x2], $0x80, $0x38;
	[tilespmem:$0x7000] =	vst v63  }
0x84a: {  	s28 =	sadd.s32 $0x10, s26;
	s7 =	sld [smem:$0x7D1]  }
0x84b: {  	[hbm4b:s28+s2] =	stream.linear.scatter [tilespmem:s25], [sflag:$0x2], $0x80, $0x38;
	[tilespmem:$0x7000] =	vst v63  }
0x84c: {  	s30 =	sadd.s32 $0x20, s26;
	s8 =	sld [smem:$0x7F4]  }
0x84d: {  	[hbm4b:s30+s2] =	stream.linear.scatter [tilespmem:s29], [sflag:$0x2], $0x80, $0x38;
	[tilespmem:$0x7000] =	vst v63  }
0x84e: {  	s5 =	sadd.s32 $0x30, s26;
	s10 =	sld [smem:$0x7D3]  }
0x84f: {  	[hbm4b:s5+s2] =	stream.linear.scatter [tilespmem:s31], [sflag:$0x2], $0x80, $0x38;
	[tilespmem:$0x7000] =	vst v63  }
0x850: {  	s12 =	sld [smem:$0x7D5]  }
0x851: {  	[hbm4b:s8+s2] =	stream.linear.scatter [tilespmem:s6], [sflag:$0x2], $0x80, $0x38;
	[tilespmem:$0x7000] =	vst v63  }
0x852: {  	s9 =	sadd.s32 $0x10, s8;
	s14 =	sld [smem:$0x7D7]  }
0x853: {  	[hbm4b:s9+s2] =	stream.linear.scatter [tilespmem:s7], [sflag:$0x2], $0x80, $0x38;
	[tilespmem:$0x7000] =	vst v63  }
0x854: {  	s11 =	sadd.s32 $0x20, s8;
	s15 =	sld [smem:$0x7D9]  }
0x855: {  	[hbm4b:s11+s2] =	stream.linear.scatter [tilespmem:s10], [sflag:$0x2], $0x80, $0x38;
	[tilespmem:$0x7000] =	vst v63  }
0x856: {  	s13 =	sadd.s32 $0x30, s8;
	s16 =	sld [smem:$0x7F5]  }
0x857: {  	[hbm4b:s13+s2] =	stream.linear.scatter [tilespmem:s12], [sflag:$0x2], $0x80, $0x38;
	[tilespmem:$0x7000] =	vst v63  }
0x858: {  	s18 =	sld [smem:$0x7DB]  }
0x859: {  	[hbm4b:s16+s2] =	stream.linear.scatter [tilespmem:s14], [sflag:$0x2], $0x80, $0x38;
	[tilespmem:$0x7000] =	vst v63  }
0x85a: {  	s17 =	sadd.s32 $0x10, s16;
	s20 =	sld [smem:$0x7DD]  }
0x85b: {  	[hbm4b:s17+s2] =	stream.linear.scatter [tilespmem:s15], [sflag:$0x2], $0x80, $0x38;
	[tilespmem:$0x7000] =	vst v63  }
0x85c: {  	s19 =	sadd.s32 $0x20, s16;
	s22 =	sld [smem:$0x7DF]  }
0x85d: {  	[hbm4b:s19+s2] =	stream.linear.scatter [tilespmem:s18], [sflag:$0x2], $0x80, $0x38;
	[tilespmem:$0x7000] =	vst v63  }
0x85e: {  	s21 =	sadd.s32 $0x30, s16;
	s24 =	sld [smem:$0x7F6]  }
0x85f: {  	[hbm4b:s21+s2] =	stream.linear.scatter [tilespmem:s20], [sflag:$0x2], $0x80, $0x38;
	[tilespmem:$0x7000] =	vst v63  }
0x860: {  	s23 =	sld [smem:$0x7E1]  }
0x861: {  	[hbm4b:s24+s2] =	stream.linear.scatter [tilespmem:s22], [sflag:$0x2], $0x80, $0x38;
	[tilespmem:$0x7000] =	vst v63  }
0x862: {  	s26 =	sld [smem:$0x7E3];
	s25 =	sadd.s32 $0x10, s24  }
0x863: {  	[hbm4b:s25+s2] =	stream.linear.scatter [tilespmem:s23], [sflag:$0x2], $0x80, $0x38;
	[tilespmem:$0x7000] =	vst v63  }
0x864: {  	s28 =	sadd.s32 $0x20, s24;
	s29 =	sld [smem:$0x7E5]  }
0x865: {  	[hbm4b:s28+s2] =	stream.linear.scatter [tilespmem:s26], [sflag:$0x2], $0x80, $0x38;
	[tilespmem:$0x7000] =	vst v63  }
0x866: {  	s30 =	sadd.s32 $0x30, s24  }
0x867: {  	[hbm4b:s30+s2] =	stream.linear.scatter [tilespmem:s29], [sflag:$0x2], $0x80, $0x38;
	[tilespmem:$0x7000] =	vst v63  }
0x868: {  	_ =	swait.ge [sflag:s3], $0x200  }
0x869: {  	[sflag:s3] =	ssyncset.done $0x0  }
0x86a: {  	[sflag:s3] =	ssyncadd.s32 $0xFFFFFE00  }
0x86b: {  	_ =	swait.ge [sflag:s3], $0x200  }
0x86c: {  	[sflag:s3] =	ssyncset.done $0x0  }
0x86d: {  	[sflag:s3] =	ssyncadd.s32 $0xFFFFFE00  }
0x86e: {  	_ =	swait.ge [sflag:s3], $0x200  }
0x86f: {  	[sflag:s3] =	ssyncset.done $0x0  }
0x870: {  	[sflag:s3] =	ssyncadd.s32 $0xFFFFFE00  }
0x871: {  	_ =	swait.ge [sflag:s3], $0x200  }
0x872: {  	[sflag:s3] =	ssyncset.done $0x0  }
0x873: {  	[sflag:s3] =	ssyncadd.s32 $0xFFFFFE00  }
0x874: {  	_ =	swait.ge [sflag:s3], $0x200  }
0x875: {  	[sflag:s3] =	ssyncset.done $0x0  }
0x876: {  	[sflag:s3] =	ssyncadd.s32 $0xFFFFFE00  }
0x877: {  	_ =	swait.ge [sflag:s3], $0x200  }
0x878: {  	[sflag:s3] =	ssyncset.done $0x0  }
0x879: {  	[sflag:s3] =	ssyncadd.s32 $0xFFFFFE00  }
0x87a: {  	_ =	swait.ge [sflag:s3], $0x200  }
0x87b: {  	[sflag:s3] =	ssyncset.done $0x0  }
0x87c: {  	[sflag:s3] =	ssyncadd.s32 $0xFFFFFE00  }
0x87d: {  	_ =	swait.ge [sflag:s3], $0x200  }
0x87e: {  	[sflag:s3] =	ssyncset.done $0x0  }
0x87f: {  	[sflag:s3] =	ssyncadd.s32 $0xFFFFFE00  }
0x880: {  	_ =	swait.ge [sflag:s3], $0x200  }
0x881: {  	[sflag:s3] =	ssyncset.done $0x0  }
0x882: {  	[sflag:s3] =	ssyncadd.s32 $0xFFFFFE00  }
0x883: {  	_ =	swait.ge [sflag:s3], $0x200  }
0x884: {  	[sflag:s3] =	ssyncset.done $0x0  }
0x885: {  	[sflag:s3] =	ssyncadd.s32 $0xFFFFFE00  }
0x886: {  	_ =	swait.ge [sflag:s3], $0x200  }
0x887: {  	[sflag:s3] =	ssyncset.done $0x0  }
0x888: {  	[sflag:s3] =	ssyncadd.s32 $0xFFFFFE00  }
0x889: {  	_ =	swait.ge [sflag:s3], $0x200  }
0x88a: {  	[sflag:s3] =	ssyncset.done $0x0  }
0x88b: {  	[sflag:s3] =	ssyncadd.s32 $0xFFFFFE00  }
0x88c: {  	_ =	swait.ge [sflag:s3], $0x200  }
0x88d: {  	[sflag:s3] =	ssyncset.done $0x0  }
0x88e: {  	[sflag:s3] =	ssyncadd.s32 $0xFFFFFE00  }
0x88f: {  	_ =	swait.ge [sflag:s3], $0x200  }
0x890: {  	[sflag:s3] =	ssyncset.done $0x0  }
0x891: {  	[sflag:s3] =	ssyncadd.s32 $0xFFFFFE00  }
0x892: {  	_ =	swait.ge [sflag:s3], $0x200  }
0x893: {  	[sflag:s3] =	ssyncset.done $0x0  }
0x894: {  	[sflag:s3] =	ssyncadd.s32 $0xFFFFFE00  }
0x895: {  	_ =	swait.ge [sflag:s3], $0x200  }
0x896: {  	[sflag:s3] =	ssyncset.done $0x0  }
0x897: {  	[sflag:s3] =	ssyncadd.s32 $0xFFFFFE00  }
0x898: {  	_ =	swait.ge [sflag:s3], $0x200  }
0x899: {  	[sflag:s3] =	ssyncset.done $0x0  }
0x89a: {  	[sflag:s3] =	ssyncadd.s32 $0xFFFFFE00  }
0x89b: {  	_ =	swait.ge [sflag:s3], $0x200  }
0x89c: {  	[sflag:s3] =	ssyncset.done $0x0  }
0x89d: {  	[sflag:s3] =	ssyncadd.s32 $0xFFFFFE00  }
0x89e: {  	_ =	swait.ge [sflag:s3], $0x200  }
0x89f: {  	[sflag:s3] =	ssyncset.done $0x0  }
0x8a0: {  	[sflag:s3] =	ssyncadd.s32 $0xFFFFFE00  }
0x8a1: {  	_ =	swait.ge [sflag:s3], $0x200  }
0x8a2: {  	[sflag:s3] =	ssyncset.done $0x0  }
0x8a3: {  	[sflag:s3] =	ssyncadd.s32 $0xFFFFFE00  }
0x8a4: {  	_ =	swait.ge [sflag:s3], $0x200  }
0x8a5: {  	[sflag:s3] =	ssyncset.done $0x0  }
0x8a6: {  	[sflag:s3] =	ssyncadd.s32 $0xFFFFFE00  }
0x8a7: {  	_ =	swait.ge [sflag:s3], $0x200  }
0x8a8: {  	[sflag:s3] =	ssyncset.done $0x0  }
0x8a9: {  	[sflag:s3] =	ssyncadd.s32 $0xFFFFFE00  }
0x8aa: {  	_ =	swait.ge [sflag:s3], $0x200  }
0x8ab: {  	[sflag:s3] =	ssyncset.done $0x0  }
0x8ac: {  	[sflag:s3] =	ssyncadd.s32 $0xFFFFFE00  }
0x8ad: {  	_ =	swait.ge [sflag:s3], $0x200  }
0x8ae: {  	[sflag:s3] =	ssyncset.done $0x0  }
0x8af: {  	[sflag:s3] =	ssyncadd.s32 $0xFFFFFE00  }
0x8b0: {  	_ =	swait.ge [sflag:s3], $0x200  }
0x8b1: {  	[sflag:s3] =	ssyncset.done $0x0  }
0x8b2: {  	[sflag:s3] =	ssyncadd.s32 $0xFFFFFE00  }
0x8b3: {  	_ =	swait.ge [sflag:s3], $0x200  }
0x8b4: {  	[sflag:s3] =	ssyncset.done $0x0  }
0x8b5: {  	[sflag:s3] =	ssyncadd.s32 $0xFFFFFE00  }
0x8b6: {  	_ =	swait.ge [sflag:s3], $0x200  }
0x8b7: {  	[sflag:s3] =	ssyncset.done $0x0  }
0x8b8: {  	[sflag:s3] =	ssyncadd.s32 $0xFFFFFE00  }
0x8b9: {  	_ =	swait.ge [sflag:s3], $0x200  }
0x8ba: {  	[sflag:s3] =	ssyncset.done $0x0  }
0x8bb: {  	[sflag:s3] =	ssyncadd.s32 $0xFFFFFE00  }
0x8bc: {  	_ =	swait.ge [sflag:s3], $0x200  }
0x8bd: {  	[sflag:s3] =	ssyncset.done $0x0  }
0x8be: {  	[sflag:s3] =	ssyncadd.s32 $0xFFFFFE00  }
0x8bf: {  	_ =	swait.ge [sflag:s3], $0x200  }
0x8c0: {  	[sflag:s3] =	ssyncset.done $0x0  }
0x8c1: {  	[sflag:s3] =	ssyncadd.s32 $0xFFFFFE00  }
0x8c2: {  	_ =	swait.ge [sflag:s3], $0x200  }
0x8c3: {  	[sflag:s3] =	ssyncset.done $0x0  }
0x8c4: {  	[sflag:s3] =	ssyncadd.s32 $0xFFFFFE00  }
0x8c5: {  	_ =	swait.ge [sflag:s3], $0x200  }
0x8c6: {  	[sflag:s3] =	ssyncset.done $0x0  }
0x8c7: {  	[sflag:s3] =	ssyncadd.s32 $0xFFFFFE00  }
0x8c8: {  	_ =	swait.ge [sflag:s3], $0x200  }
0x8c9: {  	[sflag:s3] =	ssyncset.done $0x0  }
0x8ca: {  	[sflag:s3] =	ssyncadd.s32 $0xFFFFFE00  }
0x8cb: {  	_ =	swait.ge [sflag:s3], $0x200  }
0x8cc: {  	[sflag:s3] =	ssyncset.done $0x0  }
0x8cd: {  	[sflag:s3] =	ssyncadd.s32 $0xFFFFFE00  }
0x8ce: {  	_ =	swait.ge [sflag:s3], $0x200  }
0x8cf: {  	[sflag:s3] =	ssyncset.done $0x0  }
0x8d0: {  	[sflag:s3] =	ssyncadd.s32 $0xFFFFFE00  }
0x8d1: {  	_ =	swait.ge [sflag:s3], $0x200  }
0x8d2: {  	[sflag:s3] =	ssyncset.done $0x0  }
0x8d3: {  	[sflag:s3] =	ssyncadd.s32 $0xFFFFFE00  }
0x8d4: {  	_ =	swait.ge [sflag:s3], $0x200  }
0x8d5: {  	[sflag:s3] =	ssyncset.done $0x0  }
0x8d6: {  	[sflag:s3] =	ssyncadd.s32 $0xFFFFFE00  }
0x8d7: {  	_ =	swait.ge [sflag:s3], $0x200  }
0x8d8: {  	[sflag:s3] =	ssyncset.done $0x0  }
0x8d9: {  	[sflag:s3] =	ssyncadd.s32 $0xFFFFFE00  }
0x8da: {  	_ =	swait.ge [sflag:s3], $0x200  }
0x8db: {  	[sflag:s3] =	ssyncset.done $0x0  }
0x8dc: {  	[sflag:s3] =	ssyncadd.s32 $0xFFFFFE00  }
0x8dd: {  	_ =	swait.ge [sflag:s3], $0x200  }
0x8de: {  	[sflag:s3] =	ssyncset.done $0x0  }
0x8df: {  	[sflag:s3] =	ssyncadd.s32 $0xFFFFFE00  }
0x8e0: {  	_ =	swait.ge [sflag:s3], $0x200  }
0x8e1: {  	[sflag:s3] =	ssyncset.done $0x0  }
0x8e2: {  	[sflag:s3] =	ssyncadd.s32 $0xFFFFFE00  }
0x8e3: {  	_ =	swait.ge [sflag:s3], $0x200  }
0x8e4: {  	[sflag:s3] =	ssyncset.done $0x0  }
0x8e5: {  	[sflag:s3] =	ssyncadd.s32 $0xFFFFFE00  }
0x8e6: {  	_ =	swait.ge [sflag:s3], $0x200  }
0x8e7: {  	[sflag:s3] =	ssyncset.done $0x0  }
0x8e8: {  	[sflag:s3] =	ssyncadd.s32 $0xFFFFFE00  }
0x8e9: {  	_ =	swait.ge [sflag:s3], $0x200  }
0x8ea: {  	[sflag:s3] =	ssyncset.done $0x0  }
0x8eb: {  	[sflag:s3] =	ssyncadd.s32 $0xFFFFFE00  }
0x8ec: {  	_ =	swait.ge [sflag:s3], $0x200  }
0x8ed: {  	[sflag:s3] =	ssyncset.done $0x0  }
0x8ee: {  	[sflag:s3] =	ssyncadd.s32 $0xFFFFFE00  }
0x8ef: {  	_ =	swait.ge [sflag:s3], $0x200  }
0x8f0: {  	[sflag:s3] =	ssyncset.done $0x0  }
0x8f1: {  	[sflag:s3] =	ssyncadd.s32 $0xFFFFFE00  }
0x8f2: {  	_ =	swait.ge [sflag:s3], $0x200  }
0x8f3: {  	[sflag:s3] =	ssyncset.done $0x0  }
0x8f4: {  	[sflag:s3] =	ssyncadd.s32 $0xFFFFFE00  }
0x8f5: {  	_ =	swait.ge [sflag:s3], $0x200  }
0x8f6: {  	[sflag:s3] =	ssyncset.done $0x0  }
0x8f7: {  	[sflag:s3] =	ssyncadd.s32 $0xFFFFFE00  }
0x8f8: {  	_ =	swait.ge [sflag:s3], $0x200  }
0x8f9: {  	[sflag:s3] =	ssyncset.done $0x0  }
0x8fa: {  	[sflag:s3] =	ssyncadd.s32 $0xFFFFFE00  }
0x8fb: {  	_ =	swait.ge [sflag:s3], $0x200  }
0x8fc: {  	[sflag:s3] =	ssyncset.done $0x0  }
0x8fd: {  	[sflag:s3] =	ssyncadd.s32 $0xFFFFFE00  }
0x8fe: {  	_ =	sfence.sel $0x180000  }
0x8ff: {  	[bflag:$0x0] =	sbarrier.arrive $0xFFFF  }
0x900: {  	_ =	strace $0x90000047  }
0x901: {  	s31 =	stileid.u32;
	[bflag:$0x2] =	sbarrier.arrive $0xFFFF  }
0x902: {  	p0 =	sne.s32 s31, $0x0;
	s0 =	rddreg [dreg:$0x2]  }
0x903: {  	s0 =	sadd.s32 @!p0 $0x100000, s0  }
0x904: {  	[sflag:s0] =	ssyncadd.tile.s32 @!p0 $0x1;
	_ =	shalt  }
.LBB2_1:
.Ltmp3:
0x905: {  	s21 =	smov.u32 s19;
	s19 =	smov.u32 s20;
	(pc) =	sbr.rel .LBB2_6-.Ltmp3, $4  }
0x906: {  	s24 =	smov.u32 s15;
	s15 =	smov.u32 s30;
	s20 =	sld [smem:$0x7CE]  }
0x907: {  	s30 =	smov.u32 s25;
	s25 =	smov.u32 s18;
	s18 =	sld [smem:$0x7D0]  }
0x908: {  	s7 =	sld [smem:$0x7D4]  }
0x909: {  	s8 =	smov.u32 s16;
	s29 =	smov.u32 s1;
	s31 =	sld [smem:$0x7EE]  }
.LBB2_3:
0x90a: {  	s11 =	sld [smem:$0x725]  }
.Ltmp4:
0x90b: {  	s23 =	sld [smem:$0x726];
	(pc) =	sbr.rel .LBB2_6-.Ltmp4, $4  }
0x90c: {  	s31 =	sld [smem:$0x7EE]  }
0x90d: {  	s12 =	sld [smem:$0x727]  }
0x90e: {  	s8 =	smov.u32 s17;
	s5 =	sld [smem:$0x728]  }
0x90f: {  	s24 =	sld [smem:$0x729];
	s29 =	smov.u32 s1;
	s7 =	smov.u32 s14  }
.Lfunc_end2:
_tile_overlayer_lowered:
.L_overlay_start_2:
0x910: {  	(tag) =	ssettag $0x2  }
0x911: {  	s0 =	rddreg [dreg:$0x0];
	s2 =	stileid.u32  }
0x912: {  	s1 =	rddreg [dreg:$0x1];
	p0 =	sne.s32 s2, $0x0  }
0x913: {  	s3 =	rddreg [dreg:$0x2];
	[bflag:$0x3] =	sbarrier.arrive $0xFFFF;
	s2 =	simm.s32 @!p0 $0x1C03  }
0x914: {  	[timem:s3], [sflag:s2] =	dma.local @!p0 [hbm:s0], s1  }
0x915: {  	s0 =	simm.s32 @!p0 $0x3  }
0x916: {  	_ =	swait.ge @!p0 [sflag:s0], s1  }
0x917: {  	s1 =	ssub.s32 @!p0 $0x0, s1;
	[sflag:s0] =	ssyncset.done @!p0 $0x0  }
0x918: {  	[sflag:s0] =	ssyncadd.s32 @!p0 s1  }
0x919: {  	[bflag:$0x3] =	sbarrier.arrive $0xFFFF  }
0x91a: {  	_ =	shalt  }

// kernel: kernel.7.cloned.1.call-start
scs
__scs_entry_jumppad:
0x0: {  	(pc) =	sbr.rel $0x88, $3  }
0x1: {  	(tag) =	ssettag $0x0;
	lr =	simm.s32 $0x1  }
0x2: {  	[smem:$0x3F9F] =	sst lr;
	_ =	strace $0xD0000000  }
0x3: {  	_ = 	snop  }
0x4: {  	_ = 	snop  }
0x5: {  	_ = 	snop  }
0x6: {  	_ = 	snop  }
0x7: {  	_ = 	snop  }
__scs_overlays_trampoline_lowered:
0x8: {  	[smem:$0x3FAE] =	sst s0  }
0x9: {  	[smem:$0x3FAF] =	sst s1  }
0xa: {  	[smem:$0x3FB0] =	sst s2  }
0xb: {  	[smem:$0x3FB1] =	sst s3  }
0xc: {  	[smem:$0x3FB2] =	sst s4  }
0xd: {  	[smem:$0x3FB3] =	sst s5  }
0xe: {  	[smem:$0x3FB4] =	sst s6  }
0xf: {  	[smem:$0x3FB5] =	sst s7  }
0x10: {  	[smem:$0x3FB6] =	sst s8  }
0x11: {  	[smem:$0x3FB7] =	sst s9;
	s0 =	simm.s32 @!p0 $0x0  }
0x12: {  	s1 =	sld [smem:$0x3F9D];
	s0 =	simm.s32 @p0 $0x1  }
0x13: {  	[smem:$0x3FB8] =	sst s0;
	s0 =	simm.s32 @!p1 $0x0  }
0x14: {  	s2 =	sld [smem:$0x3F9C];
	s0 =	simm.s32 @p1 $0x1  }
0x15: {  	[smem:$0x3FB9] =	sst s0;
	s0 =	simm.s32 @!p2 $0x0  }
0x16: {  	s3 =	sld [smem:$0x3FDB];
	s0 =	simm.s32 @p2 $0x1  }
0x17: {  	s4 =	simm.s32 $0x1BF5;
	[smem:$0x3FBB] =	sst s0  }
0x18: {  	s0 =	sld [smem:$0x3F9E];
	_ =	swait.ge [sflag:s4], $0x0  }
0x19: {  	s7 =	sld [smem:$0x3F9F]  }
0x1a: {  	s8 =	sadd.s32 $0xFFFFE003, lr  }
0x1b: {  	s9 =	sadd.s32 $0xFFFFFEF7, lr;
	s5 =	simm.s32 $0xFFFFFFFF;
	p2 =	slt.u32 s8, $0xFFFFF086  }
0x1c: {  	p1 =	slt.u32 s9, $0xF7A;
	s5 =	simm.s32 @!p2 $0x0  }
0x1d: {  	s5 =	simm.s32 @p1 $0x1;
	p0 =	seq.s32 s7, s2  }
0x1e: {  	s7 =	smul.u32 @!p0 $0xF7A, s2;
	p2 =	seq.s32 @!p0 s5, $0x0  }
0x1f: {  	s9 =	smul.u32 $0xF7A, s1;
	s8 =	simm.s32 @!p0 $0x1BF5;
	p2 =	por !p2, p0  }
0x20: {  	[sflag:s8] =	ssyncset.s32 @!p0 $0xFFFFF086;
	s6 =	sadd.s32 @!p0 s3, s7;
	s7 =	simm.s32 @!p0 $0x108  }
0x21: {  	s3 =	sadd.s32 s3, s9;
	s6 =	sadd.s32 @!p0 $0x88, s6;
	s7 =	simm.s32 @p2 $0x1082  }
0x22: {  	[simem:s7], [sflag:s8] =	dma.local @!p0 [hbm:s6], $0xF7A  }
0x23: {  	s9 =	sor.u32 $0xD0000000, s2;
	s6 =	simm.s32 $0x108;
	_ =	swait.ge @!p0 [sflag:s8], $0x0  }
0x24: {  	s3 =	sadd.s32 $0x88, s3;
	s6 =	simm.s32 @!p1 $0x1082;
	[sflag:s4] =	ssyncset.s32 $0xFFFFF086  }
0x25: {  	[simem:s6], [sflag:s4] =	dma.local [hbm:s3], $0xF7A  }
0x26: {  	[smem:$0x3F9F] =	sst s1;
	(tag) =	ssettag s2;
	_ =	strace s9  }
0x27: {  	s1 =	sld [smem:$0x3FAF]  }
0x28: {  	s2 =	sld [smem:$0x3FB0]  }
0x29: {  	s4 =	sld [smem:$0x3FB2]  }
0x2a: {  	p0 =	seq.s32 s5, $0x0;
	s5 =	sld [smem:$0x3FB3]  }
0x2b: {  	s6 =	sld [smem:$0x3FB4]  }
0x2c: {  	s7 =	sld [smem:$0x3FB5]  }
0x2d: {  	s3 =	simm.s32 $0x108;
	s8 =	sld [smem:$0x3FB6]  }
0x2e: {  	s3 =	simm.s32 @!p0 $0x1082;
	s9 =	sld [smem:$0x3FB7]  }
0x2f: {  	lr =	sadd.s32 s0, s3;
	s0 =	sld [smem:$0x3FAE]  }
0x30: {  	s3 =	sld [smem:$0x3FB1]  }
0x31: {  	[smem:$0x3FBA] =	sst s10  }
0x32: {  	s10 =	sld [smem:$0x3FB8];
	_ =	sdelay $0x3  }
0x33: {  	p0 =	seq.s32 s10, $0x1;
	s10 =	sld [smem:$0x3FBA];
	_ =	sdelay $0x3  }
0x34: {  	[smem:$0x3FBA] =	sst s10  }
0x35: {  	s10 =	sld [smem:$0x3FB9];
	_ =	sdelay $0x3  }
0x36: {  	p1 =	seq.s32 s10, $0x1;
	s10 =	sld [smem:$0x3FBA];
	_ =	sdelay $0x3  }
0x37: {  	[smem:$0x3FBA] =	sst s10  }
0x38: {  	s10 =	sld [smem:$0x3FBB]  }
0x39: {  	_ = 	snop;
	(pc) =	sbr.ind lr, $3  }
0x3a: {  	_ = 	snop  }
0x3b: {  	_ = 	snop  }
0x3c: {  	p2 =	seq.s32 s10, $0x1;
	s10 =	sld [smem:$0x3FBA]  }
0x3d: {  	_ =	shalt  }
0x3e: {  	_ =	shalt  }
0x3f: {  	_ =	shalt  }
0x40: {  	_ =	shalt  }
0x41: {  	_ =	shalt  }
0x42: {  	_ =	shalt  }
0x43: {  	_ =	shalt  }
0x44: {  	_ =	shalt  }
0x45: {  	_ =	shalt  }
0x46: {  	_ =	shalt  }
0x47: {  	_ =	shalt  }
0x48: {  	_ =	shalt  }
0x49: {  	_ =	shalt  }
0x4a: {  	_ =	shalt  }
0x4b: {  	_ =	shalt  }
0x4c: {  	_ =	shalt  }
0x4d: {  	_ =	shalt  }
0x4e: {  	_ =	shalt  }
0x4f: {  	_ =	shalt  }
0x50: {  	_ =	shalt  }
0x51: {  	_ =	shalt  }
0x52: {  	_ =	shalt  }
0x53: {  	_ =	shalt  }
0x54: {  	_ =	shalt  }
0x55: {  	_ =	shalt  }
0x56: {  	_ =	shalt  }
0x57: {  	_ =	shalt  }
0x58: {  	_ =	shalt  }
0x59: {  	_ =	shalt  }
0x5a: {  	_ =	shalt  }
0x5b: {  	_ =	shalt  }
0x5c: {  	_ =	shalt  }
0x5d: {  	_ =	shalt  }
0x5e: {  	_ =	shalt  }
0x5f: {  	_ =	shalt  }
0x60: {  	_ =	shalt  }
0x61: {  	_ =	shalt  }
0x62: {  	_ =	shalt  }
0x63: {  	_ =	shalt  }
0x64: {  	_ =	shalt  }
0x65: {  	_ =	shalt  }
0x66: {  	_ =	shalt  }
0x67: {  	_ =	shalt  }
0x68: {  	_ =	shalt  }
0x69: {  	_ =	shalt  }
0x6a: {  	_ =	shalt  }
0x6b: {  	_ =	shalt  }
0x6c: {  	_ =	shalt  }
0x6d: {  	_ =	shalt  }
0x6e: {  	_ =	shalt  }
0x6f: {  	_ =	shalt  }
0x70: {  	_ =	shalt  }
0x71: {  	_ =	shalt  }
0x72: {  	_ =	shalt  }
0x73: {  	_ =	shalt  }
0x74: {  	_ =	shalt  }
0x75: {  	_ =	shalt  }
0x76: {  	_ =	shalt  }
0x77: {  	_ =	shalt  }
0x78: {  	_ =	shalt  }
0x79: {  	_ =	shalt  }
0x7a: {  	_ =	shalt  }
0x7b: {  	_ =	shalt  }
0x7c: {  	_ =	shalt  }
0x7d: {  	_ =	shalt  }
0x7e: {  	_ =	shalt  }
0x7f: {  	_ =	shalt  }
0x80: {  	_ =	shalt  }
0x81: {  	_ =	shalt  }
0x82: {  	_ =	shalt  }
0x83: {  	_ =	shalt  }
0x84: {  	_ =	shalt  }
0x85: {  	_ =	shalt  }
0x86: {  	_ =	shalt  }
0x87: {  	_ =	shalt  }
.Lfunc_end0:
.L_simem_size_0:
called_computation.1_lowered:
.L_overlay_start_0:
0x88: {  	s2 =	sld [smem:$0x3FD9]  }
0x89: {  	s3 =	sld [smem:$0x3FFE];
	_ =	sdelay $0x1  }
0x8a: {  	s1 =	srdreg.scid  }
0x8b: {  	s0 =	sand.u32 $0x1, s1  }
0x8c: {  	s17 =	sshll.u32 s0, $0xA;
	s2 =	sadd.s32 s3, s2  }
0x8d: {  	s2 =	sadd.s32 s2, s17  }
0x8e: {  	[smem:$0x3FC6] =	sst s2  }
0x8f: {  	_ = 	snop  }
0x90: {  	s2 =	sld [smem:$0x3FD0];
	(tm) =	ssettm $0x1  }
0x91: {  	s18 =	sld [smem:$0x3FFB];
	_ =	sdelay $0x3  }
0x92: {  	_ =	strace s18  }
0x93: {  	s3 =	sld [smem:$0x3FFC];
	_ =	sdelay $0x3  }
0x94: {  	_ =	strace s3  }
0x95: {  	s3 =	sld [smem:$0x3FFD];
	_ =	sdelay $0x3  }
0x96: {  	_ =	strace s3  }
0x97: {  	_ =	strace $0x8FFFFFFF  }
0x98: {  	s19 =	sld [smem:$0x3FDB];
	_ =	sdelay $0x1  }
0x99: {  	s4 =	simm.s32 $_scs_section_size  }
0x9a: {  	s5 =	simm.s32 $_size__tile_overlayer_lowered;
	s6 =	simm.s32 $_tile_overlayer_lowered  }
0x9b: {  	s22 =	simm.s32 $0x1BFF;
	s21 =	sshll.u32 s6, $0x1;
	s3 =	sadd.s32 s4, s19  }
0x9c: {  	s7 =	simm.s32 $0x0;
	s20 =	sshll.u32 s5, $0x1;
	s5 =	sadd.s32 s21, s3  }
0x9d: {  	[timem:s7], [sflag:s22] =	dma.local [hbm:s5], s20  }
0x9e: {  	_ =	swait.ge [sflag:s22], s20  }
0x9f: {  	s4 =	ssub.s32 $0x0, s20;
	[sflag:s22] =	ssyncset.done $0x0  }
0xa0: {  	[sflag:s22] =	ssyncadd.s32 s4;
	_ =	sdelay $0x1  }
0xa1: {  	s23 =	simm.s32 $0x1B8B  }
0xa2: {  	_ =	swait.ge [sflag:s23], $0x1  }
0xa3: {  	[sflag:s23] =	ssyncset.done $0x0  }
0xa4: {  	s25 =	simm.s32 $0x1B8E;
	s24 =	sld [smem:$0x3FFE];
	[sflag:s23] =	ssyncadd.s32 $0xFFFFFFFF  }
0xa5: {  	s26 =	simm.s32 $execute0_lowered;
	[smem:$0x3FD2] =	sst s25  }
0xa6: {  	s5 =	sshll.u32 s26, $0x1;
	_ =	strace $0x80000049;
	[dreg:$0x1] =	wrdreg $0xFFFFFFFF  }
0xa7: {  	s28 =	simm.s32 $_size_execute0_lowered;
	s3 =	sadd.s32 s3, s5;
	[dreg:$0x0] =	wrdreg $0x0  }
0xa8: {  	s5 =	sshll.u32 s28, $0x1;
	[dreg:$0x2] =	wrdreg s3  }
0xa9: {  	[dreg:$0x3] =	wrdreg s5  }
0xaa: {  	[dreg:$0x4] =	wrdreg $0xC0  }
0xab: {  	_ =	task [dreg:s7], $0x5FFFF  }
0xac: {  	[dreg:$0x1] =	wrdreg $0xFFFFFFFF  }
0xad: {  	[dreg:$0x0] =	wrdreg $0x60  }
0xae: {  	[dreg:$0x2] =	wrdreg s2  }
0xaf: {  	[dreg:$0x3] =	wrdreg s24  }
0xb0: {  	[dreg:$0x4] =	wrdreg $0x9  }
0xb1: {  	_ =	task.clear_ibuf [dreg:s7], $0x5FFFF;
	_ =	strace $0x90000049  }
0xb2: {  	s29 =	simm.s32 $0x9;
	_ =	strace $0x8000004B  }
0xb3: {  	_ =	swait.ge [sflag:s29], $0x1  }
0xb4: {  	[sflag:s29] =	ssyncadd.s32 $0xFFFFFFFF  }
0xb5: {  	_ =	strace $0x9000004B  }
0xb6: {  	_ =	sfence  }
0xb7: {  	s30 =	sld [smem:$0x0];
	_ =	sdelay $0x2  }
0xb8: {  	s31 =	sshll.u32 s1, $0xD;
	s1 =	sshrl.u32 s1, $0x2  }
0xb9: {  	s3 =	sand.u32 $0x4000, s31;
	s1 =	sadd.s32 s1, s30  }
0xba: {  	s0 =	sor.u32 s3, s0;
	s1 =	sshll.u32 s1, $0x11  }
0xbb: {  	s0 =	sor.u32 s1, s0  }
0xbc: {  	s0 =	sadd.s32 $0x8F2B, s0  }
0xbd: {  	[sflag:s0] =	ssyncadd.remote.s32 $0x1  }
0xbe: {  	_ =	sfence.sel $0xFFFF  }
0xbf: {  	[dreg:$0x0] =	wrdreg $0xFFFFFFFF;
	(pc) =	sbr.abs _section_cstart, $3  }
0xc0: {  	[dreg:$0x1] =	wrdreg $0xFFFFFFFF  }
0xc1: {  	_ =	task.clear_ibuf [dreg:s7], $0x2FFFF;
	_ =	strace $0x9FFFFFFF  }
0xc2: {  	(tm) =	ssettm $0x7FFFFFFF  }
0xc3: {  	_ =	shalt  }
tec
execute0_lowered:
.L_overlay_start_1:
0x0: {  	(tag) =	ssettag $0x1  }
0x1: {  	s1 =	rddreg [dreg:$0x0]  }
0x2: {  	s11 =	rddreg [dreg:$0x1]  }
0x3: {  	s0 =	rddreg [dreg:$0x2];
	s4 =	srdreg.scid  }
0x4: {  	s3 =	simm.s32 $0x0;
	s2 =	stileid.u32;
	s13 =	simm.s32 $0x200  }
0x5: {  	s14 =	simm.s32 $0x2;
	s15 =	simm.s32 $0x4400;
	s16 =	simm.s32 $0x3  }
0x6: {  	v0 =	vlaneseq.u32;
	s17 =	simm.s32 $0x8400;
	s18 =	simm.s32 $0x4;
	s19 =	simm.s32 $0xC500  }
0x7: {  	v1 =	vimm.s32 $0x0;
	vm0 =	vcmask $0x300;
	s20 =	simm.s32 $0x5;
	s21 =	simm.s32 $0x6;
	s22 =	simm.s32 $0x0;
	v0 =	vmul.u32 $0x208, v0  }
0x8: {  	s4 =	sand.u32 $0x1, s4;
	[smem:$0x7FF] =	sst s3;
	s5 =	sshll.u32 s2, $0xA;
	v1 =	vsel vm0, $0x3, v1  }
0x9: {  	s6 =	sshll.u32 s4, $0x9;
	_ =	strace $0x8000004A;
	s7 =	ssub.s32 $0x2, s4;
	v2 =	vadd.s32 $0x2080, v0;
	v3 =	vor.u32 $0x1, v0;
	v4 =	vadd.s32 $0x2081, v0  }
0xa: {  	s4 =	sadd.s32 $0xF42C00, s11;
	s10 =	sor.u32 s6, s5;
	s8 =	sshrl.u32 s7, $0x1;
	v5 =	vor.u32 $0x2, v0;
	v6 =	vadd.s32 $0x2082, v0;
	v7 =	vor.u32 $0x3, v0  }
0xb: {  	s6 =	sadd.s32 $0x800, s11;
	s11 =	sadd.s32 $0x10800, s11;
	v8 =	vadd.s32 $0x2083, v0;
	v9 =	vor.u32 $0x4, v0;
	v10 =	vadd.s32 $0x2084, v0;
	s5 =	sshrl.u32 s10, $0x3  }
0xc: {  	v11 =	vor.u32 $0x5, v0;
	v12 =	vadd.s32 $0x2085, v0;
	v13 =	vor.u32 $0x6, v0;
	s12 =	ssub.s32 s7, s8;
	s9 =	sor.u32 $0x8000, s10;
	s7 =	sadd.s32 s1, s5  }
0xd: {  	v14 =	vadd.s32 $0x2086, v0;
	v15 =	vor.u32 $0x7, v0;
	v16 =	vadd.s32 $0x2087, v0;
	s10 =	sor.u32 $0xC000, s10;
	s12 =	smax.u32 s12, $0x1;
	s8 =	sadd.s32 $0x800, s7  }
.LBB2_1:
0xe: {  	[tilespmem:s3], [sflag:$0x1] =	stream.linear.gather [hbm4b:s7+s3], $0x200, $0x38;
	[tilespmem:$0x10600] =	vst v63  }
0xf: {  	s23 =	simm.s32 $0x0  }
0x10: {  	[tilespmem:s13], [sflag:$0x2] =	stream.linear.gather [hbm4b:s8+s3], $0x200, $0x38;
	[tilespmem:$0x10600] =	vst v63  }
.LBB2_2:
0x11: {  	p0 =	seq.s32 s23, $0x0  }
0x12: {  	s24 =	simm.s32 @p0 $0x1  }
0x13: {  	_ =	swait.ge @p0 [sflag:s24], $0x200  }
0x14: {  	s25 =	simm.s32 @p0 $0x0;
	[sflag:s24] =	ssyncset.done @p0 $0x0  }
0x15: {  	s26 =	simm.s32 @p0 $0x400;
	[sflag:s24] =	ssyncadd.s32 @p0 $0xFFFFFE00;
	s24 =	simm.s32 @p0 $0x200  }
0x16: {  	[tilespmem:s26], [sflag:$0x3] =	stream.indirect.gather @p0 [hbm4b:s4+s24], $0x20, s25, s24, $0xb8;
	[tilespmem:$0x10600] =	vst v63  }
0x17: {  	s24 =	simm.s32 @!p0 $0x5  }
0x18: {  	_ =	swait.ge @!p0 [sflag:s24], $0x4000  }
0x19: {  	[sflag:s24] =	ssyncset.done @!p0 $0x0  }
0x1a: {  	[sflag:s24] =	ssyncadd.s32 @!p0 $0xFFFFC000;
	s24 =	simm.s32 @!p0 $0x1  }
0x1b: {  	_ =	swait.ge @!p0 [sflag:s24], $0x200  }
0x1c: {  	s25 =	simm.s32 @!p0 $0x0;
	[sflag:s24] =	ssyncset.done @!p0 $0x0  }
0x1d: {  	s26 =	simm.s32 @!p0 $0x400;
	[sflag:s24] =	ssyncadd.s32 @!p0 $0xFFFFFE00;
	s24 =	simm.s32 @!p0 $0x200  }
0x1e: {  	[tilespmem:s26], [sflag:$0x3] =	stream.indirect.gather @!p0 [hbm4b:s4+s24], $0x20, s25, s24, $0xb8;
	[tilespmem:$0x10600] =	vst v63  }
0x1f: {  	s24 =	simm.s32 @!p0 $0x6  }
0x20: {  	_ =	swait.ge @!p0 [sflag:s24], $0x4000  }
0x21: {  	[sflag:s24] =	ssyncset.done @!p0 $0x0  }
0x22: {  	[sflag:s24] =	ssyncadd.s32 @!p0 $0xFFFFC000  }
0x23: {  	_ =	swait.ge [sflag:s14], $0x200  }
0x24: {  	s31 =	simm.s32 $0x0;
	[sflag:s14] =	ssyncset.done $0x0  }
0x25: {  	s24 =	sshll.u32 s23, $0xF;
	p0 =	seq.s32 s23, $0x18;
	[sflag:s14] =	ssyncadd.s32 $0xFFFFFE00  }
0x26: {  	[tilespmem:s15], [sflag:$0x4] =	stream.indirect.gather [hbm4b:s4+s13], $0x20, s13, s13, $0xb8;
	[tilespmem:$0x10600] =	vst v63  }
0x27: {  	v17 =	vmov s31;
	s26 =	sadd.s32 @!p0 s9, s24;
	_ =	swait.ge [sflag:s16], $0x4000  }
0x28: {  	v17 =	vshrl.u32 v17, $0x3;
	s25 =	sshrl.u32 @!p0 s26, $0x3;
	[sflag:s16] =	ssyncset.done $0x0  }
0x29: {  	v17 =	vshll.u32 v17, v1;
	s26 =	simm.s32 @!p0 $0x0;
	s25 =	sadd.s32 @!p0 s1, s25;
	[sflag:s16] =	ssyncadd.s32 $0xFFFFC000  }
0x2a: {  	v17 =	vbroadcast v17, $0x0;
	[tilespmem:s26], [sflag:$0x1] =	stream.linear.gather @!p0 [hbm4b:s25+s26], $0x200, $0x38;
	[tilespmem:$0x10600] =	vst v63  }
0x2b: {  	s25 =	simm.s32 $0x500  }
0x2c: {  	v19 =	vadd.s32 v0, v17;
	v18 =	vld [tilespmem:s25+$0xFFFFFF00];
	_ =	sdelay $0x4  }
0x2d: {  	[tilespmem:v19+s17+$0x0] =	vst.idx.msk $0xffff, v18  }
0x2e: {  	s29 =	simm.s32 $0x1;
	v17 =	vadd.s32 v2, v17;
	v18 =	vld [tilespmem:s25+$0xFFFFFF10]  }
0x2f: {  	v19 =	vmov s29  }
0x30: {  	v19 =	vshrl.u32 v19, $0x3  }
0x31: {  	v19 =	vshll.u32 v19, v1  }
0x32: {  	v19 =	vbroadcast v19, $0x0  }
0x33: {  	[tilespmem:v17+s17+$0x0] =	vst.idx.msk $0xffff, v18  }
0x34: {  	v18 =	vadd.s32 v3, v19;
	v17 =	vld [tilespmem:s25+$0xFFFFFF20];
	_ =	sdelay $0x4  }
0x35: {  	[tilespmem:v18+s17+$0x0] =	vst.idx.msk $0xffff, v17  }
0x36: {  	s30 =	simm.s32 $0x2;
	v18 =	vadd.s32 v4, v19;
	v17 =	vld [tilespmem:s25+$0xFFFFFF30]  }
0x37: {  	v19 =	vmov s30  }
0x38: {  	v19 =	vshrl.u32 v19, $0x3  }
0x39: {  	v19 =	vshll.u32 v19, v1  }
0x3a: {  	v19 =	vbroadcast v19, $0x0  }
0x3b: {  	[tilespmem:v18+s17+$0x0] =	vst.idx.msk $0xffff, v17  }
0x3c: {  	v18 =	vadd.s32 v5, v19;
	v17 =	vld [tilespmem:s25+$0xFFFFFF40];
	_ =	sdelay $0x4  }
0x3d: {  	[tilespmem:v18+s17+$0x0] =	vst.idx.msk $0xffff, v17  }
0x3e: {  	s31 =	simm.s32 $0x3;
	v18 =	vadd.s32 v6, v19;
	v17 =	vld [tilespmem:s25+$0xFFFFFF50]  }
0x3f: {  	v19 =	vmov s31  }
0x40: {  	v19 =	vshrl.u32 v19, $0x3  }
0x41: {  	v19 =	vshll.u32 v19, v1  }
0x42: {  	v19 =	vbroadcast v19, $0x0  }
0x43: {  	[tilespmem:v18+s17+$0x0] =	vst.idx.msk $0xffff, v17  }
0x44: {  	v18 =	vadd.s32 v7, v19;
	v17 =	vld [tilespmem:s25+$0xFFFFFF60];
	_ =	sdelay $0x4  }
0x45: {  	[tilespmem:v18+s17+$0x0] =	vst.idx.msk $0xffff, v17  }
0x46: {  	s29 =	simm.s32 $0x4;
	v18 =	vadd.s32 v8, v19;
	v17 =	vld [tilespmem:s25+$0xFFFFFF70]  }
0x47: {  	v19 =	vmov s29  }
0x48: {  	v19 =	vshrl.u32 v19, $0x3  }
0x49: {  	v19 =	vshll.u32 v19, v1  }
0x4a: {  	v19 =	vbroadcast v19, $0x0  }
0x4b: {  	[tilespmem:v18+s17+$0x0] =	vst.idx.msk $0xffff, v17  }
0x4c: {  	v18 =	vadd.s32 v9, v19;
	v17 =	vld [tilespmem:s25+$0xFFFFFF80];
	_ =	sdelay $0x4  }
0x4d: {  	[tilespmem:v18+s17+$0x0] =	vst.idx.msk $0xffff, v17  }
0x4e: {  	s30 =	simm.s32 $0x5;
	v18 =	vadd.s32 v10, v19;
	v17 =	vld [tilespmem:s25+$0xFFFFFF90]  }
0x4f: {  	v19 =	vmov s30  }
0x50: {  	v19 =	vshrl.u32 v19, $0x3  }
0x51: {  	v19 =	vshll.u32 v19, v1  }
0x52: {  	v19 =	vbroadcast v19, $0x0  }
0x53: {  	[tilespmem:v18+s17+$0x0] =	vst.idx.msk $0xffff, v17  }
0x54: {  	v18 =	vadd.s32 v11, v19;
	v17 =	vld [tilespmem:s25+$0xFFFFFFA0];
	_ =	sdelay $0x4  }
0x55: {  	[tilespmem:v18+s17+$0x0] =	vst.idx.msk $0xffff, v17  }
0x56: {  	s31 =	simm.s32 $0x6;
	v18 =	vadd.s32 v12, v19;
	v17 =	vld [tilespmem:s25+$0xFFFFFFB0]  }
0x57: {  	v19 =	vmov s31  }
0x58: {  	v19 =	vshrl.u32 v19, $0x3  }
0x59: {  	v19 =	vshll.u32 v19, v1  }
0x5a: {  	v19 =	vbroadcast v19, $0x0  }
0x5b: {  	[tilespmem:v18+s17+$0x0] =	vst.idx.msk $0xffff, v17  }
0x5c: {  	v18 =	vadd.s32 v13, v19;
	v17 =	vld [tilespmem:s25+$0xFFFFFFC0];
	_ =	sdelay $0x4  }
0x5d: {  	[tilespmem:v18+s17+$0x0] =	vst.idx.msk $0xffff, v17  }
0x5e: {  	s29 =	simm.s32 $0x7;
	v18 =	vadd.s32 v14, v19;
	v17 =	vld [tilespmem:s25+$0xFFFFFFD0]  }
0x5f: {  	v19 =	vmov s29  }
0x60: {  	v19 =	vshrl.u32 v19, $0x3  }
0x61: {  	v19 =	vshll.u32 v19, v1  }
0x62: {  	v19 =	vbroadcast v19, $0x0  }
0x63: {  	[tilespmem:v18+s17+$0x0] =	vst.idx.msk $0xffff, v17  }
0x64: {  	v18 =	vadd.s32 v15, v19;
	v17 =	vld [tilespmem:s25+$0xFFFFFFE0];
	_ =	sdelay $0x4  }
0x65: {  	[tilespmem:v18+s17+$0x0] =	vst.idx.msk $0xffff, v17  }
0x66: {  	s30 =	simm.s32 $0x8;
	v18 =	vadd.s32 v16, v19;
	v17 =	vld [tilespmem:s25+$0xFFFFFFF0]  }
0x67: {  	v19 =	vmov s30  }
0x68: {  	v19 =	vshrl.u32 v19, $0x3  }
0x69: {  	v19 =	vshll.u32 v19, v1  }
0x6a: {  	v19 =	vbroadcast v19, $0x0  }
0x6b: {  	[tilespmem:v18+s17+$0x0] =	vst.idx.msk $0xffff, v17  }
0x6c: {  	v18 =	vadd.s32 v0, v19;
	v17 =	vld [tilespmem:s25+$0x0];
	_ =	sdelay $0x4  }
0x6d: {  	[tilespmem:v18+s17+$0x0] =	vst.idx.msk $0xffff, v17  }
0x6e: {  	s31 =	simm.s32 $0x9;
	v18 =	vadd.s32 v2, v19;
	v17 =	vld [tilespmem:s25+$0x10]  }
0x6f: {  	v19 =	vmov s31  }
0x70: {  	v19 =	vshrl.u32 v19, $0x3  }
0x71: {  	v19 =	vshll.u32 v19, v1  }
0x72: {  	v19 =	vbroadcast v19, $0x0  }
0x73: {  	[tilespmem:v18+s17+$0x0] =	vst.idx.msk $0xffff, v17  }
0x74: {  	v18 =	vadd.s32 v3, v19;
	v17 =	vld [tilespmem:s25+$0x20];
	_ =	sdelay $0x4  }
0x75: {  	[tilespmem:v18+s17+$0x0] =	vst.idx.msk $0xffff, v17  }
0x76: {  	s29 =	simm.s32 $0xA;
	v18 =	vadd.s32 v4, v19;
	v17 =	vld [tilespmem:s25+$0x30]  }
0x77: {  	v19 =	vmov s29  }
0x78: {  	v19 =	vshrl.u32 v19, $0x3  }
0x79: {  	v19 =	vshll.u32 v19, v1  }
0x7a: {  	v19 =	vbroadcast v19, $0x0  }
0x7b: {  	[tilespmem:v18+s17+$0x0] =	vst.idx.msk $0xffff, v17  }
0x7c: {  	v18 =	vadd.s32 v5, v19;
	v17 =	vld [tilespmem:s25+$0x40];
	_ =	sdelay $0x4  }
0x7d: {  	[tilespmem:v18+s17+$0x0] =	vst.idx.msk $0xffff, v17  }
0x7e: {  	s30 =	simm.s32 $0xB;
	v18 =	vadd.s32 v6, v19;
	v17 =	vld [tilespmem:s25+$0x50]  }
0x7f: {  	v19 =	vmov s30  }
0x80: {  	v19 =	vshrl.u32 v19, $0x3  }
0x81: {  	v19 =	vshll.u32 v19, v1  }
0x82: {  	v19 =	vbroadcast v19, $0x0  }
0x83: {  	[tilespmem:v18+s17+$0x0] =	vst.idx.msk $0xffff, v17  }
0x84: {  	v18 =	vadd.s32 v7, v19;
	v17 =	vld [tilespmem:s25+$0x60];
	_ =	sdelay $0x4  }
0x85: {  	[tilespmem:v18+s17+$0x0] =	vst.idx.msk $0xffff, v17  }
0x86: {  	s31 =	simm.s32 $0xC;
	v18 =	vadd.s32 v8, v19;
	v17 =	vld [tilespmem:s25+$0x70]  }
0x87: {  	v19 =	vmov s31  }
0x88: {  	v19 =	vshrl.u32 v19, $0x3  }
0x89: {  	v19 =	vshll.u32 v19, v1  }
0x8a: {  	v19 =	vbroadcast v19, $0x0  }
0x8b: {  	[tilespmem:v18+s17+$0x0] =	vst.idx.msk $0xffff, v17  }
0x8c: {  	v18 =	vadd.s32 v9, v19;
	v17 =	vld [tilespmem:s25+$0x80];
	_ =	sdelay $0x4  }
0x8d: {  	[tilespmem:v18+s17+$0x0] =	vst.idx.msk $0xffff, v17  }
0x8e: {  	s29 =	simm.s32 $0xD;
	v18 =	vadd.s32 v10, v19;
	v17 =	vld [tilespmem:s25+$0x90]  }
0x8f: {  	v19 =	vmov s29  }
0x90: {  	v19 =	vshrl.u32 v19, $0x3  }
0x91: {  	v19 =	vshll.u32 v19, v1  }
0x92: {  	v19 =	vbroadcast v19, $0x0  }
0x93: {  	[tilespmem:v18+s17+$0x0] =	vst.idx.msk $0xffff, v17  }
0x94: {  	v18 =	vadd.s32 v11, v19;
	v17 =	vld [tilespmem:s25+$0xA0];
	_ =	sdelay $0x4  }
0x95: {  	[tilespmem:v18+s17+$0x0] =	vst.idx.msk $0xffff, v17  }
0x96: {  	s30 =	simm.s32 $0xE;
	v18 =	vadd.s32 v12, v19;
	v17 =	vld [tilespmem:s25+$0xB0]  }
0x97: {  	v19 =	vmov s30  }
0x98: {  	v19 =	vshrl.u32 v19, $0x3  }
0x99: {  	v19 =	vshll.u32 v19, v1  }
0x9a: {  	v19 =	vbroadcast v19, $0x0  }
0x9b: {  	[tilespmem:v18+s17+$0x0] =	vst.idx.msk $0xffff, v17  }
0x9c: {  	v18 =	vadd.s32 v13, v19;
	v17 =	vld [tilespmem:s25+$0xC0];
	_ =	sdelay $0x4  }
0x9d: {  	[tilespmem:v18+s17+$0x0] =	vst.idx.msk $0xffff, v17  }
0x9e: {  	s31 =	simm.s32 $0xF;
	v18 =	vadd.s32 v14, v19;
	v17 =	vld [tilespmem:s25+$0xD0]  }
0x9f: {  	v19 =	vmov s31  }
0xa0: {  	v19 =	vshrl.u32 v19, $0x3  }
0xa1: {  	v19 =	vshll.u32 v19, v1  }
0xa2: {  	v19 =	vbroadcast v19, $0x0  }
0xa3: {  	[tilespmem:v18+s17+$0x0] =	vst.idx.msk $0xffff, v17  }
0xa4: {  	v18 =	vadd.s32 v15, v19;
	v17 =	vld [tilespmem:s25+$0xE0];
	_ =	sdelay $0x4  }
0xa5: {  	[tilespmem:v18+s17+$0x0] =	vst.idx.msk $0xffff, v17  }
0xa6: {  	s26 =	simm.s32 $0x10;
	v18 =	vadd.s32 v16, v19;
	v17 =	vld [tilespmem:s25+$0xF0]  }
0xa7: {  	s28 =	simm.s32 $0x20;
	v19 =	vmov s26  }
.LBB2_3:
0xa8: {  	p1 =	slt.u32 s28, $0x1F0;
	v19 =	vshrl.u32 v19, $0x3  }
0xa9: {  	v19 =	vshll.u32 v19, v1  }
0xaa: {  	v19 =	vbroadcast v19, $0x0  }
0xab: {  	s25 =	sadd.s32 $0x200, s25;
	[tilespmem:v18+s17+$0x0] =	vst.idx.msk $0xffff, v17  }
0xac: {  	v17 =	vld [tilespmem:s25+$0xFFFFFF00];
	v18 =	vadd.s32 v0, v19;
	_ =	sdelay $0x4  }
0xad: {  	[tilespmem:v18+s17+$0x0] =	vst.idx.msk $0xffff, v17  }
0xae: {  	s29 =	sadd.s32 $0x1, s26;
	v18 =	vadd.s32 v2, v19;
	v17 =	vld [tilespmem:s25+$0xFFFFFF10]  }
0xaf: {  	v19 =	vmov s29  }
0xb0: {  	v19 =	vshrl.u32 v19, $0x3  }
0xb1: {  	v19 =	vshll.u32 v19, v1  }
0xb2: {  	v19 =	vbroadcast v19, $0x0  }
0xb3: {  	[tilespmem:v18+s17+$0x0] =	vst.idx.msk $0xffff, v17  }
0xb4: {  	v18 =	vadd.s32 v3, v19;
	v17 =	vld [tilespmem:s25+$0xFFFFFF20];
	_ =	sdelay $0x4  }
0xb5: {  	[tilespmem:v18+s17+$0x0] =	vst.idx.msk $0xffff, v17  }
0xb6: {  	s29 =	sadd.s32 $0x2, s26;
	v18 =	vadd.s32 v4, v19;
	v17 =	vld [tilespmem:s25+$0xFFFFFF30]  }
0xb7: {  	v19 =	vmov s29  }
0xb8: {  	v19 =	vshrl.u32 v19, $0x3  }
0xb9: {  	v19 =	vshll.u32 v19, v1  }
0xba: {  	v19 =	vbroadcast v19, $0x0  }
0xbb: {  	[tilespmem:v18+s17+$0x0] =	vst.idx.msk $0xffff, v17  }
0xbc: {  	v18 =	vadd.s32 v5, v19;
	v17 =	vld [tilespmem:s25+$0xFFFFFF40];
	_ =	sdelay $0x4  }
0xbd: {  	[tilespmem:v18+s17+$0x0] =	vst.idx.msk $0xffff, v17  }
0xbe: {  	s29 =	sadd.s32 $0x3, s26;
	v18 =	vadd.s32 v6, v19;
	v17 =	vld [tilespmem:s25+$0xFFFFFF50]  }
0xbf: {  	v19 =	vmov s29  }
0xc0: {  	v19 =	vshrl.u32 v19, $0x3  }
0xc1: {  	v19 =	vshll.u32 v19, v1  }
0xc2: {  	v19 =	vbroadcast v19, $0x0  }
0xc3: {  	[tilespmem:v18+s17+$0x0] =	vst.idx.msk $0xffff, v17  }
0xc4: {  	v18 =	vadd.s32 v7, v19;
	v17 =	vld [tilespmem:s25+$0xFFFFFF60];
	_ =	sdelay $0x4  }
0xc5: {  	[tilespmem:v18+s17+$0x0] =	vst.idx.msk $0xffff, v17  }
0xc6: {  	s29 =	sadd.s32 $0x4, s26;
	v18 =	vadd.s32 v8, v19;
	v17 =	vld [tilespmem:s25+$0xFFFFFF70]  }
0xc7: {  	v19 =	vmov s29  }
0xc8: {  	v19 =	vshrl.u32 v19, $0x3  }
0xc9: {  	v19 =	vshll.u32 v19, v1  }
0xca: {  	v19 =	vbroadcast v19, $0x0  }
0xcb: {  	[tilespmem:v18+s17+$0x0] =	vst.idx.msk $0xffff, v17  }
0xcc: {  	v18 =	vadd.s32 v9, v19;
	v17 =	vld [tilespmem:s25+$0xFFFFFF80];
	_ =	sdelay $0x4  }
0xcd: {  	[tilespmem:v18+s17+$0x0] =	vst.idx.msk $0xffff, v17  }
0xce: {  	s29 =	sadd.s32 $0x5, s26;
	v18 =	vadd.s32 v10, v19;
	v17 =	vld [tilespmem:s25+$0xFFFFFF90]  }
0xcf: {  	v19 =	vmov s29  }
0xd0: {  	v19 =	vshrl.u32 v19, $0x3  }
0xd1: {  	v19 =	vshll.u32 v19, v1  }
0xd2: {  	v19 =	vbroadcast v19, $0x0  }
0xd3: {  	[tilespmem:v18+s17+$0x0] =	vst.idx.msk $0xffff, v17  }
0xd4: {  	v18 =	vadd.s32 v11, v19;
	v17 =	vld [tilespmem:s25+$0xFFFFFFA0];
	_ =	sdelay $0x4  }
0xd5: {  	[tilespmem:v18+s17+$0x0] =	vst.idx.msk $0xffff, v17  }
0xd6: {  	s29 =	sadd.s32 $0x6, s26;
	v18 =	vadd.s32 v12, v19;
	v17 =	vld [tilespmem:s25+$0xFFFFFFB0]  }
0xd7: {  	v19 =	vmov s29  }
0xd8: {  	v19 =	vshrl.u32 v19, $0x3  }
0xd9: {  	v19 =	vshll.u32 v19, v1  }
0xda: {  	v19 =	vbroadcast v19, $0x0  }
0xdb: {  	[tilespmem:v18+s17+$0x0] =	vst.idx.msk $0xffff, v17  }
0xdc: {  	v18 =	vadd.s32 v13, v19;
	v17 =	vld [tilespmem:s25+$0xFFFFFFC0];
	_ =	sdelay $0x4  }
0xdd: {  	[tilespmem:v18+s17+$0x0] =	vst.idx.msk $0xffff, v17  }
0xde: {  	s29 =	sadd.s32 $0x7, s26;
	v18 =	vadd.s32 v14, v19;
	v17 =	vld [tilespmem:s25+$0xFFFFFFD0]  }
0xdf: {  	v19 =	vmov s29  }
0xe0: {  	v19 =	vshrl.u32 v19, $0x3  }
0xe1: {  	v19 =	vshll.u32 v19, v1  }
0xe2: {  	v19 =	vbroadcast v19, $0x0  }
0xe3: {  	[tilespmem:v18+s17+$0x0] =	vst.idx.msk $0xffff, v17  }
0xe4: {  	v18 =	vadd.s32 v15, v19;
	v17 =	vld [tilespmem:s25+$0xFFFFFFE0];
	_ =	sdelay $0x4  }
0xe5: {  	[tilespmem:v18+s17+$0x0] =	vst.idx.msk $0xffff, v17  }
0xe6: {  	s29 =	sadd.s32 $0x8, s26;
	v18 =	vadd.s32 v16, v19;
	v17 =	vld [tilespmem:s25+$0xFFFFFFF0]  }
0xe7: {  	v19 =	vmov s29  }
0xe8: {  	v19 =	vshrl.u32 v19, $0x3  }
0xe9: {  	v19 =	vshll.u32 v19, v1  }
0xea: {  	v19 =	vbroadcast v19, $0x0  }
0xeb: {  	[tilespmem:v18+s17+$0x0] =	vst.idx.msk $0xffff, v17  }
0xec: {  	v18 =	vadd.s32 v0, v19;
	v17 =	vld [tilespmem:s25+$0x0];
	_ =	sdelay $0x4  }
0xed: {  	[tilespmem:v18+s17+$0x0] =	vst.idx.msk $0xffff, v17  }
0xee: {  	s29 =	sadd.s32 $0x9, s26;
	v18 =	vadd.s32 v2, v19;
	v17 =	vld [tilespmem:s25+$0x10]  }
0xef: {  	v19 =	vmov s29  }
0xf0: {  	v19 =	vshrl.u32 v19, $0x3  }
0xf1: {  	v19 =	vshll.u32 v19, v1  }
0xf2: {  	v19 =	vbroadcast v19, $0x0  }
0xf3: {  	[tilespmem:v18+s17+$0x0] =	vst.idx.msk $0xffff, v17  }
0xf4: {  	v18 =	vadd.s32 v3, v19;
	v17 =	vld [tilespmem:s25+$0x20];
	_ =	sdelay $0x4  }
0xf5: {  	[tilespmem:v18+s17+$0x0] =	vst.idx.msk $0xffff, v17  }
0xf6: {  	s29 =	sadd.s32 $0xA, s26;
	v18 =	vadd.s32 v4, v19;
	v17 =	vld [tilespmem:s25+$0x30]  }
0xf7: {  	v19 =	vmov s29  }
0xf8: {  	v19 =	vshrl.u32 v19, $0x3  }
0xf9: {  	v19 =	vshll.u32 v19, v1  }
0xfa: {  	v19 =	vbroadcast v19, $0x0  }
0xfb: {  	[tilespmem:v18+s17+$0x0] =	vst.idx.msk $0xffff, v17  }
0xfc: {  	v18 =	vadd.s32 v5, v19;
	v17 =	vld [tilespmem:s25+$0x40];
	_ =	sdelay $0x4  }
0xfd: {  	[tilespmem:v18+s17+$0x0] =	vst.idx.msk $0xffff, v17  }
0xfe: {  	s29 =	sadd.s32 $0xB, s26;
	v18 =	vadd.s32 v6, v19;
	v17 =	vld [tilespmem:s25+$0x50]  }
0xff: {  	v19 =	vmov s29  }
0x100: {  	v19 =	vshrl.u32 v19, $0x3  }
0x101: {  	v19 =	vshll.u32 v19, v1  }
0x102: {  	v19 =	vbroadcast v19, $0x0  }
0x103: {  	[tilespmem:v18+s17+$0x0] =	vst.idx.msk $0xffff, v17  }
0x104: {  	v18 =	vadd.s32 v7, v19;
	v17 =	vld [tilespmem:s25+$0x60];
	_ =	sdelay $0x4  }
0x105: {  	[tilespmem:v18+s17+$0x0] =	vst.idx.msk $0xffff, v17  }
0x106: {  	s29 =	sadd.s32 $0xC, s26;
	v18 =	vadd.s32 v8, v19;
	v17 =	vld [tilespmem:s25+$0x70]  }
0x107: {  	v19 =	vmov s29  }
0x108: {  	v19 =	vshrl.u32 v19, $0x3  }
0x109: {  	v19 =	vshll.u32 v19, v1  }
0x10a: {  	v19 =	vbroadcast v19, $0x0  }
0x10b: {  	[tilespmem:v18+s17+$0x0] =	vst.idx.msk $0xffff, v17  }
0x10c: {  	v18 =	vadd.s32 v9, v19;
	v17 =	vld [tilespmem:s25+$0x80];
	_ =	sdelay $0x4  }
0x10d: {  	[tilespmem:v18+s17+$0x0] =	vst.idx.msk $0xffff, v17  }
0x10e: {  	s29 =	sadd.s32 $0xD, s26;
	v18 =	vadd.s32 v10, v19;
	v17 =	vld [tilespmem:s25+$0x90]  }
0x10f: {  	v19 =	vmov s29  }
0x110: {  	v19 =	vshrl.u32 v19, $0x3  }
0x111: {  	v19 =	vshll.u32 v19, v1  }
0x112: {  	v19 =	vbroadcast v19, $0x0  }
0x113: {  	[tilespmem:v18+s17+$0x0] =	vst.idx.msk $0xffff, v17  }
0x114: {  	v18 =	vadd.s32 v11, v19;
	v17 =	vld [tilespmem:s25+$0xA0];
	_ =	sdelay $0x4  }
0x115: {  	[tilespmem:v18+s17+$0x0] =	vst.idx.msk $0xffff, v17  }
0x116: {  	s29 =	sadd.s32 $0xE, s26;
	v18 =	vadd.s32 v12, v19;
	v17 =	vld [tilespmem:s25+$0xB0]  }
0x117: {  	v19 =	vmov s29  }
0x118: {  	v19 =	vshrl.u32 v19, $0x3  }
0x119: {  	v19 =	vshll.u32 v19, v1  }
0x11a: {  	v19 =	vbroadcast v19, $0x0  }
0x11b: {  	[tilespmem:v18+s17+$0x0] =	vst.idx.msk $0xffff, v17  }
0x11c: {  	v18 =	vadd.s32 v13, v19;
	v17 =	vld [tilespmem:s25+$0xC0];
	_ =	sdelay $0x4  }
0x11d: {  	[tilespmem:v18+s17+$0x0] =	vst.idx.msk $0xffff, v17  }
0x11e: {  	s29 =	sadd.s32 $0xF, s26;
	s26 =	smov.u32 s28;
	v18 =	vadd.s32 v14, v19;
	v17 =	vld [tilespmem:s25+$0xD0]  }
0x11f: {  	v19 =	vmov s29  }
0x120: {  	v19 =	vshrl.u32 v19, $0x3  }
0x121: {  	v19 =	vshll.u32 v19, v1  }
0x122: {  	v19 =	vbroadcast v19, $0x0  }
0x123: {  	[tilespmem:v18+s17+$0x0] =	vst.idx.msk $0xffff, v17  }
0x124: {  	v18 =	vadd.s32 v15, v19;
	v17 =	vld [tilespmem:s25+$0xE0];
	_ =	sdelay $0x2  }
.Ltmp0:
0x125: {  	(pc) =	sbr.rel @p1 .LBB2_3-.Ltmp0, $4  }
0x126: {  	_ = 	snop  }
0x127: {  	[tilespmem:v18+s17+$0x0] =	vst.idx.msk $0xffff, v17  }
0x128: {  	v18 =	vadd.s32 v16, v19;
	v17 =	vld [tilespmem:s25+$0xF0]  }
0x129: {  	s28 =	sadd.s32 $0x10, s28;
	v19 =	vmov s26  }
0x12a: {  	_ = 	snop  }
0x12b: {  	v19 =	vshrl.u32 v19, $0x3  }
0x12c: {  	v19 =	vshll.u32 v19, v1  }
0x12d: {  	v19 =	vbroadcast v19, $0x0  }
0x12e: {  	s25 =	sadd.s32 $0x200, s25;
	[tilespmem:v18+s17+$0x0] =	vst.idx.msk $0xffff, v17  }
0x12f: {  	v17 =	vld [tilespmem:s25+$0xFFFFFF00];
	v18 =	vadd.s32 v0, v19;
	_ =	sdelay $0x4  }
0x130: {  	[tilespmem:v18+s17+$0x0] =	vst.idx.msk $0xffff, v17  }
0x131: {  	s28 =	sadd.s32 $0x1, s26;
	v18 =	vadd.s32 v2, v19;
	v17 =	vld [tilespmem:s25+$0xFFFFFF10]  }
0x132: {  	v19 =	vmov s28  }
0x133: {  	v19 =	vshrl.u32 v19, $0x3  }
0x134: {  	v19 =	vshll.u32 v19, v1  }
0x135: {  	v19 =	vbroadcast v19, $0x0  }
0x136: {  	[tilespmem:v18+s17+$0x0] =	vst.idx.msk $0xffff, v17  }
0x137: {  	v18 =	vadd.s32 v3, v19;
	v17 =	vld [tilespmem:s25+$0xFFFFFF20];
	_ =	sdelay $0x4  }
0x138: {  	[tilespmem:v18+s17+$0x0] =	vst.idx.msk $0xffff, v17  }
0x139: {  	s28 =	sadd.s32 $0x2, s26;
	v18 =	vadd.s32 v4, v19;
	v17 =	vld [tilespmem:s25+$0xFFFFFF30]  }
0x13a: {  	v19 =	vmov s28  }
0x13b: {  	v19 =	vshrl.u32 v19, $0x3  }
0x13c: {  	v19 =	vshll.u32 v19, v1  }
0x13d: {  	v19 =	vbroadcast v19, $0x0  }
0x13e: {  	[tilespmem:v18+s17+$0x0] =	vst.idx.msk $0xffff, v17  }
0x13f: {  	v18 =	vadd.s32 v5, v19;
	v17 =	vld [tilespmem:s25+$0xFFFFFF40];
	_ =	sdelay $0x4  }
0x140: {  	[tilespmem:v18+s17+$0x0] =	vst.idx.msk $0xffff, v17  }
0x141: {  	s28 =	sadd.s32 $0x3, s26;
	v18 =	vadd.s32 v6, v19;
	v17 =	vld [tilespmem:s25+$0xFFFFFF50]  }
0x142: {  	v19 =	vmov s28  }
0x143: {  	v19 =	vshrl.u32 v19, $0x3  }
0x144: {  	v19 =	vshll.u32 v19, v1  }
0x145: {  	v19 =	vbroadcast v19, $0x0  }
0x146: {  	[tilespmem:v18+s17+$0x0] =	vst.idx.msk $0xffff, v17  }
0x147: {  	v18 =	vadd.s32 v7, v19;
	v17 =	vld [tilespmem:s25+$0xFFFFFF60];
	_ =	sdelay $0x4  }
0x148: {  	[tilespmem:v18+s17+$0x0] =	vst.idx.msk $0xffff, v17  }
0x149: {  	s28 =	sadd.s32 $0x4, s26;
	v18 =	vadd.s32 v8, v19;
	v17 =	vld [tilespmem:s25+$0xFFFFFF70]  }
0x14a: {  	v19 =	vmov s28  }
0x14b: {  	v19 =	vshrl.u32 v19, $0x3  }
0x14c: {  	v19 =	vshll.u32 v19, v1  }
0x14d: {  	v19 =	vbroadcast v19, $0x0  }
0x14e: {  	[tilespmem:v18+s17+$0x0] =	vst.idx.msk $0xffff, v17  }
0x14f: {  	v18 =	vadd.s32 v9, v19;
	v17 =	vld [tilespmem:s25+$0xFFFFFF80];
	_ =	sdelay $0x4  }
0x150: {  	[tilespmem:v18+s17+$0x0] =	vst.idx.msk $0xffff, v17  }
0x151: {  	s28 =	sadd.s32 $0x5, s26;
	v18 =	vadd.s32 v10, v19;
	v17 =	vld [tilespmem:s25+$0xFFFFFF90]  }
0x152: {  	v19 =	vmov s28  }
0x153: {  	v19 =	vshrl.u32 v19, $0x3  }
0x154: {  	v19 =	vshll.u32 v19, v1  }
0x155: {  	v19 =	vbroadcast v19, $0x0  }
0x156: {  	[tilespmem:v18+s17+$0x0] =	vst.idx.msk $0xffff, v17  }
0x157: {  	v18 =	vadd.s32 v11, v19;
	v17 =	vld [tilespmem:s25+$0xFFFFFFA0];
	_ =	sdelay $0x4  }
0x158: {  	[tilespmem:v18+s17+$0x0] =	vst.idx.msk $0xffff, v17  }
0x159: {  	s28 =	sadd.s32 $0x6, s26;
	v18 =	vadd.s32 v12, v19;
	v17 =	vld [tilespmem:s25+$0xFFFFFFB0]  }
0x15a: {  	v19 =	vmov s28  }
0x15b: {  	v19 =	vshrl.u32 v19, $0x3  }
0x15c: {  	v19 =	vshll.u32 v19, v1  }
0x15d: {  	v19 =	vbroadcast v19, $0x0  }
0x15e: {  	[tilespmem:v18+s17+$0x0] =	vst.idx.msk $0xffff, v17  }
0x15f: {  	v18 =	vadd.s32 v13, v19;
	v17 =	vld [tilespmem:s25+$0xFFFFFFC0];
	_ =	sdelay $0x4  }
0x160: {  	[tilespmem:v18+s17+$0x0] =	vst.idx.msk $0xffff, v17  }
0x161: {  	s28 =	sadd.s32 $0x7, s26;
	v18 =	vadd.s32 v14, v19;
	v17 =	vld [tilespmem:s25+$0xFFFFFFD0]  }
0x162: {  	v19 =	vmov s28  }
0x163: {  	v19 =	vshrl.u32 v19, $0x3  }
0x164: {  	v19 =	vshll.u32 v19, v1  }
0x165: {  	v19 =	vbroadcast v19, $0x0  }
0x166: {  	[tilespmem:v18+s17+$0x0] =	vst.idx.msk $0xffff, v17  }
0x167: {  	v18 =	vadd.s32 v15, v19;
	v17 =	vld [tilespmem:s25+$0xFFFFFFE0];
	_ =	sdelay $0x4  }
0x168: {  	[tilespmem:v18+s17+$0x0] =	vst.idx.msk $0xffff, v17  }
0x169: {  	s28 =	sadd.s32 $0x8, s26;
	v18 =	vadd.s32 v16, v19;
	v17 =	vld [tilespmem:s25+$0xFFFFFFF0]  }
0x16a: {  	v19 =	vmov s28  }
0x16b: {  	v19 =	vshrl.u32 v19, $0x3  }
0x16c: {  	v19 =	vshll.u32 v19, v1  }
0x16d: {  	v19 =	vbroadcast v19, $0x0  }
0x16e: {  	[tilespmem:v18+s17+$0x0] =	vst.idx.msk $0xffff, v17  }
0x16f: {  	v18 =	vadd.s32 v0, v19;
	v17 =	vld [tilespmem:s25+$0x0];
	_ =	sdelay $0x4  }
0x170: {  	[tilespmem:v18+s17+$0x0] =	vst.idx.msk $0xffff, v17  }
0x171: {  	s28 =	sadd.s32 $0x9, s26;
	v18 =	vadd.s32 v2, v19;
	v17 =	vld [tilespmem:s25+$0x10]  }
0x172: {  	v19 =	vmov s28  }
0x173: {  	v19 =	vshrl.u32 v19, $0x3  }
0x174: {  	v19 =	vshll.u32 v19, v1  }
0x175: {  	v19 =	vbroadcast v19, $0x0  }
0x176: {  	[tilespmem:v18+s17+$0x0] =	vst.idx.msk $0xffff, v17  }
0x177: {  	v18 =	vadd.s32 v3, v19;
	v17 =	vld [tilespmem:s25+$0x20];
	_ =	sdelay $0x4  }
0x178: {  	[tilespmem:v18+s17+$0x0] =	vst.idx.msk $0xffff, v17  }
0x179: {  	s28 =	sadd.s32 $0xA, s26;
	v18 =	vadd.s32 v4, v19;
	v17 =	vld [tilespmem:s25+$0x30]  }
0x17a: {  	v19 =	vmov s28  }
0x17b: {  	v19 =	vshrl.u32 v19, $0x3  }
0x17c: {  	v19 =	vshll.u32 v19, v1  }
0x17d: {  	v19 =	vbroadcast v19, $0x0  }
0x17e: {  	[tilespmem:v18+s17+$0x0] =	vst.idx.msk $0xffff, v17  }
0x17f: {  	v18 =	vadd.s32 v5, v19;
	v17 =	vld [tilespmem:s25+$0x40];
	_ =	sdelay $0x4  }
0x180: {  	[tilespmem:v18+s17+$0x0] =	vst.idx.msk $0xffff, v17  }
0x181: {  	s28 =	sadd.s32 $0xB, s26;
	v18 =	vadd.s32 v6, v19;
	v17 =	vld [tilespmem:s25+$0x50]  }
0x182: {  	v19 =	vmov s28  }
0x183: {  	v19 =	vshrl.u32 v19, $0x3  }
0x184: {  	v19 =	vshll.u32 v19, v1  }
0x185: {  	v19 =	vbroadcast v19, $0x0  }
0x186: {  	[tilespmem:v18+s17+$0x0] =	vst.idx.msk $0xffff, v17  }
0x187: {  	v18 =	vadd.s32 v7, v19;
	v17 =	vld [tilespmem:s25+$0x60];
	_ =	sdelay $0x4  }
0x188: {  	[tilespmem:v18+s17+$0x0] =	vst.idx.msk $0xffff, v17  }
0x189: {  	s28 =	sadd.s32 $0xC, s26;
	v18 =	vadd.s32 v8, v19;
	v17 =	vld [tilespmem:s25+$0x70]  }
0x18a: {  	v19 =	vmov s28  }
0x18b: {  	v19 =	vshrl.u32 v19, $0x3  }
0x18c: {  	v19 =	vshll.u32 v19, v1  }
0x18d: {  	v19 =	vbroadcast v19, $0x0  }
0x18e: {  	[tilespmem:v18+s17+$0x0] =	vst.idx.msk $0xffff, v17  }
0x18f: {  	v18 =	vadd.s32 v9, v19;
	v17 =	vld [tilespmem:s25+$0x80];
	_ =	sdelay $0x4  }
0x190: {  	[tilespmem:v18+s17+$0x0] =	vst.idx.msk $0xffff, v17  }
0x191: {  	s28 =	sadd.s32 $0xD, s26;
	v18 =	vadd.s32 v10, v19;
	v17 =	vld [tilespmem:s25+$0x90]  }
0x192: {  	v19 =	vmov s28  }
0x193: {  	v19 =	vshrl.u32 v19, $0x3  }
0x194: {  	v19 =	vshll.u32 v19, v1  }
0x195: {  	v19 =	vbroadcast v19, $0x0  }
0x196: {  	[tilespmem:v18+s17+$0x0] =	vst.idx.msk $0xffff, v17  }
0x197: {  	v18 =	vadd.s32 v11, v19;
	v17 =	vld [tilespmem:s25+$0xA0];
	_ =	sdelay $0x4  }
0x198: {  	[tilespmem:v18+s17+$0x0] =	vst.idx.msk $0xffff, v17  }
0x199: {  	s28 =	sadd.s32 $0xE, s26;
	v18 =	vadd.s32 v12, v19;
	v17 =	vld [tilespmem:s25+$0xB0]  }
0x19a: {  	v19 =	vmov s28  }
0x19b: {  	v19 =	vshrl.u32 v19, $0x3  }
0x19c: {  	v19 =	vshll.u32 v19, v1  }
0x19d: {  	v19 =	vbroadcast v19, $0x0  }
0x19e: {  	[tilespmem:v18+s17+$0x0] =	vst.idx.msk $0xffff, v17  }
0x19f: {  	v18 =	vadd.s32 v13, v19;
	v17 =	vld [tilespmem:s25+$0xC0];
	_ =	sdelay $0x4  }
0x1a0: {  	[tilespmem:v18+s17+$0x0] =	vst.idx.msk $0xffff, v17  }
0x1a1: {  	s26 =	sadd.s32 $0xF, s26;
	v18 =	vadd.s32 v14, v19;
	v17 =	vld [tilespmem:s25+$0xD0]  }
0x1a2: {  	v19 =	vmov s26  }
0x1a3: {  	v19 =	vshrl.u32 v19, $0x3  }
0x1a4: {  	v19 =	vshll.u32 v19, v1  }
0x1a5: {  	v19 =	vbroadcast v19, $0x0  }
0x1a6: {  	[tilespmem:v18+s17+$0x0] =	vst.idx.msk $0xffff, v17  }
0x1a7: {  	v18 =	vadd.s32 v15, v19;
	v17 =	vld [tilespmem:s25+$0xE0];
	_ =	sdelay $0x4  }
0x1a8: {  	[tilespmem:v18+s17+$0x0] =	vst.idx.msk $0xffff, v17  }
0x1a9: {  	v18 =	vadd.s32 v16, v19;
	v17 =	vld [tilespmem:s25+$0xF0];
	_ =	sdelay $0x1  }
0x1aa: {  	s25 =	sshll.u32 s23, $0x11  }
0x1ab: {  	s26 =	sadd.s32 s6, s25  }
0x1ac: {  	s29 =	simm.s32 $0x800;
	s26 =	sadd.s32 s5, s26  }
0x1ad: {  	s30 =	simm.s32 $0x8608;
	s28 =	simm.s32 $0x8400;
	s31 =	sadd.s32 $0x0, s26;
	[tilespmem:v18+s17+$0x0] =	vst.idx.msk $0xffff, v17  }
.LBB2_5:
0x1ae: {  	[hbm4b:s31+s3] =	stream.linear.scatter [tilespmem:s28], [sflag:$0x5], $0x200, $0x38;
	[tilespmem:$0x10600] =	vst v63  }
0x1af: {  	s31 =	smov.u32 s29;
	s28 =	smov.u32 s30;
	p1 =	sne.s32 s29, $0xF800  }
.Ltmp1:
0x1b0: {  	s29 =	sadd.s32 $0x800, s29;
	(pc) =	sbr.rel @p1 .LBB2_5-.Ltmp1, $2  }
0x1b1: {  	_ =	sdelay $0x2  }
0x1b2: {  	s30 =	sadd.s32 $0x208, s30;
	s31 =	sadd.s32 s31, s26  }
0x1b3: {  	[hbm4b:s31+s3] =	stream.linear.scatter [tilespmem:s28], [sflag:$0x5], $0x200, $0x38;
	[tilespmem:$0x10600] =	vst v63  }
0x1b4: {  	s26 =	simm.s32 $0x0  }
0x1b5: {  	s24 =	sadd.s32 @!p0 s10, s24;
	_ =	swait.ge [sflag:s18], $0x4000;
	v17 =	vmov s26  }
0x1b6: {  	s28 =	simm.s32 @!p0 $0x200;
	s24 =	sshrl.u32 @!p0 s24, $0x3;
	[sflag:s18] =	ssyncset.done $0x0;
	v17 =	vshrl.u32 v17, $0x3  }
0x1b7: {  	s26 =	simm.s32 @!p0 $0x0;
	s24 =	sadd.s32 @!p0 s1, s24;
	[sflag:s18] =	ssyncadd.s32 $0xFFFFC000;
	v17 =	vshll.u32 v17, v1  }
0x1b8: {  	[tilespmem:s28], [sflag:$0x2] =	stream.linear.gather @!p0 [hbm4b:s24+s26], $0x200, $0x38;
	v17 =	vbroadcast v17, $0x0;
	[tilespmem:$0x10600] =	vst v63  }
0x1b9: {  	s24 =	simm.s32 $0x4500  }
0x1ba: {  	v18 =	vld [tilespmem:s24+$0xFFFFFF00];
	v19 =	vadd.s32 v0, v17;
	_ =	sdelay $0x4  }
0x1bb: {  	[tilespmem:v19+s19+$0x0] =	vst.idx.msk $0xffff, v18  }
0x1bc: {  	s29 =	simm.s32 $0x1;
	v17 =	vadd.s32 v2, v17;
	v18 =	vld [tilespmem:s24+$0xFFFFFF10]  }
0x1bd: {  	v19 =	vmov s29  }
0x1be: {  	v19 =	vshrl.u32 v19, $0x3  }
0x1bf: {  	v19 =	vshll.u32 v19, v1  }
0x1c0: {  	v19 =	vbroadcast v19, $0x0  }
0x1c1: {  	[tilespmem:v17+s19+$0x0] =	vst.idx.msk $0xffff, v18  }
0x1c2: {  	v18 =	vadd.s32 v3, v19;
	v17 =	vld [tilespmem:s24+$0xFFFFFF20];
	_ =	sdelay $0x4  }
0x1c3: {  	[tilespmem:v18+s19+$0x0] =	vst.idx.msk $0xffff, v17  }
0x1c4: {  	s30 =	simm.s32 $0x2;
	v18 =	vadd.s32 v4, v19;
	v17 =	vld [tilespmem:s24+$0xFFFFFF30]  }
0x1c5: {  	v19 =	vmov s30  }
0x1c6: {  	v19 =	vshrl.u32 v19, $0x3  }
0x1c7: {  	v19 =	vshll.u32 v19, v1  }
0x1c8: {  	v19 =	vbroadcast v19, $0x0  }
0x1c9: {  	[tilespmem:v18+s19+$0x0] =	vst.idx.msk $0xffff, v17  }
0x1ca: {  	v18 =	vadd.s32 v5, v19;
	v17 =	vld [tilespmem:s24+$0xFFFFFF40];
	_ =	sdelay $0x4  }
0x1cb: {  	[tilespmem:v18+s19+$0x0] =	vst.idx.msk $0xffff, v17  }
0x1cc: {  	s31 =	simm.s32 $0x3;
	v18 =	vadd.s32 v6, v19;
	v17 =	vld [tilespmem:s24+$0xFFFFFF50]  }
0x1cd: {  	v19 =	vmov s31  }
0x1ce: {  	v19 =	vshrl.u32 v19, $0x3  }
0x1cf: {  	v19 =	vshll.u32 v19, v1  }
0x1d0: {  	v19 =	vbroadcast v19, $0x0  }
0x1d1: {  	[tilespmem:v18+s19+$0x0] =	vst.idx.msk $0xffff, v17  }
0x1d2: {  	v18 =	vadd.s32 v7, v19;
	v17 =	vld [tilespmem:s24+$0xFFFFFF60];
	_ =	sdelay $0x4  }
0x1d3: {  	[tilespmem:v18+s19+$0x0] =	vst.idx.msk $0xffff, v17  }
0x1d4: {  	s29 =	simm.s32 $0x4;
	v18 =	vadd.s32 v8, v19;
	v17 =	vld [tilespmem:s24+$0xFFFFFF70]  }
0x1d5: {  	v19 =	vmov s29  }
0x1d6: {  	v19 =	vshrl.u32 v19, $0x3  }
0x1d7: {  	v19 =	vshll.u32 v19, v1  }
0x1d8: {  	v19 =	vbroadcast v19, $0x0  }
0x1d9: {  	[tilespmem:v18+s19+$0x0] =	vst.idx.msk $0xffff, v17  }
0x1da: {  	v18 =	vadd.s32 v9, v19;
	v17 =	vld [tilespmem:s24+$0xFFFFFF80];
	_ =	sdelay $0x4  }
0x1db: {  	[tilespmem:v18+s19+$0x0] =	vst.idx.msk $0xffff, v17  }
0x1dc: {  	s30 =	simm.s32 $0x5;
	v18 =	vadd.s32 v10, v19;
	v17 =	vld [tilespmem:s24+$0xFFFFFF90]  }
0x1dd: {  	v19 =	vmov s30  }
0x1de: {  	v19 =	vshrl.u32 v19, $0x3  }
0x1df: {  	v19 =	vshll.u32 v19, v1  }
0x1e0: {  	v19 =	vbroadcast v19, $0x0  }
0x1e1: {  	[tilespmem:v18+s19+$0x0] =	vst.idx.msk $0xffff, v17  }
0x1e2: {  	v18 =	vadd.s32 v11, v19;
	v17 =	vld [tilespmem:s24+$0xFFFFFFA0];
	_ =	sdelay $0x4  }
0x1e3: {  	[tilespmem:v18+s19+$0x0] =	vst.idx.msk $0xffff, v17  }
0x1e4: {  	s31 =	simm.s32 $0x6;
	v18 =	vadd.s32 v12, v19;
	v17 =	vld [tilespmem:s24+$0xFFFFFFB0]  }
0x1e5: {  	v19 =	vmov s31  }
0x1e6: {  	v19 =	vshrl.u32 v19, $0x3  }
0x1e7: {  	v19 =	vshll.u32 v19, v1  }
0x1e8: {  	v19 =	vbroadcast v19, $0x0  }
0x1e9: {  	[tilespmem:v18+s19+$0x0] =	vst.idx.msk $0xffff, v17  }
0x1ea: {  	v18 =	vadd.s32 v13, v19;
	v17 =	vld [tilespmem:s24+$0xFFFFFFC0];
	_ =	sdelay $0x4  }
0x1eb: {  	[tilespmem:v18+s19+$0x0] =	vst.idx.msk $0xffff, v17  }
0x1ec: {  	s29 =	simm.s32 $0x7;
	v18 =	vadd.s32 v14, v19;
	v17 =	vld [tilespmem:s24+$0xFFFFFFD0]  }
0x1ed: {  	v19 =	vmov s29  }
0x1ee: {  	v19 =	vshrl.u32 v19, $0x3  }
0x1ef: {  	v19 =	vshll.u32 v19, v1  }
0x1f0: {  	v19 =	vbroadcast v19, $0x0  }
0x1f1: {  	[tilespmem:v18+s19+$0x0] =	vst.idx.msk $0xffff, v17  }
0x1f2: {  	v18 =	vadd.s32 v15, v19;
	v17 =	vld [tilespmem:s24+$0xFFFFFFE0];
	_ =	sdelay $0x4  }
0x1f3: {  	[tilespmem:v18+s19+$0x0] =	vst.idx.msk $0xffff, v17  }
0x1f4: {  	s30 =	simm.s32 $0x8;
	v18 =	vadd.s32 v16, v19;
	v17 =	vld [tilespmem:s24+$0xFFFFFFF0]  }
0x1f5: {  	v19 =	vmov s30  }
0x1f6: {  	v19 =	vshrl.u32 v19, $0x3  }
0x1f7: {  	v19 =	vshll.u32 v19, v1  }
0x1f8: {  	v19 =	vbroadcast v19, $0x0  }
0x1f9: {  	[tilespmem:v18+s19+$0x0] =	vst.idx.msk $0xffff, v17  }
0x1fa: {  	v18 =	vadd.s32 v0, v19;
	v17 =	vld [tilespmem:s24+$0x0];
	_ =	sdelay $0x4  }
0x1fb: {  	[tilespmem:v18+s19+$0x0] =	vst.idx.msk $0xffff, v17  }
0x1fc: {  	s31 =	simm.s32 $0x9;
	v18 =	vadd.s32 v2, v19;
	v17 =	vld [tilespmem:s24+$0x10]  }
0x1fd: {  	v19 =	vmov s31  }
0x1fe: {  	v19 =	vshrl.u32 v19, $0x3  }
0x1ff: {  	v19 =	vshll.u32 v19, v1  }
0x200: {  	v19 =	vbroadcast v19, $0x0  }
0x201: {  	[tilespmem:v18+s19+$0x0] =	vst.idx.msk $0xffff, v17  }
0x202: {  	v18 =	vadd.s32 v3, v19;
	v17 =	vld [tilespmem:s24+$0x20];
	_ =	sdelay $0x4  }
0x203: {  	[tilespmem:v18+s19+$0x0] =	vst.idx.msk $0xffff, v17  }
0x204: {  	s29 =	simm.s32 $0xA;
	v18 =	vadd.s32 v4, v19;
	v17 =	vld [tilespmem:s24+$0x30]  }
0x205: {  	v19 =	vmov s29  }
0x206: {  	v19 =	vshrl.u32 v19, $0x3  }
0x207: {  	v19 =	vshll.u32 v19, v1  }
0x208: {  	v19 =	vbroadcast v19, $0x0  }
0x209: {  	[tilespmem:v18+s19+$0x0] =	vst.idx.msk $0xffff, v17  }
0x20a: {  	v18 =	vadd.s32 v5, v19;
	v17 =	vld [tilespmem:s24+$0x40];
	_ =	sdelay $0x4  }
0x20b: {  	[tilespmem:v18+s19+$0x0] =	vst.idx.msk $0xffff, v17  }
0x20c: {  	s30 =	simm.s32 $0xB;
	v18 =	vadd.s32 v6, v19;
	v17 =	vld [tilespmem:s24+$0x50]  }
0x20d: {  	v19 =	vmov s30  }
0x20e: {  	v19 =	vshrl.u32 v19, $0x3  }
0x20f: {  	v19 =	vshll.u32 v19, v1  }
0x210: {  	v19 =	vbroadcast v19, $0x0  }
0x211: {  	[tilespmem:v18+s19+$0x0] =	vst.idx.msk $0xffff, v17  }
0x212: {  	v18 =	vadd.s32 v7, v19;
	v17 =	vld [tilespmem:s24+$0x60];
	_ =	sdelay $0x4  }
0x213: {  	[tilespmem:v18+s19+$0x0] =	vst.idx.msk $0xffff, v17  }
0x214: {  	s31 =	simm.s32 $0xC;
	v18 =	vadd.s32 v8, v19;
	v17 =	vld [tilespmem:s24+$0x70]  }
0x215: {  	v19 =	vmov s31  }
0x216: {  	v19 =	vshrl.u32 v19, $0x3  }
0x217: {  	v19 =	vshll.u32 v19, v1  }
0x218: {  	v19 =	vbroadcast v19, $0x0  }
0x219: {  	[tilespmem:v18+s19+$0x0] =	vst.idx.msk $0xffff, v17  }
0x21a: {  	v18 =	vadd.s32 v9, v19;
	v17 =	vld [tilespmem:s24+$0x80];
	_ =	sdelay $0x4  }
0x21b: {  	[tilespmem:v18+s19+$0x0] =	vst.idx.msk $0xffff, v17  }
0x21c: {  	s29 =	simm.s32 $0xD;
	v18 =	vadd.s32 v10, v19;
	v17 =	vld [tilespmem:s24+$0x90]  }
0x21d: {  	v19 =	vmov s29  }
0x21e: {  	v19 =	vshrl.u32 v19, $0x3  }
0x21f: {  	v19 =	vshll.u32 v19, v1  }
0x220: {  	v19 =	vbroadcast v19, $0x0  }
0x221: {  	[tilespmem:v18+s19+$0x0] =	vst.idx.msk $0xffff, v17  }
0x222: {  	v18 =	vadd.s32 v11, v19;
	v17 =	vld [tilespmem:s24+$0xA0];
	_ =	sdelay $0x4  }
0x223: {  	[tilespmem:v18+s19+$0x0] =	vst.idx.msk $0xffff, v17  }
0x224: {  	s30 =	simm.s32 $0xE;
	v18 =	vadd.s32 v12, v19;
	v17 =	vld [tilespmem:s24+$0xB0]  }
0x225: {  	v19 =	vmov s30  }
0x226: {  	v19 =	vshrl.u32 v19, $0x3  }
0x227: {  	v19 =	vshll.u32 v19, v1  }
0x228: {  	v19 =	vbroadcast v19, $0x0  }
0x229: {  	[tilespmem:v18+s19+$0x0] =	vst.idx.msk $0xffff, v17  }
0x22a: {  	v18 =	vadd.s32 v13, v19;
	v17 =	vld [tilespmem:s24+$0xC0];
	_ =	sdelay $0x4  }
0x22b: {  	[tilespmem:v18+s19+$0x0] =	vst.idx.msk $0xffff, v17  }
0x22c: {  	s31 =	simm.s32 $0xF;
	v18 =	vadd.s32 v14, v19;
	v17 =	vld [tilespmem:s24+$0xD0]  }
0x22d: {  	v19 =	vmov s31  }
0x22e: {  	v19 =	vshrl.u32 v19, $0x3  }
0x22f: {  	v19 =	vshll.u32 v19, v1  }
0x230: {  	v19 =	vbroadcast v19, $0x0  }
0x231: {  	[tilespmem:v18+s19+$0x0] =	vst.idx.msk $0xffff, v17  }
0x232: {  	v18 =	vadd.s32 v15, v19;
	v17 =	vld [tilespmem:s24+$0xE0];
	_ =	sdelay $0x4  }
0x233: {  	[tilespmem:v18+s19+$0x0] =	vst.idx.msk $0xffff, v17  }
0x234: {  	s26 =	simm.s32 $0x10;
	v18 =	vadd.s32 v16, v19;
	v17 =	vld [tilespmem:s24+$0xF0]  }
0x235: {  	s28 =	simm.s32 $0x20;
	v19 =	vmov s26  }
.LBB2_7:
0x236: {  	p0 =	slt.u32 s28, $0x1F0;
	v19 =	vshrl.u32 v19, $0x3  }
0x237: {  	v19 =	vshll.u32 v19, v1  }
0x238: {  	v19 =	vbroadcast v19, $0x0  }
0x239: {  	s24 =	sadd.s32 $0x200, s24;
	[tilespmem:v18+s19+$0x0] =	vst.idx.msk $0xffff, v17  }
0x23a: {  	v17 =	vld [tilespmem:s24+$0xFFFFFF00];
	v18 =	vadd.s32 v0, v19;
	_ =	sdelay $0x4  }
0x23b: {  	[tilespmem:v18+s19+$0x0] =	vst.idx.msk $0xffff, v17  }
0x23c: {  	s29 =	sadd.s32 $0x1, s26;
	v18 =	vadd.s32 v2, v19;
	v17 =	vld [tilespmem:s24+$0xFFFFFF10]  }
0x23d: {  	v19 =	vmov s29  }
0x23e: {  	v19 =	vshrl.u32 v19, $0x3  }
0x23f: {  	v19 =	vshll.u32 v19, v1  }
0x240: {  	v19 =	vbroadcast v19, $0x0  }
0x241: {  	[tilespmem:v18+s19+$0x0] =	vst.idx.msk $0xffff, v17  }
0x242: {  	v18 =	vadd.s32 v3, v19;
	v17 =	vld [tilespmem:s24+$0xFFFFFF20];
	_ =	sdelay $0x4  }
0x243: {  	[tilespmem:v18+s19+$0x0] =	vst.idx.msk $0xffff, v17  }
0x244: {  	s29 =	sadd.s32 $0x2, s26;
	v18 =	vadd.s32 v4, v19;
	v17 =	vld [tilespmem:s24+$0xFFFFFF30]  }
0x245: {  	v19 =	vmov s29  }
0x246: {  	v19 =	vshrl.u32 v19, $0x3  }
0x247: {  	v19 =	vshll.u32 v19, v1  }
0x248: {  	v19 =	vbroadcast v19, $0x0  }
0x249: {  	[tilespmem:v18+s19+$0x0] =	vst.idx.msk $0xffff, v17  }
0x24a: {  	v18 =	vadd.s32 v5, v19;
	v17 =	vld [tilespmem:s24+$0xFFFFFF40];
	_ =	sdelay $0x4  }
0x24b: {  	[tilespmem:v18+s19+$0x0] =	vst.idx.msk $0xffff, v17  }
0x24c: {  	s29 =	sadd.s32 $0x3, s26;
	v18 =	vadd.s32 v6, v19;
	v17 =	vld [tilespmem:s24+$0xFFFFFF50]  }
0x24d: {  	v19 =	vmov s29  }
0x24e: {  	v19 =	vshrl.u32 v19, $0x3  }
0x24f: {  	v19 =	vshll.u32 v19, v1  }
0x250: {  	v19 =	vbroadcast v19, $0x0  }
0x251: {  	[tilespmem:v18+s19+$0x0] =	vst.idx.msk $0xffff, v17  }
0x252: {  	v18 =	vadd.s32 v7, v19;
	v17 =	vld [tilespmem:s24+$0xFFFFFF60];
	_ =	sdelay $0x4  }
0x253: {  	[tilespmem:v18+s19+$0x0] =	vst.idx.msk $0xffff, v17  }
0x254: {  	s29 =	sadd.s32 $0x4, s26;
	v18 =	vadd.s32 v8, v19;
	v17 =	vld [tilespmem:s24+$0xFFFFFF70]  }
0x255: {  	v19 =	vmov s29  }
0x256: {  	v19 =	vshrl.u32 v19, $0x3  }
0x257: {  	v19 =	vshll.u32 v19, v1  }
0x258: {  	v19 =	vbroadcast v19, $0x0  }
0x259: {  	[tilespmem:v18+s19+$0x0] =	vst.idx.msk $0xffff, v17  }
0x25a: {  	v18 =	vadd.s32 v9, v19;
	v17 =	vld [tilespmem:s24+$0xFFFFFF80];
	_ =	sdelay $0x4  }
0x25b: {  	[tilespmem:v18+s19+$0x0] =	vst.idx.msk $0xffff, v17  }
0x25c: {  	s29 =	sadd.s32 $0x5, s26;
	v18 =	vadd.s32 v10, v19;
	v17 =	vld [tilespmem:s24+$0xFFFFFF90]  }
0x25d: {  	v19 =	vmov s29  }
0x25e: {  	v19 =	vshrl.u32 v19, $0x3  }
0x25f: {  	v19 =	vshll.u32 v19, v1  }
0x260: {  	v19 =	vbroadcast v19, $0x0  }
0x261: {  	[tilespmem:v18+s19+$0x0] =	vst.idx.msk $0xffff, v17  }
0x262: {  	v18 =	vadd.s32 v11, v19;
	v17 =	vld [tilespmem:s24+$0xFFFFFFA0];
	_ =	sdelay $0x4  }
0x263: {  	[tilespmem:v18+s19+$0x0] =	vst.idx.msk $0xffff, v17  }
0x264: {  	s29 =	sadd.s32 $0x6, s26;
	v18 =	vadd.s32 v12, v19;
	v17 =	vld [tilespmem:s24+$0xFFFFFFB0]  }
0x265: {  	v19 =	vmov s29  }
0x266: {  	v19 =	vshrl.u32 v19, $0x3  }
0x267: {  	v19 =	vshll.u32 v19, v1  }
0x268: {  	v19 =	vbroadcast v19, $0x0  }
0x269: {  	[tilespmem:v18+s19+$0x0] =	vst.idx.msk $0xffff, v17  }
0x26a: {  	v18 =	vadd.s32 v13, v19;
	v17 =	vld [tilespmem:s24+$0xFFFFFFC0];
	_ =	sdelay $0x4  }
0x26b: {  	[tilespmem:v18+s19+$0x0] =	vst.idx.msk $0xffff, v17  }
0x26c: {  	s29 =	sadd.s32 $0x7, s26;
	v18 =	vadd.s32 v14, v19;
	v17 =	vld [tilespmem:s24+$0xFFFFFFD0]  }
0x26d: {  	v19 =	vmov s29  }
0x26e: {  	v19 =	vshrl.u32 v19, $0x3  }
0x26f: {  	v19 =	vshll.u32 v19, v1  }
0x270: {  	v19 =	vbroadcast v19, $0x0  }
0x271: {  	[tilespmem:v18+s19+$0x0] =	vst.idx.msk $0xffff, v17  }
0x272: {  	v18 =	vadd.s32 v15, v19;
	v17 =	vld [tilespmem:s24+$0xFFFFFFE0];
	_ =	sdelay $0x4  }
0x273: {  	[tilespmem:v18+s19+$0x0] =	vst.idx.msk $0xffff, v17  }
0x274: {  	s29 =	sadd.s32 $0x8, s26;
	v18 =	vadd.s32 v16, v19;
	v17 =	vld [tilespmem:s24+$0xFFFFFFF0]  }
0x275: {  	v19 =	vmov s29  }
0x276: {  	v19 =	vshrl.u32 v19, $0x3  }
0x277: {  	v19 =	vshll.u32 v19, v1  }
0x278: {  	v19 =	vbroadcast v19, $0x0  }
0x279: {  	[tilespmem:v18+s19+$0x0] =	vst.idx.msk $0xffff, v17  }
0x27a: {  	v18 =	vadd.s32 v0, v19;
	v17 =	vld [tilespmem:s24+$0x0];
	_ =	sdelay $0x4  }
0x27b: {  	[tilespmem:v18+s19+$0x0] =	vst.idx.msk $0xffff, v17  }
0x27c: {  	s29 =	sadd.s32 $0x9, s26;
	v18 =	vadd.s32 v2, v19;
	v17 =	vld [tilespmem:s24+$0x10]  }
0x27d: {  	v19 =	vmov s29  }
0x27e: {  	v19 =	vshrl.u32 v19, $0x3  }
0x27f: {  	v19 =	vshll.u32 v19, v1  }
0x280: {  	v19 =	vbroadcast v19, $0x0  }
0x281: {  	[tilespmem:v18+s19+$0x0] =	vst.idx.msk $0xffff, v17  }
0x282: {  	v18 =	vadd.s32 v3, v19;
	v17 =	vld [tilespmem:s24+$0x20];
	_ =	sdelay $0x4  }
0x283: {  	[tilespmem:v18+s19+$0x0] =	vst.idx.msk $0xffff, v17  }
0x284: {  	s29 =	sadd.s32 $0xA, s26;
	v18 =	vadd.s32 v4, v19;
	v17 =	vld [tilespmem:s24+$0x30]  }
0x285: {  	v19 =	vmov s29  }
0x286: {  	v19 =	vshrl.u32 v19, $0x3  }
0x287: {  	v19 =	vshll.u32 v19, v1  }
0x288: {  	v19 =	vbroadcast v19, $0x0  }
0x289: {  	[tilespmem:v18+s19+$0x0] =	vst.idx.msk $0xffff, v17  }
0x28a: {  	v18 =	vadd.s32 v5, v19;
	v17 =	vld [tilespmem:s24+$0x40];
	_ =	sdelay $0x4  }
0x28b: {  	[tilespmem:v18+s19+$0x0] =	vst.idx.msk $0xffff, v17  }
0x28c: {  	s29 =	sadd.s32 $0xB, s26;
	v18 =	vadd.s32 v6, v19;
	v17 =	vld [tilespmem:s24+$0x50]  }
0x28d: {  	v19 =	vmov s29  }
0x28e: {  	v19 =	vshrl.u32 v19, $0x3  }
0x28f: {  	v19 =	vshll.u32 v19, v1  }
0x290: {  	v19 =	vbroadcast v19, $0x0  }
0x291: {  	[tilespmem:v18+s19+$0x0] =	vst.idx.msk $0xffff, v17  }
0x292: {  	v18 =	vadd.s32 v7, v19;
	v17 =	vld [tilespmem:s24+$0x60];
	_ =	sdelay $0x4  }
0x293: {  	[tilespmem:v18+s19+$0x0] =	vst.idx.msk $0xffff, v17  }
0x294: {  	s29 =	sadd.s32 $0xC, s26;
	v18 =	vadd.s32 v8, v19;
	v17 =	vld [tilespmem:s24+$0x70]  }
0x295: {  	v19 =	vmov s29  }
0x296: {  	v19 =	vshrl.u32 v19, $0x3  }
0x297: {  	v19 =	vshll.u32 v19, v1  }
0x298: {  	v19 =	vbroadcast v19, $0x0  }
0x299: {  	[tilespmem:v18+s19+$0x0] =	vst.idx.msk $0xffff, v17  }
0x29a: {  	v18 =	vadd.s32 v9, v19;
	v17 =	vld [tilespmem:s24+$0x80];
	_ =	sdelay $0x4  }
0x29b: {  	[tilespmem:v18+s19+$0x0] =	vst.idx.msk $0xffff, v17  }
0x29c: {  	s29 =	sadd.s32 $0xD, s26;
	v18 =	vadd.s32 v10, v19;
	v17 =	vld [tilespmem:s24+$0x90]  }
0x29d: {  	v19 =	vmov s29  }
0x29e: {  	v19 =	vshrl.u32 v19, $0x3  }
0x29f: {  	v19 =	vshll.u32 v19, v1  }
0x2a0: {  	v19 =	vbroadcast v19, $0x0  }
0x2a1: {  	[tilespmem:v18+s19+$0x0] =	vst.idx.msk $0xffff, v17  }
0x2a2: {  	v18 =	vadd.s32 v11, v19;
	v17 =	vld [tilespmem:s24+$0xA0];
	_ =	sdelay $0x4  }
0x2a3: {  	[tilespmem:v18+s19+$0x0] =	vst.idx.msk $0xffff, v17  }
0x2a4: {  	s29 =	sadd.s32 $0xE, s26;
	v18 =	vadd.s32 v12, v19;
	v17 =	vld [tilespmem:s24+$0xB0]  }
0x2a5: {  	v19 =	vmov s29  }
0x2a6: {  	v19 =	vshrl.u32 v19, $0x3  }
0x2a7: {  	v19 =	vshll.u32 v19, v1  }
0x2a8: {  	v19 =	vbroadcast v19, $0x0  }
0x2a9: {  	[tilespmem:v18+s19+$0x0] =	vst.idx.msk $0xffff, v17  }
0x2aa: {  	v18 =	vadd.s32 v13, v19;
	v17 =	vld [tilespmem:s24+$0xC0];
	_ =	sdelay $0x4  }
0x2ab: {  	[tilespmem:v18+s19+$0x0] =	vst.idx.msk $0xffff, v17  }
0x2ac: {  	s29 =	sadd.s32 $0xF, s26;
	s26 =	smov.u32 s28;
	v18 =	vadd.s32 v14, v19;
	v17 =	vld [tilespmem:s24+$0xD0]  }
0x2ad: {  	v19 =	vmov s29  }
0x2ae: {  	v19 =	vshrl.u32 v19, $0x3  }
0x2af: {  	v19 =	vshll.u32 v19, v1  }
0x2b0: {  	v19 =	vbroadcast v19, $0x0  }
0x2b1: {  	[tilespmem:v18+s19+$0x0] =	vst.idx.msk $0xffff, v17  }
0x2b2: {  	v18 =	vadd.s32 v15, v19;
	v17 =	vld [tilespmem:s24+$0xE0];
	_ =	sdelay $0x2  }
.Ltmp2:
0x2b3: {  	(pc) =	sbr.rel @p0 .LBB2_7-.Ltmp2, $4  }
0x2b4: {  	_ = 	snop  }
0x2b5: {  	[tilespmem:v18+s19+$0x0] =	vst.idx.msk $0xffff, v17  }
0x2b6: {  	v18 =	vadd.s32 v16, v19;
	v17 =	vld [tilespmem:s24+$0xF0]  }
0x2b7: {  	s28 =	sadd.s32 $0x10, s28;
	v19 =	vmov s26  }
0x2b8: {  	_ = 	snop  }
0x2b9: {  	v19 =	vshrl.u32 v19, $0x3  }
0x2ba: {  	v19 =	vshll.u32 v19, v1  }
0x2bb: {  	v19 =	vbroadcast v19, $0x0  }
0x2bc: {  	s24 =	sadd.s32 $0x200, s24;
	[tilespmem:v18+s19+$0x0] =	vst.idx.msk $0xffff, v17  }
0x2bd: {  	v17 =	vld [tilespmem:s24+$0xFFFFFF00];
	v18 =	vadd.s32 v0, v19;
	_ =	sdelay $0x4  }
0x2be: {  	[tilespmem:v18+s19+$0x0] =	vst.idx.msk $0xffff, v17  }
0x2bf: {  	s28 =	sadd.s32 $0x1, s26;
	v18 =	vadd.s32 v2, v19;
	v17 =	vld [tilespmem:s24+$0xFFFFFF10]  }
0x2c0: {  	v19 =	vmov s28  }
0x2c1: {  	v19 =	vshrl.u32 v19, $0x3  }
0x2c2: {  	v19 =	vshll.u32 v19, v1  }
0x2c3: {  	v19 =	vbroadcast v19, $0x0  }
0x2c4: {  	[tilespmem:v18+s19+$0x0] =	vst.idx.msk $0xffff, v17  }
0x2c5: {  	v18 =	vadd.s32 v3, v19;
	v17 =	vld [tilespmem:s24+$0xFFFFFF20];
	_ =	sdelay $0x4  }
0x2c6: {  	[tilespmem:v18+s19+$0x0] =	vst.idx.msk $0xffff, v17  }
0x2c7: {  	s28 =	sadd.s32 $0x2, s26;
	v18 =	vadd.s32 v4, v19;
	v17 =	vld [tilespmem:s24+$0xFFFFFF30]  }
0x2c8: {  	v19 =	vmov s28  }
0x2c9: {  	v19 =	vshrl.u32 v19, $0x3  }
0x2ca: {  	v19 =	vshll.u32 v19, v1  }
0x2cb: {  	v19 =	vbroadcast v19, $0x0  }
0x2cc: {  	[tilespmem:v18+s19+$0x0] =	vst.idx.msk $0xffff, v17  }
0x2cd: {  	v18 =	vadd.s32 v5, v19;
	v17 =	vld [tilespmem:s24+$0xFFFFFF40];
	_ =	sdelay $0x4  }
0x2ce: {  	[tilespmem:v18+s19+$0x0] =	vst.idx.msk $0xffff, v17  }
0x2cf: {  	s28 =	sadd.s32 $0x3, s26;
	v18 =	vadd.s32 v6, v19;
	v17 =	vld [tilespmem:s24+$0xFFFFFF50]  }
0x2d0: {  	v19 =	vmov s28  }
0x2d1: {  	v19 =	vshrl.u32 v19, $0x3  }
0x2d2: {  	v19 =	vshll.u32 v19, v1  }
0x2d3: {  	v19 =	vbroadcast v19, $0x0  }
0x2d4: {  	[tilespmem:v18+s19+$0x0] =	vst.idx.msk $0xffff, v17  }
0x2d5: {  	v18 =	vadd.s32 v7, v19;
	v17 =	vld [tilespmem:s24+$0xFFFFFF60];
	_ =	sdelay $0x4  }
0x2d6: {  	[tilespmem:v18+s19+$0x0] =	vst.idx.msk $0xffff, v17  }
0x2d7: {  	s28 =	sadd.s32 $0x4, s26;
	v18 =	vadd.s32 v8, v19;
	v17 =	vld [tilespmem:s24+$0xFFFFFF70]  }
0x2d8: {  	v19 =	vmov s28  }
0x2d9: {  	v19 =	vshrl.u32 v19, $0x3  }
0x2da: {  	v19 =	vshll.u32 v19, v1  }
0x2db: {  	v19 =	vbroadcast v19, $0x0  }
0x2dc: {  	[tilespmem:v18+s19+$0x0] =	vst.idx.msk $0xffff, v17  }
0x2dd: {  	v18 =	vadd.s32 v9, v19;
	v17 =	vld [tilespmem:s24+$0xFFFFFF80];
	_ =	sdelay $0x4  }
0x2de: {  	[tilespmem:v18+s19+$0x0] =	vst.idx.msk $0xffff, v17  }
0x2df: {  	s28 =	sadd.s32 $0x5, s26;
	v18 =	vadd.s32 v10, v19;
	v17 =	vld [tilespmem:s24+$0xFFFFFF90]  }
0x2e0: {  	v19 =	vmov s28  }
0x2e1: {  	v19 =	vshrl.u32 v19, $0x3  }
0x2e2: {  	v19 =	vshll.u32 v19, v1  }
0x2e3: {  	v19 =	vbroadcast v19, $0x0  }
0x2e4: {  	[tilespmem:v18+s19+$0x0] =	vst.idx.msk $0xffff, v17  }
0x2e5: {  	v18 =	vadd.s32 v11, v19;
	v17 =	vld [tilespmem:s24+$0xFFFFFFA0];
	_ =	sdelay $0x4  }
0x2e6: {  	[tilespmem:v18+s19+$0x0] =	vst.idx.msk $0xffff, v17  }
0x2e7: {  	s28 =	sadd.s32 $0x6, s26;
	v18 =	vadd.s32 v12, v19;
	v17 =	vld [tilespmem:s24+$0xFFFFFFB0]  }
0x2e8: {  	v19 =	vmov s28  }
0x2e9: {  	v19 =	vshrl.u32 v19, $0x3  }
0x2ea: {  	v19 =	vshll.u32 v19, v1  }
0x2eb: {  	v19 =	vbroadcast v19, $0x0  }
0x2ec: {  	[tilespmem:v18+s19+$0x0] =	vst.idx.msk $0xffff, v17  }
0x2ed: {  	v18 =	vadd.s32 v13, v19;
	v17 =	vld [tilespmem:s24+$0xFFFFFFC0];
	_ =	sdelay $0x4  }
0x2ee: {  	[tilespmem:v18+s19+$0x0] =	vst.idx.msk $0xffff, v17  }
0x2ef: {  	s28 =	sadd.s32 $0x7, s26;
	v18 =	vadd.s32 v14, v19;
	v17 =	vld [tilespmem:s24+$0xFFFFFFD0]  }
0x2f0: {  	v19 =	vmov s28  }
0x2f1: {  	v19 =	vshrl.u32 v19, $0x3  }
0x2f2: {  	v19 =	vshll.u32 v19, v1  }
0x2f3: {  	v19 =	vbroadcast v19, $0x0  }
0x2f4: {  	[tilespmem:v18+s19+$0x0] =	vst.idx.msk $0xffff, v17  }
0x2f5: {  	v18 =	vadd.s32 v15, v19;
	v17 =	vld [tilespmem:s24+$0xFFFFFFE0];
	_ =	sdelay $0x4  }
0x2f6: {  	[tilespmem:v18+s19+$0x0] =	vst.idx.msk $0xffff, v17  }
0x2f7: {  	s28 =	sadd.s32 $0x8, s26;
	v18 =	vadd.s32 v16, v19;
	v17 =	vld [tilespmem:s24+$0xFFFFFFF0]  }
0x2f8: {  	v19 =	vmov s28  }
0x2f9: {  	v19 =	vshrl.u32 v19, $0x3  }
0x2fa: {  	v19 =	vshll.u32 v19, v1  }
0x2fb: {  	v19 =	vbroadcast v19, $0x0  }
0x2fc: {  	[tilespmem:v18+s19+$0x0] =	vst.idx.msk $0xffff, v17  }
0x2fd: {  	v18 =	vadd.s32 v0, v19;
	v17 =	vld [tilespmem:s24+$0x0];
	_ =	sdelay $0x4  }
0x2fe: {  	[tilespmem:v18+s19+$0x0] =	vst.idx.msk $0xffff, v17  }
0x2ff: {  	s28 =	sadd.s32 $0x9, s26;
	v18 =	vadd.s32 v2, v19;
	v17 =	vld [tilespmem:s24+$0x10]  }
0x300: {  	v19 =	vmov s28  }
0x301: {  	v19 =	vshrl.u32 v19, $0x3  }
0x302: {  	v19 =	vshll.u32 v19, v1  }
0x303: {  	v19 =	vbroadcast v19, $0x0  }
0x304: {  	[tilespmem:v18+s19+$0x0] =	vst.idx.msk $0xffff, v17  }
0x305: {  	v18 =	vadd.s32 v3, v19;
	v17 =	vld [tilespmem:s24+$0x20];
	_ =	sdelay $0x4  }
0x306: {  	[tilespmem:v18+s19+$0x0] =	vst.idx.msk $0xffff, v17  }
0x307: {  	s28 =	sadd.s32 $0xA, s26;
	v18 =	vadd.s32 v4, v19;
	v17 =	vld [tilespmem:s24+$0x30]  }
0x308: {  	v19 =	vmov s28  }
0x309: {  	v19 =	vshrl.u32 v19, $0x3  }
0x30a: {  	v19 =	vshll.u32 v19, v1  }
0x30b: {  	v19 =	vbroadcast v19, $0x0  }
0x30c: {  	[tilespmem:v18+s19+$0x0] =	vst.idx.msk $0xffff, v17  }
0x30d: {  	v18 =	vadd.s32 v5, v19;
	v17 =	vld [tilespmem:s24+$0x40];
	_ =	sdelay $0x4  }
0x30e: {  	[tilespmem:v18+s19+$0x0] =	vst.idx.msk $0xffff, v17  }
0x30f: {  	s28 =	sadd.s32 $0xB, s26;
	v18 =	vadd.s32 v6, v19;
	v17 =	vld [tilespmem:s24+$0x50]  }
0x310: {  	v19 =	vmov s28  }
0x311: {  	v19 =	vshrl.u32 v19, $0x3  }
0x312: {  	v19 =	vshll.u32 v19, v1  }
0x313: {  	v19 =	vbroadcast v19, $0x0  }
0x314: {  	[tilespmem:v18+s19+$0x0] =	vst.idx.msk $0xffff, v17  }
0x315: {  	v18 =	vadd.s32 v7, v19;
	v17 =	vld [tilespmem:s24+$0x60];
	_ =	sdelay $0x4  }
0x316: {  	[tilespmem:v18+s19+$0x0] =	vst.idx.msk $0xffff, v17  }
0x317: {  	s28 =	sadd.s32 $0xC, s26;
	v18 =	vadd.s32 v8, v19;
	v17 =	vld [tilespmem:s24+$0x70]  }
0x318: {  	v19 =	vmov s28  }
0x319: {  	v19 =	vshrl.u32 v19, $0x3  }
0x31a: {  	v19 =	vshll.u32 v19, v1  }
0x31b: {  	v19 =	vbroadcast v19, $0x0  }
0x31c: {  	[tilespmem:v18+s19+$0x0] =	vst.idx.msk $0xffff, v17  }
0x31d: {  	v18 =	vadd.s32 v9, v19;
	v17 =	vld [tilespmem:s24+$0x80];
	_ =	sdelay $0x4  }
0x31e: {  	[tilespmem:v18+s19+$0x0] =	vst.idx.msk $0xffff, v17  }
0x31f: {  	s28 =	sadd.s32 $0xD, s26;
	v18 =	vadd.s32 v10, v19;
	v17 =	vld [tilespmem:s24+$0x90]  }
0x320: {  	v19 =	vmov s28  }
0x321: {  	v19 =	vshrl.u32 v19, $0x3  }
0x322: {  	v19 =	vshll.u32 v19, v1  }
0x323: {  	v19 =	vbroadcast v19, $0x0  }
0x324: {  	[tilespmem:v18+s19+$0x0] =	vst.idx.msk $0xffff, v17  }
0x325: {  	v18 =	vadd.s32 v11, v19;
	v17 =	vld [tilespmem:s24+$0xA0];
	_ =	sdelay $0x4  }
0x326: {  	[tilespmem:v18+s19+$0x0] =	vst.idx.msk $0xffff, v17  }
0x327: {  	s28 =	sadd.s32 $0xE, s26;
	v18 =	vadd.s32 v12, v19;
	v17 =	vld [tilespmem:s24+$0xB0]  }
0x328: {  	v19 =	vmov s28  }
0x329: {  	v19 =	vshrl.u32 v19, $0x3  }
0x32a: {  	v19 =	vshll.u32 v19, v1  }
0x32b: {  	v19 =	vbroadcast v19, $0x0  }
0x32c: {  	[tilespmem:v18+s19+$0x0] =	vst.idx.msk $0xffff, v17  }
0x32d: {  	v18 =	vadd.s32 v13, v19;
	v17 =	vld [tilespmem:s24+$0xC0];
	_ =	sdelay $0x4  }
0x32e: {  	[tilespmem:v18+s19+$0x0] =	vst.idx.msk $0xffff, v17  }
0x32f: {  	s30 =	sadd.s32 $0xF, s26;
	v18 =	vadd.s32 v14, v19;
	v17 =	vld [tilespmem:s24+$0xD0]  }
0x330: {  	v19 =	vmov s30  }
0x331: {  	v19 =	vshrl.u32 v19, $0x3  }
0x332: {  	v19 =	vshll.u32 v19, v1  }
0x333: {  	v19 =	vbroadcast v19, $0x0  }
0x334: {  	[tilespmem:v18+s19+$0x0] =	vst.idx.msk $0xffff, v17  }
0x335: {  	v18 =	vadd.s32 v15, v19;
	v17 =	vld [tilespmem:s24+$0xE0];
	_ =	sdelay $0x4  }
0x336: {  	[tilespmem:v18+s19+$0x0] =	vst.idx.msk $0xffff, v17  }
0x337: {  	v18 =	vadd.s32 v16, v19;
	v17 =	vld [tilespmem:s24+$0xF0];
	_ =	sdelay $0x2  }
0x338: {  	s31 =	sadd.s32 s25, s11  }
0x339: {  	s25 =	simm.s32 $0xC500;
	s24 =	sadd.s32 s5, s31  }
0x33a: {  	s26 =	simm.s32 $0x800;
	s28 =	simm.s32 $0xC708;
	s29 =	sadd.s32 $0x0, s24;
	[tilespmem:v18+s19+$0x0] =	vst.idx.msk $0xffff, v17  }
.LBB2_9:
0x33b: {  	[hbm4b:s29+s3] =	stream.linear.scatter [tilespmem:s25], [sflag:$0x6], $0x200, $0x38;
	[tilespmem:$0x10600] =	vst v63  }
0x33c: {  	s29 =	smov.u32 s26;
	s25 =	smov.u32 s28;
	p0 =	sne.s32 s26, $0xF800  }
.Ltmp3:
0x33d: {  	s26 =	sadd.s32 $0x800, s26;
	(pc) =	sbr.rel @p0 .LBB2_9-.Ltmp3, $2  }
0x33e: {  	_ =	sdelay $0x2  }
0x33f: {  	s28 =	sadd.s32 $0x208, s28;
	s29 =	sadd.s32 s29, s24  }
0x340: {  	s23 =	sadd.s32 $0x1, s23  }
0x341: {  	p0 =	sne.s32 s23, $0x19  }
.Ltmp4:
0x342: {  	_ = 	snop;
	(pc) =	sbr.rel @p0 .LBB2_2-.Ltmp4, $2  }
0x343: {  	_ =	sdelay $0x2  }
0x344: {  	[hbm4b:s29+s3] =	stream.linear.scatter [tilespmem:s25], [sflag:$0x6], $0x200, $0x38;
	[tilespmem:$0x10600] =	vst v63  }
0x345: {  	s22 =	sadd.s32 $0x1, s22  }
0x346: {  	_ =	swait.ge [sflag:s20], $0x4000;
	p0 =	sne.s32 s22, s12  }
.Ltmp5:
0x347: {  	[sflag:s20] =	ssyncset.done $0x0;
	(pc) =	sbr.rel @p0 .LBB2_1-.Ltmp5, $4  }
0x348: {  	[sflag:s20] =	ssyncadd.s32 $0xFFFFC000  }
0x349: {  	_ =	swait.ge [sflag:s21], $0x4000  }
0x34a: {  	[sflag:s21] =	ssyncset.done $0x0  }
0x34b: {  	[sflag:s21] =	ssyncadd.s32 $0xFFFFC000  }
0x34c: {  	_ =	sfence.sel $0x180000  }
0x34d: {  	[bflag:$0x0] =	sbarrier.arrive $0xFFFF  }
0x34e: {  	p0 =	sne.s32 s2, $0x0;
	_ =	strace $0x9000004A  }
0x34f: {  	s0 =	sadd.s32 @!p0 $0x100000, s0;
	[bflag:$0x2] =	sbarrier.arrive $0xFFFF  }
0x350: {  	[sflag:s0] =	ssyncadd.tile.s32 @!p0 $0x1;
	_ =	shalt  }
.Lfunc_end2:
_tile_overlayer_lowered:
.L_overlay_start_2:
0x351: {  	(tag) =	ssettag $0x2  }
0x352: {  	s0 =	rddreg [dreg:$0x0];
	s2 =	stileid.u32  }
0x353: {  	s1 =	rddreg [dreg:$0x1];
	p0 =	sne.s32 s2, $0x0  }
0x354: {  	s3 =	rddreg [dreg:$0x2];
	[bflag:$0x3] =	sbarrier.arrive $0xFFFF;
	s2 =	simm.s32 @!p0 $0x1C07  }
0x355: {  	[timem:s3], [sflag:s2] =	dma.local @!p0 [hbm:s0], s1  }
0x356: {  	s0 =	simm.s32 @!p0 $0x7  }
0x357: {  	_ =	swait.ge @!p0 [sflag:s0], s1  }
0x358: {  	s1 =	ssub.s32 @!p0 $0x0, s1;
	[sflag:s0] =	ssyncset.done @!p0 $0x0  }
0x359: {  	[sflag:s0] =	ssyncadd.s32 @!p0 s1  }
0x35a: {  	[bflag:$0x3] =	sbarrier.arrive $0xFFFF  }
0x35b: {  	_ =	shalt  }

</sc_bundles>
